<compile_context>
chip_gen: v7x
topology: tpu7x:2x2x1
jax: 0.10.2.dev20260603
libtpu: 0.0.44.dev20260713+nightly
codegen_flags: <defaults>
</compile_context>

<pallas_src>
import functools

import jax
import jax.numpy as jnp
from jax import lax
from jax.experimental import pallas as pl
from jax.experimental.pallas import tpu as pltpu
from jax.experimental.pallas import tpu_sc as plsc

IN_DIM = 128
NUM_HEADS = 8
OUT_DIM = 16
HID = NUM_HEADS * OUT_DIM
N_NODES = 10000
N_EDGES = 320000
CLAMP = 5.0

NC = 2
NS = 16
NW = NC * NS
EPW = N_EDGES // NW
CHUNK = 40
NCHUNK = EPW // CHUNK
ACC_W = 144
N_ACC = 10240
ROWS_PER_TILE = N_ACC // NS


def _interleave_perm():
    p = []
    for j in range(NUM_HEADS // 2):
        for d in range(OUT_DIM):
            p.append(32 * j + d)
            p.append(32 * j + OUT_DIM + d)
    return jnp.array(p, dtype=jnp.int32)


def _proj_nodes_body(x_ref, wq_ref, bq_ref, wk_ref, wv_ref, q_ref, kv_ref):
    xb = x_ref[...]
    q = jnp.dot(xb, wq_ref[...], preferred_element_type=jnp.float32) + bq_ref[...]
    q_ref[...] = q.astype(jnp.bfloat16)
    kv_ref[:, :HID] = jnp.dot(
        xb, wk_ref[...], preferred_element_type=jnp.float32).astype(jnp.bfloat16)
    kv_ref[:, HID:] = jnp.dot(
        xb, wv_ref[...], preferred_element_type=jnp.float32).astype(jnp.bfloat16)


def _proj_edges_body(ea_ref, we1_ref, be1_ref, e_ref):
    e_ref[...] = (
        jnp.dot(ea_ref[...], we1_ref[...], preferred_element_type=jnp.float32)
        + be1_ref[...]
    )


def _finalize_body(part_ref, out_ref):
    s = part_ref[0] + part_ref[1]
    pieces = []
    for h in range(NUM_HEADS):
        num = s[:, h * OUT_DIM:(h + 1) * OUT_DIM]
        den = s[:, HID + h:HID + h + 1] + 1e-16
        pieces.append(num / den)
    out_ref[...] = jnp.concatenate(pieces, axis=1)


def _lane_perm(x, idx):
    dn = lax.GatherDimensionNumbers(
        offset_dims=(), collapsed_slice_dims=(0,), start_index_map=(0,))
    return lax.gather(x, idx[:, None], dn, slice_sizes=(1,),
                      mode=lax.GatherScatterMode.PROMISE_IN_BOUNDS)


def _sc_edge_body(kvt, qt, e_hbm, ei_hbm,
                  we_hbm, part_hbm,
                  srcv0, srcv1, dstv0, dstv1, kvf0, kvf1, qf0, qf1,
                  ef0, ef1, wf, mf,
                  accum, semi0, semi1, semg, semo):
    cid = lax.axis_index("c")
    sid = lax.axis_index("s")
    wid = cid * NS + sid
    edge_base = wid * EPW

    zero16 = jnp.zeros((16,), jnp.float32)
    srcs = (srcv0, srcv1)
    dsts = (dstv0, dstv1)
    kvfs = (kvf0, kvf1)
    qfs = (qf0, qf1)
    efs = (ef0, ef1)
    semis = (semi0, semi1)

    def fire_in(ch, b):
        base = edge_base + ch * CHUNK
        pltpu.async_copy(ei_hbm.at[0, pl.ds(base, CHUNK)], srcs[b], semis[b])
        pltpu.async_copy(ei_hbm.at[1, pl.ds(base, CHUNK)], dsts[b], semis[b])
        pltpu.async_copy(e_hbm.at[pl.ds(base, CHUNK)], efs[b], semis[b])

    def wait_in(b):
        pltpu.make_async_copy(ei_hbm.at[0, pl.ds(0, CHUNK)], srcs[b], semis[b]).wait()
        pltpu.make_async_copy(ei_hbm.at[1, pl.ds(0, CHUNK)], dsts[b], semis[b]).wait()
        pltpu.make_async_copy(e_hbm.at[pl.ds(0, CHUNK)], efs[b], semis[b]).wait()

    def fire_gather(b):
        pltpu.async_copy(kvt.at[srcs[b]], kvfs[b], semg)
        pltpu.async_copy(qt.at[dsts[b]], qfs[b], semg)

    def wait_gather(b):
        pltpu.make_async_copy(kvt.at[srcs[b]], kvfs[b], semg).wait()
        pltpu.make_async_copy(qt.at[dsts[b]], qfs[b], semg).wait()

    fire_in(0, 0)
    fire_in(1, 1)

    def zb(i, _):
        mf[i // (ACC_W // 16), pl.ds((i % (ACC_W // 16)) * 16, 16)] = zero16
        return 0
    lax.fori_loop(0, CHUNK * (ACC_W // 16), zb, 0)

    row0 = sid * ROWS_PER_TILE
    nfull = ROWS_PER_TILE // CHUNK

    def zc(i, _):
        pltpu.sync_copy(mf, accum.at[pl.ds(row0 + i * CHUNK, CHUNK)])
        return 0
    lax.fori_loop(0, nfull, zc, 0)
    assert ROWS_PER_TILE == nfull * CHUNK

    plsc.subcore_barrier()

    iota16 = lax.iota(jnp.int32, 16)
    lo8 = iota16 < 8
    and7 = jnp.bitwise_and(iota16, 7)

    def edge_compute(e, kvfb, qfb, efb):
        pacc = zero16
        for j in range(NUM_HEADS // 2):
            slp = pl.ds(32 * j, 32)
            slv = pl.ds(HID + 32 * j, 32)
            h0 = pl.ds(32 * j, OUT_DIM)
            h1 = pl.ds(32 * j + OUT_DIM, OUT_DIM)
            k0, k1 = plsc.unpack(kvfb[e, slp], format=plsc.PackFormat.INTERLEAVED,
                                 preferred_element_type=jnp.float32)
            q0, q1 = plsc.unpack(qfb[e, slp], format=plsc.PackFormat.INTERLEAVED,
                                 preferred_element_type=jnp.float32)
            v0, v1 = plsc.unpack(kvfb[e, slv], format=plsc.PackFormat.INTERLEAVED,
                                 preferred_element_type=jnp.float32)
            et0 = k0 * q0 * efb[e, h0]
            et1 = k1 * q1 * efb[e, h1]
            wf[e, h0] = et0
            wf[e, h1] = et1
            s0 = jnp.clip(jnp.sum(et0) * 0.25, -CLAMP, CLAMP)
            s1 = jnp.clip(jnp.sum(et1) * 0.25, -CLAMP, CLAMP)
            p0b = jnp.exp(jnp.broadcast_to(s0, (16,)))
            p1b = jnp.exp(jnp.broadcast_to(s1, (16,)))
            mf[e, h0] = p0b * (v0 + et0)
            mf[e, h1] = p1b * (v1 + et1)
            pacc = jnp.where(iota16 == 2 * j, p0b, pacc)
            pacc = jnp.where(iota16 == 2 * j + 1, p1b, pacc)
        mf[e, pl.ds(HID, 16)] = pacc

    wait_in(0)
    fire_gather(0)

    def loop_body(i, _):
        for b in (0, 1):
            ch = 2 * i + b

            @pl.when(ch + 1 < NCHUNK)
            def _():
                wait_in(1 - b)
                fire_gather(1 - b)

            wait_gather(b)

            @pl.when(ch > 0)
            def _():
                pltpu.make_async_copy(wf, we_hbm.at[pl.ds(0, CHUNK)], semo).wait()

            @plsc.parallel_loop(0, CHUNK, 1, unroll=4)
            def _(e):
                edge_compute(e, kvfs[b], qfs[b], efs[b])

            base = edge_base + ch * CHUNK
            pltpu.async_copy(wf, we_hbm.at[pl.ds(base, CHUNK)], semo)
            pltpu.sync_copy(mf, accum.at[dsts[b]], add=True)

            @pl.when(ch + 2 < NCHUNK)
            def _():
                fire_in(ch + 2, b)
        return 0

    lax.fori_loop(0, NCHUNK // 2, loop_body, 0)
    pltpu.make_async_copy(wf, we_hbm.at[pl.ds(0, CHUNK)], semo).wait()

    plsc.subcore_barrier()

    pltpu.sync_copy(accum.at[pl.ds(row0, ROWS_PER_TILE)],
                    part_hbm.at[cid, pl.ds(row0, ROWS_PER_TILE)])


def _sc_edge_pass(kvt, qt, e, edge_index):
    mesh = plsc.VectorSubcoreMesh(core_axis_name="c", subcore_axis_name="s")
    f = pl.kernel(
        _sc_edge_body,
        out_type=[
            jax.ShapeDtypeStruct((N_EDGES, HID), jnp.float32),
            jax.ShapeDtypeStruct((NC, N_ACC, ACC_W), jnp.float32),
        ],
        mesh=mesh,
        scratch_types=[
            pltpu.VMEM((CHUNK,), jnp.int32),
            pltpu.VMEM((CHUNK,), jnp.int32),
            pltpu.VMEM((CHUNK,), jnp.int32),
            pltpu.VMEM((CHUNK,), jnp.int32),
            pltpu.VMEM((CHUNK, 2 * HID), jnp.bfloat16),
            pltpu.VMEM((CHUNK, 2 * HID), jnp.bfloat16),
            pltpu.VMEM((CHUNK, HID), jnp.bfloat16),
            pltpu.VMEM((CHUNK, HID), jnp.bfloat16),
            pltpu.VMEM((CHUNK, HID), jnp.float32),
            pltpu.VMEM((CHUNK, HID), jnp.float32),
            pltpu.VMEM((CHUNK, HID), jnp.float32),
            pltpu.VMEM((CHUNK, ACC_W), jnp.float32),
            pltpu.VMEM_SHARED((N_ACC, ACC_W), jnp.float32),
            pltpu.SemaphoreType.DMA,
            pltpu.SemaphoreType.DMA,
            pltpu.SemaphoreType.DMA,
            pltpu.SemaphoreType.DMA,
        ],
        compiler_params=pltpu.CompilerParams(
            use_tc_tiling_on_sc=False, needs_layout_passes=False),
    )
    return f(kvt, qt, e, edge_index)


@jax.jit
def kernel(x, edge_index, edge_attr, W_Q, b_Q, W_K, W_E1, b_E1, W_V):
    perm = _interleave_perm()
    nb = 2000
    qt, kvt = pl.pallas_call(
        _proj_nodes_body,
        grid=(N_NODES // nb,),
        in_specs=[
            pl.BlockSpec((nb, IN_DIM), lambda i: (i, 0)),
            pl.BlockSpec((IN_DIM, HID), lambda i: (0, 0)),
            pl.BlockSpec((1, HID), lambda i: (0, 0)),
            pl.BlockSpec((IN_DIM, HID), lambda i: (0, 0)),
            pl.BlockSpec((IN_DIM, HID), lambda i: (0, 0)),
        ],
        out_specs=[
            pl.BlockSpec((nb, HID), lambda i: (i, 0)),
            pl.BlockSpec((nb, 2 * HID), lambda i: (i, 0)),
        ],
        out_shape=[
            jax.ShapeDtypeStruct((N_NODES, HID), jnp.bfloat16),
            jax.ShapeDtypeStruct((N_NODES, 2 * HID), jnp.bfloat16),
        ],
    )(x, W_Q[perm].T, b_Q[perm].reshape(1, HID), W_K[perm].T, W_V[perm].T)

    eb = 2000
    e = pl.pallas_call(
        _proj_edges_body,
        grid=(N_EDGES // eb,),
        in_specs=[
            pl.BlockSpec((eb, IN_DIM), lambda i: (i, 0)),
            pl.BlockSpec((IN_DIM, HID), lambda i: (0, 0)),
            pl.BlockSpec((1, HID), lambda i: (0, 0)),
        ],
        out_specs=pl.BlockSpec((eb, HID), lambda i: (i, 0)),
        out_shape=jax.ShapeDtypeStruct((N_EDGES, HID), jnp.float32),
    )(edge_attr, W_E1.T, b_E1.reshape(1, HID))

    wE, part = _sc_edge_pass(kvt, qt, e, edge_index)

    fb = 1000
    wV = pl.pallas_call(
        _finalize_body,
        grid=(N_NODES // fb,),
        in_specs=[pl.BlockSpec((NC, fb, ACC_W), lambda i: (0, i, 0))],
        out_specs=pl.BlockSpec((fb, HID), lambda i: (i, 0)),
        out_shape=jax.ShapeDtypeStruct((N_NODES, HID), jnp.float32),
    )(part)

    return wV.reshape(N_NODES, NUM_HEADS, OUT_DIM), wE

# --- scband reference (transcript-rebuilt; emitter-appended) ---
"""Pipeline reference for scband-cross-attention-19507741458643 (READ-ONLY COPY).

The authoritative reference and input builder live on the scoring server;
editing this copy changes nothing except your own understanding.
"""

import jax, jax.numpy as jnp
import numpy as np

IN_DIM = 128
NUM_HEADS = 8
OUT_DIM = 16
HID = NUM_HEADS * OUT_DIM
N_NODES = 10000
N_EDGES = 320000
CLAMP = 5.0


def setup_inputs(seed: int = 0) -> dict:
    key = jax.random.key(seed)
    ks = jax.random.split(key, 9)
    s = float(np.sqrt(2.0 / (IN_DIM + HID)))  # xavier_normal std
    return {
        "x": jax.random.normal(ks[0], (N_NODES, IN_DIM), dtype=jnp.float32),
        "edge_index": jax.random.randint(ks[1], (2, N_EDGES), 0, N_NODES, dtype=jnp.int32),
        "edge_attr": jax.random.normal(ks[2], (N_EDGES, IN_DIM), dtype=jnp.float32),
        "W_Q": s * jax.random.normal(ks[3], (HID, IN_DIM), dtype=jnp.float32),
        "b_Q": jnp.zeros((HID,), dtype=jnp.float32),
        "W_K": s * jax.random.normal(ks[4], (HID, IN_DIM), dtype=jnp.float32),
        "W_E1": s * jax.random.normal(ks[5], (HID, IN_DIM), dtype=jnp.float32),
        "b_E1": jnp.zeros((HID,), dtype=jnp.float32),
        "W_V": s * jax.random.normal(ks[6], (HID, IN_DIM), dtype=jnp.float32),
    }


def pyg_softmax(src, index, num_nodes):
    # torch_geometric-style softmax grouped by destination node index
    seg_max = jax.ops.segment_max(src, index, num_segments=num_nodes)
    seg_max = jnp.where(jnp.isfinite(seg_max), seg_max, 0.0)
    out = jnp.exp(src - seg_max[index])
    seg_sum = jax.ops.segment_sum(out, index, num_segments=num_nodes)
    return out / (seg_sum[index] + 1e-16)


def reference(x, edge_index, edge_attr, W_Q, b_Q, W_K, W_E1, b_E1, W_V):
    # Projections (Q has bias=True; K, V have bias=use_bias=False; E1 has bias=True)
    Q_h = (x @ W_Q.T + b_Q).reshape(-1, NUM_HEADS, OUT_DIM)
    K = (x @ W_K.T).reshape(-1, NUM_HEADS, OUT_DIM)
    V = (x @ W_V.T).reshape(-1, NUM_HEADS, OUT_DIM)
    E = (edge_attr @ W_E1.T + b_E1).reshape(-1, NUM_HEADS, OUT_DIM)

    src_idx = edge_index[0]
    dst_idx = edge_index[1]

    # node_wise propagate_attention, attn_product='mul'
    score = K[src_idx] * Q_h[dst_idx]            # [E, H, D]
    score_e = score * E                           # edge-enhanced score
    # signed_sqrt=False; no prompt terms; score_act with act=Identity -> no-op
    e_t = score_e
    wE = score_e.reshape(score_e.shape[0], -1)    # [E, H*D]

    score_h = score_e.sum(-1, keepdims=True)      # attn_reweight=False
    score_h = score_h / jnp.sqrt(jnp.float32(OUT_DIM))  # scaled_attn
    score_h = jnp.clip(score_h, -CLAMP, CLAMP)

    alpha = pyg_softmax(score_h, dst_idx, N_NODES)  # [E, H, 1]

    msg = V[src_idx] * alpha
    wV = jax.ops.segment_sum(msg, dst_idx, num_segments=N_NODES)
    # edge_enhance=True, edge_reweight=False -> rowV = e_t
    rowV = jax.ops.segment_sum(e_t * alpha, dst_idx, num_segments=N_NODES)
    wV = wV + rowV
    return wV, wE

if __name__ == "__main__":
    import jax
    _d = setup_inputs()
    print(jax.jit(kernel)(*tuple(_d.values())))

</pallas_src>

<mosaic_0001>
#map = affine_map<(d0, d1) -> (0, 0)>
#map1 = affine_map<(d0, d1) -> (0, 0, 0)>
module attributes {stable_mosaic.version = 14 : i64} {
  func.func @_sc_edge_body(%arg0: i32, %arg1: i32, %arg2: memref<10000x256xbf16, #tpu.memory_space<hbm>>, %arg3: memref<10000x128xbf16, #tpu.memory_space<hbm>>, %arg4: memref<320000x128xf32, #tpu.memory_space<hbm>>, %arg5: memref<2x320000xi32, #tpu.memory_space<hbm>>, %arg6: memref<320000x128xf32, #tpu.memory_space<hbm>>, %arg7: memref<2x10240x144xf32, #tpu.memory_space<hbm>>, %arg8: memref<40xi32, #tpu.memory_space<vmem>>, %arg9: memref<40xi32, #tpu.memory_space<vmem>>, %arg10: memref<40xi32, #tpu.memory_space<vmem>>, %arg11: memref<40xi32, #tpu.memory_space<vmem>>, %arg12: memref<40x256xbf16, #tpu.memory_space<vmem>>, %arg13: memref<40x256xbf16, #tpu.memory_space<vmem>>, %arg14: memref<40x128xbf16, #tpu.memory_space<vmem>>, %arg15: memref<40x128xbf16, #tpu.memory_space<vmem>>, %arg16: memref<40x128xf32, #tpu.memory_space<vmem>>, %arg17: memref<40x128xf32, #tpu.memory_space<vmem>>, %arg18: memref<40x128xf32, #tpu.memory_space<vmem>>, %arg19: memref<40x144xf32, #tpu.memory_space<vmem>>, %arg20: memref<10240x144xf32, #tpu.memory_space<vmem_shared>>, %arg21: memref<!tpu.dma_semaphore, #tpu.memory_space<semaphore_mem>>, %arg22: memref<!tpu.dma_semaphore, #tpu.memory_space<semaphore_mem>>, %arg23: memref<!tpu.dma_semaphore, #tpu.memory_space<semaphore_mem>>, %arg24: memref<!tpu.dma_semaphore, #tpu.memory_space<semaphore_mem>>) attributes {dimension_semantics = [#tpu.dimension_semantics<core_parallel>, #tpu.dimension_semantics<subcore_parallel>], iteration_bounds = array<i64: 2, 16>, scalar_prefetch = 0 : i64, scratch_operands = 17 : i64, tpu.core_type = #tpu.core_type<sc_vector_subcore>, window_params = [{transform_indices = #map}, {transform_indices = #map}, {transform_indices = #map}, {transform_indices = #map}, {transform_indices = #map}, {transform_indices = #map1}]} {
    %mul3A = arith.constant 16 : i32
    %mul3A_0 = arith.muli %arg0, %mul3A : i32
    %add3A = arith.addi %mul3A_0, %arg1 : i32
    %mul3A_1 = arith.constant 10000 : i32
    %mul3A_2 = arith.muli %add3A, %mul3A_1 : i32
    %broadcast_in_dim3A = arith.constant 0.000000e+00 : f32
    %broadcast_in_dim3A_3 = vector.broadcast %broadcast_in_dim3A : f32 to vector<16xf32>
    %add3A_4 = arith.constant 0 : i32
    %add3A_5 = arith.addi %mul3A_2, %add3A_4 : i32
    %dma_start3A = arith.constant 0 : i32
    %dma_start3A_6 = tpu.memref_slice %arg5[%dma_start3A, %add3A_5] : memref<2x320000xi32, #tpu.memory_space<hbm>> -> memref<1x40xi32, #tpu.memory_space<hbm>>
    %dma_start3A_7 = tpu.memref_squeeze %dma_start3A_6 : memref<1x40xi32, #tpu.memory_space<hbm>> -> memref<40xi32, #tpu.memory_space<hbm>>
    %dma_start3A_8 = tpu.memref_slice %arg5[%dma_start3A, %add3A_5] : memref<2x320000xi32, #tpu.memory_space<hbm>> -> memref<1x40xi32, #tpu.memory_space<hbm>>
    %dma_start3A_9 = tpu.memref_squeeze %dma_start3A_8 : memref<1x40xi32, #tpu.memory_space<hbm>> -> memref<40xi32, #tpu.memory_space<hbm>>
    tpu.enqueue_dma source(%dma_start3A_9 : memref<40xi32, #tpu.memory_space<hbm>>) target(%arg8 : memref<40xi32, #tpu.memory_space<vmem>>) target_semaphore(%arg21 : memref<!tpu.dma_semaphore, #tpu.memory_space<semaphore_mem>>)
    %dma_start3A_10 = arith.constant 1 : i32
    %dma_start3A_11 = tpu.memref_slice %arg5[%dma_start3A_10, %add3A_5] : memref<2x320000xi32, #tpu.memory_space<hbm>> -> memref<1x40xi32, #tpu.memory_space<hbm>>
    %dma_start3A_12 = tpu.memref_squeeze %dma_start3A_11 : memref<1x40xi32, #tpu.memory_space<hbm>> -> memref<40xi32, #tpu.memory_space<hbm>>
    %dma_start3A_13 = tpu.memref_slice %arg5[%dma_start3A_10, %add3A_5] : memref<2x320000xi32, #tpu.memory_space<hbm>> -> memref<1x40xi32, #tpu.memory_space<hbm>>
    %dma_start3A_14 = tpu.memref_squeeze %dma_start3A_13 : memref<1x40xi32, #tpu.memory_space<hbm>> -> memref<40xi32, #tpu.memory_space<hbm>>
    tpu.enqueue_dma source(%dma_start3A_14 : memref<40xi32, #tpu.memory_space<hbm>>) target(%arg10 : memref<40xi32, #tpu.memory_space<vmem>>) target_semaphore(%arg21 : memref<!tpu.dma_semaphore, #tpu.memory_space<semaphore_mem>>)
    %dma_start3A_15 = arith.constant 0 : i32
    %dma_start3A_16 = tpu.memref_slice %arg4[%add3A_5, %dma_start3A_15] : memref<320000x128xf32, #tpu.memory_space<hbm>> -> memref<40x128xf32, #tpu.memory_space<hbm>>
    %dma_start3A_17 = arith.constant 0 : i32
    %dma_start3A_18 = tpu.memref_slice %arg4[%add3A_5, %dma_start3A_17] : memref<320000x128xf32, #tpu.memory_space<hbm>> -> memref<40x128xf32, #tpu.memory_space<hbm>>
    tpu.enqueue_dma source(%dma_start3A_18 : memref<40x128xf32, #tpu.memory_space<hbm>>) target(%arg16 : memref<40x128xf32, #tpu.memory_space<vmem>>) target_semaphore(%arg21 : memref<!tpu.dma_semaphore, #tpu.memory_space<semaphore_mem>>)
    %add3A_19 = arith.constant 40 : i32
    %add3A_20 = arith.addi %mul3A_2, %add3A_19 : i32
    %dma_start3A_21 = arith.constant 0 : i32
    %dma_start3A_22 = tpu.memref_slice %arg5[%dma_start3A_21, %add3A_20] : memref<2x320000xi32, #tpu.memory_space<hbm>> -> memref<1x40xi32, #tpu.memory_space<hbm>>
    %dma_start3A_23 = tpu.memref_squeeze %dma_start3A_22 : memref<1x40xi32, #tpu.memory_space<hbm>> -> memref<40xi32, #tpu.memory_space<hbm>>
    %dma_start3A_24 = tpu.memref_slice %arg5[%dma_start3A_21, %add3A_20] : memref<2x320000xi32, #tpu.memory_space<hbm>> -> memref<1x40xi32, #tpu.memory_space<hbm>>
    %dma_start3A_25 = tpu.memref_squeeze %dma_start3A_24 : memref<1x40xi32, #tpu.memory_space<hbm>> -> memref<40xi32, #tpu.memory_space<hbm>>
    tpu.enqueue_dma source(%dma_start3A_25 : memref<40xi32, #tpu.memory_space<hbm>>) target(%arg9 : memref<40xi32, #tpu.memory_space<vmem>>) target_semaphore(%arg22 : memref<!tpu.dma_semaphore, #tpu.memory_space<semaphore_mem>>)
    %dma_start3A_26 = arith.constant 1 : i32
    %dma_start3A_27 = tpu.memref_slice %arg5[%dma_start3A_26, %add3A_20] : memref<2x320000xi32, #tpu.memory_space<hbm>> -> memref<1x40xi32, #tpu.memory_space<hbm>>
    %dma_start3A_28 = tpu.memref_squeeze %dma_start3A_27 : memref<1x40xi32, #tpu.memory_space<hbm>> -> memref<40xi32, #tpu.memory_space<hbm>>
    %dma_start3A_29 = tpu.memref_slice %arg5[%dma_start3A_26, %add3A_20] : memref<2x320000xi32, #tpu.memory_space<hbm>> -> memref<1x40xi32, #tpu.memory_space<hbm>>
    %dma_start3A_30 = tpu.memref_squeeze %dma_start3A_29 : memref<1x40xi32, #tpu.memory_space<hbm>> -> memref<40xi32, #tpu.memory_space<hbm>>
    tpu.enqueue_dma source(%dma_start3A_30 : memref<40xi32, #tpu.memory_space<hbm>>) target(%arg11 : memref<40xi32, #tpu.memory_space<vmem>>) target_semaphore(%arg22 : memref<!tpu.dma_semaphore, #tpu.memory_space<semaphore_mem>>)
    %dma_start3A_31 = arith.constant 0 : i32
    %dma_start3A_32 = tpu.memref_slice %arg4[%add3A_20, %dma_start3A_31] : memref<320000x128xf32, #tpu.memory_space<hbm>> -> memref<40x128xf32, #tpu.memory_space<hbm>>
    %dma_start3A_33 = arith.constant 0 : i32
    %dma_start3A_34 = tpu.memref_slice %arg4[%add3A_20, %dma_start3A_33] : memref<320000x128xf32, #tpu.memory_space<hbm>> -> memref<40x128xf32, #tpu.memory_space<hbm>>
    tpu.enqueue_dma source(%dma_start3A_34 : memref<40x128xf32, #tpu.memory_space<hbm>>) target(%arg17 : memref<40x128xf32, #tpu.memory_space<vmem>>) target_semaphore(%arg22 : memref<!tpu.dma_semaphore, #tpu.memory_space<semaphore_mem>>)
    %scan3A = arith.constant 0 : i32
    %scan3A_35 = arith.constant 0 : i32
    %scan3A_36 = arith.constant 360 : i32
    %scan3A_37 = arith.addi %scan3A_35, %scan3A_36 : i32
    %scan3A_38 = arith.constant 1 : i32
    %scan3A_39 = scf.for %scan3A_93 = %scan3A_35 to %scan3A_37 step %scan3A_38 iter_args(%scan3A_94 = %scan3A) -> (i32)  : i32 {
      %jit3A = arith.constant 9 : i32
      %div3A = arith.divsi %scan3A_93, %jit3A : i32
      %sign3A = arith.constant 0 : i32
      %sign3A_95 = arith.cmpi sgt, %scan3A_93, %sign3A : i32
      %sign3A_96 = arith.extui %sign3A_95 : i1 to i32
      %sign3A_97 = arith.constant 0 : i32
      %sign3A_98 = arith.cmpi slt, %scan3A_93, %sign3A_97 : i32
      %sign3A_99 = arith.extui %sign3A_98 : i1 to i32
      %sign3A_100 = arith.subi %sign3A_96, %sign3A_99 : i32
      %sign3A_101 = arith.constant 0 : i32
      %sign3A_102 = arith.cmpi sgt, %jit3A, %sign3A_101 : i32
      %sign3A_103 = arith.extui %sign3A_102 : i1 to i32
      %sign3A_104 = arith.constant 0 : i32
      %sign3A_105 = arith.cmpi slt, %jit3A, %sign3A_104 : i32
      %sign3A_106 = arith.extui %sign3A_105 : i1 to i32
      %sign3A_107 = arith.subi %sign3A_103, %sign3A_106 : i32
      %ne3A = arith.cmpi ne, %sign3A_100, %sign3A_107 : i32
      %rem3A = arith.remsi %scan3A_93, %jit3A : i32
      %ne3A_108 = arith.constant 0 : i32
      %ne3A_109 = arith.cmpi ne, %rem3A, %ne3A_108 : i32
      %and3A_110 = arith.andi %ne3A, %ne3A_109 : i1
      %sub3A = arith.constant 1 : i32
      %sub3A_111 = arith.subi %div3A, %sub3A : i32
      %select_n3A = arith.select %and3A_110, %sub3A_111, %div3A : i32
      %jit3A_112 = arith.constant 9 : i32
      %eq3A = arith.constant 0 : i32
      %eq3A_113 = arith.cmpi eq, %jit3A_112, %eq3A : i32
      %jit3A_114 = arith.constant 1 : i32
      %select_n3A_115 = arith.select %eq3A_113, %jit3A_114, %jit3A_112 : i32
      %rem3A_116 = arith.remsi %scan3A_93, %select_n3A_115 : i32
      %ne3A_117 = arith.constant 0 : i32
      %ne3A_118 = arith.cmpi ne, %rem3A_116, %ne3A_117 : i32
      %lt3A_119 = arith.constant 0 : i32
      %lt3A_120 = arith.cmpi slt, %rem3A_116, %lt3A_119 : i32
      %lt3A_121 = arith.constant 0 : i32
      %lt3A_122 = arith.cmpi slt, %select_n3A_115, %lt3A_121 : i32
      %ne3A_123 = arith.xori %lt3A_120, %lt3A_122 : i1
      %and3A_124 = arith.andi %ne3A_123, %ne3A_118 : i1
      %add3A_125 = arith.addi %rem3A_116, %select_n3A_115 : i32
      %select_n3A_126 = arith.select %and3A_124, %add3A_125, %rem3A_116 : i32
      %mul3A_127 = arith.constant 16 : i32
      %mul3A_128 = arith.muli %select_n3A_126, %mul3A_127 : i32
      %swap3A = arith.index_cast %select_n3A : i32 to index
      %swap3A_129 = arith.index_cast %mul3A_128 : i32 to index
      %swap3A_130 = tpu.vector_load %arg19[%swap3A, %swap3A_129] {strides = array<i32>} : memref<40x144xf32, #tpu.memory_space<vmem>>, vector<16xf32>,
      tpu.vector_store %arg19[%swap3A, %swap3A_129], %broadcast_in_dim3A_3 {strides = array<i32>} : memref<40x144xf32, #tpu.memory_space<vmem>>, vector<16xf32>,
      %scan3A_131 = arith.constant 0 : i32
      scf.yield %scan3A_131 : i32
    }
    %scan3A_40 = arith.constant 360 : i32
    %mul3A_41 = arith.constant 640 : i32
    %mul3A_42 = arith.muli %arg1, %mul3A_41 : i32
    %scan3A_43 = arith.constant 0 : i32
    %scan3A_44 = arith.constant 0 : i32
    %scan3A_45 = arith.constant 16 : i32
    %scan3A_46 = arith.addi %scan3A_44, %scan3A_45 : i32
    %scan3A_47 = arith.constant 1 : i32
    %scan3A_48 = scf.for %scan3A_93 = %scan3A_44 to %scan3A_46 step %scan3A_47 iter_args(%scan3A_94 = %scan3A_43) -> (i32)  : i32 {
      %mul3A_95 = arith.constant 40 : i32
      %mul3A_96 = arith.muli %scan3A_93, %mul3A_95 : i32
      %add3A_97 = arith.addi %mul3A_42, %mul3A_96 : i32
      "tpu.region"() ({
        %run_scoped3A = tpu.sem_alloc : memref<!tpu.dma_semaphore, #tpu.memory_space<semaphore_mem>>
        %dma_start3A_99 = arith.constant 0 : i32
        %dma_start3A_100 = tpu.memref_slice %arg20[%add3A_97, %dma_start3A_99] : memref<10240x144xf32, #tpu.memory_space<vmem_shared>> -> memref<40x144xf32, #tpu.memory_space<vmem_shared>>
        %dma_start3A_101 = arith.constant 0 : i32
        %dma_start3A_102 = tpu.memref_slice %arg20[%add3A_97, %dma_start3A_101] : memref<10240x144xf32, #tpu.memory_space<vmem_shared>> -> memref<40x144xf32, #tpu.memory_space<vmem_shared>>
        tpu.enqueue_dma source(%arg19 : memref<40x144xf32, #tpu.memory_space<vmem>>) target(%dma_start3A_102 : memref<40x144xf32, #tpu.memory_space<vmem_shared>>) target_semaphore(%run_scoped3A : memref<!tpu.dma_semaphore, #tpu.memory_space<semaphore_mem>>)
        %dma_wait3A_103 = arith.constant 0 : i32
        %dma_wait3A_104 = tpu.memref_slice %arg20[%add3A_97, %dma_wait3A_103] : memref<10240x144xf32, #tpu.memory_space<vmem_shared>> -> memref<40x144xf32, #tpu.memory_space<vmem_shared>>
        %dma_wait3A_105 = arith.constant 0 : i32
        %dma_wait3A_106 = tpu.memref_slice %arg20[%add3A_97, %dma_wait3A_105] : memref<10240x144xf32, #tpu.memory_space<vmem_shared>> -> memref<40x144xf32, #tpu.memory_space<vmem_shared>>
        tpu.wait_dma2 semaphore(%run_scoped3A : memref<!tpu.dma_semaphore, #tpu.memory_space<semaphore_mem>>) src(%arg19 : memref<40x144xf32, #tpu.memory_space<vmem>>) dst(%dma_wait3A_106 : memref<40x144xf32, #tpu.memory_space<vmem_shared>>)
        tpu.yield
      }) : () -> ()
      %scan3A_98 = arith.constant 0 : i32
      scf.yield %scan3A_98 : i32
    }
    %scan3A_49 = arith.constant 16 : i32
    %barrier3A = arith.constant 0 : index
    tpu.barrier barrier_id(%barrier3A)
    %iota3A = tpu.iota {dimensions = array<i32: 0>} : vector<16xi32>
    %lt3A = arith.constant 8 : i32
    %lt3A_50 = vector.broadcast %lt3A : i32 to vector<16xi32>
    %lt3A_51 = arith.cmpi slt, %iota3A, %lt3A_50 : vector<16xi32>
    %and3A = arith.constant 7 : i32
    %and3A_52 = vector.broadcast %and3A : i32 to vector<16xi32>
    %and3A_53 = arith.andi %iota3A, %and3A_52 : vector<16xi32>
    %dma_wait3A = arith.constant 0 : i32
    %dma_wait3A_54 = arith.constant 0 : i32
    %dma_wait3A_55 = tpu.memref_slice %arg5[%dma_wait3A, %dma_wait3A_54] : memref<2x320000xi32, #tpu.memory_space<hbm>> -> memref<1x40xi32, #tpu.memory_space<hbm>>
    %dma_wait3A_56 = tpu.memref_squeeze %dma_wait3A_55 : memref<1x40xi32, #tpu.memory_space<hbm>> -> memref<40xi32, #tpu.memory_space<hbm>>
    %dma_wait3A_57 = arith.constant 0 : i32
    %dma_wait3A_58 = tpu.memref_slice %arg5[%dma_wait3A, %dma_wait3A_57] : memref<2x320000xi32, #tpu.memory_space<hbm>> -> memref<1x40xi32, #tpu.memory_space<hbm>>
    %dma_wait3A_59 = tpu.memref_squeeze %dma_wait3A_58 : memref<1x40xi32, #tpu.memory_space<hbm>> -> memref<40xi32, #tpu.memory_space<hbm>>
    tpu.wait_dma2 semaphore(%arg21 : memref<!tpu.dma_semaphore, #tpu.memory_space<semaphore_mem>>) src(%dma_wait3A_59 : memref<40xi32, #tpu.memory_space<hbm>>) dst(%arg8 : memref<40xi32, #tpu.memory_space<vmem>>)
    %dma_wait3A_60 = arith.constant 1 : i32
    %dma_wait3A_61 = arith.constant 0 : i32
    %dma_wait3A_62 = tpu.memref_slice %arg5[%dma_wait3A_60, %dma_wait3A_61] : memref<2x320000xi32, #tpu.memory_space<hbm>> -> memref<1x40xi32, #tpu.memory_space<hbm>>
    %dma_wait3A_63 = tpu.memref_squeeze %dma_wait3A_62 : memref<1x40xi32, #tpu.memory_space<hbm>> -> memref<40xi32, #tpu.memory_space<hbm>>
    %dma_wait3A_64 = arith.constant 0 : i32
    %dma_wait3A_65 = tpu.memref_slice %arg5[%dma_wait3A_60, %dma_wait3A_64] : memref<2x320000xi32, #tpu.memory_space<hbm>> -> memref<1x40xi32, #tpu.memory_space<hbm>>
    %dma_wait3A_66 = tpu.memref_squeeze %dma_wait3A_65 : memref<1x40xi32, #tpu.memory_space<hbm>> -> memref<40xi32, #tpu.memory_space<hbm>>
    tpu.wait_dma2 semaphore(%arg21 : memref<!tpu.dma_semaphore, #tpu.memory_space<semaphore_mem>>) src(%dma_wait3A_66 : memref<40xi32, #tpu.memory_space<hbm>>) dst(%arg10 : memref<40xi32, #tpu.memory_space<vmem>>)
    %dma_wait3A_67 = arith.constant 0 : i32
    %dma_wait3A_68 = arith.constant 0 : i32
    %dma_wait3A_69 = tpu.memref_slice %arg4[%dma_wait3A_67, %dma_wait3A_68] : memref<320000x128xf32, #tpu.memory_space<hbm>> -> memref<40x128xf32, #tpu.memory_space<hbm>>
    %dma_wait3A_70 = arith.constant 0 : i32
    %dma_wait3A_71 = arith.constant 0 : i32
    %dma_wait3A_72 = tpu.memref_slice %arg4[%dma_wait3A_70, %dma_wait3A_71] : memref<320000x128xf32, #tpu.memory_space<hbm>> -> memref<40x128xf32, #tpu.memory_space<hbm>>
    tpu.wait_dma2 semaphore(%arg21 : memref<!tpu.dma_semaphore, #tpu.memory_space<semaphore_mem>>) src(%dma_wait3A_72 : memref<40x128xf32, #tpu.memory_space<hbm>>) dst(%arg16 : memref<40x128xf32, #tpu.memory_space<vmem>>)
    %dma_start3A_73 = arith.constant 0 : i32
    %dma_start3A_74 = arith.constant 0 : i32
    %dma_start3A_75 = tpu.memref_slice %arg2[%dma_start3A_73, %dma_start3A_74] : memref<10000x256xbf16, #tpu.memory_space<hbm>> -> memref<10000x256xbf16, #tpu.memory_space<hbm>>
    tpu.enqueue_indirect_dma source(%dma_start3A_75 : memref<10000x256xbf16, #tpu.memory_space<hbm>>) target(%arg12 : memref<40x256xbf16, #tpu.memory_space<vmem>>) offsets(%arg8 : memref<40xi32, #tpu.memory_space<vmem>>) semaphore(%arg23 : memref<!tpu.dma_semaphore, #tpu.memory_space<semaphore_mem>>)
    %dma_start3A_76 = arith.constant 0 : i32
    %dma_start3A_77 = arith.constant 0 : i32
    %dma_start3A_78 = tpu.memref_slice %arg3[%dma_start3A_76, %dma_start3A_77] : memref<10000x128xbf16, #tpu.memory_space<hbm>> -> memref<10000x128xbf16, #tpu.memory_space<hbm>>
    tpu.enqueue_indirect_dma source(%dma_start3A_78 : memref<10000x128xbf16, #tpu.memory_space<hbm>>) target(%arg14 : memref<40x128xbf16, #tpu.memory_space<vmem>>) offsets(%arg10 : memref<40xi32, #tpu.memory_space<vmem>>) semaphore(%arg23 : memref<!tpu.dma_semaphore, #tpu.memory_space<semaphore_mem>>)
    %scan3A_79 = arith.constant 0 : i32
    %scan3A_80 = arith.constant 0 : i32
    %scan3A_81 = arith.constant 125 : i32
    %scan3A_82 = arith.addi %scan3A_80, %scan3A_81 : i32
    %scan3A_83 = arith.constant 1 : i32
    %scan3A_84 = scf.for %scan3A_93 = %scan3A_80 to %scan3A_82 step %scan3A_83 iter_args(%scan3A_94 = %scan3A_79) -> (i32)  : i32 {
      %mul3A_95 = arith.constant 2 : i32
      %mul3A_96 = arith.muli %mul3A_95, %scan3A_93 : i32
      %add3A_97 = arith.constant 0 : i32
      %add3A_98 = arith.addi %mul3A_96, %add3A_97 : i32
      %add3A_99 = arith.constant 1 : i32
      %add3A_100 = arith.addi %add3A_98, %add3A_99 : i32
      %lt3A_101 = arith.constant 250 : i32
      %lt3A_102 = arith.cmpi slt, %add3A_100, %lt3A_101 : i32
      %convert_element_type3A = arith.extui %lt3A_102 : i1 to i32
      %cond3A = arith.constant 0 : i32
      %cond3A_103 = arith.cmpi ne, %convert_element_type3A, %cond3A : i32
      scf.if %cond3A_103 {
        %dma_wait3A_170 = arith.constant 0 : i32
        %dma_wait3A_171 = arith.constant 0 : i32
        %dma_wait3A_172 = tpu.memref_slice %arg5[%dma_wait3A_170, %dma_wait3A_171] : memref<2x320000xi32, #tpu.memory_space<hbm>> -> memref<1x40xi32, #tpu.memory_space<hbm>>
        %dma_wait3A_173 = tpu.memref_squeeze %dma_wait3A_172 : memref<1x40xi32, #tpu.memory_space<hbm>> -> memref<40xi32, #tpu.memory_space<hbm>>
        %dma_wait3A_174 = arith.constant 0 : i32
        %dma_wait3A_175 = tpu.memref_slice %arg5[%dma_wait3A_170, %dma_wait3A_174] : memref<2x320000xi32, #tpu.memory_space<hbm>> -> memref<1x40xi32, #tpu.memory_space<hbm>>
        %dma_wait3A_176 = tpu.memref_squeeze %dma_wait3A_175 : memref<1x40xi32, #tpu.memory_space<hbm>> -> memref<40xi32, #tpu.memory_space<hbm>>
        tpu.wait_dma2 semaphore(%arg22 : memref<!tpu.dma_semaphore, #tpu.memory_space<semaphore_mem>>) src(%dma_wait3A_176 : memref<40xi32, #tpu.memory_space<hbm>>) dst(%arg9 : memref<40xi32, #tpu.memory_space<vmem>>)
        %dma_wait3A_177 = arith.constant 1 : i32
        %dma_wait3A_178 = arith.constant 0 : i32
        %dma_wait3A_179 = tpu.memref_slice %arg5[%dma_wait3A_177, %dma_wait3A_178] : memref<2x320000xi32, #tpu.memory_space<hbm>> -> memref<1x40xi32, #tpu.memory_space<hbm>>
        %dma_wait3A_180 = tpu.memref_squeeze %dma_wait3A_179 : memref<1x40xi32, #tpu.memory_space<hbm>> -> memref<40xi32, #tpu.memory_space<hbm>>
        %dma_wait3A_181 = arith.constant 0 : i32
        %dma_wait3A_182 = tpu.memref_slice %arg5[%dma_wait3A_177, %dma_wait3A_181] : memref<2x320000xi32, #tpu.memory_space<hbm>> -> memref<1x40xi32, #tpu.memory_space<hbm>>
        %dma_wait3A_183 = tpu.memref_squeeze %dma_wait3A_182 : memref<1x40xi32, #tpu.memory_space<hbm>> -> memref<40xi32, #tpu.memory_space<hbm>>
        tpu.wait_dma2 semaphore(%arg22 : memref<!tpu.dma_semaphore, #tpu.memory_space<semaphore_mem>>) src(%dma_wait3A_183 : memref<40xi32, #tpu.memory_space<hbm>>) dst(%arg11 : memref<40xi32, #tpu.memory_space<vmem>>)
        %dma_wait3A_184 = arith.constant 0 : i32
        %dma_wait3A_185 = arith.constant 0 : i32
        %dma_wait3A_186 = tpu.memref_slice %arg4[%dma_wait3A_184, %dma_wait3A_185] : memref<320000x128xf32, #tpu.memory_space<hbm>> -> memref<40x128xf32, #tpu.memory_space<hbm>>
        %dma_wait3A_187 = arith.constant 0 : i32
        %dma_wait3A_188 = arith.constant 0 : i32
        %dma_wait3A_189 = tpu.memref_slice %arg4[%dma_wait3A_187, %dma_wait3A_188] : memref<320000x128xf32, #tpu.memory_space<hbm>> -> memref<40x128xf32, #tpu.memory_space<hbm>>
        tpu.wait_dma2 semaphore(%arg22 : memref<!tpu.dma_semaphore, #tpu.memory_space<semaphore_mem>>) src(%dma_wait3A_189 : memref<40x128xf32, #tpu.memory_space<hbm>>) dst(%arg17 : memref<40x128xf32, #tpu.memory_space<vmem>>)
        %dma_start3A_190 = arith.constant 0 : i32
        %dma_start3A_191 = arith.constant 0 : i32
        %dma_start3A_192 = tpu.memref_slice %arg2[%dma_start3A_190, %dma_start3A_191] : memref<10000x256xbf16, #tpu.memory_space<hbm>> -> memref<10000x256xbf16, #tpu.memory_space<hbm>>
        tpu.enqueue_indirect_dma source(%dma_start3A_192 : memref<10000x256xbf16, #tpu.memory_space<hbm>>) target(%arg13 : memref<40x256xbf16, #tpu.memory_space<vmem>>) offsets(%arg9 : memref<40xi32, #tpu.memory_space<vmem>>) semaphore(%arg23 : memref<!tpu.dma_semaphore, #tpu.memory_space<semaphore_mem>>)
        %dma_start3A_193 = arith.constant 0 : i32
        %dma_start3A_194 = arith.constant 0 : i32
        %dma_start3A_195 = tpu.memref_slice %arg3[%dma_start3A_193, %dma_start3A_194] : memref<10000x128xbf16, #tpu.memory_space<hbm>> -> memref<10000x128xbf16, #tpu.memory_space<hbm>>
        tpu.enqueue_indirect_dma source(%dma_start3A_195 : memref<10000x128xbf16, #tpu.memory_space<hbm>>) target(%arg15 : memref<40x128xbf16, #tpu.memory_space<vmem>>) offsets(%arg11 : memref<40xi32, #tpu.memory_space<vmem>>) semaphore(%arg23 : memref<!tpu.dma_semaphore, #tpu.memory_space<semaphore_mem>>)
      } else {
      }
      %dma_wait3A_104 = arith.constant 0 : i32
      %dma_wait3A_105 = arith.constant 0 : i32
      %dma_wait3A_106 = tpu.memref_slice %arg2[%dma_wait3A_104, %dma_wait3A_105] : memref<10000x256xbf16, #tpu.memory_space<hbm>> -> memref<10000x256xbf16, #tpu.memory_space<hbm>>
      tpu.wait_indirect_dma semaphore(%arg23 : memref<!tpu.dma_semaphore, #tpu.memory_space<semaphore_mem>>) src(%dma_wait3A_106 : memref<10000x256xbf16, #tpu.memory_space<hbm>>) dst(%arg12 : memref<40x256xbf16, #tpu.memory_space<vmem>>)
      %dma_wait3A_107 = arith.constant 0 : i32
      %dma_wait3A_108 = arith.constant 0 : i32
      %dma_wait3A_109 = tpu.memref_slice %arg3[%dma_wait3A_107, %dma_wait3A_108] : memref<10000x128xbf16, #tpu.memory_space<hbm>> -> memref<10000x128xbf16, #tpu.memory_space<hbm>>
      tpu.wait_indirect_dma semaphore(%arg23 : memref<!tpu.dma_semaphore, #tpu.memory_space<semaphore_mem>>) src(%dma_wait3A_109 : memref<10000x128xbf16, #tpu.memory_space<hbm>>) dst(%arg14 : memref<40x128xbf16, #tpu.memory_space<vmem>>)
      %gt3A = arith.constant 0 : i32
      %gt3A_110 = arith.cmpi sgt, %add3A_98, %gt3A : i32
      %convert_element_type3A_111 = arith.extui %gt3A_110 : i1 to i32
      %cond3A_112 = arith.constant 0 : i32
      %cond3A_113 = arith.cmpi ne, %convert_element_type3A_111, %cond3A_112 : i32
      scf.if %cond3A_113 {
        %dma_wait3A_170 = arith.constant 0 : i32
        %dma_wait3A_171 = arith.constant 0 : i32
        %dma_wait3A_172 = tpu.memref_slice %arg6[%dma_wait3A_170, %dma_wait3A_171] : memref<320000x128xf32, #tpu.memory_space<hbm>> -> memref<40x128xf32, #tpu.memory_space<hbm>>
        %dma_wait3A_173 = arith.constant 0 : i32
        %dma_wait3A_174 = arith.constant 0 : i32
        %dma_wait3A_175 = tpu.memref_slice %arg6[%dma_wait3A_173, %dma_wait3A_174] : memref<320000x128xf32, #tpu.memory_space<hbm>> -> memref<40x128xf32, #tpu.memory_space<hbm>>
        tpu.wait_dma2 semaphore(%arg24 : memref<!tpu.dma_semaphore, #tpu.memory_space<semaphore_mem>>) src(%arg18 : memref<40x128xf32, #tpu.memory_space<vmem>>) dst(%dma_wait3A_175 : memref<40x128xf32, #tpu.memory_space<hbm>>)
      } else {
      }
      %parallel_loop3A = arith.constant 0 : i32
      %parallel_loop3A_114 = arith.constant 40 : i32
      %parallel_loop3A_115 = arith.constant 1 : i32
      scf.for %parallel_loop3A_170 = %parallel_loop3A to %parallel_loop3A_114 step %parallel_loop3A_115  : i32 {
        %parallel_loop3A_171 = arith.index_cast %parallel_loop3A_170 : i32 to index
        %parallel_loop3A_172 = arith.constant 0 : index
        %parallel_loop3A_173 = tpu.vector_load %arg12[%parallel_loop3A_171, %parallel_loop3A_172] {strides = array<i32>} : memref<40x256xbf16, #tpu.memory_space<vmem>>, vector<32xbf16>,
        %parallel_loop3A_174 = tpu.unpack_subelements %parallel_loop3A_173, 0 {pack_format = #tpu.pack_format<interleaved>} : vector<32xbf16> -> vector<16xf32>
        %parallel_loop3A_175 = tpu.unpack_subelements %parallel_loop3A_173, 1 {pack_format = #tpu.pack_format<interleaved>} : vector<32xbf16> -> vector<16xf32>
        %parallel_loop3A_176 = arith.index_cast %parallel_loop3A_170 : i32 to index
        %parallel_loop3A_177 = arith.constant 0 : index
        %parallel_loop3A_178 = tpu.vector_load %arg14[%parallel_loop3A_176, %parallel_loop3A_177] {strides = array<i32>} : memref<40x128xbf16, #tpu.memory_space<vmem>>, vector<32xbf16>,
        %parallel_loop3A_179 = tpu.unpack_subelements %parallel_loop3A_178, 0 {pack_format = #tpu.pack_format<interleaved>} : vector<32xbf16> -> vector<16xf32>
        %parallel_loop3A_180 = tpu.unpack_subelements %parallel_loop3A_178, 1 {pack_format = #tpu.pack_format<interleaved>} : vector<32xbf16> -> vector<16xf32>
        %parallel_loop3A_181 = arith.index_cast %parallel_loop3A_170 : i32 to index
        %parallel_loop3A_182 = arith.constant 128 : index
        %parallel_loop3A_183 = tpu.vector_load %arg12[%parallel_loop3A_181, %parallel_loop3A_182] {strides = array<i32>} : memref<40x256xbf16, #tpu.memory_space<vmem>>, vector<32xbf16>,
        %parallel_loop3A_184 = tpu.unpack_subelements %parallel_loop3A_183, 0 {pack_format = #tpu.pack_format<interleaved>} : vector<32xbf16> -> vector<16xf32>
        %parallel_loop3A_185 = tpu.unpack_subelements %parallel_loop3A_183, 1 {pack_format = #tpu.pack_format<interleaved>} : vector<32xbf16> -> vector<16xf32>
        %parallel_loop3A_186 = arith.mulf %parallel_loop3A_174, %parallel_loop3A_179 : vector<16xf32>
        %parallel_loop3A_187 = arith.index_cast %parallel_loop3A_170 : i32 to index
        %parallel_loop3A_188 = arith.constant 0 : index
        %parallel_loop3A_189 = tpu.vector_load %arg16[%parallel_loop3A_187, %parallel_loop3A_188] {strides = array<i32>} : memref<40x128xf32, #tpu.memory_space<vmem>>, vector<16xf32>,
        %parallel_loop3A_190 = arith.mulf %parallel_loop3A_186, %parallel_loop3A_189 : vector<16xf32>
        %parallel_loop3A_191 = arith.mulf %parallel_loop3A_175, %parallel_loop3A_180 : vector<16xf32>
        %parallel_loop3A_192 = arith.index_cast %parallel_loop3A_170 : i32 to index
        %parallel_loop3A_193 = arith.constant 16 : index
        %parallel_loop3A_194 = tpu.vector_load %arg16[%parallel_loop3A_192, %parallel_loop3A_193] {strides = array<i32>} : memref<40x128xf32, #tpu.memory_space<vmem>>, vector<16xf32>,
        %parallel_loop3A_195 = arith.mulf %parallel_loop3A_191, %parallel_loop3A_194 : vector<16xf32>
        %parallel_loop3A_196 = arith.index_cast %parallel_loop3A_170 : i32 to index
        %parallel_loop3A_197 = arith.constant 0 : index
        %parallel_loop3A_198 = tpu.vector_load %arg18[%parallel_loop3A_196, %parallel_loop3A_197] {strides = array<i32>} : memref<40x128xf32, #tpu.memory_space<vmem>>, vector<16xf32>,
        tpu.vector_store %arg18[%parallel_loop3A_196, %parallel_loop3A_197], %parallel_loop3A_190 {strides = array<i32>} : memref<40x128xf32, #tpu.memory_space<vmem>>, vector<16xf32>,
        %parallel_loop3A_199 = arith.index_cast %parallel_loop3A_170 : i32 to index
        %parallel_loop3A_200 = arith.constant 16 : index
        %parallel_loop3A_201 = tpu.vector_load %arg18[%parallel_loop3A_199, %parallel_loop3A_200] {strides = array<i32>} : memref<40x128xf32, #tpu.memory_space<vmem>>, vector<16xf32>,
        tpu.vector_store %arg18[%parallel_loop3A_199, %parallel_loop3A_200], %parallel_loop3A_195 {strides = array<i32>} : memref<40x128xf32, #tpu.memory_space<vmem>>, vector<16xf32>,
        %parallel_loop3A_202 = arith.constant true
        %parallel_loop3A_203 = vector.broadcast %parallel_loop3A_202 : i1 to vector<16xi1>
        %parallel_loop3A_204 = tpu.scan <sum>, %parallel_loop3A_190 masked %parallel_loop3A_203 : vector<16xf32>, vector<16xi1> -> vector<16xf32>
        %parallel_loop3A_205 = vector.extract %parallel_loop3A_204[15] : f32 from vector<16xf32>
        %parallel_loop3A_206 = arith.constant 2.500000e-01 : f32
        %parallel_loop3A_207 = arith.mulf %parallel_loop3A_205, %parallel_loop3A_206 : f32
        %parallel_loop3A_208 = arith.constant -5.000000e+00 : f32
        %parallel_loop3A_209 = arith.constant 5.000000e+00 : f32
        %parallel_loop3A_210 = arith.maximumf %parallel_loop3A_208, %parallel_loop3A_207 : f32
        %parallel_loop3A_211 = arith.minimumf %parallel_loop3A_209, %parallel_loop3A_210 : f32
        %parallel_loop3A_212 = arith.constant true
        %parallel_loop3A_213 = vector.broadcast %parallel_loop3A_212 : i1 to vector<16xi1>
        %parallel_loop3A_214 = tpu.scan <sum>, %parallel_loop3A_195 masked %parallel_loop3A_213 : vector<16xf32>, vector<16xi1> -> vector<16xf32>
        %parallel_loop3A_215 = vector.extract %parallel_loop3A_214[15] : f32 from vector<16xf32>
        %parallel_loop3A_216 = arith.constant 2.500000e-01 : f32
        %parallel_loop3A_217 = arith.mulf %parallel_loop3A_215, %parallel_loop3A_216 : f32
        %parallel_loop3A_218 = arith.constant -5.000000e+00 : f32
        %parallel_loop3A_219 = arith.constant 5.000000e+00 : f32
        %parallel_loop3A_220 = arith.maximumf %parallel_loop3A_218, %parallel_loop3A_217 : f32
        %parallel_loop3A_221 = arith.minimumf %parallel_loop3A_219, %parallel_loop3A_220 : f32
        %parallel_loop3A_222 = vector.broadcast %parallel_loop3A_211 : f32 to vector<16xf32>
        %parallel_loop3A_223 = math.exp %parallel_loop3A_222 : vector<16xf32>
        %parallel_loop3A_224 = vector.broadcast %parallel_loop3A_221 : f32 to vector<16xf32>
        %parallel_loop3A_225 = math.exp %parallel_loop3A_224 : vector<16xf32>
        %parallel_loop3A_226 = arith.addf %parallel_loop3A_184, %parallel_loop3A_190 : vector<16xf32>
        %parallel_loop3A_227 = arith.mulf %parallel_loop3A_223, %parallel_loop3A_226 : vector<16xf32>
        %parallel_loop3A_228 = arith.index_cast %parallel_loop3A_170 : i32 to index
        %parallel_loop3A_229 = arith.constant 0 : index
        %parallel_loop3A_230 = tpu.vector_load %arg19[%parallel_loop3A_228, %parallel_loop3A_229] {strides = array<i32>} : memref<40x144xf32, #tpu.memory_space<vmem>>, vector<16xf32>,
        tpu.vector_store %arg19[%parallel_loop3A_228, %parallel_loop3A_229], %parallel_loop3A_227 {strides = array<i32>} : memref<40x144xf32, #tpu.memory_space<vmem>>, vector<16xf32>,
        %parallel_loop3A_231 = arith.addf %parallel_loop3A_185, %parallel_loop3A_195 : vector<16xf32>
        %parallel_loop3A_232 = arith.mulf %parallel_loop3A_225, %parallel_loop3A_231 : vector<16xf32>
        %parallel_loop3A_233 = arith.index_cast %parallel_loop3A_170 : i32 to index
        %parallel_loop3A_234 = arith.constant 16 : index
        %parallel_loop3A_235 = tpu.vector_load %arg19[%parallel_loop3A_233, %parallel_loop3A_234] {strides = array<i32>} : memref<40x144xf32, #tpu.memory_space<vmem>>, vector<16xf32>,
        tpu.vector_store %arg19[%parallel_loop3A_233, %parallel_loop3A_234], %parallel_loop3A_232 {strides = array<i32>} : memref<40x144xf32, #tpu.memory_space<vmem>>, vector<16xf32>,
        %parallel_loop3A_236 = arith.constant 0 : i32
        %parallel_loop3A_237 = vector.broadcast %parallel_loop3A_236 : i32 to vector<16xi32>
        %parallel_loop3A_238 = arith.cmpi eq, %iota3A, %parallel_loop3A_237 : vector<16xi32>
        %parallel_loop3A_239 = arith.select %parallel_loop3A_238, %parallel_loop3A_223, %broadcast_in_dim3A_3 : vector<16xi1>, vector<16xf32>
        %parallel_loop3A_240 = arith.constant 1 : i32
        %parallel_loop3A_241 = vector.broadcast %parallel_loop3A_240 : i32 to vector<16xi32>
        %parallel_loop3A_242 = arith.cmpi eq, %iota3A, %parallel_loop3A_241 : vector<16xi32>
        %parallel_loop3A_243 = arith.select %parallel_loop3A_242, %parallel_loop3A_225, %parallel_loop3A_239 : vector<16xi1>, vector<16xf32>
        %parallel_loop3A_244 = arith.index_cast %parallel_loop3A_170 : i32 to index
        %parallel_loop3A_245 = arith.constant 32 : index
        %parallel_loop3A_246 = tpu.vector_load %arg12[%parallel_loop3A_244, %parallel_loop3A_245] {strides = array<i32>} : memref<40x256xbf16, #tpu.memory_space<vmem>>, vector<32xbf16>,
        %parallel_loop3A_247 = tpu.unpack_subelements %parallel_loop3A_246, 0 {pack_format = #tpu.pack_format<interleaved>} : vector<32xbf16> -> vector<16xf32>
        %parallel_loop3A_248 = tpu.unpack_subelements %parallel_loop3A_246, 1 {pack_format = #tpu.pack_format<interleaved>} : vector<32xbf16> -> vector<16xf32>
        %parallel_loop3A_249 = arith.index_cast %parallel_loop3A_170 : i32 to index
        %parallel_loop3A_250 = arith.constant 32 : index
        %parallel_loop3A_251 = tpu.vector_load %arg14[%parallel_loop3A_249, %parallel_loop3A_250] {strides = array<i32>} : memref<40x128xbf16, #tpu.memory_space<vmem>>, vector<32xbf16>,
        %parallel_loop3A_252 = tpu.unpack_subelements %parallel_loop3A_251, 0 {pack_format = #tpu.pack_format<interleaved>} : vector<32xbf16> -> vector<16xf32>
        %parallel_loop3A_253 = tpu.unpack_subelements %parallel_loop3A_251, 1 {pack_format = #tpu.pack_format<interleaved>} : vector<32xbf16> -> vector<16xf32>
        %parallel_loop3A_254 = arith.index_cast %parallel_loop3A_170 : i32 to index
        %parallel_loop3A_255 = arith.constant 160 : index
        %parallel_loop3A_256 = tpu.vector_load %arg12[%parallel_loop3A_254, %parallel_loop3A_255] {strides = array<i32>} : memref<40x256xbf16, #tpu.memory_space<vmem>>, vector<32xbf16>,
        %parallel_loop3A_257 = tpu.unpack_subelements %parallel_loop3A_256, 0 {pack_format = #tpu.pack_format<interleaved>} : vector<32xbf16> -> vector<16xf32>
        %parallel_loop3A_258 = tpu.unpack_subelements %parallel_loop3A_256, 1 {pack_format = #tpu.pack_format<interleaved>} : vector<32xbf16> -> vector<16xf32>
        %parallel_loop3A_259 = arith.mulf %parallel_loop3A_247, %parallel_loop3A_252 : vector<16xf32>
        %parallel_loop3A_260 = arith.index_cast %parallel_loop3A_170 : i32 to index
        %parallel_loop3A_261 = arith.constant 32 : index
        %parallel_loop3A_262 = tpu.vector_load %arg16[%parallel_loop3A_260, %parallel_loop3A_261] {strides = array<i32>} : memref<40x128xf32, #tpu.memory_space<vmem>>, vector<16xf32>,
        %parallel_loop3A_263 = arith.mulf %parallel_loop3A_259, %parallel_loop3A_262 : vector<16xf32>
        %parallel_loop3A_264 = arith.mulf %parallel_loop3A_248, %parallel_loop3A_253 : vector<16xf32>
        %parallel_loop3A_265 = arith.index_cast %parallel_loop3A_170 : i32 to index
        %parallel_loop3A_266 = arith.constant 48 : index
        %parallel_loop3A_267 = tpu.vector_load %arg16[%parallel_loop3A_265, %parallel_loop3A_266] {strides = array<i32>} : memref<40x128xf32, #tpu.memory_space<vmem>>, vector<16xf32>,
        %parallel_loop3A_268 = arith.mulf %parallel_loop3A_264, %parallel_loop3A_267 : vector<16xf32>
        %parallel_loop3A_269 = arith.index_cast %parallel_loop3A_170 : i32 to index
        %parallel_loop3A_270 = arith.constant 32 : index
        %parallel_loop3A_271 = tpu.vector_load %arg18[%parallel_loop3A_269, %parallel_loop3A_270] {strides = array<i32>} : memref<40x128xf32, #tpu.memory_space<vmem>>, vector<16xf32>,
        tpu.vector_store %arg18[%parallel_loop3A_269, %parallel_loop3A_270], %parallel_loop3A_263 {strides = array<i32>} : memref<40x128xf32, #tpu.memory_space<vmem>>, vector<16xf32>,
        %parallel_loop3A_272 = arith.index_cast %parallel_loop3A_170 : i32 to index
        %parallel_loop3A_273 = arith.constant 48 : index
        %parallel_loop3A_274 = tpu.vector_load %arg18[%parallel_loop3A_272, %parallel_loop3A_273] {strides = array<i32>} : memref<40x128xf32, #tpu.memory_space<vmem>>, vector<16xf32>,
        tpu.vector_store %arg18[%parallel_loop3A_272, %parallel_loop3A_273], %parallel_loop3A_268 {strides = array<i32>} : memref<40x128xf32, #tpu.memory_space<vmem>>, vector<16xf32>,
        %parallel_loop3A_275 = arith.constant true
        %parallel_loop3A_276 = vector.broadcast %parallel_loop3A_275 : i1 to vector<16xi1>
        %parallel_loop3A_277 = tpu.scan <sum>, %parallel_loop3A_263 masked %parallel_loop3A_276 : vector<16xf32>, vector<16xi1> -> vector<16xf32>
        %parallel_loop3A_278 = vector.extract %parallel_loop3A_277[15] : f32 from vector<16xf32>
        %parallel_loop3A_279 = arith.constant 2.500000e-01 : f32
        %parallel_loop3A_280 = arith.mulf %parallel_loop3A_278, %parallel_loop3A_279 : f32
        %parallel_loop3A_281 = arith.constant -5.000000e+00 : f32
        %parallel_loop3A_282 = arith.constant 5.000000e+00 : f32
        %parallel_loop3A_283 = arith.maximumf %parallel_loop3A_281, %parallel_loop3A_280 : f32
        %parallel_loop3A_284 = arith.minimumf %parallel_loop3A_282, %parallel_loop3A_283 : f32
        %parallel_loop3A_285 = arith.constant true
        %parallel_loop3A_286 = vector.broadcast %parallel_loop3A_285 : i1 to vector<16xi1>
        %parallel_loop3A_287 = tpu.scan <sum>, %parallel_loop3A_268 masked %parallel_loop3A_286 : vector<16xf32>, vector<16xi1> -> vector<16xf32>
        %parallel_loop3A_288 = vector.extract %parallel_loop3A_287[15] : f32 from vector<16xf32>
        %parallel_loop3A_289 = arith.constant 2.500000e-01 : f32
        %parallel_loop3A_290 = arith.mulf %parallel_loop3A_288, %parallel_loop3A_289 : f32
        %parallel_loop3A_291 = arith.constant -5.000000e+00 : f32
        %parallel_loop3A_292 = arith.constant 5.000000e+00 : f32
        %parallel_loop3A_293 = arith.maximumf %parallel_loop3A_291, %parallel_loop3A_290 : f32
        %parallel_loop3A_294 = arith.minimumf %parallel_loop3A_292, %parallel_loop3A_293 : f32
        %parallel_loop3A_295 = vector.broadcast %parallel_loop3A_284 : f32 to vector<16xf32>
        %parallel_loop3A_296 = math.exp %parallel_loop3A_295 : vector<16xf32>
        %parallel_loop3A_297 = vector.broadcast %parallel_loop3A_294 : f32 to vector<16xf32>
        %parallel_loop3A_298 = math.exp %parallel_loop3A_297 : vector<16xf32>
        %parallel_loop3A_299 = arith.addf %parallel_loop3A_257, %parallel_loop3A_263 : vector<16xf32>
        %parallel_loop3A_300 = arith.mulf %parallel_loop3A_296, %parallel_loop3A_299 : vector<16xf32>
        %parallel_loop3A_301 = arith.index_cast %parallel_loop3A_170 : i32 to index
        %parallel_loop3A_302 = arith.constant 32 : index
        %parallel_loop3A_303 = tpu.vector_load %arg19[%parallel_loop3A_301, %parallel_loop3A_302] {strides = array<i32>} : memref<40x144xf32, #tpu.memory_space<vmem>>, vector<16xf32>,
        tpu.vector_store %arg19[%parallel_loop3A_301, %parallel_loop3A_302], %parallel_loop3A_300 {strides = array<i32>} : memref<40x144xf32, #tpu.memory_space<vmem>>, vector<16xf32>,
        %parallel_loop3A_304 = arith.addf %parallel_loop3A_258, %parallel_loop3A_268 : vector<16xf32>
        %parallel_loop3A_305 = arith.mulf %parallel_loop3A_298, %parallel_loop3A_304 : vector<16xf32>
        %parallel_loop3A_306 = arith.index_cast %parallel_loop3A_170 : i32 to index
        %parallel_loop3A_307 = arith.constant 48 : index
        %parallel_loop3A_308 = tpu.vector_load %arg19[%parallel_loop3A_306, %parallel_loop3A_307] {strides = array<i32>} : memref<40x144xf32, #tpu.memory_space<vmem>>, vector<16xf32>,
        tpu.vector_store %arg19[%parallel_loop3A_306, %parallel_loop3A_307], %parallel_loop3A_305 {strides = array<i32>} : memref<40x144xf32, #tpu.memory_space<vmem>>, vector<16xf32>,
        %parallel_loop3A_309 = arith.constant 2 : i32
        %parallel_loop3A_310 = vector.broadcast %parallel_loop3A_309 : i32 to vector<16xi32>
        %parallel_loop3A_311 = arith.cmpi eq, %iota3A, %parallel_loop3A_310 : vector<16xi32>
        %parallel_loop3A_312 = arith.select %parallel_loop3A_311, %parallel_loop3A_296, %parallel_loop3A_243 : vector<16xi1>, vector<16xf32>
        %parallel_loop3A_313 = arith.constant 3 : i32
        %parallel_loop3A_314 = vector.broadcast %parallel_loop3A_313 : i32 to vector<16xi32>
        %parallel_loop3A_315 = arith.cmpi eq, %iota3A, %parallel_loop3A_314 : vector<16xi32>
        %parallel_loop3A_316 = arith.select %parallel_loop3A_315, %parallel_loop3A_298, %parallel_loop3A_312 : vector<16xi1>, vector<16xf32>
        %parallel_loop3A_317 = arith.index_cast %parallel_loop3A_170 : i32 to index
        %parallel_loop3A_318 = arith.constant 64 : index
        %parallel_loop3A_319 = tpu.vector_load %arg12[%parallel_loop3A_317, %parallel_loop3A_318] {strides = array<i32>} : memref<40x256xbf16, #tpu.memory_space<vmem>>, vector<32xbf16>,
        %parallel_loop3A_320 = tpu.unpack_subelements %parallel_loop3A_319, 0 {pack_format = #tpu.pack_format<interleaved>} : vector<32xbf16> -> vector<16xf32>
        %parallel_loop3A_321 = tpu.unpack_subelements %parallel_loop3A_319, 1 {pack_format = #tpu.pack_format<interleaved>} : vector<32xbf16> -> vector<16xf32>
        %parallel_loop3A_322 = arith.index_cast %parallel_loop3A_170 : i32 to index
        %parallel_loop3A_323 = arith.constant 64 : index
        %parallel_loop3A_324 = tpu.vector_load %arg14[%parallel_loop3A_322, %parallel_loop3A_323] {strides = array<i32>} : memref<40x128xbf16, #tpu.memory_space<vmem>>, vector<32xbf16>,
        %parallel_loop3A_325 = tpu.unpack_subelements %parallel_loop3A_324, 0 {pack_format = #tpu.pack_format<interleaved>} : vector<32xbf16> -> vector<16xf32>
        %parallel_loop3A_326 = tpu.unpack_subelements %parallel_loop3A_324, 1 {pack_format = #tpu.pack_format<interleaved>} : vector<32xbf16> -> vector<16xf32>
        %parallel_loop3A_327 = arith.index_cast %parallel_loop3A_170 : i32 to index
        %parallel_loop3A_328 = arith.constant 192 : index
        %parallel_loop3A_329 = tpu.vector_load %arg12[%parallel_loop3A_327, %parallel_loop3A_328] {strides = array<i32>} : memref<40x256xbf16, #tpu.memory_space<vmem>>, vector<32xbf16>,
        %parallel_loop3A_330 = tpu.unpack_subelements %parallel_loop3A_329, 0 {pack_format = #tpu.pack_format<interleaved>} : vector<32xbf16> -> vector<16xf32>
        %parallel_loop3A_331 = tpu.unpack_subelements %parallel_loop3A_329, 1 {pack_format = #tpu.pack_format<interleaved>} : vector<32xbf16> -> vector<16xf32>
        %parallel_loop3A_332 = arith.mulf %parallel_loop3A_320, %parallel_loop3A_325 : vector<16xf32>
        %parallel_loop3A_333 = arith.index_cast %parallel_loop3A_170 : i32 to index
        %parallel_loop3A_334 = arith.constant 64 : index
        %parallel_loop3A_335 = tpu.vector_load %arg16[%parallel_loop3A_333, %parallel_loop3A_334] {strides = array<i32>} : memref<40x128xf32, #tpu.memory_space<vmem>>, vector<16xf32>,
        %parallel_loop3A_336 = arith.mulf %parallel_loop3A_332, %parallel_loop3A_335 : vector<16xf32>
        %parallel_loop3A_337 = arith.mulf %parallel_loop3A_321, %parallel_loop3A_326 : vector<16xf32>
        %parallel_loop3A_338 = arith.index_cast %parallel_loop3A_170 : i32 to index
        %parallel_loop3A_339 = arith.constant 80 : index
        %parallel_loop3A_340 = tpu.vector_load %arg16[%parallel_loop3A_338, %parallel_loop3A_339] {strides = array<i32>} : memref<40x128xf32, #tpu.memory_space<vmem>>, vector<16xf32>,
        %parallel_loop3A_341 = arith.mulf %parallel_loop3A_337, %parallel_loop3A_340 : vector<16xf32>
        %parallel_loop3A_342 = arith.index_cast %parallel_loop3A_170 : i32 to index
        %parallel_loop3A_343 = arith.constant 64 : index
        %parallel_loop3A_344 = tpu.vector_load %arg18[%parallel_loop3A_342, %parallel_loop3A_343] {strides = array<i32>} : memref<40x128xf32, #tpu.memory_space<vmem>>, vector<16xf32>,
        tpu.vector_store %arg18[%parallel_loop3A_342, %parallel_loop3A_343], %parallel_loop3A_336 {strides = array<i32>} : memref<40x128xf32, #tpu.memory_space<vmem>>, vector<16xf32>,
        %parallel_loop3A_345 = arith.index_cast %parallel_loop3A_170 : i32 to index
        %parallel_loop3A_346 = arith.constant 80 : index
        %parallel_loop3A_347 = tpu.vector_load %arg18[%parallel_loop3A_345, %parallel_loop3A_346] {strides = array<i32>} : memref<40x128xf32, #tpu.memory_space<vmem>>, vector<16xf32>,
        tpu.vector_store %arg18[%parallel_loop3A_345, %parallel_loop3A_346], %parallel_loop3A_341 {strides = array<i32>} : memref<40x128xf32, #tpu.memory_space<vmem>>, vector<16xf32>,
        %parallel_loop3A_348 = arith.constant true
        %parallel_loop3A_349 = vector.broadcast %parallel_loop3A_348 : i1 to vector<16xi1>
        %parallel_loop3A_350 = tpu.scan <sum>, %parallel_loop3A_336 masked %parallel_loop3A_349 : vector<16xf32>, vector<16xi1> -> vector<16xf32>
        %parallel_loop3A_351 = vector.extract %parallel_loop3A_350[15] : f32 from vector<16xf32>
        %parallel_loop3A_352 = arith.constant 2.500000e-01 : f32
        %parallel_loop3A_353 = arith.mulf %parallel_loop3A_351, %parallel_loop3A_352 : f32
        %parallel_loop3A_354 = arith.constant -5.000000e+00 : f32
        %parallel_loop3A_355 = arith.constant 5.000000e+00 : f32
        %parallel_loop3A_356 = arith.maximumf %parallel_loop3A_354, %parallel_loop3A_353 : f32
        %parallel_loop3A_357 = arith.minimumf %parallel_loop3A_355, %parallel_loop3A_356 : f32
        %parallel_loop3A_358 = arith.constant true
        %parallel_loop3A_359 = vector.broadcast %parallel_loop3A_358 : i1 to vector<16xi1>
        %parallel_loop3A_360 = tpu.scan <sum>, %parallel_loop3A_341 masked %parallel_loop3A_359 : vector<16xf32>, vector<16xi1> -> vector<16xf32>
        %parallel_loop3A_361 = vector.extract %parallel_loop3A_360[15] : f32 from vector<16xf32>
        %parallel_loop3A_362 = arith.constant 2.500000e-01 : f32
        %parallel_loop3A_363 = arith.mulf %parallel_loop3A_361, %parallel_loop3A_362 : f32
        %parallel_loop3A_364 = arith.constant -5.000000e+00 : f32
        %parallel_loop3A_365 = arith.constant 5.000000e+00 : f32
        %parallel_loop3A_366 = arith.maximumf %parallel_loop3A_364, %parallel_loop3A_363 : f32
        %parallel_loop3A_367 = arith.minimumf %parallel_loop3A_365, %parallel_loop3A_366 : f32
        %parallel_loop3A_368 = vector.broadcast %parallel_loop3A_357 : f32 to vector<16xf32>
        %parallel_loop3A_369 = math.exp %parallel_loop3A_368 : vector<16xf32>
        %parallel_loop3A_370 = vector.broadcast %parallel_loop3A_367 : f32 to vector<16xf32>
        %parallel_loop3A_371 = math.exp %parallel_loop3A_370 : vector<16xf32>
        %parallel_loop3A_372 = arith.addf %parallel_loop3A_330, %parallel_loop3A_336 : vector<16xf32>
        %parallel_loop3A_373 = arith.mulf %parallel_loop3A_369, %parallel_loop3A_372 : vector<16xf32>
        %parallel_loop3A_374 = arith.index_cast %parallel_loop3A_170 : i32 to index
        %parallel_loop3A_375 = arith.constant 64 : index
        %parallel_loop3A_376 = tpu.vector_load %arg19[%parallel_loop3A_374, %parallel_loop3A_375] {strides = array<i32>} : memref<40x144xf32, #tpu.memory_space<vmem>>, vector<16xf32>,
        tpu.vector_store %arg19[%parallel_loop3A_374, %parallel_loop3A_375], %parallel_loop3A_373 {strides = array<i32>} : memref<40x144xf32, #tpu.memory_space<vmem>>, vector<16xf32>,
        %parallel_loop3A_377 = arith.addf %parallel_loop3A_331, %parallel_loop3A_341 : vector<16xf32>
        %parallel_loop3A_378 = arith.mulf %parallel_loop3A_371, %parallel_loop3A_377 : vector<16xf32>
        %parallel_loop3A_379 = arith.index_cast %parallel_loop3A_170 : i32 to index
        %parallel_loop3A_380 = arith.constant 80 : index
        %parallel_loop3A_381 = tpu.vector_load %arg19[%parallel_loop3A_379, %parallel_loop3A_380] {strides = array<i32>} : memref<40x144xf32, #tpu.memory_space<vmem>>, vector<16xf32>,
        tpu.vector_store %arg19[%parallel_loop3A_379, %parallel_loop3A_380], %parallel_loop3A_378 {strides = array<i32>} : memref<40x144xf32, #tpu.memory_space<vmem>>, vector<16xf32>,
        %parallel_loop3A_382 = arith.constant 4 : i32
        %parallel_loop3A_383 = vector.broadcast %parallel_loop3A_382 : i32 to vector<16xi32>
        %parallel_loop3A_384 = arith.cmpi eq, %iota3A, %parallel_loop3A_383 : vector<16xi32>
        %parallel_loop3A_385 = arith.select %parallel_loop3A_384, %parallel_loop3A_369, %parallel_loop3A_316 : vector<16xi1>, vector<16xf32>
        %parallel_loop3A_386 = arith.constant 5 : i32
        %parallel_loop3A_387 = vector.broadcast %parallel_loop3A_386 : i32 to vector<16xi32>
        %parallel_loop3A_388 = arith.cmpi eq, %iota3A, %parallel_loop3A_387 : vector<16xi32>
        %parallel_loop3A_389 = arith.select %parallel_loop3A_388, %parallel_loop3A_371, %parallel_loop3A_385 : vector<16xi1>, vector<16xf32>
        %parallel_loop3A_390 = arith.index_cast %parallel_loop3A_170 : i32 to index
        %parallel_loop3A_391 = arith.constant 96 : index
        %parallel_loop3A_392 = tpu.vector_load %arg12[%parallel_loop3A_390, %parallel_loop3A_391] {strides = array<i32>} : memref<40x256xbf16, #tpu.memory_space<vmem>>, vector<32xbf16>,
        %parallel_loop3A_393 = tpu.unpack_subelements %parallel_loop3A_392, 0 {pack_format = #tpu.pack_format<interleaved>} : vector<32xbf16> -> vector<16xf32>
        %parallel_loop3A_394 = tpu.unpack_subelements %parallel_loop3A_392, 1 {pack_format = #tpu.pack_format<interleaved>} : vector<32xbf16> -> vector<16xf32>
        %parallel_loop3A_395 = arith.index_cast %parallel_loop3A_170 : i32 to index
        %parallel_loop3A_396 = arith.constant 96 : index
        %parallel_loop3A_397 = tpu.vector_load %arg14[%parallel_loop3A_395, %parallel_loop3A_396] {strides = array<i32>} : memref<40x128xbf16, #tpu.memory_space<vmem>>, vector<32xbf16>,
        %parallel_loop3A_398 = tpu.unpack_subelements %parallel_loop3A_397, 0 {pack_format = #tpu.pack_format<interleaved>} : vector<32xbf16> -> vector<16xf32>
        %parallel_loop3A_399 = tpu.unpack_subelements %parallel_loop3A_397, 1 {pack_format = #tpu.pack_format<interleaved>} : vector<32xbf16> -> vector<16xf32>
        %parallel_loop3A_400 = arith.index_cast %parallel_loop3A_170 : i32 to index
        %parallel_loop3A_401 = arith.constant 224 : index
        %parallel_loop3A_402 = tpu.vector_load %arg12[%parallel_loop3A_400, %parallel_loop3A_401] {strides = array<i32>} : memref<40x256xbf16, #tpu.memory_space<vmem>>, vector<32xbf16>,
        %parallel_loop3A_403 = tpu.unpack_subelements %parallel_loop3A_402, 0 {pack_format = #tpu.pack_format<interleaved>} : vector<32xbf16> -> vector<16xf32>
        %parallel_loop3A_404 = tpu.unpack_subelements %parallel_loop3A_402, 1 {pack_format = #tpu.pack_format<interleaved>} : vector<32xbf16> -> vector<16xf32>
        %parallel_loop3A_405 = arith.mulf %parallel_loop3A_393, %parallel_loop3A_398 : vector<16xf32>
        %parallel_loop3A_406 = arith.index_cast %parallel_loop3A_170 : i32 to index
        %parallel_loop3A_407 = arith.constant 96 : index
        %parallel_loop3A_408 = tpu.vector_load %arg16[%parallel_loop3A_406, %parallel_loop3A_407] {strides = array<i32>} : memref<40x128xf32, #tpu.memory_space<vmem>>, vector<16xf32>,
        %parallel_loop3A_409 = arith.mulf %parallel_loop3A_405, %parallel_loop3A_408 : vector<16xf32>
        %parallel_loop3A_410 = arith.mulf %parallel_loop3A_394, %parallel_loop3A_399 : vector<16xf32>
        %parallel_loop3A_411 = arith.index_cast %parallel_loop3A_170 : i32 to index
        %parallel_loop3A_412 = arith.constant 112 : index
        %parallel_loop3A_413 = tpu.vector_load %arg16[%parallel_loop3A_411, %parallel_loop3A_412] {strides = array<i32>} : memref<40x128xf32, #tpu.memory_space<vmem>>, vector<16xf32>,
        %parallel_loop3A_414 = arith.mulf %parallel_loop3A_410, %parallel_loop3A_413 : vector<16xf32>
        %parallel_loop3A_415 = arith.index_cast %parallel_loop3A_170 : i32 to index
        %parallel_loop3A_416 = arith.constant 96 : index
        %parallel_loop3A_417 = tpu.vector_load %arg18[%parallel_loop3A_415, %parallel_loop3A_416] {strides = array<i32>} : memref<40x128xf32, #tpu.memory_space<vmem>>, vector<16xf32>,
        tpu.vector_store %arg18[%parallel_loop3A_415, %parallel_loop3A_416], %parallel_loop3A_409 {strides = array<i32>} : memref<40x128xf32, #tpu.memory_space<vmem>>, vector<16xf32>,
        %parallel_loop3A_418 = arith.index_cast %parallel_loop3A_170 : i32 to index
        %parallel_loop3A_419 = arith.constant 112 : index
        %parallel_loop3A_420 = tpu.vector_load %arg18[%parallel_loop3A_418, %parallel_loop3A_419] {strides = array<i32>} : memref<40x128xf32, #tpu.memory_space<vmem>>, vector<16xf32>,
        tpu.vector_store %arg18[%parallel_loop3A_418, %parallel_loop3A_419], %parallel_loop3A_414 {strides = array<i32>} : memref<40x128xf32, #tpu.memory_space<vmem>>, vector<16xf32>,
        %parallel_loop3A_421 = arith.constant true
        %parallel_loop3A_422 = vector.broadcast %parallel_loop3A_421 : i1 to vector<16xi1>
        %parallel_loop3A_423 = tpu.scan <sum>, %parallel_loop3A_409 masked %parallel_loop3A_422 : vector<16xf32>, vector<16xi1> -> vector<16xf32>
        %parallel_loop3A_424 = vector.extract %parallel_loop3A_423[15] : f32 from vector<16xf32>
        %parallel_loop3A_425 = arith.constant 2.500000e-01 : f32
        %parallel_loop3A_426 = arith.mulf %parallel_loop3A_424, %parallel_loop3A_425 : f32
        %parallel_loop3A_427 = arith.constant -5.000000e+00 : f32
        %parallel_loop3A_428 = arith.constant 5.000000e+00 : f32
        %parallel_loop3A_429 = arith.maximumf %parallel_loop3A_427, %parallel_loop3A_426 : f32
        %parallel_loop3A_430 = arith.minimumf %parallel_loop3A_428, %parallel_loop3A_429 : f32
        %parallel_loop3A_431 = arith.constant true
        %parallel_loop3A_432 = vector.broadcast %parallel_loop3A_431 : i1 to vector<16xi1>
        %parallel_loop3A_433 = tpu.scan <sum>, %parallel_loop3A_414 masked %parallel_loop3A_432 : vector<16xf32>, vector<16xi1> -> vector<16xf32>
        %parallel_loop3A_434 = vector.extract %parallel_loop3A_433[15] : f32 from vector<16xf32>
        %parallel_loop3A_435 = arith.constant 2.500000e-01 : f32
        %parallel_loop3A_436 = arith.mulf %parallel_loop3A_434, %parallel_loop3A_435 : f32
        %parallel_loop3A_437 = arith.constant -5.000000e+00 : f32
        %parallel_loop3A_438 = arith.constant 5.000000e+00 : f32
        %parallel_loop3A_439 = arith.maximumf %parallel_loop3A_437, %parallel_loop3A_436 : f32
        %parallel_loop3A_440 = arith.minimumf %parallel_loop3A_438, %parallel_loop3A_439 : f32
        %parallel_loop3A_441 = vector.broadcast %parallel_loop3A_430 : f32 to vector<16xf32>
        %parallel_loop3A_442 = math.exp %parallel_loop3A_441 : vector<16xf32>
        %parallel_loop3A_443 = vector.broadcast %parallel_loop3A_440 : f32 to vector<16xf32>
        %parallel_loop3A_444 = math.exp %parallel_loop3A_443 : vector<16xf32>
        %parallel_loop3A_445 = arith.addf %parallel_loop3A_403, %parallel_loop3A_409 : vector<16xf32>
        %parallel_loop3A_446 = arith.mulf %parallel_loop3A_442, %parallel_loop3A_445 : vector<16xf32>
        %parallel_loop3A_447 = arith.index_cast %parallel_loop3A_170 : i32 to index
        %parallel_loop3A_448 = arith.constant 96 : index
        %parallel_loop3A_449 = tpu.vector_load %arg19[%parallel_loop3A_447, %parallel_loop3A_448] {strides = array<i32>} : memref<40x144xf32, #tpu.memory_space<vmem>>, vector<16xf32>,
        tpu.vector_store %arg19[%parallel_loop3A_447, %parallel_loop3A_448], %parallel_loop3A_446 {strides = array<i32>} : memref<40x144xf32, #tpu.memory_space<vmem>>, vector<16xf32>,
        %parallel_loop3A_450 = arith.addf %parallel_loop3A_404, %parallel_loop3A_414 : vector<16xf32>
        %parallel_loop3A_451 = arith.mulf %parallel_loop3A_444, %parallel_loop3A_450 : vector<16xf32>
        %parallel_loop3A_452 = arith.index_cast %parallel_loop3A_170 : i32 to index
        %parallel_loop3A_453 = arith.constant 112 : index
        %parallel_loop3A_454 = tpu.vector_load %arg19[%parallel_loop3A_452, %parallel_loop3A_453] {strides = array<i32>} : memref<40x144xf32, #tpu.memory_space<vmem>>, vector<16xf32>,
        tpu.vector_store %arg19[%parallel_loop3A_452, %parallel_loop3A_453], %parallel_loop3A_451 {strides = array<i32>} : memref<40x144xf32, #tpu.memory_space<vmem>>, vector<16xf32>,
        %parallel_loop3A_455 = arith.constant 6 : i32
        %parallel_loop3A_456 = vector.broadcast %parallel_loop3A_455 : i32 to vector<16xi32>
        %parallel_loop3A_457 = arith.cmpi eq, %iota3A, %parallel_loop3A_456 : vector<16xi32>
        %parallel_loop3A_458 = arith.select %parallel_loop3A_457, %parallel_loop3A_442, %parallel_loop3A_389 : vector<16xi1>, vector<16xf32>
        %parallel_loop3A_459 = arith.constant 7 : i32
        %parallel_loop3A_460 = vector.broadcast %parallel_loop3A_459 : i32 to vector<16xi32>
        %parallel_loop3A_461 = arith.cmpi eq, %iota3A, %parallel_loop3A_460 : vector<16xi32>
        %parallel_loop3A_462 = arith.select %parallel_loop3A_461, %parallel_loop3A_444, %parallel_loop3A_458 : vector<16xi1>, vector<16xf32>
        %parallel_loop3A_463 = arith.index_cast %parallel_loop3A_170 : i32 to index
        %parallel_loop3A_464 = arith.constant 128 : index
        %parallel_loop3A_465 = tpu.vector_load %arg19[%parallel_loop3A_463, %parallel_loop3A_464] {strides = array<i32>} : memref<40x144xf32, #tpu.memory_space<vmem>>, vector<16xf32>,
        tpu.vector_store %arg19[%parallel_loop3A_463, %parallel_loop3A_464], %parallel_loop3A_462 {strides = array<i32>} : memref<40x144xf32, #tpu.memory_space<vmem>>, vector<16xf32>,
      } {sc.loop_unroll_factor = 4 : i64, sc.parallel_access}
      %mul3A_116 = arith.constant 40 : i32
      %mul3A_117 = arith.muli %add3A_98, %mul3A_116 : i32
      %add3A_118 = arith.addi %mul3A_2, %mul3A_117 : i32
      %dma_start3A_119 = arith.constant 0 : i32
      %dma_start3A_120 = tpu.memref_slice %arg6[%add3A_118, %dma_start3A_119] : memref<320000x128xf32, #tpu.memory_space<hbm>> -> memref<40x128xf32, #tpu.memory_space<hbm>>
      %dma_start3A_121 = arith.constant 0 : i32
      %dma_start3A_122 = tpu.memref_slice %arg6[%add3A_118, %dma_start3A_121] : memref<320000x128xf32, #tpu.memory_space<hbm>> -> memref<40x128xf32, #tpu.memory_space<hbm>>
      tpu.enqueue_dma source(%arg18 : memref<40x128xf32, #tpu.memory_space<vmem>>) target(%dma_start3A_122 : memref<40x128xf32, #tpu.memory_space<hbm>>) target_semaphore(%arg24 : memref<!tpu.dma_semaphore, #tpu.memory_space<semaphore_mem>>)
      "tpu.region"() ({
        %run_scoped3A = tpu.sem_alloc : memref<!tpu.dma_semaphore, #tpu.memory_space<semaphore_mem>>
        %dma_start3A_170 = arith.constant 0 : i32
        %dma_start3A_171 = arith.constant 0 : i32
        %dma_start3A_172 = tpu.memref_slice %arg20[%dma_start3A_170, %dma_start3A_171] : memref<10240x144xf32, #tpu.memory_space<vmem_shared>> -> memref<10240x144xf32, #tpu.memory_space<vmem_shared>>
        tpu.enqueue_indirect_dma source(%arg19 : memref<40x144xf32, #tpu.memory_space<vmem>>) target(%dma_start3A_172 : memref<10240x144xf32, #tpu.memory_space<vmem_shared>>) offsets(%arg10 : memref<40xi32, #tpu.memory_space<vmem>>) semaphore(%run_scoped3A : memref<!tpu.dma_semaphore, #tpu.memory_space<semaphore_mem>>) {add = true}
        %dma_wait3A_173 = arith.constant 0 : i32
        %dma_wait3A_174 = arith.constant 0 : i32
        %dma_wait3A_175 = tpu.memref_slice %arg20[%dma_wait3A_173, %dma_wait3A_174] : memref<10240x144xf32, #tpu.memory_space<vmem_shared>> -> memref<10240x144xf32, #tpu.memory_space<vmem_shared>>
        tpu.wait_indirect_dma semaphore(%run_scoped3A : memref<!tpu.dma_semaphore, #tpu.memory_space<semaphore_mem>>) src(%arg19 : memref<40x144xf32, #tpu.memory_space<vmem>>) dst(%dma_wait3A_175 : memref<10240x144xf32, #tpu.memory_space<vmem_shared>>)
        tpu.yield
      }) : () -> ()
      %add3A_123 = arith.constant 2 : i32
      %add3A_124 = arith.addi %add3A_98, %add3A_123 : i32
      %lt3A_125 = arith.constant 250 : i32
      %lt3A_126 = arith.cmpi slt, %add3A_124, %lt3A_125 : i32
      %convert_element_type3A_127 = arith.extui %lt3A_126 : i1 to i32
      %cond3A_128 = arith.constant 0 : i32
      %cond3A_129 = arith.cmpi ne, %convert_element_type3A_127, %cond3A_128 : i32
      scf.if %cond3A_129 {
        %add3A_170 = arith.constant 2 : i32
        %add3A_171 = arith.addi %add3A_98, %add3A_170 : i32
        %mul3A_172 = arith.constant 40 : i32
        %mul3A_173 = arith.muli %add3A_171, %mul3A_172 : i32
        %add3A_174 = arith.addi %mul3A_2, %mul3A_173 : i32
        %dma_start3A_175 = arith.constant 0 : i32
        %dma_start3A_176 = tpu.memref_slice %arg5[%dma_start3A_175, %add3A_174] : memref<2x320000xi32, #tpu.memory_space<hbm>> -> memref<1x40xi32, #tpu.memory_space<hbm>>
        %dma_start3A_177 = tpu.memref_squeeze %dma_start3A_176 : memref<1x40xi32, #tpu.memory_space<hbm>> -> memref<40xi32, #tpu.memory_space<hbm>>
        %dma_start3A_178 = tpu.memref_slice %arg5[%dma_start3A_175, %add3A_174] : memref<2x320000xi32, #tpu.memory_space<hbm>> -> memref<1x40xi32, #tpu.memory_space<hbm>>
        %dma_start3A_179 = tpu.memref_squeeze %dma_start3A_178 : memref<1x40xi32, #tpu.memory_space<hbm>> -> memref<40xi32, #tpu.memory_space<hbm>>
        tpu.enqueue_dma source(%dma_start3A_179 : memref<40xi32, #tpu.memory_space<hbm>>) target(%arg8 : memref<40xi32, #tpu.memory_space<vmem>>) target_semaphore(%arg21 : memref<!tpu.dma_semaphore, #tpu.memory_space<semaphore_mem>>)
        %dma_start3A_180 = arith.constant 1 : i32
        %dma_start3A_181 = tpu.memref_slice %arg5[%dma_start3A_180, %add3A_174] : memref<2x320000xi32, #tpu.memory_space<hbm>> -> memref<1x40xi32, #tpu.memory_space<hbm>>
        %dma_start3A_182 = tpu.memref_squeeze %dma_start3A_181 : memref<1x40xi32, #tpu.memory_space<hbm>> -> memref<40xi32, #tpu.memory_space<hbm>>
        %dma_start3A_183 = tpu.memref_slice %arg5[%dma_start3A_180, %add3A_174] : memref<2x320000xi32, #tpu.memory_space<hbm>> -> memref<1x40xi32, #tpu.memory_space<hbm>>
        %dma_start3A_184 = tpu.memref_squeeze %dma_start3A_183 : memref<1x40xi32, #tpu.memory_space<hbm>> -> memref<40xi32, #tpu.memory_space<hbm>>
        tpu.enqueue_dma source(%dma_start3A_184 : memref<40xi32, #tpu.memory_space<hbm>>) target(%arg10 : memref<40xi32, #tpu.memory_space<vmem>>) target_semaphore(%arg21 : memref<!tpu.dma_semaphore, #tpu.memory_space<semaphore_mem>>)
        %dma_start3A_185 = arith.constant 0 : i32
        %dma_start3A_186 = tpu.memref_slice %arg4[%add3A_174, %dma_start3A_185] : memref<320000x128xf32, #tpu.memory_space<hbm>> -> memref<40x128xf32, #tpu.memory_space<hbm>>
        %dma_start3A_187 = arith.constant 0 : i32
        %dma_start3A_188 = tpu.memref_slice %arg4[%add3A_174, %dma_start3A_187] : memref<320000x128xf32, #tpu.memory_space<hbm>> -> memref<40x128xf32, #tpu.memory_space<hbm>>
        tpu.enqueue_dma source(%dma_start3A_188 : memref<40x128xf32, #tpu.memory_space<hbm>>) target(%arg16 : memref<40x128xf32, #tpu.memory_space<vmem>>) target_semaphore(%arg21 : memref<!tpu.dma_semaphore, #tpu.memory_space<semaphore_mem>>)
      } else {
      }
      %mul3A_130 = arith.constant 2 : i32
      %mul3A_131 = arith.muli %mul3A_130, %scan3A_93 : i32
      %add3A_132 = arith.constant 1 : i32
      %add3A_133 = arith.addi %mul3A_131, %add3A_132 : i32
      %add3A_134 = arith.constant 1 : i32
      %add3A_135 = arith.addi %add3A_133, %add3A_134 : i32
      %lt3A_136 = arith.constant 250 : i32
      %lt3A_137 = arith.cmpi slt, %add3A_135, %lt3A_136 : i32
      %convert_element_type3A_138 = arith.extui %lt3A_137 : i1 to i32
      %cond3A_139 = arith.constant 0 : i32
      %cond3A_140 = arith.cmpi ne, %convert_element_type3A_138, %cond3A_139 : i32
      scf.if %cond3A_140 {
        %dma_wait3A_170 = arith.constant 0 : i32
        %dma_wait3A_171 = arith.constant 0 : i32
        %dma_wait3A_172 = tpu.memref_slice %arg5[%dma_wait3A_170, %dma_wait3A_171] : memref<2x320000xi32, #tpu.memory_space<hbm>> -> memref<1x40xi32, #tpu.memory_space<hbm>>
        %dma_wait3A_173 = tpu.memref_squeeze %dma_wait3A_172 : memref<1x40xi32, #tpu.memory_space<hbm>> -> memref<40xi32, #tpu.memory_space<hbm>>
        %dma_wait3A_174 = arith.constant 0 : i32
        %dma_wait3A_175 = tpu.memref_slice %arg5[%dma_wait3A_170, %dma_wait3A_174] : memref<2x320000xi32, #tpu.memory_space<hbm>> -> memref<1x40xi32, #tpu.memory_space<hbm>>
        %dma_wait3A_176 = tpu.memref_squeeze %dma_wait3A_175 : memref<1x40xi32, #tpu.memory_space<hbm>> -> memref<40xi32, #tpu.memory_space<hbm>>
        tpu.wait_dma2 semaphore(%arg21 : memref<!tpu.dma_semaphore, #tpu.memory_space<semaphore_mem>>) src(%dma_wait3A_176 : memref<40xi32, #tpu.memory_space<hbm>>) dst(%arg8 : memref<40xi32, #tpu.memory_space<vmem>>)
        %dma_wait3A_177 = arith.constant 1 : i32
        %dma_wait3A_178 = arith.constant 0 : i32
        %dma_wait3A_179 = tpu.memref_slice %arg5[%dma_wait3A_177, %dma_wait3A_178] : memref<2x320000xi32, #tpu.memory_space<hbm>> -> memref<1x40xi32, #tpu.memory_space<hbm>>
        %dma_wait3A_180 = tpu.memref_squeeze %dma_wait3A_179 : memref<1x40xi32, #tpu.memory_space<hbm>> -> memref<40xi32, #tpu.memory_space<hbm>>
        %dma_wait3A_181 = arith.constant 0 : i32
        %dma_wait3A_182 = tpu.memref_slice %arg5[%dma_wait3A_177, %dma_wait3A_181] : memref<2x320000xi32, #tpu.memory_space<hbm>> -> memref<1x40xi32, #tpu.memory_space<hbm>>
        %dma_wait3A_183 = tpu.memref_squeeze %dma_wait3A_182 : memref<1x40xi32, #tpu.memory_space<hbm>> -> memref<40xi32, #tpu.memory_space<hbm>>
        tpu.wait_dma2 semaphore(%arg21 : memref<!tpu.dma_semaphore, #tpu.memory_space<semaphore_mem>>) src(%dma_wait3A_183 : memref<40xi32, #tpu.memory_space<hbm>>) dst(%arg10 : memref<40xi32, #tpu.memory_space<vmem>>)
        %dma_wait3A_184 = arith.constant 0 : i32
        %dma_wait3A_185 = arith.constant 0 : i32
        %dma_wait3A_186 = tpu.memref_slice %arg4[%dma_wait3A_184, %dma_wait3A_185] : memref<320000x128xf32, #tpu.memory_space<hbm>> -> memref<40x128xf32, #tpu.memory_space<hbm>>
        %dma_wait3A_187 = arith.constant 0 : i32
        %dma_wait3A_188 = arith.constant 0 : i32
        %dma_wait3A_189 = tpu.memref_slice %arg4[%dma_wait3A_187, %dma_wait3A_188] : memref<320000x128xf32, #tpu.memory_space<hbm>> -> memref<40x128xf32, #tpu.memory_space<hbm>>
        tpu.wait_dma2 semaphore(%arg21 : memref<!tpu.dma_semaphore, #tpu.memory_space<semaphore_mem>>) src(%dma_wait3A_189 : memref<40x128xf32, #tpu.memory_space<hbm>>) dst(%arg16 : memref<40x128xf32, #tpu.memory_space<vmem>>)
        %dma_start3A_190 = arith.constant 0 : i32
        %dma_start3A_191 = arith.constant 0 : i32
        %dma_start3A_192 = tpu.memref_slice %arg2[%dma_start3A_190, %dma_start3A_191] : memref<10000x256xbf16, #tpu.memory_space<hbm>> -> memref<10000x256xbf16, #tpu.memory_space<hbm>>
        tpu.enqueue_indirect_dma source(%dma_start3A_192 : memref<10000x256xbf16, #tpu.memory_space<hbm>>) target(%arg12 : memref<40x256xbf16, #tpu.memory_space<vmem>>) offsets(%arg8 : memref<40xi32, #tpu.memory_space<vmem>>) semaphore(%arg23 : memref<!tpu.dma_semaphore, #tpu.memory_space<semaphore_mem>>)
        %dma_start3A_193 = arith.constant 0 : i32
        %dma_start3A_194 = arith.constant 0 : i32
        %dma_start3A_195 = tpu.memref_slice %arg3[%dma_start3A_193, %dma_start3A_194] : memref<10000x128xbf16, #tpu.memory_space<hbm>> -> memref<10000x128xbf16, #tpu.memory_space<hbm>>
        tpu.enqueue_indirect_dma source(%dma_start3A_195 : memref<10000x128xbf16, #tpu.memory_space<hbm>>) target(%arg14 : memref<40x128xbf16, #tpu.memory_space<vmem>>) offsets(%arg10 : memref<40xi32, #tpu.memory_space<vmem>>) semaphore(%arg23 : memref<!tpu.dma_semaphore, #tpu.memory_space<semaphore_mem>>)
      } else {
      }
      %dma_wait3A_141 = arith.constant 0 : i32
      %dma_wait3A_142 = arith.constant 0 : i32
      %dma_wait3A_143 = tpu.memref_slice %arg2[%dma_wait3A_141, %dma_wait3A_142] : memref<10000x256xbf16, #tpu.memory_space<hbm>> -> memref<10000x256xbf16, #tpu.memory_space<hbm>>
      tpu.wait_indirect_dma semaphore(%arg23 : memref<!tpu.dma_semaphore, #tpu.memory_space<semaphore_mem>>) src(%dma_wait3A_143 : memref<10000x256xbf16, #tpu.memory_space<hbm>>) dst(%arg13 : memref<40x256xbf16, #tpu.memory_space<vmem>>)
      %dma_wait3A_144 = arith.constant 0 : i32
      %dma_wait3A_145 = arith.constant 0 : i32
      %dma_wait3A_146 = tpu.memref_slice %arg3[%dma_wait3A_144, %dma_wait3A_145] : memref<10000x128xbf16, #tpu.memory_space<hbm>> -> memref<10000x128xbf16, #tpu.memory_space<hbm>>
      tpu.wait_indirect_dma semaphore(%arg23 : memref<!tpu.dma_semaphore, #tpu.memory_space<semaphore_mem>>) src(%dma_wait3A_146 : memref<10000x128xbf16, #tpu.memory_space<hbm>>) dst(%arg15 : memref<40x128xbf16, #tpu.memory_space<vmem>>)
      %gt3A_147 = arith.constant 0 : i32
      %gt3A_148 = arith.cmpi sgt, %add3A_133, %gt3A_147 : i32
      %convert_element_type3A_149 = arith.extui %gt3A_148 : i1 to i32
      %cond3A_150 = arith.constant 0 : i32
      %cond3A_151 = arith.cmpi ne, %convert_element_type3A_149, %cond3A_150 : i32
      scf.if %cond3A_151 {
        %dma_wait3A_170 = arith.constant 0 : i32
        %dma_wait3A_171 = arith.constant 0 : i32
        %dma_wait3A_172 = tpu.memref_slice %arg6[%dma_wait3A_170, %dma_wait3A_171] : memref<320000x128xf32, #tpu.memory_space<hbm>> -> memref<40x128xf32, #tpu.memory_space<hbm>>
        %dma_wait3A_173 = arith.constant 0 : i32
        %dma_wait3A_174 = arith.constant 0 : i32
        %dma_wait3A_175 = tpu.memref_slice %arg6[%dma_wait3A_173, %dma_wait3A_174] : memref<320000x128xf32, #tpu.memory_space<hbm>> -> memref<40x128xf32, #tpu.memory_space<hbm>>
        tpu.wait_dma2 semaphore(%arg24 : memref<!tpu.dma_semaphore, #tpu.memory_space<semaphore_mem>>) src(%arg18 : memref<40x128xf32, #tpu.memory_space<vmem>>) dst(%dma_wait3A_175 : memref<40x128xf32, #tpu.memory_space<hbm>>)
      } else {
      }
      %parallel_loop3A_152 = arith.constant 0 : i32
      %parallel_loop3A_153 = arith.constant 40 : i32
      %parallel_loop3A_154 = arith.constant 1 : i32
      scf.for %parallel_loop3A_170 = %parallel_loop3A_152 to %parallel_loop3A_153 step %parallel_loop3A_154  : i32 {
        %parallel_loop3A_171 = arith.index_cast %parallel_loop3A_170 : i32 to index
        %parallel_loop3A_172 = arith.constant 0 : index
        %parallel_loop3A_173 = tpu.vector_load %arg13[%parallel_loop3A_171, %parallel_loop3A_172] {strides = array<i32>} : memref<40x256xbf16, #tpu.memory_space<vmem>>, vector<32xbf16>,
        %parallel_loop3A_174 = tpu.unpack_subelements %parallel_loop3A_173, 0 {pack_format = #tpu.pack_format<interleaved>} : vector<32xbf16> -> vector<16xf32>
        %parallel_loop3A_175 = tpu.unpack_subelements %parallel_loop3A_173, 1 {pack_format = #tpu.pack_format<interleaved>} : vector<32xbf16> -> vector<16xf32>
        %parallel_loop3A_176 = arith.index_cast %parallel_loop3A_170 : i32 to index
        %parallel_loop3A_177 = arith.constant 0 : index
        %parallel_loop3A_178 = tpu.vector_load %arg15[%parallel_loop3A_176, %parallel_loop3A_177] {strides = array<i32>} : memref<40x128xbf16, #tpu.memory_space<vmem>>, vector<32xbf16>,
        %parallel_loop3A_179 = tpu.unpack_subelements %parallel_loop3A_178, 0 {pack_format = #tpu.pack_format<interleaved>} : vector<32xbf16> -> vector<16xf32>
        %parallel_loop3A_180 = tpu.unpack_subelements %parallel_loop3A_178, 1 {pack_format = #tpu.pack_format<interleaved>} : vector<32xbf16> -> vector<16xf32>
        %parallel_loop3A_181 = arith.index_cast %parallel_loop3A_170 : i32 to index
        %parallel_loop3A_182 = arith.constant 128 : index
        %parallel_loop3A_183 = tpu.vector_load %arg13[%parallel_loop3A_181, %parallel_loop3A_182] {strides = array<i32>} : memref<40x256xbf16, #tpu.memory_space<vmem>>, vector<32xbf16>,
        %parallel_loop3A_184 = tpu.unpack_subelements %parallel_loop3A_183, 0 {pack_format = #tpu.pack_format<interleaved>} : vector<32xbf16> -> vector<16xf32>
        %parallel_loop3A_185 = tpu.unpack_subelements %parallel_loop3A_183, 1 {pack_format = #tpu.pack_format<interleaved>} : vector<32xbf16> -> vector<16xf32>
        %parallel_loop3A_186 = arith.mulf %parallel_loop3A_174, %parallel_loop3A_179 : vector<16xf32>
        %parallel_loop3A_187 = arith.index_cast %parallel_loop3A_170 : i32 to index
        %parallel_loop3A_188 = arith.constant 0 : index
        %parallel_loop3A_189 = tpu.vector_load %arg17[%parallel_loop3A_187, %parallel_loop3A_188] {strides = array<i32>} : memref<40x128xf32, #tpu.memory_space<vmem>>, vector<16xf32>,
        %parallel_loop3A_190 = arith.mulf %parallel_loop3A_186, %parallel_loop3A_189 : vector<16xf32>
        %parallel_loop3A_191 = arith.mulf %parallel_loop3A_175, %parallel_loop3A_180 : vector<16xf32>
        %parallel_loop3A_192 = arith.index_cast %parallel_loop3A_170 : i32 to index
        %parallel_loop3A_193 = arith.constant 16 : index
        %parallel_loop3A_194 = tpu.vector_load %arg17[%parallel_loop3A_192, %parallel_loop3A_193] {strides = array<i32>} : memref<40x128xf32, #tpu.memory_space<vmem>>, vector<16xf32>,
        %parallel_loop3A_195 = arith.mulf %parallel_loop3A_191, %parallel_loop3A_194 : vector<16xf32>
        %parallel_loop3A_196 = arith.index_cast %parallel_loop3A_170 : i32 to index
        %parallel_loop3A_197 = arith.constant 0 : index
        %parallel_loop3A_198 = tpu.vector_load %arg18[%parallel_loop3A_196, %parallel_loop3A_197] {strides = array<i32>} : memref<40x128xf32, #tpu.memory_space<vmem>>, vector<16xf32>,
        tpu.vector_store %arg18[%parallel_loop3A_196, %parallel_loop3A_197], %parallel_loop3A_190 {strides = array<i32>} : memref<40x128xf32, #tpu.memory_space<vmem>>, vector<16xf32>,
        %parallel_loop3A_199 = arith.index_cast %parallel_loop3A_170 : i32 to index
        %parallel_loop3A_200 = arith.constant 16 : index
        %parallel_loop3A_201 = tpu.vector_load %arg18[%parallel_loop3A_199, %parallel_loop3A_200] {strides = array<i32>} : memref<40x128xf32, #tpu.memory_space<vmem>>, vector<16xf32>,
        tpu.vector_store %arg18[%parallel_loop3A_199, %parallel_loop3A_200], %parallel_loop3A_195 {strides = array<i32>} : memref<40x128xf32, #tpu.memory_space<vmem>>, vector<16xf32>,
        %parallel_loop3A_202 = arith.constant true
        %parallel_loop3A_203 = vector.broadcast %parallel_loop3A_202 : i1 to vector<16xi1>
        %parallel_loop3A_204 = tpu.scan <sum>, %parallel_loop3A_190 masked %parallel_loop3A_203 : vector<16xf32>, vector<16xi1> -> vector<16xf32>
        %parallel_loop3A_205 = vector.extract %parallel_loop3A_204[15] : f32 from vector<16xf32>
        %parallel_loop3A_206 = arith.constant 2.500000e-01 : f32
        %parallel_loop3A_207 = arith.mulf %parallel_loop3A_205, %parallel_loop3A_206 : f32
        %parallel_loop3A_208 = arith.constant -5.000000e+00 : f32
        %parallel_loop3A_209 = arith.constant 5.000000e+00 : f32
        %parallel_loop3A_210 = arith.maximumf %parallel_loop3A_208, %parallel_loop3A_207 : f32
        %parallel_loop3A_211 = arith.minimumf %parallel_loop3A_209, %parallel_loop3A_210 : f32
        %parallel_loop3A_212 = arith.constant true
        %parallel_loop3A_213 = vector.broadcast %parallel_loop3A_212 : i1 to vector<16xi1>
        %parallel_loop3A_214 = tpu.scan <sum>, %parallel_loop3A_195 masked %parallel_loop3A_213 : vector<16xf32>, vector<16xi1> -> vector<16xf32>
        %parallel_loop3A_215 = vector.extract %parallel_loop3A_214[15] : f32 from vector<16xf32>
        %parallel_loop3A_216 = arith.constant 2.500000e-01 : f32
        %parallel_loop3A_217 = arith.mulf %parallel_loop3A_215, %parallel_loop3A_216 : f32
        %parallel_loop3A_218 = arith.constant -5.000000e+00 : f32
        %parallel_loop3A_219 = arith.constant 5.000000e+00 : f32
        %parallel_loop3A_220 = arith.maximumf %parallel_loop3A_218, %parallel_loop3A_217 : f32
        %parallel_loop3A_221 = arith.minimumf %parallel_loop3A_219, %parallel_loop3A_220 : f32
        %parallel_loop3A_222 = vector.broadcast %parallel_loop3A_211 : f32 to vector<16xf32>
        %parallel_loop3A_223 = math.exp %parallel_loop3A_222 : vector<16xf32>
        %parallel_loop3A_224 = vector.broadcast %parallel_loop3A_221 : f32 to vector<16xf32>
        %parallel_loop3A_225 = math.exp %parallel_loop3A_224 : vector<16xf32>
        %parallel_loop3A_226 = arith.addf %parallel_loop3A_184, %parallel_loop3A_190 : vector<16xf32>
        %parallel_loop3A_227 = arith.mulf %parallel_loop3A_223, %parallel_loop3A_226 : vector<16xf32>
        %parallel_loop3A_228 = arith.index_cast %parallel_loop3A_170 : i32 to index
        %parallel_loop3A_229 = arith.constant 0 : index
        %parallel_loop3A_230 = tpu.vector_load %arg19[%parallel_loop3A_228, %parallel_loop3A_229] {strides = array<i32>} : memref<40x144xf32, #tpu.memory_space<vmem>>, vector<16xf32>,
        tpu.vector_store %arg19[%parallel_loop3A_228, %parallel_loop3A_229], %parallel_loop3A_227 {strides = array<i32>} : memref<40x144xf32, #tpu.memory_space<vmem>>, vector<16xf32>,
        %parallel_loop3A_231 = arith.addf %parallel_loop3A_185, %parallel_loop3A_195 : vector<16xf32>
        %parallel_loop3A_232 = arith.mulf %parallel_loop3A_225, %parallel_loop3A_231 : vector<16xf32>
        %parallel_loop3A_233 = arith.index_cast %parallel_loop3A_170 : i32 to index
        %parallel_loop3A_234 = arith.constant 16 : index
        %parallel_loop3A_235 = tpu.vector_load %arg19[%parallel_loop3A_233, %parallel_loop3A_234] {strides = array<i32>} : memref<40x144xf32, #tpu.memory_space<vmem>>, vector<16xf32>,
        tpu.vector_store %arg19[%parallel_loop3A_233, %parallel_loop3A_234], %parallel_loop3A_232 {strides = array<i32>} : memref<40x144xf32, #tpu.memory_space<vmem>>, vector<16xf32>,
        %parallel_loop3A_236 = arith.constant 0 : i32
        %parallel_loop3A_237 = vector.broadcast %parallel_loop3A_236 : i32 to vector<16xi32>
        %parallel_loop3A_238 = arith.cmpi eq, %iota3A, %parallel_loop3A_237 : vector<16xi32>
        %parallel_loop3A_239 = arith.select %parallel_loop3A_238, %parallel_loop3A_223, %broadcast_in_dim3A_3 : vector<16xi1>, vector<16xf32>
        %parallel_loop3A_240 = arith.constant 1 : i32
        %parallel_loop3A_241 = vector.broadcast %parallel_loop3A_240 : i32 to vector<16xi32>
        %parallel_loop3A_242 = arith.cmpi eq, %iota3A, %parallel_loop3A_241 : vector<16xi32>
        %parallel_loop3A_243 = arith.select %parallel_loop3A_242, %parallel_loop3A_225, %parallel_loop3A_239 : vector<16xi1>, vector<16xf32>
        %parallel_loop3A_244 = arith.index_cast %parallel_loop3A_170 : i32 to index
        %parallel_loop3A_245 = arith.constant 32 : index
        %parallel_loop3A_246 = tpu.vector_load %arg13[%parallel_loop3A_244, %parallel_loop3A_245] {strides = array<i32>} : memref<40x256xbf16, #tpu.memory_space<vmem>>, vector<32xbf16>,
        %parallel_loop3A_247 = tpu.unpack_subelements %parallel_loop3A_246, 0 {pack_format = #tpu.pack_format<interleaved>} : vector<32xbf16> -> vector<16xf32>
        %parallel_loop3A_248 = tpu.unpack_subelements %parallel_loop3A_246, 1 {pack_format = #tpu.pack_format<interleaved>} : vector<32xbf16> -> vector<16xf32>
        %parallel_loop3A_249 = arith.index_cast %parallel_loop3A_170 : i32 to index
        %parallel_loop3A_250 = arith.constant 32 : index
        %parallel_loop3A_251 = tpu.vector_load %arg15[%parallel_loop3A_249, %parallel_loop3A_250] {strides = array<i32>} : memref<40x128xbf16, #tpu.memory_space<vmem>>, vector<32xbf16>,
        %parallel_loop3A_252 = tpu.unpack_subelements %parallel_loop3A_251, 0 {pack_format = #tpu.pack_format<interleaved>} : vector<32xbf16> -> vector<16xf32>
        %parallel_loop3A_253 = tpu.unpack_subelements %parallel_loop3A_251, 1 {pack_format = #tpu.pack_format<interleaved>} : vector<32xbf16> -> vector<16xf32>
        %parallel_loop3A_254 = arith.index_cast %parallel_loop3A_170 : i32 to index
        %parallel_loop3A_255 = arith.constant 160 : index
        %parallel_loop3A_256 = tpu.vector_load %arg13[%parallel_loop3A_254, %parallel_loop3A_255] {strides = array<i32>} : memref<40x256xbf16, #tpu.memory_space<vmem>>, vector<32xbf16>,
        %parallel_loop3A_257 = tpu.unpack_subelements %parallel_loop3A_256, 0 {pack_format = #tpu.pack_format<interleaved>} : vector<32xbf16> -> vector<16xf32>
        %parallel_loop3A_258 = tpu.unpack_subelements %parallel_loop3A_256, 1 {pack_format = #tpu.pack_format<interleaved>} : vector<32xbf16> -> vector<16xf32>
        %parallel_loop3A_259 = arith.mulf %parallel_loop3A_247, %parallel_loop3A_252 : vector<16xf32>
        %parallel_loop3A_260 = arith.index_cast %parallel_loop3A_170 : i32 to index
        %parallel_loop3A_261 = arith.constant 32 : index
        %parallel_loop3A_262 = tpu.vector_load %arg17[%parallel_loop3A_260, %parallel_loop3A_261] {strides = array<i32>} : memref<40x128xf32, #tpu.memory_space<vmem>>, vector<16xf32>,
        %parallel_loop3A_263 = arith.mulf %parallel_loop3A_259, %parallel_loop3A_262 : vector<16xf32>
        %parallel_loop3A_264 = arith.mulf %parallel_loop3A_248, %parallel_loop3A_253 : vector<16xf32>
        %parallel_loop3A_265 = arith.index_cast %parallel_loop3A_170 : i32 to index
        %parallel_loop3A_266 = arith.constant 48 : index
        %parallel_loop3A_267 = tpu.vector_load %arg17[%parallel_loop3A_265, %parallel_loop3A_266] {strides = array<i32>} : memref<40x128xf32, #tpu.memory_space<vmem>>, vector<16xf32>,
        %parallel_loop3A_268 = arith.mulf %parallel_loop3A_264, %parallel_loop3A_267 : vector<16xf32>
        %parallel_loop3A_269 = arith.index_cast %parallel_loop3A_170 : i32 to index
        %parallel_loop3A_270 = arith.constant 32 : index
        %parallel_loop3A_271 = tpu.vector_load %arg18[%parallel_loop3A_269, %parallel_loop3A_270] {strides = array<i32>} : memref<40x128xf32, #tpu.memory_space<vmem>>, vector<16xf32>,
        tpu.vector_store %arg18[%parallel_loop3A_269, %parallel_loop3A_270], %parallel_loop3A_263 {strides = array<i32>} : memref<40x128xf32, #tpu.memory_space<vmem>>, vector<16xf32>,
        %parallel_loop3A_272 = arith.index_cast %parallel_loop3A_170 : i32 to index
        %parallel_loop3A_273 = arith.constant 48 : index
        %parallel_loop3A_274 = tpu.vector_load %arg18[%parallel_loop3A_272, %parallel_loop3A_273] {strides = array<i32>} : memref<40x128xf32, #tpu.memory_space<vmem>>, vector<16xf32>,
        tpu.vector_store %arg18[%parallel_loop3A_272, %parallel_loop3A_273], %parallel_loop3A_268 {strides = array<i32>} : memref<40x128xf32, #tpu.memory_space<vmem>>, vector<16xf32>,
        %parallel_loop3A_275 = arith.constant true
        %parallel_loop3A_276 = vector.broadcast %parallel_loop3A_275 : i1 to vector<16xi1>
        %parallel_loop3A_277 = tpu.scan <sum>, %parallel_loop3A_263 masked %parallel_loop3A_276 : vector<16xf32>, vector<16xi1> -> vector<16xf32>
        %parallel_loop3A_278 = vector.extract %parallel_loop3A_277[15] : f32 from vector<16xf32>
        %parallel_loop3A_279 = arith.constant 2.500000e-01 : f32
        %parallel_loop3A_280 = arith.mulf %parallel_loop3A_278, %parallel_loop3A_279 : f32
        %parallel_loop3A_281 = arith.constant -5.000000e+00 : f32
        %parallel_loop3A_282 = arith.constant 5.000000e+00 : f32
        %parallel_loop3A_283 = arith.maximumf %parallel_loop3A_281, %parallel_loop3A_280 : f32
        %parallel_loop3A_284 = arith.minimumf %parallel_loop3A_282, %parallel_loop3A_283 : f32
        %parallel_loop3A_285 = arith.constant true
        %parallel_loop3A_286 = vector.broadcast %parallel_loop3A_285 : i1 to vector<16xi1>
        %parallel_loop3A_287 = tpu.scan <sum>, %parallel_loop3A_268 masked %parallel_loop3A_286 : vector<16xf32>, vector<16xi1> -> vector<16xf32>
        %parallel_loop3A_288 = vector.extract %parallel_loop3A_287[15] : f32 from vector<16xf32>
        %parallel_loop3A_289 = arith.constant 2.500000e-01 : f32
        %parallel_loop3A_290 = arith.mulf %parallel_loop3A_288, %parallel_loop3A_289 : f32
        %parallel_loop3A_291 = arith.constant -5.000000e+00 : f32
        %parallel_loop3A_292 = arith.constant 5.000000e+00 : f32
        %parallel_loop3A_293 = arith.maximumf %parallel_loop3A_291, %parallel_loop3A_290 : f32
        %parallel_loop3A_294 = arith.minimumf %parallel_loop3A_292, %parallel_loop3A_293 : f32
        %parallel_loop3A_295 = vector.broadcast %parallel_loop3A_284 : f32 to vector<16xf32>
        %parallel_loop3A_296 = math.exp %parallel_loop3A_295 : vector<16xf32>
        %parallel_loop3A_297 = vector.broadcast %parallel_loop3A_294 : f32 to vector<16xf32>
        %parallel_loop3A_298 = math.exp %parallel_loop3A_297 : vector<16xf32>
        %parallel_loop3A_299 = arith.addf %parallel_loop3A_257, %parallel_loop3A_263 : vector<16xf32>
        %parallel_loop3A_300 = arith.mulf %parallel_loop3A_296, %parallel_loop3A_299 : vector<16xf32>
        %parallel_loop3A_301 = arith.index_cast %parallel_loop3A_170 : i32 to index
        %parallel_loop3A_302 = arith.constant 32 : index
        %parallel_loop3A_303 = tpu.vector_load %arg19[%parallel_loop3A_301, %parallel_loop3A_302] {strides = array<i32>} : memref<40x144xf32, #tpu.memory_space<vmem>>, vector<16xf32>,
        tpu.vector_store %arg19[%parallel_loop3A_301, %parallel_loop3A_302], %parallel_loop3A_300 {strides = array<i32>} : memref<40x144xf32, #tpu.memory_space<vmem>>, vector<16xf32>,
        %parallel_loop3A_304 = arith.addf %parallel_loop3A_258, %parallel_loop3A_268 : vector<16xf32>
        %parallel_loop3A_305 = arith.mulf %parallel_loop3A_298, %parallel_loop3A_304 : vector<16xf32>
        %parallel_loop3A_306 = arith.index_cast %parallel_loop3A_170 : i32 to index
        %parallel_loop3A_307 = arith.constant 48 : index
        %parallel_loop3A_308 = tpu.vector_load %arg19[%parallel_loop3A_306, %parallel_loop3A_307] {strides = array<i32>} : memref<40x144xf32, #tpu.memory_space<vmem>>, vector<16xf32>,
        tpu.vector_store %arg19[%parallel_loop3A_306, %parallel_loop3A_307], %parallel_loop3A_305 {strides = array<i32>} : memref<40x144xf32, #tpu.memory_space<vmem>>, vector<16xf32>,
        %parallel_loop3A_309 = arith.constant 2 : i32
        %parallel_loop3A_310 = vector.broadcast %parallel_loop3A_309 : i32 to vector<16xi32>
        %parallel_loop3A_311 = arith.cmpi eq, %iota3A, %parallel_loop3A_310 : vector<16xi32>
        %parallel_loop3A_312 = arith.select %parallel_loop3A_311, %parallel_loop3A_296, %parallel_loop3A_243 : vector<16xi1>, vector<16xf32>
        %parallel_loop3A_313 = arith.constant 3 : i32
        %parallel_loop3A_314 = vector.broadcast %parallel_loop3A_313 : i32 to vector<16xi32>
        %parallel_loop3A_315 = arith.cmpi eq, %iota3A, %parallel_loop3A_314 : vector<16xi32>
        %parallel_loop3A_316 = arith.select %parallel_loop3A_315, %parallel_loop3A_298, %parallel_loop3A_312 : vector<16xi1>, vector<16xf32>
        %parallel_loop3A_317 = arith.index_cast %parallel_loop3A_170 : i32 to index
        %parallel_loop3A_318 = arith.constant 64 : index
        %parallel_loop3A_319 = tpu.vector_load %arg13[%parallel_loop3A_317, %parallel_loop3A_318] {strides = array<i32>} : memref<40x256xbf16, #tpu.memory_space<vmem>>, vector<32xbf16>,
        %parallel_loop3A_320 = tpu.unpack_subelements %parallel_loop3A_319, 0 {pack_format = #tpu.pack_format<interleaved>} : vector<32xbf16> -> vector<16xf32>
        %parallel_loop3A_321 = tpu.unpack_subelements %parallel_loop3A_319, 1 {pack_format = #tpu.pack_format<interleaved>} : vector<32xbf16> -> vector<16xf32>
        %parallel_loop3A_322 = arith.index_cast %parallel_loop3A_170 : i32 to index
        %parallel_loop3A_323 = arith.constant 64 : index
        %parallel_loop3A_324 = tpu.vector_load %arg15[%parallel_loop3A_322, %parallel_loop3A_323] {strides = array<i32>} : memref<40x128xbf16, #tpu.memory_space<vmem>>, vector<32xbf16>,
        %parallel_loop3A_325 = tpu.unpack_subelements %parallel_loop3A_324, 0 {pack_format = #tpu.pack_format<interleaved>} : vector<32xbf16> -> vector<16xf32>
        %parallel_loop3A_326 = tpu.unpack_subelements %parallel_loop3A_324, 1 {pack_format = #tpu.pack_format<interleaved>} : vector<32xbf16> -> vector<16xf32>
        %parallel_loop3A_327 = arith.index_cast %parallel_loop3A_170 : i32 to index
        %parallel_loop3A_328 = arith.constant 192 : index
        %parallel_loop3A_329 = tpu.vector_load %arg13[%parallel_loop3A_327, %parallel_loop3A_328] {strides = array<i32>} : memref<40x256xbf16, #tpu.memory_space<vmem>>, vector<32xbf16>,
        %parallel_loop3A_330 = tpu.unpack_subelements %parallel_loop3A_329, 0 {pack_format = #tpu.pack_format<interleaved>} : vector<32xbf16> -> vector<16xf32>
        %parallel_loop3A_331 = tpu.unpack_subelements %parallel_loop3A_329, 1 {pack_format = #tpu.pack_format<interleaved>} : vector<32xbf16> -> vector<16xf32>
        %parallel_loop3A_332 = arith.mulf %parallel_loop3A_320, %parallel_loop3A_325 : vector<16xf32>
        %parallel_loop3A_333 = arith.index_cast %parallel_loop3A_170 : i32 to index
        %parallel_loop3A_334 = arith.constant 64 : index
        %parallel_loop3A_335 = tpu.vector_load %arg17[%parallel_loop3A_333, %parallel_loop3A_334] {strides = array<i32>} : memref<40x128xf32, #tpu.memory_space<vmem>>, vector<16xf32>,
        %parallel_loop3A_336 = arith.mulf %parallel_loop3A_332, %parallel_loop3A_335 : vector<16xf32>
        %parallel_loop3A_337 = arith.mulf %parallel_loop3A_321, %parallel_loop3A_326 : vector<16xf32>
        %parallel_loop3A_338 = arith.index_cast %parallel_loop3A_170 : i32 to index
        %parallel_loop3A_339 = arith.constant 80 : index
        %parallel_loop3A_340 = tpu.vector_load %arg17[%parallel_loop3A_338, %parallel_loop3A_339] {strides = array<i32>} : memref<40x128xf32, #tpu.memory_space<vmem>>, vector<16xf32>,
        %parallel_loop3A_341 = arith.mulf %parallel_loop3A_337, %parallel_loop3A_340 : vector<16xf32>
        %parallel_loop3A_342 = arith.index_cast %parallel_loop3A_170 : i32 to index
        %parallel_loop3A_343 = arith.constant 64 : index
        %parallel_loop3A_344 = tpu.vector_load %arg18[%parallel_loop3A_342, %parallel_loop3A_343] {strides = array<i32>} : memref<40x128xf32, #tpu.memory_space<vmem>>, vector<16xf32>,
        tpu.vector_store %arg18[%parallel_loop3A_342, %parallel_loop3A_343], %parallel_loop3A_336 {strides = array<i32>} : memref<40x128xf32, #tpu.memory_space<vmem>>, vector<16xf32>,
        %parallel_loop3A_345 = arith.index_cast %parallel_loop3A_170 : i32 to index
        %parallel_loop3A_346 = arith.constant 80 : index
        %parallel_loop3A_347 = tpu.vector_load %arg18[%parallel_loop3A_345, %parallel_loop3A_346] {strides = array<i32>} : memref<40x128xf32, #tpu.memory_space<vmem>>, vector<16xf32>,
        tpu.vector_store %arg18[%parallel_loop3A_345, %parallel_loop3A_346], %parallel_loop3A_341 {strides = array<i32>} : memref<40x128xf32, #tpu.memory_space<vmem>>, vector<16xf32>,
        %parallel_loop3A_348 = arith.constant true
        %parallel_loop3A_349 = vector.broadcast %parallel_loop3A_348 : i1 to vector<16xi1>
        %parallel_loop3A_350 = tpu.scan <sum>, %parallel_loop3A_336 masked %parallel_loop3A_349 : vector<16xf32>, vector<16xi1> -> vector<16xf32>
        %parallel_loop3A_351 = vector.extract %parallel_loop3A_350[15] : f32 from vector<16xf32>
        %parallel_loop3A_352 = arith.constant 2.500000e-01 : f32
        %parallel_loop3A_353 = arith.mulf %parallel_loop3A_351, %parallel_loop3A_352 : f32
        %parallel_loop3A_354 = arith.constant -5.000000e+00 : f32
        %parallel_loop3A_355 = arith.constant 5.000000e+00 : f32
        %parallel_loop3A_356 = arith.maximumf %parallel_loop3A_354, %parallel_loop3A_353 : f32
        %parallel_loop3A_357 = arith.minimumf %parallel_loop3A_355, %parallel_loop3A_356 : f32
        %parallel_loop3A_358 = arith.constant true
        %parallel_loop3A_359 = vector.broadcast %parallel_loop3A_358 : i1 to vector<16xi1>
        %parallel_loop3A_360 = tpu.scan <sum>, %parallel_loop3A_341 masked %parallel_loop3A_359 : vector<16xf32>, vector<16xi1> -> vector<16xf32>
        %parallel_loop3A_361 = vector.extract %parallel_loop3A_360[15] : f32 from vector<16xf32>
        %parallel_loop3A_362 = arith.constant 2.500000e-01 : f32
        %parallel_loop3A_363 = arith.mulf %parallel_loop3A_361, %parallel_loop3A_362 : f32
        %parallel_loop3A_364 = arith.constant -5.000000e+00 : f32
        %parallel_loop3A_365 = arith.constant 5.000000e+00 : f32
        %parallel_loop3A_366 = arith.maximumf %parallel_loop3A_364, %parallel_loop3A_363 : f32
        %parallel_loop3A_367 = arith.minimumf %parallel_loop3A_365, %parallel_loop3A_366 : f32
        %parallel_loop3A_368 = vector.broadcast %parallel_loop3A_357 : f32 to vector<16xf32>
        %parallel_loop3A_369 = math.exp %parallel_loop3A_368 : vector<16xf32>
        %parallel_loop3A_370 = vector.broadcast %parallel_loop3A_367 : f32 to vector<16xf32>
        %parallel_loop3A_371 = math.exp %parallel_loop3A_370 : vector<16xf32>
        %parallel_loop3A_372 = arith.addf %parallel_loop3A_330, %parallel_loop3A_336 : vector<16xf32>
        %parallel_loop3A_373 = arith.mulf %parallel_loop3A_369, %parallel_loop3A_372 : vector<16xf32>
        %parallel_loop3A_374 = arith.index_cast %parallel_loop3A_170 : i32 to index
        %parallel_loop3A_375 = arith.constant 64 : index
        %parallel_loop3A_376 = tpu.vector_load %arg19[%parallel_loop3A_374, %parallel_loop3A_375] {strides = array<i32>} : memref<40x144xf32, #tpu.memory_space<vmem>>, vector<16xf32>,
        tpu.vector_store %arg19[%parallel_loop3A_374, %parallel_loop3A_375], %parallel_loop3A_373 {strides = array<i32>} : memref<40x144xf32, #tpu.memory_space<vmem>>, vector<16xf32>,
        %parallel_loop3A_377 = arith.addf %parallel_loop3A_331, %parallel_loop3A_341 : vector<16xf32>
        %parallel_loop3A_378 = arith.mulf %parallel_loop3A_371, %parallel_loop3A_377 : vector<16xf32>
        %parallel_loop3A_379 = arith.index_cast %parallel_loop3A_170 : i32 to index
        %parallel_loop3A_380 = arith.constant 80 : index
        %parallel_loop3A_381 = tpu.vector_load %arg19[%parallel_loop3A_379, %parallel_loop3A_380] {strides = array<i32>} : memref<40x144xf32, #tpu.memory_space<vmem>>, vector<16xf32>,
        tpu.vector_store %arg19[%parallel_loop3A_379, %parallel_loop3A_380], %parallel_loop3A_378 {strides = array<i32>} : memref<40x144xf32, #tpu.memory_space<vmem>>, vector<16xf32>,
        %parallel_loop3A_382 = arith.constant 4 : i32
        %parallel_loop3A_383 = vector.broadcast %parallel_loop3A_382 : i32 to vector<16xi32>
        %parallel_loop3A_384 = arith.cmpi eq, %iota3A, %parallel_loop3A_383 : vector<16xi32>
        %parallel_loop3A_385 = arith.select %parallel_loop3A_384, %parallel_loop3A_369, %parallel_loop3A_316 : vector<16xi1>, vector<16xf32>
        %parallel_loop3A_386 = arith.constant 5 : i32
        %parallel_loop3A_387 = vector.broadcast %parallel_loop3A_386 : i32 to vector<16xi32>
        %parallel_loop3A_388 = arith.cmpi eq, %iota3A, %parallel_loop3A_387 : vector<16xi32>
        %parallel_loop3A_389 = arith.select %parallel_loop3A_388, %parallel_loop3A_371, %parallel_loop3A_385 : vector<16xi1>, vector<16xf32>
        %parallel_loop3A_390 = arith.index_cast %parallel_loop3A_170 : i32 to index
        %parallel_loop3A_391 = arith.constant 96 : index
        %parallel_loop3A_392 = tpu.vector_load %arg13[%parallel_loop3A_390, %parallel_loop3A_391] {strides = array<i32>} : memref<40x256xbf16, #tpu.memory_space<vmem>>, vector<32xbf16>,
        %parallel_loop3A_393 = tpu.unpack_subelements %parallel_loop3A_392, 0 {pack_format = #tpu.pack_format<interleaved>} : vector<32xbf16> -> vector<16xf32>
        %parallel_loop3A_394 = tpu.unpack_subelements %parallel_loop3A_392, 1 {pack_format = #tpu.pack_format<interleaved>} : vector<32xbf16> -> vector<16xf32>
        %parallel_loop3A_395 = arith.index_cast %parallel_loop3A_170 : i32 to index
        %parallel_loop3A_396 = arith.constant 96 : index
        %parallel_loop3A_397 = tpu.vector_load %arg15[%parallel_loop3A_395, %parallel_loop3A_396] {strides = array<i32>} : memref<40x128xbf16, #tpu.memory_space<vmem>>, vector<32xbf16>,
        %parallel_loop3A_398 = tpu.unpack_subelements %parallel_loop3A_397, 0 {pack_format = #tpu.pack_format<interleaved>} : vector<32xbf16> -> vector<16xf32>
        %parallel_loop3A_399 = tpu.unpack_subelements %parallel_loop3A_397, 1 {pack_format = #tpu.pack_format<interleaved>} : vector<32xbf16> -> vector<16xf32>
        %parallel_loop3A_400 = arith.index_cast %parallel_loop3A_170 : i32 to index
        %parallel_loop3A_401 = arith.constant 224 : index
        %parallel_loop3A_402 = tpu.vector_load %arg13[%parallel_loop3A_400, %parallel_loop3A_401] {strides = array<i32>} : memref<40x256xbf16, #tpu.memory_space<vmem>>, vector<32xbf16>,
        %parallel_loop3A_403 = tpu.unpack_subelements %parallel_loop3A_402, 0 {pack_format = #tpu.pack_format<interleaved>} : vector<32xbf16> -> vector<16xf32>
        %parallel_loop3A_404 = tpu.unpack_subelements %parallel_loop3A_402, 1 {pack_format = #tpu.pack_format<interleaved>} : vector<32xbf16> -> vector<16xf32>
        %parallel_loop3A_405 = arith.mulf %parallel_loop3A_393, %parallel_loop3A_398 : vector<16xf32>
        %parallel_loop3A_406 = arith.index_cast %parallel_loop3A_170 : i32 to index
        %parallel_loop3A_407 = arith.constant 96 : index
        %parallel_loop3A_408 = tpu.vector_load %arg17[%parallel_loop3A_406, %parallel_loop3A_407] {strides = array<i32>} : memref<40x128xf32, #tpu.memory_space<vmem>>, vector<16xf32>,
        %parallel_loop3A_409 = arith.mulf %parallel_loop3A_405, %parallel_loop3A_408 : vector<16xf32>
        %parallel_loop3A_410 = arith.mulf %parallel_loop3A_394, %parallel_loop3A_399 : vector<16xf32>
        %parallel_loop3A_411 = arith.index_cast %parallel_loop3A_170 : i32 to index
        %parallel_loop3A_412 = arith.constant 112 : index
        %parallel_loop3A_413 = tpu.vector_load %arg17[%parallel_loop3A_411, %parallel_loop3A_412] {strides = array<i32>} : memref<40x128xf32, #tpu.memory_space<vmem>>, vector<16xf32>,
        %parallel_loop3A_414 = arith.mulf %parallel_loop3A_410, %parallel_loop3A_413 : vector<16xf32>
        %parallel_loop3A_415 = arith.index_cast %parallel_loop3A_170 : i32 to index
        %parallel_loop3A_416 = arith.constant 96 : index
        %parallel_loop3A_417 = tpu.vector_load %arg18[%parallel_loop3A_415, %parallel_loop3A_416] {strides = array<i32>} : memref<40x128xf32, #tpu.memory_space<vmem>>, vector<16xf32>,
        tpu.vector_store %arg18[%parallel_loop3A_415, %parallel_loop3A_416], %parallel_loop3A_409 {strides = array<i32>} : memref<40x128xf32, #tpu.memory_space<vmem>>, vector<16xf32>,
        %parallel_loop3A_418 = arith.index_cast %parallel_loop3A_170 : i32 to index
        %parallel_loop3A_419 = arith.constant 112 : index
        %parallel_loop3A_420 = tpu.vector_load %arg18[%parallel_loop3A_418, %parallel_loop3A_419] {strides = array<i32>} : memref<40x128xf32, #tpu.memory_space<vmem>>, vector<16xf32>,
        tpu.vector_store %arg18[%parallel_loop3A_418, %parallel_loop3A_419], %parallel_loop3A_414 {strides = array<i32>} : memref<40x128xf32, #tpu.memory_space<vmem>>, vector<16xf32>,
        %parallel_loop3A_421 = arith.constant true
        %parallel_loop3A_422 = vector.broadcast %parallel_loop3A_421 : i1 to vector<16xi1>
        %parallel_loop3A_423 = tpu.scan <sum>, %parallel_loop3A_409 masked %parallel_loop3A_422 : vector<16xf32>, vector<16xi1> -> vector<16xf32>
        %parallel_loop3A_424 = vector.extract %parallel_loop3A_423[15] : f32 from vector<16xf32>
        %parallel_loop3A_425 = arith.constant 2.500000e-01 : f32
        %parallel_loop3A_426 = arith.mulf %parallel_loop3A_424, %parallel_loop3A_425 : f32
        %parallel_loop3A_427 = arith.constant -5.000000e+00 : f32
        %parallel_loop3A_428 = arith.constant 5.000000e+00 : f32
        %parallel_loop3A_429 = arith.maximumf %parallel_loop3A_427, %parallel_loop3A_426 : f32
        %parallel_loop3A_430 = arith.minimumf %parallel_loop3A_428, %parallel_loop3A_429 : f32
        %parallel_loop3A_431 = arith.constant true
        %parallel_loop3A_432 = vector.broadcast %parallel_loop3A_431 : i1 to vector<16xi1>
        %parallel_loop3A_433 = tpu.scan <sum>, %parallel_loop3A_414 masked %parallel_loop3A_432 : vector<16xf32>, vector<16xi1> -> vector<16xf32>
        %parallel_loop3A_434 = vector.extract %parallel_loop3A_433[15] : f32 from vector<16xf32>
        %parallel_loop3A_435 = arith.constant 2.500000e-01 : f32
        %parallel_loop3A_436 = arith.mulf %parallel_loop3A_434, %parallel_loop3A_435 : f32
        %parallel_loop3A_437 = arith.constant -5.000000e+00 : f32
        %parallel_loop3A_438 = arith.constant 5.000000e+00 : f32
        %parallel_loop3A_439 = arith.maximumf %parallel_loop3A_437, %parallel_loop3A_436 : f32
        %parallel_loop3A_440 = arith.minimumf %parallel_loop3A_438, %parallel_loop3A_439 : f32
        %parallel_loop3A_441 = vector.broadcast %parallel_loop3A_430 : f32 to vector<16xf32>
        %parallel_loop3A_442 = math.exp %parallel_loop3A_441 : vector<16xf32>
        %parallel_loop3A_443 = vector.broadcast %parallel_loop3A_440 : f32 to vector<16xf32>
        %parallel_loop3A_444 = math.exp %parallel_loop3A_443 : vector<16xf32>
        %parallel_loop3A_445 = arith.addf %parallel_loop3A_403, %parallel_loop3A_409 : vector<16xf32>
        %parallel_loop3A_446 = arith.mulf %parallel_loop3A_442, %parallel_loop3A_445 : vector<16xf32>
        %parallel_loop3A_447 = arith.index_cast %parallel_loop3A_170 : i32 to index
        %parallel_loop3A_448 = arith.constant 96 : index
        %parallel_loop3A_449 = tpu.vector_load %arg19[%parallel_loop3A_447, %parallel_loop3A_448] {strides = array<i32>} : memref<40x144xf32, #tpu.memory_space<vmem>>, vector<16xf32>,
        tpu.vector_store %arg19[%parallel_loop3A_447, %parallel_loop3A_448], %parallel_loop3A_446 {strides = array<i32>} : memref<40x144xf32, #tpu.memory_space<vmem>>, vector<16xf32>,
        %parallel_loop3A_450 = arith.addf %parallel_loop3A_404, %parallel_loop3A_414 : vector<16xf32>
        %parallel_loop3A_451 = arith.mulf %parallel_loop3A_444, %parallel_loop3A_450 : vector<16xf32>
        %parallel_loop3A_452 = arith.index_cast %parallel_loop3A_170 : i32 to index
        %parallel_loop3A_453 = arith.constant 112 : index
        %parallel_loop3A_454 = tpu.vector_load %arg19[%parallel_loop3A_452, %parallel_loop3A_453] {strides = array<i32>} : memref<40x144xf32, #tpu.memory_space<vmem>>, vector<16xf32>,
        tpu.vector_store %arg19[%parallel_loop3A_452, %parallel_loop3A_453], %parallel_loop3A_451 {strides = array<i32>} : memref<40x144xf32, #tpu.memory_space<vmem>>, vector<16xf32>,
        %parallel_loop3A_455 = arith.constant 6 : i32
        %parallel_loop3A_456 = vector.broadcast %parallel_loop3A_455 : i32 to vector<16xi32>
        %parallel_loop3A_457 = arith.cmpi eq, %iota3A, %parallel_loop3A_456 : vector<16xi32>
        %parallel_loop3A_458 = arith.select %parallel_loop3A_457, %parallel_loop3A_442, %parallel_loop3A_389 : vector<16xi1>, vector<16xf32>
        %parallel_loop3A_459 = arith.constant 7 : i32
        %parallel_loop3A_460 = vector.broadcast %parallel_loop3A_459 : i32 to vector<16xi32>
        %parallel_loop3A_461 = arith.cmpi eq, %iota3A, %parallel_loop3A_460 : vector<16xi32>
        %parallel_loop3A_462 = arith.select %parallel_loop3A_461, %parallel_loop3A_444, %parallel_loop3A_458 : vector<16xi1>, vector<16xf32>
        %parallel_loop3A_463 = arith.index_cast %parallel_loop3A_170 : i32 to index
        %parallel_loop3A_464 = arith.constant 128 : index
        %parallel_loop3A_465 = tpu.vector_load %arg19[%parallel_loop3A_463, %parallel_loop3A_464] {strides = array<i32>} : memref<40x144xf32, #tpu.memory_space<vmem>>, vector<16xf32>,
        tpu.vector_store %arg19[%parallel_loop3A_463, %parallel_loop3A_464], %parallel_loop3A_462 {strides = array<i32>} : memref<40x144xf32, #tpu.memory_space<vmem>>, vector<16xf32>,
      } {sc.loop_unroll_factor = 4 : i64, sc.parallel_access}
      %mul3A_155 = arith.constant 40 : i32
      %mul3A_156 = arith.muli %add3A_133, %mul3A_155 : i32
      %add3A_157 = arith.addi %mul3A_2, %mul3A_156 : i32
      %dma_start3A_158 = arith.constant 0 : i32
      %dma_start3A_159 = tpu.memref_slice %arg6[%add3A_157, %dma_start3A_158] : memref<320000x128xf32, #tpu.memory_space<hbm>> -> memref<40x128xf32, #tpu.memory_space<hbm>>
      %dma_start3A_160 = arith.constant 0 : i32
      %dma_start3A_161 = tpu.memref_slice %arg6[%add3A_157, %dma_start3A_160] : memref<320000x128xf32, #tpu.memory_space<hbm>> -> memref<40x128xf32, #tpu.memory_space<hbm>>
      tpu.enqueue_dma source(%arg18 : memref<40x128xf32, #tpu.memory_space<vmem>>) target(%dma_start3A_161 : memref<40x128xf32, #tpu.memory_space<hbm>>) target_semaphore(%arg24 : memref<!tpu.dma_semaphore, #tpu.memory_space<semaphore_mem>>)
      "tpu.region"() ({
        %run_scoped3A = tpu.sem_alloc : memref<!tpu.dma_semaphore, #tpu.memory_space<semaphore_mem>>
        %dma_start3A_170 = arith.constant 0 : i32
        %dma_start3A_171 = arith.constant 0 : i32
        %dma_start3A_172 = tpu.memref_slice %arg20[%dma_start3A_170, %dma_start3A_171] : memref<10240x144xf32, #tpu.memory_space<vmem_shared>> -> memref<10240x144xf32, #tpu.memory_space<vmem_shared>>
        tpu.enqueue_indirect_dma source(%arg19 : memref<40x144xf32, #tpu.memory_space<vmem>>) target(%dma_start3A_172 : memref<10240x144xf32, #tpu.memory_space<vmem_shared>>) offsets(%arg11 : memref<40xi32, #tpu.memory_space<vmem>>) semaphore(%run_scoped3A : memref<!tpu.dma_semaphore, #tpu.memory_space<semaphore_mem>>) {add = true}
        %dma_wait3A_173 = arith.constant 0 : i32
        %dma_wait3A_174 = arith.constant 0 : i32
        %dma_wait3A_175 = tpu.memref_slice %arg20[%dma_wait3A_173, %dma_wait3A_174] : memref<10240x144xf32, #tpu.memory_space<vmem_shared>> -> memref<10240x144xf32, #tpu.memory_space<vmem_shared>>
        tpu.wait_indirect_dma semaphore(%run_scoped3A : memref<!tpu.dma_semaphore, #tpu.memory_space<semaphore_mem>>) src(%arg19 : memref<40x144xf32, #tpu.memory_space<vmem>>) dst(%dma_wait3A_175 : memref<10240x144xf32, #tpu.memory_space<vmem_shared>>)
        tpu.yield
      }) : () -> ()
      %add3A_162 = arith.constant 2 : i32
      %add3A_163 = arith.addi %add3A_133, %add3A_162 : i32
      %lt3A_164 = arith.constant 250 : i32
      %lt3A_165 = arith.cmpi slt, %add3A_163, %lt3A_164 : i32
      %convert_element_type3A_166 = arith.extui %lt3A_165 : i1 to i32
      %cond3A_167 = arith.constant 0 : i32
      %cond3A_168 = arith.cmpi ne, %convert_element_type3A_166, %cond3A_167 : i32
      scf.if %cond3A_168 {
        %add3A_170 = arith.constant 2 : i32
        %add3A_171 = arith.addi %add3A_133, %add3A_170 : i32
        %mul3A_172 = arith.constant 40 : i32
        %mul3A_173 = arith.muli %add3A_171, %mul3A_172 : i32
        %add3A_174 = arith.addi %mul3A_2, %mul3A_173 : i32
        %dma_start3A_175 = arith.constant 0 : i32
        %dma_start3A_176 = tpu.memref_slice %arg5[%dma_start3A_175, %add3A_174] : memref<2x320000xi32, #tpu.memory_space<hbm>> -> memref<1x40xi32, #tpu.memory_space<hbm>>
        %dma_start3A_177 = tpu.memref_squeeze %dma_start3A_176 : memref<1x40xi32, #tpu.memory_space<hbm>> -> memref<40xi32, #tpu.memory_space<hbm>>
        %dma_start3A_178 = tpu.memref_slice %arg5[%dma_start3A_175, %add3A_174] : memref<2x320000xi32, #tpu.memory_space<hbm>> -> memref<1x40xi32, #tpu.memory_space<hbm>>
        %dma_start3A_179 = tpu.memref_squeeze %dma_start3A_178 : memref<1x40xi32, #tpu.memory_space<hbm>> -> memref<40xi32, #tpu.memory_space<hbm>>
        tpu.enqueue_dma source(%dma_start3A_179 : memref<40xi32, #tpu.memory_space<hbm>>) target(%arg9 : memref<40xi32, #tpu.memory_space<vmem>>) target_semaphore(%arg22 : memref<!tpu.dma_semaphore, #tpu.memory_space<semaphore_mem>>)
        %dma_start3A_180 = arith.constant 1 : i32
        %dma_start3A_181 = tpu.memref_slice %arg5[%dma_start3A_180, %add3A_174] : memref<2x320000xi32, #tpu.memory_space<hbm>> -> memref<1x40xi32, #tpu.memory_space<hbm>>
        %dma_start3A_182 = tpu.memref_squeeze %dma_start3A_181 : memref<1x40xi32, #tpu.memory_space<hbm>> -> memref<40xi32, #tpu.memory_space<hbm>>
        %dma_start3A_183 = tpu.memref_slice %arg5[%dma_start3A_180, %add3A_174] : memref<2x320000xi32, #tpu.memory_space<hbm>> -> memref<1x40xi32, #tpu.memory_space<hbm>>
        %dma_start3A_184 = tpu.memref_squeeze %dma_start3A_183 : memref<1x40xi32, #tpu.memory_space<hbm>> -> memref<40xi32, #tpu.memory_space<hbm>>
        tpu.enqueue_dma source(%dma_start3A_184 : memref<40xi32, #tpu.memory_space<hbm>>) target(%arg11 : memref<40xi32, #tpu.memory_space<vmem>>) target_semaphore(%arg22 : memref<!tpu.dma_semaphore, #tpu.memory_space<semaphore_mem>>)
        %dma_start3A_185 = arith.constant 0 : i32
        %dma_start3A_186 = tpu.memref_slice %arg4[%add3A_174, %dma_start3A_185] : memref<320000x128xf32, #tpu.memory_space<hbm>> -> memref<40x128xf32, #tpu.memory_space<hbm>>
        %dma_start3A_187 = arith.constant 0 : i32
        %dma_start3A_188 = tpu.memref_slice %arg4[%add3A_174, %dma_start3A_187] : memref<320000x128xf32, #tpu.memory_space<hbm>> -> memref<40x128xf32, #tpu.memory_space<hbm>>
        tpu.enqueue_dma source(%dma_start3A_188 : memref<40x128xf32, #tpu.memory_space<hbm>>) target(%arg17 : memref<40x128xf32, #tpu.memory_space<vmem>>) target_semaphore(%arg22 : memref<!tpu.dma_semaphore, #tpu.memory_space<semaphore_mem>>)
      } else {
      }
      %scan3A_169 = arith.constant 0 : i32
      scf.yield %scan3A_169 : i32
    }
    %scan3A_85 = arith.constant 125 : i32
    %dma_wait3A_86 = arith.constant 0 : i32
    %dma_wait3A_87 = arith.constant 0 : i32
    %dma_wait3A_88 = tpu.memref_slice %arg6[%dma_wait3A_86, %dma_wait3A_87] : memref<320000x128xf32, #tpu.memory_space<hbm>> -> memref<40x128xf32, #tpu.memory_space<hbm>>
    %dma_wait3A_89 = arith.constant 0 : i32
    %dma_wait3A_90 = arith.constant 0 : i32
    %dma_wait3A_91 = tpu.memref_slice %arg6[%dma_wait3A_89, %dma_wait3A_90] : memref<320000x128xf32, #tpu.memory_space<hbm>> -> memref<40x128xf32, #tpu.memory_space<hbm>>
    tpu.wait_dma2 semaphore(%arg24 : memref<!tpu.dma_semaphore, #tpu.memory_space<semaphore_mem>>) src(%arg18 : memref<40x128xf32, #tpu.memory_space<vmem>>) dst(%dma_wait3A_91 : memref<40x128xf32, #tpu.memory_space<hbm>>)
    %barrier3A_92 = arith.constant 0 : index
    tpu.barrier barrier_id(%barrier3A_92)
    "tpu.region"() ({
      %run_scoped3A = tpu.sem_alloc : memref<!tpu.dma_semaphore, #tpu.memory_space<semaphore_mem>>
      %dma_start3A_93 = arith.constant 0 : i32
      %dma_start3A_94 = tpu.memref_slice %arg7[%arg0, %mul3A_42, %dma_start3A_93] : memref<2x10240x144xf32, #tpu.memory_space<hbm>> -> memref<1x640x144xf32, #tpu.memory_space<hbm>>
      %dma_start3A_95 = tpu.memref_squeeze %dma_start3A_94 : memref<1x640x144xf32, #tpu.memory_space<hbm>> -> memref<640x144xf32, #tpu.memory_space<hbm>>
      %dma_start3A_96 = arith.constant 0 : i32
      %dma_start3A_97 = tpu.memref_slice %arg20[%mul3A_42, %dma_start3A_96] : memref<10240x144xf32, #tpu.memory_space<vmem_shared>> -> memref<640x144xf32, #tpu.memory_space<vmem_shared>>
      tpu.enqueue_dma source(%dma_start3A_97 : memref<640x144xf32, #tpu.memory_space<vmem_shared>>) target(%dma_start3A_95 : memref<640x144xf32, #tpu.memory_space<hbm>>) target_semaphore(%run_scoped3A : memref<!tpu.dma_semaphore, #tpu.memory_space<semaphore_mem>>)
      %dma_wait3A_98 = arith.constant 0 : i32
      %dma_wait3A_99 = tpu.memref_slice %arg7[%arg0, %mul3A_42, %dma_wait3A_98] : memref<2x10240x144xf32, #tpu.memory_space<hbm>> -> memref<1x640x144xf32, #tpu.memory_space<hbm>>
      %dma_wait3A_100 = tpu.memref_squeeze %dma_wait3A_99 : memref<1x640x144xf32, #tpu.memory_space<hbm>> -> memref<640x144xf32, #tpu.memory_space<hbm>>
      %dma_wait3A_101 = arith.constant 0 : i32
      %dma_wait3A_102 = tpu.memref_slice %arg20[%mul3A_42, %dma_wait3A_101] : memref<10240x144xf32, #tpu.memory_space<vmem_shared>> -> memref<640x144xf32, #tpu.memory_space<vmem_shared>>
      tpu.wait_dma2 semaphore(%run_scoped3A : memref<!tpu.dma_semaphore, #tpu.memory_space<semaphore_mem>>) src(%dma_wait3A_102 : memref<640x144xf32, #tpu.memory_space<vmem_shared>>) dst(%dma_wait3A_100 : memref<640x144xf32, #tpu.memory_space<hbm>>)
      tpu.yield
    }) : () -> ()
    return
  }
}

module attributes {stable_mosaic.version = 14 : i64} {
  func.func @_proj_nodes_body(%arg0: i32, %arg1: memref<2000x128xf32, #tpu.memory_space<vmem>>, %arg2: memref<128x128xf32, #tpu.memory_space<vmem>>, %arg3: memref<1x128xf32, #tpu.memory_space<vmem>>, %arg4: memref<128x128xf32, #tpu.memory_space<vmem>>, %arg5: memref<128x128xf32, #tpu.memory_space<vmem>>, %arg6: memref<2000x128xbf16, #tpu.memory_space<vmem>>, %arg7: memref<2000x256xbf16, #tpu.memory_space<vmem>>) attributes {dimension_semantics = [#tpu.dimension_semantics<arbitrary>], iteration_bounds = array<i64: 5>, scalar_prefetch = 0 : i64, scratch_operands = 0 : i64, tpu.core_type = #tpu.core_type<tc>, window_params = [{transform_indices = @transform_0, window_bounds = array<i64: 2000, 128>}, {pipeline_mode = #tpu.pipeline_mode<synchronous>, transform_indices = @transform_1, window_bounds = array<i64: 128, 128>}, {pipeline_mode = #tpu.pipeline_mode<synchronous>, transform_indices = @transform_2, window_bounds = array<i64: 1, 128>}, {pipeline_mode = #tpu.pipeline_mode<synchronous>, transform_indices = @transform_3, window_bounds = array<i64: 128, 128>}, {pipeline_mode = #tpu.pipeline_mode<synchronous>, transform_indices = @transform_4, window_bounds = array<i64: 128, 128>}, {transform_indices = @transform_5, window_bounds = array<i64: 2000, 128>}, {transform_indices = @transform_6, window_bounds = array<i64: 2000, 256>}]} {
    %get3A = arith.constant 0 : index
    %get3A_0 = arith.constant 0 : index
    %get3A_1 = vector.load %arg1[%get3A, %get3A_0] : memref<2000x128xf32, #tpu.memory_space<vmem>>, vector<2000x128xf32>
    %get3A_2 = arith.constant 0 : index
    %get3A_3 = arith.constant 0 : index
    %get3A_4 = vector.load %arg2[%get3A_2, %get3A_3] : memref<128x128xf32, #tpu.memory_space<vmem>>, vector<128x128xf32>
    %dot_general3A = arith.constant dense<0.000000e+00> : vector<2000x128xf32>
    %dot_general3A_5 = tpu.matmul %get3A_1, %get3A_4, %dot_general3A {dimension_numbers = #tpu.dot_dimension_numbers<[1], [0], [0], [1], [0, 0, 1, 1], [], []>, transpose_lhs_hint = false} : vector<2000x128xf32>, vector<128x128xf32>, vector<2000x128xf32> -> vector<2000x128xf32>
    %get3A_6 = arith.constant 0 : index
    %get3A_7 = arith.constant 0 : index
    %get3A_8 = vector.load %arg3[%get3A_6, %get3A_7] : memref<1x128xf32, #tpu.memory_space<vmem>>, vector<1x128xf32>
    %add3A = vector.broadcast %get3A_8 : vector<1x128xf32> to vector<2000x128xf32>
    %add3A_9 = arith.addf %dot_general3A_5, %add3A : vector<2000x128xf32>
    %convert_element_type3A = arith.truncf %add3A_9 : vector<2000x128xf32> to vector<2000x128xbf16>
    %swap3A = arith.constant 0 : index
    %swap3A_10 = arith.constant 0 : index
    %swap3A_11 = vector.load %arg6[%swap3A, %swap3A_10] : memref<2000x128xbf16, #tpu.memory_space<vmem>>, vector<2000x128xbf16>
    tpu.vector_store %arg6[%swap3A, %swap3A_10], %convert_element_type3A {strides = array<i32>} : memref<2000x128xbf16, #tpu.memory_space<vmem>>, vector<2000x128xbf16>,
    %get3A_12 = arith.constant 0 : index
    %get3A_13 = arith.constant 0 : index
    %get3A_14 = vector.load %arg4[%get3A_12, %get3A_13] : memref<128x128xf32, #tpu.memory_space<vmem>>, vector<128x128xf32>
    %dot_general3A_15 = arith.constant dense<0.000000e+00> : vector<2000x128xf32>
    %dot_general3A_16 = tpu.matmul %get3A_1, %get3A_14, %dot_general3A_15 {dimension_numbers = #tpu.dot_dimension_numbers<[1], [0], [0], [1], [0, 0, 1, 1], [], []>, transpose_lhs_hint = false} : vector<2000x128xf32>, vector<128x128xf32>, vector<2000x128xf32> -> vector<2000x128xf32>
    %convert_element_type3A_17 = arith.truncf %dot_general3A_16 : vector<2000x128xf32> to vector<2000x128xbf16>
    %swap3A_18 = arith.constant 0 : index
    %swap3A_19 = arith.constant 0 : index
    %swap3A_20 = vector.load %arg7[%swap3A_18, %swap3A_19] : memref<2000x256xbf16, #tpu.memory_space<vmem>>, vector<2000x128xbf16>
    tpu.vector_store %arg7[%swap3A_18, %swap3A_19], %convert_element_type3A_17 {strides = array<i32>} : memref<2000x256xbf16, #tpu.memory_space<vmem>>, vector<2000x128xbf16>,
    %get3A_21 = arith.constant 0 : index
    %get3A_22 = arith.constant 0 : index
    %get3A_23 = vector.load %arg5[%get3A_21, %get3A_22] : memref<128x128xf32, #tpu.memory_space<vmem>>, vector<128x128xf32>
    %dot_general3A_24 = arith.constant dense<0.000000e+00> : vector<2000x128xf32>
    %dot_general3A_25 = tpu.matmul %get3A_1, %get3A_23, %dot_general3A_24 {dimension_numbers = #tpu.dot_dimension_numbers<[1], [0], [0], [1], [0, 0, 1, 1], [], []>, transpose_lhs_hint = false} : vector<2000x128xf32>, vector<128x128xf32>, vector<2000x128xf32> -> vector<2000x128xf32>
    %convert_element_type3A_26 = arith.truncf %dot_general3A_25 : vector<2000x128xf32> to vector<2000x128xbf16>
    %swap3A_27 = arith.constant 0 : index
    %swap3A_28 = arith.constant 128 : index
    %swap3A_29 = vector.load %arg7[%swap3A_27, %swap3A_28] : memref<2000x256xbf16, #tpu.memory_space<vmem>>, vector<2000x128xbf16>
    tpu.vector_store %arg7[%swap3A_27, %swap3A_28], %convert_element_type3A_26 {strides = array<i32>} : memref<2000x256xbf16, #tpu.memory_space<vmem>>, vector<2000x128xbf16>,
    return
  }
  func.func @transform_0(%arg0: i32) -> (i32, i32) {
    %c0_i32 = arith.constant 0 : i32
    %c0_i32_0 = arith.constant 0 : i32
    return %arg0, %c0_i32 : i32, i32
  }
  func.func @transform_1(%arg0: i32) -> (i32, i32) {
    %c0_i32 = arith.constant 0 : i32
    %c0_i32_0 = arith.constant 0 : i32
    %c0_i32_1 = arith.constant 0 : i32
    return %c0_i32, %c0_i32_0 : i32, i32
  }
  func.func @transform_2(%arg0: i32) -> (i32, i32) {
    %c0_i32 = arith.constant 0 : i32
    %c0_i32_0 = arith.constant 0 : i32
    %c0_i32_1 = arith.constant 0 : i32
    return %c0_i32, %c0_i32_0 : i32, i32
  }
  func.func @transform_3(%arg0: i32) -> (i32, i32) {
    %c0_i32 = arith.constant 0 : i32
    %c0_i32_0 = arith.constant 0 : i32
    %c0_i32_1 = arith.constant 0 : i32
    return %c0_i32, %c0_i32_0 : i32, i32
  }
  func.func @transform_4(%arg0: i32) -> (i32, i32) {
    %c0_i32 = arith.constant 0 : i32
    %c0_i32_0 = arith.constant 0 : i32
    %c0_i32_1 = arith.constant 0 : i32
    return %c0_i32, %c0_i32_0 : i32, i32
  }
  func.func @transform_5(%arg0: i32) -> (i32, i32) {
    %c0_i32 = arith.constant 0 : i32
    %c0_i32_0 = arith.constant 0 : i32
    return %arg0, %c0_i32 : i32, i32
  }
  func.func @transform_6(%arg0: i32) -> (i32, i32) {
    %c0_i32 = arith.constant 0 : i32
    %c0_i32_0 = arith.constant 0 : i32
    return %arg0, %c0_i32 : i32, i32
  }
}

module attributes {stable_mosaic.version = 14 : i64} {
  func.func @_proj_edges_body(%arg0: i32, %arg1: memref<2000x128xf32, #tpu.memory_space<vmem>>, %arg2: memref<128x128xf32, #tpu.memory_space<vmem>>, %arg3: memref<1x128xf32, #tpu.memory_space<vmem>>, %arg4: memref<2000x128xf32, #tpu.memory_space<vmem>>) attributes {dimension_semantics = [#tpu.dimension_semantics<arbitrary>], iteration_bounds = array<i64: 160>, scalar_prefetch = 0 : i64, scratch_operands = 0 : i64, tpu.core_type = #tpu.core_type<tc>, window_params = [{transform_indices = @transform_0, window_bounds = array<i64: 2000, 128>}, {pipeline_mode = #tpu.pipeline_mode<synchronous>, transform_indices = @transform_1, window_bounds = array<i64: 128, 128>}, {pipeline_mode = #tpu.pipeline_mode<synchronous>, transform_indices = @transform_2, window_bounds = array<i64: 1, 128>}, {transform_indices = @transform_3, window_bounds = array<i64: 2000, 128>}]} {
    %get3A = arith.constant 0 : index
    %get3A_0 = arith.constant 0 : index
    %get3A_1 = vector.load %arg1[%get3A, %get3A_0] : memref<2000x128xf32, #tpu.memory_space<vmem>>, vector<2000x128xf32>
    %get3A_2 = arith.constant 0 : index
    %get3A_3 = arith.constant 0 : index
    %get3A_4 = vector.load %arg2[%get3A_2, %get3A_3] : memref<128x128xf32, #tpu.memory_space<vmem>>, vector<128x128xf32>
    %dot_general3A = arith.constant dense<0.000000e+00> : vector<2000x128xf32>
    %dot_general3A_5 = tpu.matmul %get3A_1, %get3A_4, %dot_general3A {dimension_numbers = #tpu.dot_dimension_numbers<[1], [0], [0], [1], [0, 0, 1, 1], [], []>, transpose_lhs_hint = false} : vector<2000x128xf32>, vector<128x128xf32>, vector<2000x128xf32> -> vector<2000x128xf32>
    %get3A_6 = arith.constant 0 : index
    %get3A_7 = arith.constant 0 : index
    %get3A_8 = vector.load %arg3[%get3A_6, %get3A_7] : memref<1x128xf32, #tpu.memory_space<vmem>>, vector<1x128xf32>
    %add3A = vector.broadcast %get3A_8 : vector<1x128xf32> to vector<2000x128xf32>
    %add3A_9 = arith.addf %dot_general3A_5, %add3A : vector<2000x128xf32>
    %swap3A = arith.constant 0 : index
    %swap3A_10 = arith.constant 0 : index
    %swap3A_11 = vector.load %arg4[%swap3A, %swap3A_10] : memref<2000x128xf32, #tpu.memory_space<vmem>>, vector<2000x128xf32>
    tpu.vector_store %arg4[%swap3A, %swap3A_10], %add3A_9 {strides = array<i32>} : memref<2000x128xf32, #tpu.memory_space<vmem>>, vector<2000x128xf32>,
    return
  }
  func.func @transform_0(%arg0: i32) -> (i32, i32) {
    %c0_i32 = arith.constant 0 : i32
    %c0_i32_0 = arith.constant 0 : i32
    return %arg0, %c0_i32 : i32, i32
  }
  func.func @transform_1(%arg0: i32) -> (i32, i32) {
    %c0_i32 = arith.constant 0 : i32
    %c0_i32_0 = arith.constant 0 : i32
    %c0_i32_1 = arith.constant 0 : i32
    return %c0_i32, %c0_i32_0 : i32, i32
  }
  func.func @transform_2(%arg0: i32) -> (i32, i32) {
    %c0_i32 = arith.constant 0 : i32
    %c0_i32_0 = arith.constant 0 : i32
    %c0_i32_1 = arith.constant 0 : i32
    return %c0_i32, %c0_i32_0 : i32, i32
  }
  func.func @transform_3(%arg0: i32) -> (i32, i32) {
    %c0_i32 = arith.constant 0 : i32
    %c0_i32_0 = arith.constant 0 : i32
    return %arg0, %c0_i32 : i32, i32
  }
}

module attributes {stable_mosaic.version = 14 : i64} {
  func.func @_finalize_body(%arg0: i32, %arg1: memref<2x1000x144xf32, #tpu.memory_space<vmem>>, %arg2: memref<1000x128xf32, #tpu.memory_space<vmem>>) attributes {dimension_semantics = [#tpu.dimension_semantics<arbitrary>], iteration_bounds = array<i64: 10>, scalar_prefetch = 0 : i64, scratch_operands = 0 : i64, tpu.core_type = #tpu.core_type<tc>, window_params = [{transform_indices = @transform_0, window_bounds = array<i64: 2, 1000, 144>}, {transform_indices = @transform_1, window_bounds = array<i64: 1000, 128>}]} {
    %get3A = arith.constant 0 : index
    %get3A_0 = arith.constant 0 : index
    %get3A_1 = arith.constant 0 : index
    %get3A_2 = vector.load %arg1[%get3A, %get3A_0, %get3A_1] : memref<2x1000x144xf32, #tpu.memory_space<vmem>>, vector<1x1000x144xf32>
    %get3A_3 = vector.shape_cast %get3A_2 : vector<1x1000x144xf32> to vector<1000x144xf32>
    %get3A_4 = arith.constant 1 : index
    %get3A_5 = arith.constant 0 : index
    %get3A_6 = arith.constant 0 : index
    %get3A_7 = vector.load %arg1[%get3A_4, %get3A_5, %get3A_6] : memref<2x1000x144xf32, #tpu.memory_space<vmem>>, vector<1x1000x144xf32>
    %get3A_8 = vector.shape_cast %get3A_7 : vector<1x1000x144xf32> to vector<1000x144xf32>
    %add3A = arith.addf %get3A_3, %get3A_8 : vector<1000x144xf32>
    %slice3A = vector.extract_strided_slice %add3A {offsets = [0, 0], sizes = [1000, 16], strides = [1, 1]} : vector<1000x144xf32> to vector<1000x16xf32>
    %slice3A_9 = vector.extract_strided_slice %add3A {offsets = [0, 128], sizes = [1000, 1], strides = [1, 1]} : vector<1000x144xf32> to vector<1000x1xf32>
    %add3A_10 = arith.constant 1.000000e-16 : f32
    %add3A_11 = vector.broadcast %add3A_10 : f32 to vector<1000x1xf32>
    %add3A_12 = arith.addf %slice3A_9, %add3A_11 : vector<1000x1xf32>
    %div3A = vector.broadcast %add3A_12 : vector<1000x1xf32> to vector<1000x16xf32>
    %div3A_13 = arith.divf %slice3A, %div3A : vector<1000x16xf32>
    %slice3A_14 = vector.extract_strided_slice %add3A {offsets = [0, 16], sizes = [1000, 16], strides = [1, 1]} : vector<1000x144xf32> to vector<1000x16xf32>
    %slice3A_15 = vector.extract_strided_slice %add3A {offsets = [0, 129], sizes = [1000, 1], strides = [1, 1]} : vector<1000x144xf32> to vector<1000x1xf32>
    %add3A_16 = arith.constant 1.000000e-16 : f32
    %add3A_17 = vector.broadcast %add3A_16 : f32 to vector<1000x1xf32>
    %add3A_18 = arith.addf %slice3A_15, %add3A_17 : vector<1000x1xf32>
    %div3A_19 = vector.broadcast %add3A_18 : vector<1000x1xf32> to vector<1000x16xf32>
    %div3A_20 = arith.divf %slice3A_14, %div3A_19 : vector<1000x16xf32>
    %slice3A_21 = vector.extract_strided_slice %add3A {offsets = [0, 32], sizes = [1000, 16], strides = [1, 1]} : vector<1000x144xf32> to vector<1000x16xf32>
    %slice3A_22 = vector.extract_strided_slice %add3A {offsets = [0, 130], sizes = [1000, 1], strides = [1, 1]} : vector<1000x144xf32> to vector<1000x1xf32>
    %add3A_23 = arith.constant 1.000000e-16 : f32
    %add3A_24 = vector.broadcast %add3A_23 : f32 to vector<1000x1xf32>
    %add3A_25 = arith.addf %slice3A_22, %add3A_24 : vector<1000x1xf32>
    %div3A_26 = vector.broadcast %add3A_25 : vector<1000x1xf32> to vector<1000x16xf32>
    %div3A_27 = arith.divf %slice3A_21, %div3A_26 : vector<1000x16xf32>
    %slice3A_28 = vector.extract_strided_slice %add3A {offsets = [0, 48], sizes = [1000, 16], strides = [1, 1]} : vector<1000x144xf32> to vector<1000x16xf32>
    %slice3A_29 = vector.extract_strided_slice %add3A {offsets = [0, 131], sizes = [1000, 1], strides = [1, 1]} : vector<1000x144xf32> to vector<1000x1xf32>
    %add3A_30 = arith.constant 1.000000e-16 : f32
    %add3A_31 = vector.broadcast %add3A_30 : f32 to vector<1000x1xf32>
    %add3A_32 = arith.addf %slice3A_29, %add3A_31 : vector<1000x1xf32>
    %div3A_33 = vector.broadcast %add3A_32 : vector<1000x1xf32> to vector<1000x16xf32>
    %div3A_34 = arith.divf %slice3A_28, %div3A_33 : vector<1000x16xf32>
    %slice3A_35 = vector.extract_strided_slice %add3A {offsets = [0, 64], sizes = [1000, 16], strides = [1, 1]} : vector<1000x144xf32> to vector<1000x16xf32>
    %slice3A_36 = vector.extract_strided_slice %add3A {offsets = [0, 132], sizes = [1000, 1], strides = [1, 1]} : vector<1000x144xf32> to vector<1000x1xf32>
    %add3A_37 = arith.constant 1.000000e-16 : f32
    %add3A_38 = vector.broadcast %add3A_37 : f32 to vector<1000x1xf32>
    %add3A_39 = arith.addf %slice3A_36, %add3A_38 : vector<1000x1xf32>
    %div3A_40 = vector.broadcast %add3A_39 : vector<1000x1xf32> to vector<1000x16xf32>
    %div3A_41 = arith.divf %slice3A_35, %div3A_40 : vector<1000x16xf32>
    %slice3A_42 = vector.extract_strided_slice %add3A {offsets = [0, 80], sizes = [1000, 16], strides = [1, 1]} : vector<1000x144xf32> to vector<1000x16xf32>
    %slice3A_43 = vector.extract_strided_slice %add3A {offsets = [0, 133], sizes = [1000, 1], strides = [1, 1]} : vector<1000x144xf32> to vector<1000x1xf32>
    %add3A_44 = arith.constant 1.000000e-16 : f32
    %add3A_45 = vector.broadcast %add3A_44 : f32 to vector<1000x1xf32>
    %add3A_46 = arith.addf %slice3A_43, %add3A_45 : vector<1000x1xf32>
    %div3A_47 = vector.broadcast %add3A_46 : vector<1000x1xf32> to vector<1000x16xf32>
    %div3A_48 = arith.divf %slice3A_42, %div3A_47 : vector<1000x16xf32>
    %slice3A_49 = vector.extract_strided_slice %add3A {offsets = [0, 96], sizes = [1000, 16], strides = [1, 1]} : vector<1000x144xf32> to vector<1000x16xf32>
    %slice3A_50 = vector.extract_strided_slice %add3A {offsets = [0, 134], sizes = [1000, 1], strides = [1, 1]} : vector<1000x144xf32> to vector<1000x1xf32>
    %add3A_51 = arith.constant 1.000000e-16 : f32
    %add3A_52 = vector.broadcast %add3A_51 : f32 to vector<1000x1xf32>
    %add3A_53 = arith.addf %slice3A_50, %add3A_52 : vector<1000x1xf32>
    %div3A_54 = vector.broadcast %add3A_53 : vector<1000x1xf32> to vector<1000x16xf32>
    %div3A_55 = arith.divf %slice3A_49, %div3A_54 : vector<1000x16xf32>
    %slice3A_56 = vector.extract_strided_slice %add3A {offsets = [0, 112], sizes = [1000, 16], strides = [1, 1]} : vector<1000x144xf32> to vector<1000x16xf32>
    %slice3A_57 = vector.extract_strided_slice %add3A {offsets = [0, 135], sizes = [1000, 1], strides = [1, 1]} : vector<1000x144xf32> to vector<1000x1xf32>
    %add3A_58 = arith.constant 1.000000e-16 : f32
    %add3A_59 = vector.broadcast %add3A_58 : f32 to vector<1000x1xf32>
    %add3A_60 = arith.addf %slice3A_57, %add3A_59 : vector<1000x1xf32>
    %div3A_61 = vector.broadcast %add3A_60 : vector<1000x1xf32> to vector<1000x16xf32>
    %div3A_62 = arith.divf %slice3A_56, %div3A_61 : vector<1000x16xf32>
    %concatenate3A = tpu.concatenate %div3A_13, %div3A_20, %div3A_27, %div3A_34, %div3A_41, %div3A_48, %div3A_55, %div3A_62 in 1 : vector<1000x16xf32>, vector<1000x16xf32>, vector<1000x16xf32>, vector<1000x16xf32>, vector<1000x16xf32>, vector<1000x16xf32>, vector<1000x16xf32>, vector<1000x16xf32> -> vector<1000x128xf32>
    %swap3A = arith.constant 0 : index
    %swap3A_63 = arith.constant 0 : index
    %swap3A_64 = vector.load %arg2[%swap3A, %swap3A_63] : memref<1000x128xf32, #tpu.memory_space<vmem>>, vector<1000x128xf32>
    tpu.vector_store %arg2[%swap3A, %swap3A_63], %concatenate3A {strides = array<i32>} : memref<1000x128xf32, #tpu.memory_space<vmem>>, vector<1000x128xf32>,
    return
  }
  func.func @transform_0(%arg0: i32) -> (i32, i32, i32) {
    %c0_i32 = arith.constant 0 : i32
    %c0_i32_0 = arith.constant 0 : i32
    %c0_i32_1 = arith.constant 0 : i32
    return %c0_i32, %arg0, %c0_i32_0 : i32, i32, i32
  }
  func.func @transform_1(%arg0: i32) -> (i32, i32) {
    %c0_i32 = arith.constant 0 : i32
    %c0_i32_0 = arith.constant 0 : i32
    return %arg0, %c0_i32 : i32, i32
  }
}

</mosaic_0001>

<sc_bundles>
// kernel: kernel.6.cloned.1.call-start
scs
__scs_entry_jumppad:
0x0: {  	(pc) =	sbr.rel $0x88, $3  }
0x1: {  	(tag) =	ssettag $0x0;
	lr =	simm.s32 $0x1  }
0x2: {  	[smem:$0x3F98] =	sst lr;
	_ =	strace $0xD0000000  }
0x3: {  	_ = 	snop  }
0x4: {  	_ = 	snop  }
0x5: {  	_ = 	snop  }
0x6: {  	_ = 	snop  }
0x7: {  	_ = 	snop  }
__scs_overlays_trampoline_lowered:
0x8: {  	[smem:$0x3FA7] =	sst s0  }
0x9: {  	[smem:$0x3FA8] =	sst s1  }
0xa: {  	[smem:$0x3FA9] =	sst s2  }
0xb: {  	[smem:$0x3FAA] =	sst s3  }
0xc: {  	[smem:$0x3FAB] =	sst s4  }
0xd: {  	[smem:$0x3FAC] =	sst s5  }
0xe: {  	[smem:$0x3FAD] =	sst s6  }
0xf: {  	[smem:$0x3FAE] =	sst s7  }
0x10: {  	[smem:$0x3FAF] =	sst s8  }
0x11: {  	[smem:$0x3FB0] =	sst s9;
	s0 =	simm.s32 @!p0 $0x0  }
0x12: {  	s1 =	sld [smem:$0x3F96];
	s0 =	simm.s32 @p0 $0x1  }
0x13: {  	[smem:$0x3FB1] =	sst s0;
	s0 =	simm.s32 @!p1 $0x0  }
0x14: {  	s2 =	sld [smem:$0x3F95];
	s0 =	simm.s32 @p1 $0x1  }
0x15: {  	[smem:$0x3FB2] =	sst s0;
	s0 =	simm.s32 @!p2 $0x0  }
0x16: {  	s3 =	sld [smem:$0x3FDB];
	s0 =	simm.s32 @p2 $0x1  }
0x17: {  	s4 =	simm.s32 $0x1BF5;
	[smem:$0x3FB4] =	sst s0  }
0x18: {  	s0 =	sld [smem:$0x3F97];
	_ =	swait.ge [sflag:s4], $0x0  }
0x19: {  	s7 =	sld [smem:$0x3F98]  }
0x1a: {  	s8 =	sadd.s32 $0xFFFFE003, lr  }
0x1b: {  	s9 =	sadd.s32 $0xFFFFFEF7, lr;
	s5 =	simm.s32 $0xFFFFFFFF;
	p2 =	slt.u32 s8, $0xFFFFF086  }
0x1c: {  	p1 =	slt.u32 s9, $0xF7A;
	s5 =	simm.s32 @!p2 $0x0  }
0x1d: {  	s5 =	simm.s32 @p1 $0x1;
	p0 =	seq.s32 s7, s2  }
0x1e: {  	s7 =	smul.u32 @!p0 $0xF7A, s2;
	p2 =	seq.s32 @!p0 s5, $0x0  }
0x1f: {  	s9 =	smul.u32 $0xF7A, s1;
	s8 =	simm.s32 @!p0 $0x1BF5;
	p2 =	por !p2, p0  }
0x20: {  	[sflag:s8] =	ssyncset.s32 @!p0 $0xFFFFF086;
	s6 =	sadd.s32 @!p0 s3, s7;
	s7 =	simm.s32 @!p0 $0x108  }
0x21: {  	s3 =	sadd.s32 s3, s9;
	s6 =	sadd.s32 @!p0 $0x88, s6;
	s7 =	simm.s32 @p2 $0x1082  }
0x22: {  	[simem:s7], [sflag:s8] =	dma.local @!p0 [hbm:s6], $0xF7A  }
0x23: {  	s9 =	sor.u32 $0xD0000000, s2;
	s6 =	simm.s32 $0x108;
	_ =	swait.ge @!p0 [sflag:s8], $0x0  }
0x24: {  	s3 =	sadd.s32 $0x88, s3;
	s6 =	simm.s32 @!p1 $0x1082;
	[sflag:s4] =	ssyncset.s32 $0xFFFFF086  }
0x25: {  	[simem:s6], [sflag:s4] =	dma.local [hbm:s3], $0xF7A  }
0x26: {  	[smem:$0x3F98] =	sst s1;
	(tag) =	ssettag s2;
	_ =	strace s9  }
0x27: {  	s1 =	sld [smem:$0x3FA8]  }
0x28: {  	s2 =	sld [smem:$0x3FA9]  }
0x29: {  	s4 =	sld [smem:$0x3FAB]  }
0x2a: {  	p0 =	seq.s32 s5, $0x0;
	s5 =	sld [smem:$0x3FAC]  }
0x2b: {  	s6 =	sld [smem:$0x3FAD]  }
0x2c: {  	s7 =	sld [smem:$0x3FAE]  }
0x2d: {  	s3 =	simm.s32 $0x108;
	s8 =	sld [smem:$0x3FAF]  }
0x2e: {  	s3 =	simm.s32 @!p0 $0x1082;
	s9 =	sld [smem:$0x3FB0]  }
0x2f: {  	lr =	sadd.s32 s0, s3;
	s0 =	sld [smem:$0x3FA7]  }
0x30: {  	s3 =	sld [smem:$0x3FAA]  }
0x31: {  	[smem:$0x3FB3] =	sst s10  }
0x32: {  	s10 =	sld [smem:$0x3FB1];
	_ =	sdelay $0x3  }
0x33: {  	p0 =	seq.s32 s10, $0x1;
	s10 =	sld [smem:$0x3FB3];
	_ =	sdelay $0x3  }
0x34: {  	[smem:$0x3FB3] =	sst s10  }
0x35: {  	s10 =	sld [smem:$0x3FB2];
	_ =	sdelay $0x3  }
0x36: {  	p1 =	seq.s32 s10, $0x1;
	s10 =	sld [smem:$0x3FB3];
	_ =	sdelay $0x3  }
0x37: {  	[smem:$0x3FB3] =	sst s10  }
0x38: {  	s10 =	sld [smem:$0x3FB4]  }
0x39: {  	_ = 	snop;
	(pc) =	sbr.ind lr, $3  }
0x3a: {  	_ = 	snop  }
0x3b: {  	_ = 	snop  }
0x3c: {  	p2 =	seq.s32 s10, $0x1;
	s10 =	sld [smem:$0x3FB3]  }
0x3d: {  	_ =	shalt  }
0x3e: {  	_ =	shalt  }
0x3f: {  	_ =	shalt  }
0x40: {  	_ =	shalt  }
0x41: {  	_ =	shalt  }
0x42: {  	_ =	shalt  }
0x43: {  	_ =	shalt  }
0x44: {  	_ =	shalt  }
0x45: {  	_ =	shalt  }
0x46: {  	_ =	shalt  }
0x47: {  	_ =	shalt  }
0x48: {  	_ =	shalt  }
0x49: {  	_ =	shalt  }
0x4a: {  	_ =	shalt  }
0x4b: {  	_ =	shalt  }
0x4c: {  	_ =	shalt  }
0x4d: {  	_ =	shalt  }
0x4e: {  	_ =	shalt  }
0x4f: {  	_ =	shalt  }
0x50: {  	_ =	shalt  }
0x51: {  	_ =	shalt  }
0x52: {  	_ =	shalt  }
0x53: {  	_ =	shalt  }
0x54: {  	_ =	shalt  }
0x55: {  	_ =	shalt  }
0x56: {  	_ =	shalt  }
0x57: {  	_ =	shalt  }
0x58: {  	_ =	shalt  }
0x59: {  	_ =	shalt  }
0x5a: {  	_ =	shalt  }
0x5b: {  	_ =	shalt  }
0x5c: {  	_ =	shalt  }
0x5d: {  	_ =	shalt  }
0x5e: {  	_ =	shalt  }
0x5f: {  	_ =	shalt  }
0x60: {  	_ =	shalt  }
0x61: {  	_ =	shalt  }
0x62: {  	_ =	shalt  }
0x63: {  	_ =	shalt  }
0x64: {  	_ =	shalt  }
0x65: {  	_ =	shalt  }
0x66: {  	_ =	shalt  }
0x67: {  	_ =	shalt  }
0x68: {  	_ =	shalt  }
0x69: {  	_ =	shalt  }
0x6a: {  	_ =	shalt  }
0x6b: {  	_ =	shalt  }
0x6c: {  	_ =	shalt  }
0x6d: {  	_ =	shalt  }
0x6e: {  	_ =	shalt  }
0x6f: {  	_ =	shalt  }
0x70: {  	_ =	shalt  }
0x71: {  	_ =	shalt  }
0x72: {  	_ =	shalt  }
0x73: {  	_ =	shalt  }
0x74: {  	_ =	shalt  }
0x75: {  	_ =	shalt  }
0x76: {  	_ =	shalt  }
0x77: {  	_ =	shalt  }
0x78: {  	_ =	shalt  }
0x79: {  	_ =	shalt  }
0x7a: {  	_ =	shalt  }
0x7b: {  	_ =	shalt  }
0x7c: {  	_ =	shalt  }
0x7d: {  	_ =	shalt  }
0x7e: {  	_ =	shalt  }
0x7f: {  	_ =	shalt  }
0x80: {  	_ =	shalt  }
0x81: {  	_ =	shalt  }
0x82: {  	_ =	shalt  }
0x83: {  	_ =	shalt  }
0x84: {  	_ =	shalt  }
0x85: {  	_ =	shalt  }
0x86: {  	_ =	shalt  }
0x87: {  	_ =	shalt  }
.Lfunc_end0:
.L_simem_size_0:
called_computation_lowered:
.L_overlay_start_0:
0x88: {  	s2 =	sld [smem:$0x3FD9]  }
0x89: {  	s3 =	sld [smem:$0x3FFE];
	_ =	sdelay $0x1  }
0x8a: {  	s1 =	srdreg.scid  }
0x8b: {  	s0 =	sand.u32 $0x1, s1  }
0x8c: {  	s14 =	sshll.u32 s0, $0xA;
	s2 =	sadd.s32 s3, s2  }
0x8d: {  	s2 =	sadd.s32 s2, s14  }
0x8e: {  	[smem:$0x3FBF] =	sst s2  }
0x8f: {  	_ = 	snop  }
0x90: {  	s2 =	sld [smem:$0x3FD0];
	_ =	sdelay $0x2  }
0x91: {  	s15 =	simm.s32 $0xA;
	s4 =	simm.s32 $0x10  }
0x92: {  	[smem:s4], [sflag:s15] =	dma.local [hbm:s2], $0x1  }
0x93: {  	_ =	swait.eq [sflag:s15], $0x1  }
0x94: {  	[sflag:s15] =	ssyncset.done $0x0  }
0x95: {  	s16 =	sld [smem:$0x10];
	[sflag:s15] =	ssyncadd.s32 $0xFFFFFFFF  }
0x96: {  	s17 =	sld [smem:$0x11];
	(tm) =	ssettm $0x1  }
0x97: {  	s18 =	sld [smem:$0x3FFB];
	_ =	sdelay $0x3  }
0x98: {  	_ =	strace s18  }
0x99: {  	s4 =	sld [smem:$0x3FFC];
	_ =	sdelay $0x3  }
0x9a: {  	_ =	strace s4  }
0x9b: {  	s4 =	sld [smem:$0x3FFD];
	_ =	sdelay $0x3  }
0x9c: {  	_ =	strace s4  }
0x9d: {  	_ =	strace $0x8FFFFFFF  }
0x9e: {  	s19 =	sld [smem:$0x3FDB];
	_ =	sdelay $0x1  }
0x9f: {  	s5 =	simm.s32 $_scs_section_size  }
0xa0: {  	s6 =	simm.s32 $_size__tile_overlayer_lowered;
	s7 =	simm.s32 $_tile_overlayer_lowered  }
0xa1: {  	s22 =	simm.s32 $0x1BFF;
	s21 =	sshll.u32 s7, $0x1;
	s4 =	sadd.s32 s5, s19  }
0xa2: {  	s8 =	simm.s32 $0x0;
	s20 =	sshll.u32 s6, $0x1;
	s6 =	sadd.s32 s21, s4  }
0xa3: {  	[timem:s8], [sflag:s22] =	dma.local [hbm:s6], s20  }
0xa4: {  	_ =	swait.ge [sflag:s22], s20  }
0xa5: {  	s5 =	ssub.s32 $0x0, s20;
	[sflag:s22] =	ssyncset.done $0x0  }
0xa6: {  	[sflag:s22] =	ssyncadd.s32 s5;
	_ =	sdelay $0x1  }
0xa7: {  	s23 =	simm.s32 $0x1B8B  }
0xa8: {  	_ =	swait.ge [sflag:s23], $0x1  }
0xa9: {  	[sflag:s23] =	ssyncset.done $0x0  }
0xaa: {  	s25 =	simm.s32 $0x1B8E;
	s24 =	sld [smem:$0x3FFE];
	[sflag:s23] =	ssyncadd.s32 $0xFFFFFFFF  }
0xab: {  	s26 =	simm.s32 $execute0_lowered;
	[smem:$0x3FD2] =	sst s25  }
0xac: {  	s6 =	sshll.u32 s26, $0x1;
	_ =	strace $0x80000046;
	[dreg:$0x1] =	wrdreg $0xFFFFFFFF  }
0xad: {  	s28 =	simm.s32 $_size_execute0_lowered;
	s4 =	sadd.s32 s4, s6;
	[dreg:$0x0] =	wrdreg $0x0  }
0xae: {  	s6 =	sshll.u32 s28, $0x1;
	[dreg:$0x2] =	wrdreg s4  }
0xaf: {  	[dreg:$0x3] =	wrdreg s6  }
0xb0: {  	[dreg:$0x4] =	wrdreg $0xC0  }
0xb1: {  	_ =	task [dreg:s8], $0x5FFFF  }
0xb2: {  	[dreg:$0x1] =	wrdreg $0xFFFFFFFF  }
0xb3: {  	[dreg:$0x0] =	wrdreg $0x60  }
0xb4: {  	[dreg:$0x2] =	wrdreg s16  }
0xb5: {  	[dreg:$0x3] =	wrdreg s24  }
0xb6: {  	[dreg:$0x4] =	wrdreg s17  }
0xb7: {  	[dreg:$0x5] =	wrdreg $0x8F200  }
0xb8: {  	[dreg:$0x6] =	wrdreg $0x9  }
0xb9: {  	_ =	task.clear_ibuf [dreg:s8], $0x7FFFF;
	_ =	strace $0x90000046  }
0xba: {  	s29 =	simm.s32 $0x9;
	_ =	strace $0x80000048  }
0xbb: {  	_ =	swait.ge [sflag:s29], $0x1  }
0xbc: {  	[sflag:s29] =	ssyncadd.s32 $0xFFFFFFFF  }
0xbd: {  	_ =	strace $0x90000048  }
0xbe: {  	_ =	sfence  }
0xbf: {  	s30 =	sld [smem:$0x0];
	_ =	sdelay $0x2  }
0xc0: {  	s31 =	sshll.u32 s1, $0xD;
	s1 =	sshrl.u32 s1, $0x2  }
0xc1: {  	s3 =	sand.u32 $0x4000, s31;
	s1 =	sadd.s32 s1, s30  }
0xc2: {  	s0 =	sor.u32 s3, s0;
	s1 =	sshll.u32 s1, $0x11  }
0xc3: {  	s0 =	sor.u32 s1, s0  }
0xc4: {  	s0 =	sadd.s32 $0x8F2B, s0  }
0xc5: {  	[sflag:s0] =	ssyncadd.remote.s32 $0x1  }
0xc6: {  	_ =	sfence.sel $0xFFFF  }
0xc7: {  	[dreg:$0x0] =	wrdreg $0xFFFFFFFF;
	(pc) =	sbr.abs _section_cstart, $3  }
0xc8: {  	[dreg:$0x1] =	wrdreg $0xFFFFFFFF  }
0xc9: {  	_ =	task.clear_ibuf [dreg:s8], $0x2FFFF;
	_ =	strace $0x9FFFFFFF  }
0xca: {  	(tm) =	ssettm $0x7FFFFFFF  }
0xcb: {  	_ =	shalt  }
tec
execute0_lowered:
.L_overlay_start_1:
0x0: {  	(tag) =	ssettag $0x1  }
0x1: {  	s1 =	rddreg [dreg:$0x0]  }
0x2: {  	s0 =	rddreg [dreg:$0x1]  }
0x3: {  	s5 =	rddreg [dreg:$0x2]  }
0x4: {  	s6 =	rddreg [dreg:$0x3];
	s2 =	srdreg.scid  }
0x5: {  	s20 =	simm.s32 $0x0;
	s9 =	stileid.u32;
	s2 =	sand.u32 $0x1, s2  }
0x6: {  	[smem:$0x7FF] =	sst s20;
	s4 =	smul.u32 $0x16800, s9;
	s21 =	sadd.s32 $0x28600, s0  }
0x7: {  	s12 =	sadd.s32 $0x1200, s0;
	s3 =	smul.u32 $0x168000, s2;
	s7 =	sshll.u32 s2, $0x4  }
0x8: {  	_ =	strace $0x80000047;
	s2 =	ssub.s32 $0x2, s2;
	s8 =	sor.u32 s9, s7  }
0x9: {  	[dreg:$0x7] =	wrdreg s12;
	s23 =	sshrl.u32 s2, $0x1;
	s11 =	smul.u32 $0x2710, s8  }
0xa: {  	[dreg:$0x5] =	wrdreg s21;
	s8 =	smul.u32 $0x27100, s8;
	s2 =	ssub.s32 s2, s23  }
0xb: {  	s22 =	sadd.s32 $0x14C00, s0;
	s2 =	smax.u32 s2, $0x1;
	[dreg:$0x6] =	wrdreg s11  }
0xc: {  	s30 =	smul.u32 $0x5A000, s9;
	s8 =	sadd.s32 s21, s8;
	[dreg:$0x12] =	wrdreg s2  }
0xd: {  	s3 =	sadd.s32 s4, s3;
	s13 =	sadd.s32 $0x28, s11;
	[dreg:$0xb] =	wrdreg s8  }
0xe: {  	s10 =	sshrl.u32 s11, $0x3;
	s9 =	sadd.s32 $0x78, s11;
	[dreg:$0x9] =	wrdreg s13  }
0xf: {  	s3 =	sshrl.u32 s3, $0x3;
	s10 =	sadd.s32 s12, s10;
	[dreg:$0x10] =	wrdreg s9  }
0x10: {  	s0 =	sadd.s32 s3, s0;
	s8 =	sadd.s32 $0x50, s11;
	[dreg:$0x8] =	wrdreg s10  }
0x11: {  	s26 =	sadd.s32 $0x4E228, s11;
	s0 =	sadd.s32 $0x50A600, s0;
	[dreg:$0xf] =	wrdreg s8  }
0x12: {  	s25 =	sshrl.u32 s13, $0x3;
	s24 =	sadd.s32 $0x9C40, s10;
	[dreg:$0x11] =	wrdreg s0  }
0x13: {  	s29 =	sshll.u32 s13, $0x4;
	s3 =	sadd.s32 s12, s25;
	[dreg:$0xa] =	wrdreg s24  }
0x14: {  	s11 =	sadd.s32 s4, s6;
	s7 =	sadd.s32 s21, s29;
	[dreg:$0xc] =	wrdreg s3  }
0x15: {  	s10 =	sshrl.u32 s30, $0x2;
	s15 =	sshrl.u32 s11, $0x3;
	[dreg:$0xe] =	wrdreg s7  }
0x16: {  	s3 =	sshrl.u32 s26, $0x3;
	s0 =	sadd.s32 s10, s6;
	[dreg:$0x17] =	wrdreg s15  }
0x17: {  	s3 =	sadd.s32 s12, s3;
	[dreg:$0x13] =	wrdreg s0  }
0x18: {  	s12 =	sadd.s32 $0x1680, s0;
	[dreg:$0xd] =	wrdreg s3  }
0x19: {  	s13 =	sadd.s32 $0x2D00, s0;
	[dreg:$0x14] =	wrdreg s12  }
0x1a: {  	s14 =	sadd.s32 $0x4380, s0;
	[dreg:$0x15] =	wrdreg s13  }
0x1b: {  	s16 =	sadd.s32 $0x5A00, s0;
	[dreg:$0x16] =	wrdreg s14  }
0x1c: {  	s17 =	sadd.s32 $0x7080, s0;
	[dreg:$0x18] =	wrdreg s16  }
0x1d: {  	s18 =	sadd.s32 $0x8700, s0;
	[dreg:$0x19] =	wrdreg s17  }
0x1e: {  	s19 =	sadd.s32 $0x9D80, s0;
	[dreg:$0x1a] =	wrdreg s18  }
0x1f: {  	s21 =	sadd.s32 $0xB400, s0;
	[dreg:$0x1b] =	wrdreg s19  }
0x20: {  	s23 =	sadd.s32 $0xCA80, s0;
	[dreg:$0x1c] =	wrdreg s21  }
0x21: {  	s28 =	simm.s32 $0x2;
	s24 =	sadd.s32 $0xE100, s0;
	[dreg:$0x1d] =	wrdreg s23  }
0x22: {  	s31 =	simm.s32 $0x3;
	s25 =	sadd.s32 $0xF780, s0;
	[dreg:$0x1e] =	wrdreg s24  }
.Ltmp0:
0x23: {  	s26 =	sadd.s32 $0x10E00, s0;
	[dreg:$0x1f] =	wrdreg s25;
	(pc) =	sbr.rel .LBB2_1-.Ltmp0, $4  }
0x24: {  	s2 =	simm.s32 $0x0;
	s29 =	sadd.s32 $0x12480, s0;
	[smem:$0x7FA] =	sst s26  }
0x25: {  	v0 =	vimm.f32 $0.0e+00;
	vm0 =	vmmov $0x1;
	vm1 =	vcmask $0x320;
	s4 =	simm.s32 $0x28;
	s30 =	sadd.s32 $0x13B00, s0;
	[smem:$0x7FB] =	sst s29  }
0x26: {  	vm2 =	vcmask $0x720;
	vm3 =	vcmask $0xB20;
	vm4 =	vcmask $0xF20;
	s9 =	simm.s32 $0x78A0;
	s0 =	sadd.s32 $0x15180, s0;
	[smem:$0x7FC] =	sst s30  }
0x27: {  	vm5 =	vcmask $0x1320;
	vm6 =	vcmask $0x1720;
	vm7 =	vcmask $0x1B20;
	s7 =	simm.s32 $0x78;
	[smem:$0x7FD] =	sst s0;
	s24 =	simm.s32 $0x5  }
.LBB2_10:
0x28: {  	s0 =	simm.s32 $0x4  }
0x29: {  	_ =	swait.ge [sflag:s0], $0x1400  }
0x2a: {  	[sflag:s0] =	ssyncset.done $0x0  }
0x2b: {  	[sflag:s0] =	ssyncadd.s32 $0xFFFFEC00  }
0x2c: {  	s26 =	stileid.u32;
	[bflag:$0x0] =	sbarrier.arrive $0xFFFF  }
0x2d: {  	s0 =	sshll.u32 s26, $0x6;
	s1 =	rddreg [dreg:$0x11]  }
0x2e: {  	s0 =	sor.u32 $0x1C05, s0;
	s2 =	rddreg [dreg:$0x17]  }
0x2f: {  	[hbm:s1], [sflag:s0] =	dma.local [spmem:s2], $0x2D00  }
0x30: {  	_ =	swait.ge [sflag:s24], $0x2D00  }
0x31: {  	s29 =	sld [smem:$0x7F9];
	_ =	sdelay $0x2  }
0x32: {  	s30 =	rddreg [dreg:$0x12];
	s2 =	sadd.s32 $0x1, s29  }
0x33: {  	p0 =	sne.s32 s2, s30  }
.Ltmp1:
0x34: {  	_ = 	snop;
	(pc) =	sbr.rel @!p0 .LBB2_11-.Ltmp1, $4  }
0x35: {  	_ = 	snop  }
0x36: {  	[sflag:s24] =	ssyncset.done $0x0  }
0x37: {  	[sflag:s24] =	ssyncadd.s32 $0xFFFFD300  }
0x38: {  	s22 =	smov.u32 s25;
	v0 =	vimm.f32 $0.0e+00;
	s1 =	rddreg [dreg:$0x0]  }
.LBB2_1:
0x39: {  	s0 =	rddreg [dreg:$0x8]  }
0x3a: {  	[tilespmem:s20], [sflag:$0x1] =	stream.linear.gather [hbm4b:s0+s20], $0x28, $0x38;
	[tilespmem:$0x1F720] =	vst v63  }
0x3b: {  	s18 =	rddreg [dreg:$0xa];
	s19 =	simm.s32 $0x50  }
0x3c: {  	[tilespmem:s19], [sflag:$0x1] =	stream.linear.gather [hbm4b:s18+s20], $0x28, $0x38;
	[tilespmem:$0x1F720] =	vst v63  }
0x3d: {  	s21 =	rddreg [dreg:$0xb];
	s23 =	simm.s32 $0x3CA0  }
0x3e: {  	[tilespmem:s23], [sflag:$0x1] =	stream.linear.gather [hbm4b:s21+s20], $0x1400, $0x38;
	[tilespmem:$0x1F720] =	vst v63  }
0x3f: {  	s25 =	rddreg [dreg:$0xc]  }
0x40: {  	[tilespmem:s4], [sflag:$0x2] =	stream.linear.gather [hbm4b:s25+s20], $0x28, $0x38;
	[tilespmem:$0x1F720] =	vst v63  }
0x41: {  	s26 =	rddreg [dreg:$0xd]  }
0x42: {  	[tilespmem:s7], [sflag:$0x2] =	stream.linear.gather [hbm4b:s26+s20], $0x28, $0x38;
	[tilespmem:$0x1F720] =	vst v63  }
0x43: {  	s29 =	smul.u32 $0xE38F, s20;
	s30 =	rddreg [dreg:$0xe];
	s3 =	simm.s32 $0x50A0  }
0x44: {  	[tilespmem:s3], [sflag:$0x2] =	stream.linear.gather [hbm4b:s30+s20], $0x1400, $0x38;
	[tilespmem:$0x1F720] =	vst v63  }
0x45: {  	[smem:$0x7F9] =	sst s2;
	s3 =	sshrl.u32 s29, $0x13  }
0x46: {  	s2 =	simm.s32 $0x1;
	s8 =	simm.s32 $0x0;
	s10 =	smul.u32 $0x9, s3  }
.LBB2_2:
0x47: {  	s11 =	smul.u32 $0xE38F, s2  }
0x48: {  	s12 =	smov.u32 s2;
	s3 =	smul.u32 $0x240, s3;
	p0 =	sne.s32 s2, $0x167  }
.Ltmp2:
0x49: {  	s8 =	ssub.s32 s8, s10;
	(pc) =	sbr.rel @p0 .LBB2_2-.Ltmp2, $4  }
0x4a: {  	s2 =	sadd.s32 $0x1, s2;
	s8 =	sand.u32 $0xFFFF, s8  }
0x4b: {  	s10 =	sshrl.u32 s3, $0x2;
	s13 =	sshll.u32 s8, $0x4;
	s8 =	smov.u32 s12  }
0x4c: {  	s3 =	sshrl.u32 s11, $0x13;
	s11 =	sadd.s32 s13, s10  }
0x4d: {  	s10 =	smul.u32 $0x9, s3;
	[tilespmem:s11+$0x78A0] =	vst v0  }
0x4e: {  	_ = 	snop  }
0x4f: {  	s3 =	smul.u32 $0x240, s3;
	s2 =	ssub.s32 s8, s10  }
0x50: {  	s2 =	sand.u32 $0xFFFF, s2  }
0x51: {  	s3 =	sshrl.u32 s3, $0x2;
	s2 =	sshll.u32 s2, $0x4  }
0x52: {  	s2 =	sadd.s32 s2, s3  }
0x53: {  	s0 =	rddreg [dreg:$0x13];
	[tilespmem:s2+$0x78A0] =	vst v0  }
0x54: {  	[spmem:s0] =	stream.linear.scatter [tilespmem:s9], [sflag:$0x5], $0x1680, $0x38;
	[tilespmem:$0x1F720] =	vst v63  }
0x55: {  	_ =	swait.ge [sflag:s24], $0x1680  }
0x56: {  	[sflag:s24] =	ssyncset.done $0x0  }
0x57: {  	s2 =	rddreg [dreg:$0x14];
	[sflag:s24] =	ssyncadd.s32 $0xFFFFE980  }
0x58: {  	[spmem:s2] =	stream.linear.scatter [tilespmem:s9], [sflag:$0x5], $0x1680, $0x38;
	[tilespmem:$0x1F720] =	vst v63  }
0x59: {  	_ =	swait.ge [sflag:s24], $0x1680  }
0x5a: {  	[sflag:s24] =	ssyncset.done $0x0  }
0x5b: {  	s3 =	rddreg [dreg:$0x15];
	[sflag:s24] =	ssyncadd.s32 $0xFFFFE980  }
0x5c: {  	[spmem:s3] =	stream.linear.scatter [tilespmem:s9], [sflag:$0x5], $0x1680, $0x38;
	[tilespmem:$0x1F720] =	vst v63  }
0x5d: {  	_ =	swait.ge [sflag:s24], $0x1680  }
0x5e: {  	[sflag:s24] =	ssyncset.done $0x0  }
0x5f: {  	s8 =	rddreg [dreg:$0x16];
	[sflag:s24] =	ssyncadd.s32 $0xFFFFE980  }
0x60: {  	[spmem:s8] =	stream.linear.scatter [tilespmem:s9], [sflag:$0x5], $0x1680, $0x38;
	[tilespmem:$0x1F720] =	vst v63  }
0x61: {  	_ =	swait.ge [sflag:s24], $0x1680  }
0x62: {  	[sflag:s24] =	ssyncset.done $0x0  }
0x63: {  	s10 =	rddreg [dreg:$0x18];
	[sflag:s24] =	ssyncadd.s32 $0xFFFFE980  }
0x64: {  	[spmem:s10] =	stream.linear.scatter [tilespmem:s9], [sflag:$0x5], $0x1680, $0x38;
	[tilespmem:$0x1F720] =	vst v63  }
0x65: {  	_ =	swait.ge [sflag:s24], $0x1680  }
0x66: {  	[sflag:s24] =	ssyncset.done $0x0  }
0x67: {  	s11 =	rddreg [dreg:$0x19];
	[sflag:s24] =	ssyncadd.s32 $0xFFFFE980  }
0x68: {  	[spmem:s11] =	stream.linear.scatter [tilespmem:s9], [sflag:$0x5], $0x1680, $0x38;
	[tilespmem:$0x1F720] =	vst v63  }
0x69: {  	_ =	swait.ge [sflag:s24], $0x1680  }
0x6a: {  	[sflag:s24] =	ssyncset.done $0x0  }
0x6b: {  	s12 =	rddreg [dreg:$0x1a];
	[sflag:s24] =	ssyncadd.s32 $0xFFFFE980  }
0x6c: {  	[spmem:s12] =	stream.linear.scatter [tilespmem:s9], [sflag:$0x5], $0x1680, $0x38;
	[tilespmem:$0x1F720] =	vst v63  }
0x6d: {  	_ =	swait.ge [sflag:s24], $0x1680  }
0x6e: {  	[sflag:s24] =	ssyncset.done $0x0  }
0x6f: {  	s13 =	rddreg [dreg:$0x1b];
	[sflag:s24] =	ssyncadd.s32 $0xFFFFE980  }
0x70: {  	[spmem:s13] =	stream.linear.scatter [tilespmem:s9], [sflag:$0x5], $0x1680, $0x38;
	[tilespmem:$0x1F720] =	vst v63  }
0x71: {  	_ =	swait.ge [sflag:s24], $0x1680  }
0x72: {  	[sflag:s24] =	ssyncset.done $0x0  }
0x73: {  	s14 =	rddreg [dreg:$0x1c];
	[sflag:s24] =	ssyncadd.s32 $0xFFFFE980  }
0x74: {  	[spmem:s14] =	stream.linear.scatter [tilespmem:s9], [sflag:$0x5], $0x1680, $0x38;
	[tilespmem:$0x1F720] =	vst v63  }
0x75: {  	_ =	swait.ge [sflag:s24], $0x1680  }
0x76: {  	[sflag:s24] =	ssyncset.done $0x0  }
0x77: {  	s15 =	rddreg [dreg:$0x1d];
	[sflag:s24] =	ssyncadd.s32 $0xFFFFE980  }
0x78: {  	[spmem:s15] =	stream.linear.scatter [tilespmem:s9], [sflag:$0x5], $0x1680, $0x38;
	[tilespmem:$0x1F720] =	vst v63  }
0x79: {  	_ =	swait.ge [sflag:s24], $0x1680  }
0x7a: {  	[sflag:s24] =	ssyncset.done $0x0  }
0x7b: {  	s16 =	rddreg [dreg:$0x1e];
	[sflag:s24] =	ssyncadd.s32 $0xFFFFE980  }
0x7c: {  	[spmem:s16] =	stream.linear.scatter [tilespmem:s9], [sflag:$0x5], $0x1680, $0x38;
	[tilespmem:$0x1F720] =	vst v63  }
0x7d: {  	_ =	swait.ge [sflag:s24], $0x1680  }
0x7e: {  	[sflag:s24] =	ssyncset.done $0x0  }
0x7f: {  	s17 =	rddreg [dreg:$0x1f];
	[sflag:s24] =	ssyncadd.s32 $0xFFFFE980  }
0x80: {  	[spmem:s17] =	stream.linear.scatter [tilespmem:s9], [sflag:$0x5], $0x1680, $0x38;
	[tilespmem:$0x1F720] =	vst v63  }
0x81: {  	_ =	swait.ge [sflag:s24], $0x1680  }
0x82: {  	s18 =	sld [smem:$0x7FA]  }
0x83: {  	[sflag:s24] =	ssyncset.done $0x0  }
0x84: {  	[sflag:s24] =	ssyncadd.s32 $0xFFFFE980  }
0x85: {  	[spmem:s18] =	stream.linear.scatter [tilespmem:s9], [sflag:$0x5], $0x1680, $0x38;
	[tilespmem:$0x1F720] =	vst v63  }
0x86: {  	_ =	swait.ge [sflag:s24], $0x1680  }
0x87: {  	s19 =	sld [smem:$0x7FB]  }
0x88: {  	[sflag:s24] =	ssyncset.done $0x0  }
0x89: {  	[sflag:s24] =	ssyncadd.s32 $0xFFFFE980  }
0x8a: {  	[spmem:s19] =	stream.linear.scatter [tilespmem:s9], [sflag:$0x5], $0x1680, $0x38;
	[tilespmem:$0x1F720] =	vst v63  }
0x8b: {  	_ =	swait.ge [sflag:s24], $0x1680  }
0x8c: {  	s21 =	sld [smem:$0x7FC]  }
0x8d: {  	[sflag:s24] =	ssyncset.done $0x0  }
0x8e: {  	[sflag:s24] =	ssyncadd.s32 $0xFFFFE980  }
0x8f: {  	[spmem:s21] =	stream.linear.scatter [tilespmem:s9], [sflag:$0x5], $0x1680, $0x38;
	[tilespmem:$0x1F720] =	vst v63  }
0x90: {  	_ =	swait.ge [sflag:s24], $0x1680  }
0x91: {  	s23 =	sld [smem:$0x7FD]  }
0x92: {  	[sflag:s24] =	ssyncset.done $0x0  }
0x93: {  	[sflag:s24] =	ssyncadd.s32 $0xFFFFE980  }
0x94: {  	[spmem:s23] =	stream.linear.scatter [tilespmem:s9], [sflag:$0x5], $0x1680, $0x38;
	[tilespmem:$0x1F720] =	vst v63  }
0x95: {  	_ =	swait.ge [sflag:s24], $0x1680  }
0x96: {  	[sflag:s24] =	ssyncset.done $0x0  }
0x97: {  	[sflag:s24] =	ssyncadd.s32 $0xFFFFE980  }
0x98: {  	s25 =	simm.s32 $0x1;
	[bflag:$0x0] =	sbarrier.arrive $0xFFFF  }
0x99: {  	_ =	swait.ge [sflag:s25], $0x28  }
0x9a: {  	[sflag:s25] =	ssyncset.done $0x0  }
0x9b: {  	[sflag:s25] =	ssyncadd.s32 $0xFFFFFFD8  }
0x9c: {  	_ =	swait.ge [sflag:s25], $0x28  }
0x9d: {  	[sflag:s25] =	ssyncset.done $0x0  }
0x9e: {  	[sflag:s25] =	ssyncadd.s32 $0xFFFFFFD8  }
0x9f: {  	_ =	swait.ge [sflag:s25], $0x1400  }
0xa0: {  	[sflag:s25] =	ssyncset.done $0x0  }
0xa1: {  	s26 =	simm.s32 $0xA0;
	s13 =	simm.s32 $0x0;
	[sflag:s25] =	ssyncadd.s32 $0xFFFFEC00  }
0xa2: {  	[tilespmem:s26], [sflag:$0x3] =	stream.indirect.gather [hbm4b:s1+s4], $0x80, s13, s4, $0xb8;
	[tilespmem:$0x1F720] =	vst v63  }
0xa3: {  	s29 =	simm.s32 $0x50;
	s30 =	simm.s32 $0x28A0  }
0xa4: {  	[tilespmem:s30], [sflag:$0x3] =	stream.indirect.gather [hbm4b:s22+s4], $0x40, s29, s4, $0xb8;
	[tilespmem:$0x1F720] =	vst v63  }
.LBB2_4:
0xa5: {  	_ =	swait.ge [sflag:s28], $0x28  }
0xa6: {  	[sflag:s28] =	ssyncset.done $0x0  }
0xa7: {  	[sflag:s28] =	ssyncadd.s32 $0xFFFFFFD8  }
0xa8: {  	_ =	swait.ge [sflag:s28], $0x28  }
0xa9: {  	[sflag:s28] =	ssyncset.done $0x0  }
0xaa: {  	[sflag:s28] =	ssyncadd.s32 $0xFFFFFFD8  }
0xab: {  	_ =	swait.ge [sflag:s28], $0x1400  }
0xac: {  	[sflag:s28] =	ssyncset.done $0x0  }
0xad: {  	s0 =	simm.s32 $0x14A0;
	[sflag:s28] =	ssyncadd.s32 $0xFFFFEC00  }
0xae: {  	[tilespmem:s0], [sflag:$0x3] =	stream.indirect.gather [hbm4b:s1+s4], $0x80, s4, s4, $0xb8;
	[tilespmem:$0x1F720] =	vst v63  }
0xaf: {  	s14 =	simm.s32 $0x32A0  }
0xb0: {  	[tilespmem:s14], [sflag:$0x3] =	stream.indirect.gather [hbm4b:s22+s4], $0x40, s7, s4, $0xb8;
	[tilespmem:$0x1F720] =	vst v63  }
0xb1: {  	_ =	swait.ge [sflag:s31], $0x1400  }
0xb2: {  	[sflag:s31] =	ssyncset.done $0x0  }
0xb3: {  	[sflag:s31] =	ssyncadd.s32 $0xFFFFEC00  }
0xb4: {  	_ =	swait.ge [sflag:s31], $0xA00  }
0xb5: {  	p0 =	seq.s32 s13, $0x0;
	[sflag:s31] =	ssyncset.done $0x0  }
0xb6: {  	s2 =	simm.s32 @!p0 $0x4;
	[sflag:s31] =	ssyncadd.s32 $0xFFFFF600  }
0xb7: {  	_ =	swait.ge @!p0 [sflag:s2], $0x1400  }
0xb8: {  	[sflag:s2] =	ssyncset.done @!p0 $0x0  }
0xb9: {  	[sflag:s2] =	ssyncadd.s32 @!p0 $0xFFFFEC00;
	s2 =	simm.s32 $0x1A0  }
0xba: {  	s10 =	simm.s32 $0x2920;
	v1 =	vld [tilespmem:s2+$0x80]  }
0xbb: {  	v2 =	vld [tilespmem:s10+$0x40];
	_ =	sdelay $0x1  }
0xbc: {  	s21 =	simm.s32 $0x3DA0  }
0xbd: {  	v3 =	vld [tilespmem:s21+$0x80]  }
0xbe: {  	v4 =	vld [tilespmem:s21+$0x90]  }
0xbf: {  	v5 =	vunpack.i.l.bf16.f32 v1;
	v6 =	vunpack.i.l.bf16.f32 v2  }
0xc0: {  	v1 =	vunpack.i.u.bf16.f32 v1;
	v2 =	vunpack.i.u.bf16.f32 v2;
	v5 =	vmul.f32 v6, v5  }
0xc1: {  	v1 =	vmul.f32 v2, v1  }
0xc2: {  	v5 =	vmul.f32 v3, v5  }
0xc3: {  	v4 =	vmul.f32 v4, v1  }
0xc4: {  	(xrf2) =	vadd.scan.msk.f32 $0xffff, v5  }
0xc5: {  	(xrf2) =	vadd.scan.msk.f32 $0xffff, v4;
	_ =	sdelay $0x8  }
0xc6: {  	v1, _, _ =	vpop (xrf2)  }
0xc7: {  	(v2sf) =	vpush v1, $0xF;
	v1, _, _ =	vpop (xrf2)  }
0xc8: {  	(v2sf) =	vpush v1, $0xF;
	_ =	sdelay $0x8  }
0xc9: {  	v2 =	vld [tilespmem:s2+$0xFFFFFF00]  }
0xca: {  	v1 =	vld [tilespmem:s10+$0xFFFFFF80];
	_ =	sdelay $0x1  }
0xcb: {  	v10 =	vld [tilespmem:s2+$0xFFFFFF80]  }
0xcc: {  	v6 =	vld [tilespmem:s21+$0xFFFFFF10]  }
0xcd: {  	v3 =	vld [tilespmem:s21+$0xFFFFFF00];
	v8 =	vunpack.i.l.bf16.f32 v2;
	s3 =	spop (v2sf)  }
0xce: {  	v11 =	vld [tilespmem:s10+$0xFFFFFFC0];
	v2 =	vunpack.i.u.bf16.f32 v2;
	v7 =	vunpack.i.l.bf16.f32 v1;
	v1 =	vunpack.i.u.bf16.f32 v1;
	s3 =	smul.f32 $2.500000000e-01, s3;
	s8 =	spop (v2sf)  }
0xcf: {  	v1 =	vmul.f32 v1, v2;
	s8 =	smul.f32 $2.500000000e-01, s8  }
0xd0: {  	v7 =	vmul.f32 v7, v8;
	s3 =	smax.f32 s3, $-5.000000000e+00  }
0xd1: {  	v9 =	vmul.f32 v6, v1;
	v6 =	vld [tilespmem:s21+$0xFFFFFF80];
	s3 =	smin.f32 s3, $5.000000000e+00;
	s8 =	smax.f32 s8, $-5.000000000e+00  }
0xd2: {  	v12 =	vunpack.i.l.bf16.f32 v10;
	v8 =	vmul.f32 v3, v7;
	s8 =	smin.f32 s8, $5.000000000e+00;
	v2 =	vmov s3  }
0xd3: {  	v13 =	vunpack.i.l.bf16.f32 v11;
	v3 =	vld [tilespmem:s2+$0x0];
	v1 =	vmul.f32 $1.442695020e+00, v2;
	v2 =	vmov s8  }
0xd4: {  	v12 =	vmul.f32 v13, v12;
	v7 =	vld [tilespmem:s10+$0x0];
	(xrf2) =	vadd.scan.msk.f32 $0xffff, v8;
	v2 =	vmul.f32 $1.442695020e+00, v2  }
0xd5: {  	v14 =	vld [tilespmem:s21+$0xFFFFFF90];
	(xrf2) =	vadd.scan.msk.f32 $0xffff, v9;
	v1 =	vbroadcast v1, $0x0  }
0xd6: {  	v12 =	vmul.f32 v6, v12;
	v2 =	vbroadcast v2, $0x0  }
0xd7: {  	v15 =	vld [tilespmem:s21+$0x0];
	(erf) = vpow2.f32 v1;
	v1 =	vunpack.i.u.bf16.f32 v10;
	v10 =	vunpack.i.u.bf16.f32 v11  }
0xd8: {  	(erf) = vpow2.f32 v2;
	v1 =	vmul.f32 v10, v1;
	v2 =	vld [tilespmem:s2+$0xC0]  }
0xd9: {  	v6 =	vunpack.i.u.bf16.f32 v3;
	v11 =	vld [tilespmem:s21+$0x10];
	v10 =	vunpack.i.l.bf16.f32 v7;
	v7 =	vunpack.i.u.bf16.f32 v7  }
0xda: {  	v13 =	vmul.f32 v14, v1;
	v1 =	vmul.f32 v7, v6  }
0xdb: {  	v3 =	vunpack.i.l.bf16.f32 v3  }
0xdc: {  	(xrf2) =	vadd.scan.msk.f32 $0xffff, v12;
	v3 =	vmul.f32 v10, v3  }
0xdd: {  	v6 =	vunpack.i.l.bf16.f32 v2;
	v2 =	vunpack.i.u.bf16.f32 v2  }
0xde: {  	v3 =	vmul.f32 v15, v3;
	(xrf2) =	vadd.scan.msk.f32 $0xffff, v13;
	v7 =	vmul.f32 v11, v1;
	v1, _, _ =	vpop (xrf2)  }
0xdf: {  	v6 =	vadd.f32 v5, v6;
	(v2sf) =	vpush v1, $0xF;
	v1, _, _ =	vpop (xrf2)  }
0xe0: {  	s19 =	simm.s32 $0x65A0;
	(xrf2) =	vadd.scan.msk.f32 $0xffff, v3;
	v10 =	vadd.f32 v4, v2;
	(v2sf) =	vpush v1, $0xF;
	v2 =	vpop (erf)  }
0xe1: {  	[tilespmem:s19+$0x80] =	vst v5;
	(xrf2) =	vadd.scan.msk.f32 $0xffff, v7;
	v1 =	vpop (erf)  }
0xe2: {  	[tilespmem:s19+$0x90] =	vst v4;
	v5 =	vmul.f32 v2, v6;
	v4 =	vmul.f32 v1, v10  }
0xe3: {  	s14 =	simm.s32 $0x79C0  }
0xe4: {  	[tilespmem:s14+$0x90] =	vst v5  }
0xe5: {  	[tilespmem:s14+$0xA0] =	vst v4  }
0xe6: {  	v5 =	vld [tilespmem:s2+$0x90];
	v4, _, _ =	vpop (xrf2)  }
0xe7: {  	(v2sf) =	vpush v4, $0xF;
	v4 =	vld [tilespmem:s10+$0x50]  }
0xe8: {  	v6, _, _ =	vpop (xrf2)  }
0xe9: {  	(v2sf) =	vpush v6, $0xF  }
0xea: {  	v10 =	vld [tilespmem:s21+$0xA0];
	v6, _, _ =	vpop (xrf2)  }
0xeb: {  	v11 =	vld [tilespmem:s21+$0xB0];
	(v2sf) =	vpush v6, $0xF;
	v6, _, _ =	vpop (xrf2)  }
0xec: {  	(v2sf) =	vpush v6, $0xF;
	v6 =	vunpack.i.l.bf16.f32 v5;
	v14 =	vunpack.i.l.bf16.f32 v4  }
0xed: {  	v5 =	vunpack.i.u.bf16.f32 v5;
	v4 =	vunpack.i.u.bf16.f32 v4;
	v6 =	vmul.f32 v14, v6  }
0xee: {  	v5 =	vmul.f32 v4, v5;
	s15 =	spop (v2sf)  }
0xef: {  	v4 =	vmul.f32 v10, v6;
	s3 =	smul.f32 $2.500000000e-01, s15;
	s16 =	spop (v2sf)  }
0xf0: {  	v6 =	vmul.f32 v11, v5;
	s8 =	smul.f32 $2.500000000e-01, s16  }
0xf1: {  	(xrf2) =	vadd.scan.msk.f32 $0xffff, v4  }
0xf2: {  	s3 =	smax.f32 s3, $-5.000000000e+00;
	(xrf2) =	vadd.scan.msk.f32 $0xffff, v6;
	s8 =	smax.f32 s8, $-5.000000000e+00  }
0xf3: {  	s3 =	smin.f32 s3, $5.000000000e+00;
	s17 =	smin.f32 s8, $5.000000000e+00  }
0xf4: {  	v5 =	vmov s3;
	v10 =	vmov s17  }
0xf5: {  	v5 =	vmul.f32 $1.442695020e+00, v5;
	v10 =	vmul.f32 $1.442695020e+00, v10;
	_ =	sdelay $0x1  }
0xf6: {  	s18 =	spop (v2sf);
	v5 =	vbroadcast v5, $0x0;
	v10 =	vbroadcast v10, $0x0  }
0xf7: {  	s3 =	smul.f32 $2.500000000e-01, s18;
	s23 =	spop (v2sf)  }
0xf8: {  	s8 =	smul.f32 $2.500000000e-01, s23;
	(erf) = vpow2.f32 v5;
	v5 =	vld [tilespmem:s2+$0xFFFFFF40]  }
0xf9: {  	s11 =	spop (v2sf);
	s3 =	smax.f32 s3, $-5.000000000e+00  }
0xfa: {  	(erf) = vpow2.f32 v10;
	s11 =	smul.f32 $2.500000000e-01, s11;
	s3 =	smin.f32 s3, $5.000000000e+00;
	v10, _, _ =	vpop (xrf2)  }
0xfb: {  	s12 =	spop (v2sf);
	s8 =	smax.f32 s8, $-5.000000000e+00;
	v11 =	vmov s3;
	(v2sf) =	vpush v10, $0xF;
	v10, _, _ =	vpop (xrf2)  }
0xfc: {  	s25 =	smin.f32 s8, $5.000000000e+00;
	s29 =	smax.f32 s11, $-5.000000000e+00;
	(v2sf) =	vpush v10, $0xF;
	v10 =	vmul.f32 $1.442695020e+00, v11  }
0xfd: {  	s26 =	smul.f32 $2.500000000e-01, s12;
	s3 =	smin.f32 s29, $5.000000000e+00;
	v11 =	vmov s25;
	v14 =	vunpack.i.u.bf16.f32 v5;
	v15 =	vunpack.i.l.bf16.f32 v5  }
0xfe: {  	v11 =	vmul.f32 $1.442695020e+00, v11;
	v5 =	vbroadcast v10, $0x0;
	v10 =	vmov s3  }
0xff: {  	s8 =	smax.f32 s26, $-5.000000000e+00;
	v10 =	vmul.f32 $1.442695020e+00, v10  }
0x100: {  	s30 =	smin.f32 s8, $5.000000000e+00;
	v11 =	vbroadcast v11, $0x0  }
0x101: {  	v16 =	vmov s30;
	v15 =	vadd.f32 v8, v15;
	(erf) = vpow2.f32 v5  }
0x102: {  	v17 =	vld [tilespmem:s2+$0xFFFFFFC0];
	v14 =	vadd.f32 v9, v14;
	v16 =	vmul.f32 $1.442695020e+00, v16;
	(erf) = vpow2.f32 v11;
	v5 =	vpop (erf)  }
0x103: {  	[tilespmem:s19+$0xFFFFFF10] =	vst v9;
	v11 =	vbroadcast v10, $0x0;
	v10 =	vpop (erf);
	v9 =	vmul.f32 v5, v15  }
0x104: {  	[tilespmem:s19+$0xFFFFFF00] =	vst v8;
	v8 =	vbroadcast v16, $0x0;
	v14 =	vmul.f32 v10, v14  }
0x105: {  	(erf) = vpow2.f32 v11;
	[tilespmem:s14+$0xFFFFFEE0] =	vst v9  }
0x106: {  	(erf) = vpow2.f32 v8;
	v8 =	vld [tilespmem:s2+$0x40];
	[tilespmem:s14+$0xFFFFFEF0] =	vst v14  }
0x107: {  	v11 =	vunpack.i.l.bf16.f32 v17;
	v9 =	vld [tilespmem:s2+$0xFFFFFF10]  }
0x108: {  	v15 =	vld [tilespmem:s10+$0xFFFFFF90]  }
0x109: {  	v16 =	vadd.f32 v12, v11;
	v14 =	vunpack.i.u.bf16.f32 v17  }
0x10a: {  	v14 =	vadd.f32 v13, v14;
	v11 =	vpop (erf)  }
0x10b: {  	[tilespmem:s19+$0xFFFFFF80] =	vst v12;
	v18 =	vld [tilespmem:s21+$0xFFFFFF20];
	s0 =	spop (v2sf);
	v12 =	vpop (erf);
	v16 =	vmul.f32 v11, v16  }
0x10c: {  	[tilespmem:s19+$0xFFFFFF90] =	vst v13;
	s3 =	smul.f32 $2.500000000e-01, s0;
	s7 =	spop (v2sf);
	v13 =	vmul.f32 v12, v14  }
0x10d: {  	v17 =	vunpack.i.l.bf16.f32 v8;
	s8 =	smul.f32 $2.500000000e-01, s7;
	[tilespmem:s14+$0xFFFFFF70] =	vst v16;
	v16 =	vunpack.i.l.bf16.f32 v9;
	v19 =	vunpack.i.l.bf16.f32 v15  }
0x10e: {  	v8 =	vunpack.i.u.bf16.f32 v8;
	v17 =	vadd.f32 v3, v17;
	s3 =	smax.f32 s3, $-5.000000000e+00;
	v16 =	vmul.f32 v19, v16  }
0x10f: {  	[tilespmem:s19+$0x0] =	vst v3;
	v8 =	vadd.f32 v7, v8;
	v14 =	vpop (erf);
	s3 =	smin.f32 s3, $5.000000000e+00;
	s8 =	smax.f32 s8, $-5.000000000e+00  }
0x110: {  	v3 =	vld [tilespmem:s21+$0xFFFFFF30];
	[tilespmem:s14+$0xFFFFFF80] =	vst v13;
	v17 =	vmul.f32 v14, v17;
	v13 =	vpop (erf);
	s8 =	smin.f32 s8, $5.000000000e+00;
	v19 =	vmov s3;
	v16 =	vmul.f32 v18, v16  }
0x111: {  	[tilespmem:s19+$0x10] =	vst v7;
	v7 =	vld [tilespmem:s2+$0xFFFFFF90];
	v8 =	vmul.f32 v13, v8;
	v18 =	vmul.f32 $1.442695020e+00, v19;
	v19 =	vmov s8  }
0x112: {  	[tilespmem:s14+$0x0] =	vst v17;
	v17 =	vld [tilespmem:s10+$0xFFFFFFD0];
	v19 =	vmul.f32 $1.442695020e+00, v19  }
0x113: {  	v9 =	vunpack.i.u.bf16.f32 v9;
	v20 =	vld [tilespmem:s21+$0xFFFFFFA0];
	[tilespmem:s14+$0x10] =	vst v8;
	v8 =	vunpack.i.u.bf16.f32 v15;
	v15 =	vbroadcast v18, $0x0  }
0x114: {  	v22 =	vld [tilespmem:s2+$0x10];
	v8 =	vmul.f32 v8, v9;
	v9 =	vbroadcast v19, $0x0  }
0x115: {  	v19 =	vld [tilespmem:s10+$0x10];
	(erf) = vpow2.f32 v15  }
0x116: {  	(xrf2) =	vadd.scan.msk.f32 $0xffff, v16;
	v15 =	vld [tilespmem:s21+$0xFFFFFFB0];
	v18 =	vmul.f32 v3, v8;
	(erf) = vpow2.f32 v9  }
0x117: {  	v3 =	vunpack.i.l.bf16.f32 v7;
	v8 =	vunpack.i.l.bf16.f32 v17;
	v9 =	vld [tilespmem:s2+$0xD0]  }
0x118: {  	v7 =	vunpack.i.u.bf16.f32 v7;
	v17 =	vunpack.i.u.bf16.f32 v17;
	v3 =	vmul.f32 v8, v3;
	(xrf2) =	vadd.scan.msk.f32 $0xffff, v18  }
0x119: {  	v7 =	vmul.f32 v17, v7  }
0x11a: {  	v8 =	vld [tilespmem:s21+$0x20];
	v21 =	vmul.f32 v20, v3  }
0x11b: {  	v20 =	vld [tilespmem:s21+$0x30];
	v3 =	vunpack.i.u.bf16.f32 v22;
	v17 =	vunpack.i.l.bf16.f32 v22;
	v15 =	vmul.f32 v15, v7  }
0x11c: {  	v7 =	vunpack.i.u.bf16.f32 v19;
	v19 =	vunpack.i.l.bf16.f32 v19;
	(xrf2) =	vadd.scan.msk.f32 $0xffff, v21;
	v22 =	vunpack.i.l.bf16.f32 v9  }
0x11d: {  	v17 =	vmul.f32 v19, v17;
	v9 =	vunpack.i.u.bf16.f32 v9;
	(xrf2) =	vadd.scan.msk.f32 $0xffff, v15;
	v22 =	vadd.f32 v4, v22  }
0x11e: {  	v7 =	vmul.f32 v7, v3;
	v23 =	vadd.f32 v6, v9;
	v3 =	vpop (erf)  }
0x11f: {  	[tilespmem:s19+$0xA0] =	vst v4;
	v17 =	vmul.f32 v8, v17;
	v8 =	vmul.f32 v3, v22;
	v4 =	vpop (erf)  }
0x120: {  	[tilespmem:s19+$0xB0] =	vst v6;
	v19, _, _ =	vpop (xrf2);
	v9 =	vmul.f32 v20, v7;
	v6 =	vmul.f32 v4, v23  }
0x121: {  	(v2sf) =	vpush v19, $0xF;
	(xrf2) =	vadd.scan.msk.f32 $0xffff, v17;
	[tilespmem:s14+$0xB0] =	vst v8  }
0x122: {  	v7, _, _ =	vpop (xrf2);
	(xrf2) =	vadd.scan.msk.f32 $0xffff, v9;
	[tilespmem:s14+$0xC0] =	vst v6  }
0x123: {  	(v2sf) =	vpush v7, $0xF;
	v7 =	vld [tilespmem:s10+$0x60];
	_ =	sdelay $0x1  }
0x124: {  	v6 =	vld [tilespmem:s2+$0xA0]  }
0x125: {  	v8, _, _ =	vpop (xrf2)  }
0x126: {  	(v2sf) =	vpush v8, $0xF;
	v8, _, _ =	vpop (xrf2)  }
0x127: {  	v19 =	vld [tilespmem:s21+$0xC0];
	(v2sf) =	vpush v8, $0xF;
	v22 =	vunpack.i.l.bf16.f32 v7  }
0x128: {  	v20 =	vld [tilespmem:s21+$0xD0];
	v7 =	vunpack.i.u.bf16.f32 v7  }
0x129: {  	v8 =	vunpack.i.l.bf16.f32 v6  }
0x12a: {  	v6 =	vunpack.i.u.bf16.f32 v6;
	v8 =	vmul.f32 v22, v8;
	v22, _, _ =	vpop (xrf2)  }
0x12b: {  	v6 =	vmul.f32 v7, v6;
	(v2sf) =	vpush v22, $0xF;
	v7, _, _ =	vpop (xrf2)  }
0x12c: {  	v8 =	vmul.f32 v19, v8;
	(v2sf) =	vpush v7, $0xF  }
0x12d: {  	v7 =	vmul.f32 v20, v6  }
0x12e: {  	(xrf2) =	vadd.scan.msk.f32 $0xffff, v8  }
0x12f: {  	s18 =	simm.s32 $0x2A20;
	s8 =	spop (v2sf);
	(xrf2) =	vadd.scan.msk.f32 $0xffff, v7  }
0x130: {  	s29 =	simm.s32 $0x3A0;
	v19 =	vld [tilespmem:s18+$0x40];
	s3 =	smul.f32 $2.500000000e-01, s8  }
0x131: {  	v6 =	vld [tilespmem:s29+$0x80];
	s11 =	spop (v2sf)  }
0x132: {  	v20 =	vld [tilespmem:s2+$0xFFFFFF50];
	s3 =	smax.f32 s3, $-5.000000000e+00;
	s8 =	smul.f32 $2.500000000e-01, s11  }
0x133: {  	s3 =	smin.f32 s3, $5.000000000e+00  }
0x134: {  	v22 =	vmov s3;
	s12 =	smax.f32 s8, $-5.000000000e+00  }
0x135: {  	s30 =	simm.s32 $0x3FA0;
	v22 =	vmul.f32 $1.442695020e+00, v22;
	s15 =	spop (v2sf);
	s3 =	smin.f32 s12, $5.000000000e+00  }
0x136: {  	v23 =	vld [tilespmem:s30+$0x80];
	v26 =	vunpack.i.l.bf16.f32 v19;
	v19 =	vunpack.i.u.bf16.f32 v19;
	v25 =	vunpack.i.l.bf16.f32 v6;
	s8 =	smul.f32 $2.500000000e-01, s15;
	s16 =	spop (v2sf)  }
0x137: {  	v27 =	vld [tilespmem:s30+$0x90];
	v29 =	vunpack.i.u.bf16.f32 v20;
	v22 =	vbroadcast v22, $0x0;
	v24 =	vmov s3;
	s3 =	smul.f32 $2.500000000e-01, s16  }
0x138: {  	v6 =	vunpack.i.u.bf16.f32 v6;
	v25 =	vmul.f32 v26, v25;
	v26 =	vld [tilespmem:s18+$0xFFFFFF80];
	v30, _, _ =	vpop (xrf2);
	v24 =	vmul.f32 $1.442695020e+00, v24;
	s8 =	smax.f32 s8, $-5.000000000e+00  }
0x139: {  	v19 =	vmul.f32 v19, v6;
	(erf) = vpow2.f32 v22;
	v22 =	vld [tilespmem:s29+$0xFFFFFF00];
	(v2sf) =	vpush v30, $0xF;
	v30, _, _ =	vpop (xrf2);
	s8 =	smin.f32 s8, $5.000000000e+00;
	s3 =	smax.f32 s3, $-5.000000000e+00  }
0x13a: {  	(v2sf) =	vpush v30, $0xF;
	v30 =	vbroadcast v24, $0x0;
	v24 =	vmov s8;
	s3 =	smin.f32 s3, $5.000000000e+00;
	s17 =	spop (v2sf)  }
0x13b: {  	v53 =	vld [tilespmem:s18+$0xFFFFFFC0];
	v6 =	vmul.f32 v23, v25;
	v23 =	vmul.f32 $1.442695020e+00, v24;
	v25 =	vmov s3;
	s23 =	spop (v2sf)  }
0x13c: {  	v24 =	vmul.f32 v27, v19;
	v19 =	vunpack.i.l.bf16.f32 v20;
	v20 =	vmul.f32 $1.442695020e+00, v25;
	v25 =	vld [tilespmem:s30+$0xFFFFFF00];
	s3 =	smul.f32 $2.500000000e-01, s23  }
0x13d: {  	v31 =	vld [tilespmem:s2+$0x50];
	(xrf2) =	vadd.scan.msk.f32 $0xffff, v6;
	v32 =	vunpack.i.l.bf16.f32 v26;
	s8 =	smul.f32 $2.500000000e-01, s17;
	v23 =	vbroadcast v23, $0x0  }
0x13e: {  	(erf) = vpow2.f32 v30;
	v33 =	vunpack.i.l.bf16.f32 v22;
	(xrf2) =	vadd.scan.msk.f32 $0xffff, v24;
	v20 =	vbroadcast v20, $0x0;
	s3 =	smax.f32 s3, $-5.000000000e+00  }
0x13f: {  	s8 =	smax.f32 s8, $-5.000000000e+00;
	(erf) = vpow2.f32 v23;
	v23 =	vmul.f32 v32, v33;
	s3 =	smin.f32 s3, $5.000000000e+00  }
0x140: {  	s8 =	smin.f32 s8, $5.000000000e+00;
	(erf) = vpow2.f32 v20;
	v52 =	vmov s3  }
0x141: {  	v30 =	vld [tilespmem:s29+$0xFFFFFF80];
	v34 =	vmov s8;
	v20 =	vmul.f32 v25, v23;
	v25 =	vmul.f32 $1.442695020e+00, v52  }
0x142: {  	v55 =	vunpack.i.l.bf16.f32 v53;
	v35 =	vld [tilespmem:s30+$0xFFFFFF10];
	v54 =	vunpack.i.u.bf16.f32 v31;
	v51 =	vmul.f32 $1.442695020e+00, v34  }
0x143: {  	v31 =	vunpack.i.l.bf16.f32 v31;
	v26 =	vunpack.i.u.bf16.f32 v26;
	v25 =	vbroadcast v25, $0x0  }
0x144: {  	v28 =	vld [tilespmem:s2+$0xFFFFFFD0];
	v19 =	vadd.f32 v16, v19;
	v22 =	vunpack.i.u.bf16.f32 v22;
	v32 =	vbroadcast v51, $0x0  }
0x145: {  	v57 =	vunpack.i.u.bf16.f32 v53;
	v36 =	vld [tilespmem:s30+$0xFFFFFF80];
	[tilespmem:s19+$0xFFFFFFA0] =	vst v21;
	v31 =	vadd.f32 v17, v31;
	v22 =	vmul.f32 v26, v22;
	v23 =	vpop (erf)  }
0x146: {  	v56 =	vld [tilespmem:s30+$0xFFFFFF90];
	[tilespmem:s19+$0xFFFFFF20] =	vst v16;
	v16 =	vunpack.i.u.bf16.f32 v30;
	v26 =	vmul.f32 v23, v19;
	(erf) = vpow2.f32 v32  }
0x147: {  	[tilespmem:s19+$0xFFFFFFB0] =	vst v15;
	v19 =	vmul.f32 v35, v22;
	v22 =	vunpack.i.l.bf16.f32 v30;
	v30 =	vld [tilespmem:s18+$0x0];
	(erf) = vpow2.f32 v25;
	v25, _, _ =	vpop (xrf2)  }
0x148: {  	v37 =	vld [tilespmem:s29+$0x0];
	[tilespmem:s19+$0xFFFFFF30] =	vst v18;
	v29 =	vadd.f32 v18, v29;
	v22 =	vmul.f32 v55, v22;
	s25 =	spop (v2sf);
	(v2sf) =	vpush v25, $0xF;
	v58, _, _ =	vpop (xrf2)  }
0x149: {  	v27 =	vunpack.i.u.bf16.f32 v28;
	v28 =	vunpack.i.l.bf16.f32 v28;
	v16 =	vmul.f32 v57, v16;
	(xrf2) =	vadd.scan.msk.f32 $0xffff, v20;
	s3 =	smul.f32 $2.500000000e-01, s25;
	v25 =	vpop (erf);
	s26 =	spop (v2sf)  }
0x14a: {  	(xrf2) =	vadd.scan.msk.f32 $0xffff, v19;
	v18 =	vmul.f32 v36, v22;
	(v2sf) =	vpush v58, $0xF;
	v29 =	vmul.f32 v25, v29;
	s8 =	smul.f32 $2.500000000e-01, s26  }
0x14b: {  	v21 =	vadd.f32 v21, v28;
	v28 =	vadd.f32 v15, v27;
	[tilespmem:s14+$0xFFFFFF00] =	vst v26;
	v22 =	vmul.f32 v56, v16;
	s3 =	smax.f32 s3, $-5.000000000e+00  }
0x14c: {  	(xrf2) =	vadd.scan.msk.f32 $0xffff, v18;
	v59 =	vunpack.i.u.bf16.f32 v30;
	v15 =	vunpack.i.l.bf16.f32 v30;
	v27 =	vpop (erf);
	s3 =	smin.f32 s3, $5.000000000e+00;
	[tilespmem:s14+$0xFFFFFF10] =	vst v29;
	s8 =	smax.f32 s8, $-5.000000000e+00  }
0x14d: {  	v16 =	vmul.f32 v27, v21;
	v29 =	vunpack.i.l.bf16.f32 v37;
	v61 =	vmov s3;
	v60 =	vld [tilespmem:s2+$0xFFFFFF20];
	s8 =	smin.f32 s8, $5.000000000e+00  }
0x14e: {  	[tilespmem:s19+$0x20] =	vst v17;
	v26 =	vpop (erf);
	v35 =	vmul.f32 $1.442695020e+00, v61;
	v15 =	vmul.f32 v15, v29;
	v29 =	vld [tilespmem:s30+$0x0];
	v63 =	vmov s8  }
0x14f: {  	(xrf2) =	vadd.scan.msk.f32 $0xffff, v22;
	v21 =	vmul.f32 v26, v28;
	v28 =	vunpack.i.u.bf16.f32 v37;
	v62 =	vld [tilespmem:s10+$0xFFFFFFA0];
	v37 =	vmul.f32 $1.442695020e+00, v63  }
0x150: {  	v33 =	vadd.f32 v9, v54;
	[tilespmem:s14+$0xFFFFFF90] =	vst v16;
	v28 =	vmul.f32 v59, v28;
	v30 =	vpop (erf);
	v40 =	vbroadcast v35, $0x0  }
0x151: {  	v16 =	vld [tilespmem:s30+$0x10];
	[tilespmem:s14+$0xFFFFFFA0] =	vst v21;
	v17 =	vpop (erf);
	v21 =	vmul.f32 v30, v31;
	v41 =	vbroadcast v37, $0x0  }
0x152: {  	[tilespmem:s19+$0x30] =	vst v9;
	v31 =	vld [tilespmem:s21+$0xFFFFFF40];
	v9 =	vmul.f32 v17, v33;
	(erf) = vpow2.f32 v40  }
0x153: {  	v38, _, _ =	vpop (xrf2);
	[tilespmem:s14+$0x20] =	vst v21;
	v21 =	vmul.f32 v29, v15;
	v15 =	vld [tilespmem:s2+$0xE0];
	(erf) = vpow2.f32 v41  }
0x154: {  	(v2sf) =	vpush v38, $0xF;
	v42, _, _ =	vpop (xrf2);
	v45 =	vunpack.i.l.bf16.f32 v60;
	v46 =	vunpack.i.l.bf16.f32 v62  }
0x155: {  	(v2sf) =	vpush v42, $0xF;
	[tilespmem:s14+$0x30] =	vst v9;
	v9 =	vmul.f32 v46, v45  }
0x156: {  	v29 =	vmul.f32 v16, v28;
	v16 =	vld [tilespmem:s2+$0x20];
	v28, _, _ =	vpop (xrf2)  }
0x157: {  	(xrf2) =	vadd.scan.msk.f32 $0xffff, v21;
	(v2sf) =	vpush v28, $0xF;
	v28 =	vmul.f32 v31, v9;
	s0 =	spop (v2sf)  }
0x158: {  	v43 =	vld [tilespmem:s2+$0xFFFFFFA0];
	(xrf2) =	vadd.scan.msk.f32 $0xffff, v29;
	v51 =	vunpack.i.l.bf16.f32 v15;
	v15 =	vunpack.i.u.bf16.f32 v15;
	s3 =	smul.f32 $2.500000000e-01, s0  }
0x159: {  	v44 =	vld [tilespmem:s10+$0xFFFFFFE0];
	v47, _, _ =	vpop (xrf2);
	v9 =	vunpack.i.u.bf16.f32 v60;
	(xrf2) =	vadd.scan.msk.f32 $0xffff, v28;
	s7 =	spop (v2sf)  }
0x15a: {  	v31 =	vunpack.i.u.bf16.f32 v62;
	(v2sf) =	vpush v47, $0xF;
	v37 =	vadd.f32 v8, v51;
	s8 =	smul.f32 $2.500000000e-01, s7;
	s3 =	smax.f32 s3, $-5.000000000e+00  }
0x15b: {  	v9 =	vmul.f32 v31, v9;
	v52 =	vunpack.i.u.bf16.f32 v16;
	v31 =	vadd.f32 v7, v15;
	v15 =	vpop (erf);
	s3 =	smin.f32 s3, $5.000000000e+00  }
0x15c: {  	v39 =	vld [tilespmem:s21+$0xFFFFFF50];
	[tilespmem:s19+$0xC0] =	vst v8;
	v40 =	vunpack.i.l.bf16.f32 v16;
	v8 =	vmul.f32 v15, v37;
	s8 =	smax.f32 s8, $-5.000000000e+00;
	v16 =	vpop (erf);
	v53 =	vmov s3  }
0x15d: {  	[tilespmem:s19+$0xD0] =	vst v7;
	v49 =	vld [tilespmem:s10+$0x20];
	v48 =	vunpack.i.u.bf16.f32 v43;
	s8 =	smin.f32 s8, $5.000000000e+00;
	v7 =	vmul.f32 v16, v31;
	v31 =	vmul.f32 $1.442695020e+00, v53  }
0x15e: {  	v36 =	vld [tilespmem:s2+$0xFFFFFF60];
	v33 =	vunpack.i.l.bf16.f32 v43;
	v50 =	vunpack.i.u.bf16.f32 v44;
	[tilespmem:s14+$0xD0] =	vst v8;
	v55 =	vmov s8  }
0x15f: {  	v41 =	vld [tilespmem:s21+$0xFFFFFFC0];
	v32 =	vunpack.i.l.bf16.f32 v44;
	v8 =	vmul.f32 $1.442695020e+00, v55;
	[tilespmem:s14+$0xE0] =	vst v7;
	v7 =	vbroadcast v31, $0x0  }
0x160: {  	v54 =	vld [tilespmem:s21+$0xFFFFFFD0];
	v32 =	vmul.f32 v32, v33;
	v35 =	vmul.f32 v50, v48  }
0x161: {  	v42 =	vld [tilespmem:s21+$0x40];
	v58, _, _ =	vpop (xrf2);
	v8 =	vbroadcast v8, $0x0;
	(erf) = vpow2.f32 v7  }
0x162: {  	v44 =	vld [tilespmem:s21+$0x50];
	v43 =	vunpack.i.l.bf16.f32 v49;
	(v2sf) =	vpush v58, $0xF;
	v31 =	vmul.f32 v39, v9;
	v9, _, _ =	vpop (xrf2)  }
0x163: {  	v56 =	vunpack.i.u.bf16.f32 v49;
	v37 =	vld [tilespmem:s2+$0xFFFFFFE0];
	s11 =	spop (v2sf);
	(v2sf) =	vpush v9, $0xF;
	(erf) = vpow2.f32 v8;
	v7, _, _ =	vpop (xrf2)  }
0x164: {  	v32 =	vmul.f32 v41, v32;
	v57 =	vmul.f32 v43, v40;
	s3 =	smul.f32 $2.500000000e-01, s11;
	s12 =	spop (v2sf);
	(v2sf) =	vpush v7, $0xF;
	v7 =	vld [tilespmem:s29+$0xC0]  }
0x165: {  	v33 =	vmul.f32 v54, v35;
	[tilespmem:s19+$0xFFFFFF40] =	vst v28;
	v38 =	vmul.f32 v56, v52;
	v59 =	vld [tilespmem:s2+$0xB0]  }
0x166: {  	v34 =	vmul.f32 v42, v57;
	[tilespmem:s19+$0xFFFFFFC0] =	vst v32;
	v60 =	vld [tilespmem:s10+$0x70];
	s3 =	smax.f32 s3, $-5.000000000e+00  }
0x167: {  	v35 =	vmul.f32 v44, v38;
	[tilespmem:s19+$0xFFFFFFD0] =	vst v33;
	s3 =	smin.f32 s3, $5.000000000e+00;
	s8 =	smul.f32 $2.500000000e-01, s12;
	(xrf2) =	vadd.scan.msk.f32 $0xffff, v31  }
0x168: {  	v2 =	vnsel vm0, $0x0, v2;
	v48 =	vld [tilespmem:s2+$0x60];
	[tilespmem:s19+$0x40] =	vst v34;
	v8 =	vmov s3;
	(xrf2) =	vadd.scan.msk.f32 $0xffff, v32  }
0x169: {  	[tilespmem:s19+$0x50] =	vst v35;
	s15 =	smax.f32 s8, $-5.000000000e+00;
	v8 =	vmul.f32 $1.442695020e+00, v8;
	(xrf2) =	vadd.scan.msk.f32 $0xffff, v33;
	v51 =	vunpack.i.l.bf16.f32 v7  }
0x16a: {  	v9 =	vld [tilespmem:s21+$0xE0];
	[tilespmem:s19+$0xFFFFFF50] =	vst v31;
	s16 =	spop (v2sf);
	s3 =	smin.f32 s15, $5.000000000e+00;
	v61 =	vunpack.i.l.bf16.f32 v59;
	(xrf2) =	vadd.scan.msk.f32 $0xffff, v34;
	v40 =	vadd.f32 v6, v51;
	v0 =	vpop (erf)  }
0x16b: {  	v50 =	vld [tilespmem:s21+$0xF0];
	s8 =	smul.f32 $2.500000000e-01, s16;
	s17 =	spop (v2sf);
	s16 =	simm.s32 $0x67A0;
	v62 =	vunpack.i.l.bf16.f32 v60;
	v63 =	vbroadcast v8, $0x0;
	v7 =	vunpack.i.u.bf16.f32 v7;
	[tilespmem:$0x1FFE0] =	vst v0  }
0x16c: {  	v8 =	vmov s3;
	s3 =	smul.f32 $2.500000000e-01, s17;
	v45 =	vadd.f32 v24, v7;
	[tilespmem:s16+$0x80] =	vst v6;
	v40 =	vmul.f32 v0, v40;
	v0 =	vpop (erf)  }
0x16d: {  	v1 =	vsel vm1, v2, v1;
	s15 =	simm.s32 $0x7C00;
	v39 =	vunpack.i.u.bf16.f32 v60;
	v41 =	vmul.f32 v62, v61;
	s8 =	smax.f32 s8, $-5.000000000e+00;
	[tilespmem:$0x1FFF0] =	vst v0  }
0x16e: {  	v49 =	vmul.f32 $1.442695020e+00, v8;
	v8 =	vunpack.i.u.bf16.f32 v59;
	s8 =	smin.f32 s8, $5.000000000e+00;
	s3 =	smax.f32 s3, $-5.000000000e+00;
	[tilespmem:s16+$0x90] =	vst v24;
	v24 =	vmul.f32 v0, v45  }
0x16f: {  	v9 =	vmul.f32 v9, v41;
	v52 =	vmov s8;
	v39 =	vmul.f32 v39, v8;
	s3 =	smin.f32 s3, $5.000000000e+00;
	[tilespmem:s15+$0x90] =	vst v40  }
0x170: {  	(erf) = vpow2.f32 v63;
	v41 =	vmul.f32 $1.442695020e+00, v52;
	v46 =	vmov s3;
	v53 =	vld [tilespmem:s29+$0xFFFFFF40];
	[tilespmem:s15+$0xA0] =	vst v24  }
0x171: {  	v5 =	vnsel vm0, $0x0, v5;
	v42 =	vbroadcast v49, $0x0;
	v54 =	vmul.f32 $1.442695020e+00, v46;
	v47, _, _ =	vpop (xrf2);
	v57 =	vld [tilespmem:s29+$0x90]  }
0x172: {  	v8 =	vmul.f32 v50, v39;
	(xrf2) =	vadd.scan.msk.f32 $0xffff, v9;
	v41 =	vbroadcast v41, $0x0;
	(v2sf) =	vpush v47, $0xF;
	v56, _, _ =	vpop (xrf2);
	v58 =	vld [tilespmem:s18+$0x50]  }
0x173: {  	(erf) = vpow2.f32 v42;
	v39 =	vbroadcast v54, $0x0;
	(v2sf) =	vpush v56, $0xF;
	s23 =	spop (v2sf);
	v55 =	vld [tilespmem:s29+$0x40];
	[tilespmem:s16+$0xFFFFFF00] =	vst v20;
	v24, _, _ =	vpop (xrf2)  }
0x174: {  	v11 =	vnsel vm0, $0x0, v11;
	(erf) = vpow2.f32 v41;
	[tilespmem:s16+$0xFFFFFF10] =	vst v19;
	v59 =	vld [tilespmem:s29+$0xFFFFFFC0];
	s25 =	spop (v2sf);
	(v2sf) =	vpush v24, $0xF;
	v24, _, _ =	vpop (xrf2)  }
0x175: {  	(xrf2) =	vadd.scan.msk.f32 $0xffff, v8;
	[tilespmem:s16+$0x10] =	vst v29;
	(erf) = vpow2.f32 v39;
	s26 =	spop (v2sf);
	(v2sf) =	vpush v24, $0xF;
	v24 =	vld [tilespmem:s30+$0xA0]  }
0x176: {  	v5 =	vsel vm1, v5, v10;
	v11 =	vsel vm1, v11, v12;
	v10 =	vnsel vm0, $0x0, v14;
	v39 =	vld [tilespmem:s30+$0xB0]  }
0x177: {  	v13 =	vsel vm1, v10, v13;
	s3 =	smul.f32 $2.500000000e-01, s23;
	v12 =	vunpack.i.l.bf16.f32 v57;
	v14 =	vunpack.i.l.bf16.f32 v58  }
0x178: {  	s8 =	smul.f32 $2.500000000e-01, s25;
	(xrf2) =	vadd.scan.msk.f32 $0xffff, v35;
	v42 =	vunpack.i.u.bf16.f32 v58;
	v12 =	vmul.f32 v14, v12;
	v14 =	vunpack.i.u.bf16.f32 v57  }
0x179: {  	v1 =	vsel vm2, v1, v3;
	v5 =	vsel vm2, v5, v23;
	s3 =	smax.f32 s3, $-5.000000000e+00;
	v14 =	vmul.f32 v42, v14  }
0x17a: {  	v1 =	vsel vm3, v1, v4;
	v10 =	vsel vm3, v5, v25;
	s3 =	smin.f32 s3, $5.000000000e+00;
	s8 =	smax.f32 s8, $-5.000000000e+00;
	v12 =	vmul.f32 v24, v12  }
0x17b: {  	v5 =	vsel vm2, v11, v27;
	v25 =	vmov s3;
	s0 =	smin.f32 s8, $5.000000000e+00;
	v24 =	vmul.f32 v39, v14  }
0x17c: {  	v5 =	vsel vm3, v5, v26;
	v25 =	vmul.f32 $1.442695020e+00, v25;
	v27 =	vmov s0;
	(xrf2) =	vadd.scan.msk.f32 $0xffff, v12  }
0x17d: {  	v13 =	vsel vm2, v13, v30;
	v1 =	vsel vm4, v1, v15;
	v11 =	vunpack.i.l.bf16.f32 v53;
	v26, _, _ =	vpop (xrf2);
	(xrf2) =	vadd.scan.msk.f32 $0xffff, v24  }
0x17e: {  	v25 =	vbroadcast v25, $0x0;
	v60 =	vpop (erf);
	(v2sf) =	vpush v26, $0xF;
	v14 =	vunpack.i.u.bf16.f32 v53  }
0x17f: {  	v26 =	vmul.f32 $1.442695020e+00, v27;
	v27, _, _ =	vpop (xrf2);
	v14 =	vadd.f32 v19, v14;
	v19 =	vunpack.i.u.bf16.f32 v55  }
0x180: {  	v23 =	vunpack.i.l.bf16.f32 v59;
	(v2sf) =	vpush v27, $0xF;
	v19 =	vadd.f32 v29, v19;
	v29 =	vpop (erf)  }
0x181: {  	v20 =	vadd.f32 v20, v11;
	v11 =	vunpack.i.u.bf16.f32 v59;
	v23 =	vadd.f32 v18, v23;
	v61 =	vpop (erf)  }
0x182: {  	s7 =	smul.f32 $2.500000000e-01, s26;
	(erf) = vpow2.f32 v25;
	v27 =	vadd.f32 v22, v11;
	v11 =	vbroadcast v26, $0x0;
	v25, _, _ =	vpop (xrf2)  }
0x183: {  	[tilespmem:s16+$0xFFFFFF90] =	vst v22;
	v20 =	vmul.f32 v60, v20;
	s11 =	spop (v2sf);
	v22 =	vmul.f32 v61, v23;
	(v2sf) =	vpush v25, $0xF  }
0x184: {  	v30 =	vunpack.i.l.bf16.f32 v55;
	[tilespmem:s16+$0xFFFFFF80] =	vst v18;
	s3 =	smax.f32 s7, $-5.000000000e+00;
	(erf) = vpow2.f32 v11;
	s8 =	smul.f32 $2.500000000e-01, s11;
	v14 =	vmul.f32 v29, v14  }
0x185: {  	v1 =	vsel vm5, v1, v16;
	v62 =	vunpack.i.u.bf16.f32 v48;
	v30 =	vadd.f32 v21, v30;
	s3 =	smin.f32 s3, $5.000000000e+00;
	[tilespmem:s15+$0xFFFFFEE0] =	vst v20;
	s17 =	spop (v2sf);
	v63 =	vpop (erf)  }
0x186: {  	v18 =	vunpack.i.l.bf16.f32 v37;
	v26 =	vunpack.i.u.bf16.f32 v36;
	s8 =	smax.f32 s8, $-5.000000000e+00;
	[tilespmem:s15+$0xFFFFFEF0] =	vst v14;
	v14 =	vmul.f32 v63, v27;
	s25 =	spop (v2sf);
	v27, _, _ =	vpop (xrf2)  }
0x187: {  	v20 =	vsel vm3, v13, v17;
	v11 =	vunpack.i.l.bf16.f32 v36;
	s12 =	smin.f32 s8, $5.000000000e+00;
	[tilespmem:s15+$0xFFFFFF70] =	vst v22;
	s8 =	smul.f32 $2.500000000e-01, s25;
	(v2sf) =	vpush v27, $0xF;
	v22, _, _ =	vpop (xrf2)  }
0x188: {  	v11 =	vadd.f32 v28, v11;
	v28 =	vmov s3;
	[tilespmem:s15+$0xFFFFFF80] =	vst v14;
	(v2sf) =	vpush v22, $0xF  }
0x189: {  	v26 =	vadd.f32 v31, v26;
	v28 =	vmul.f32 $1.442695020e+00, v28;
	v31 =	vld [tilespmem:s29+$0xFFFFFF90];
	s8 =	smax.f32 s8, $-5.000000000e+00;
	v27 =	vmov s12  }
0x18a: {  	s23 =	smul.f32 $2.500000000e-01, s17;
	v23 =	vunpack.i.l.bf16.f32 v48;
	s8 =	smin.f32 s8, $5.000000000e+00;
	v22 =	vadd.f32 v32, v18;
	v14 =	vmul.f32 $1.442695020e+00, v27  }
0x18b: {  	[tilespmem:s16+$0x0] =	vst v21;
	v13 =	vpop (erf);
	s26 =	spop (v2sf);
	v18 =	vadd.f32 v34, v23;
	v23 =	vbroadcast v28, $0x0;
	v28 =	vld [tilespmem:s29+$0xFFFFFF10];
	v21 =	vmov s8  }
0x18c: {  	v45 =	vnsel vm0, $0x0, v60;
	s3 =	smax.f32 s23, $-5.000000000e+00;
	v17 =	vld [tilespmem:s18+$0xFFFFFF90];
	v30 =	vmul.f32 v13, v30;
	s11 =	smul.f32 $2.500000000e-01, s26;
	v21 =	vmul.f32 $1.442695020e+00, v21  }
0x18d: {  	v55 =	vnsel vm0, $0x0, v61;
	s3 =	smin.f32 s3, $5.000000000e+00;
	v46 =	vpop (erf);
	s7 =	spop (v2sf);
	v14 =	vbroadcast v14, $0x0;
	(erf) = vpow2.f32 v23;
	v23 =	vld [tilespmem:s18+$0xFFFFFFD0]  }
0x18e: {  	v19 =	vmul.f32 v46, v19;
	s0 =	smax.f32 s11, $-5.000000000e+00;
	s11 =	smul.f32 $2.500000000e-01, s7;
	v47 =	vunpack.i.u.bf16.f32 v31;
	v31 =	vunpack.i.l.bf16.f32 v31  }
0x18f: {  	[tilespmem:s15+$0x0] =	vst v30;
	v30 =	vld [tilespmem:s30+$0xFFFFFF20];
	s12 =	spop (v2sf);
	v21 =	vbroadcast v21, $0x0;
	(erf) = vpow2.f32 v14;
	v14 =	vmov s3;
	s3 =	smin.f32 s0, $5.000000000e+00  }
0x190: {  	s8 =	smax.f32 s11, $-5.000000000e+00;
	v14 =	vmul.f32 $1.442695020e+00, v14;
	v49 =	vmov s3;
	v50 =	vunpack.i.u.bf16.f32 v28;
	s3 =	smul.f32 $2.500000000e-01, s12  }
0x191: {  	[tilespmem:s15+$0x10] =	vst v19;
	s8 =	smin.f32 s8, $5.000000000e+00;
	v19 =	vunpack.i.l.bf16.f32 v28;
	v28 =	vunpack.i.u.bf16.f32 v17;
	v17 =	vunpack.i.l.bf16.f32 v17  }
0x192: {  	v48 =	vld [tilespmem:s30+$0xFFFFFF30];
	v17 =	vmul.f32 v17, v19;
	v52 =	vunpack.i.u.bf16.f32 v23;
	v23 =	vunpack.i.l.bf16.f32 v23;
	s3 =	smax.f32 s3, $-5.000000000e+00;
	s17 =	spop (v2sf)  }
0x193: {  	v19 =	vmul.f32 v28, v50;
	v28 =	vld [tilespmem:s30+$0xFFFFFFA0];
	v54 =	vmul.f32 v23, v31;
	s3 =	smin.f32 s3, $5.000000000e+00;
	v23 =	vmov s8;
	s23 =	smul.f32 $2.500000000e-01, s17  }
0x194: {  	v31 =	vmul.f32 v30, v17;
	v17 =	vmul.f32 $1.442695020e+00, v23;
	v30 =	vmov s3  }
0x195: {  	v25 =	vunpack.i.u.bf16.f32 v37;
	v37 =	vmul.f32 $1.442695020e+00, v49;
	v30 =	vmul.f32 $1.442695020e+00, v30;
	s25 =	smax.f32 s23, $-5.000000000e+00  }
0x196: {  	v13 =	vnsel vm0, $0x0, v13;
	v14 =	vbroadcast v14, $0x0;
	(xrf2) =	vadd.scan.msk.f32 $0xffff, v31;
	v17 =	vbroadcast v17, $0x0;
	s3 =	smin.f32 s25, $5.000000000e+00;
	s26 =	spop (v2sf)  }
0x197: {  	v27 =	vadd.f32 v33, v25;
	v23 =	vmul.f32 v48, v19;
	v30 =	vbroadcast v30, $0x0;
	s8 =	smul.f32 $2.500000000e-01, s26;
	s0 =	spop (v2sf)  }
0x198: {  	v51 =	vld [tilespmem:s29+$0x10];
	v32 =	vmul.f32 v28, v54;
	(erf) = vpow2.f32 v17;
	v17 =	vmov s3;
	s7 =	smul.f32 $2.500000000e-01, s0  }
0x199: {  	v25 =	vadd.f32 v35, v62;
	v53 =	vld [tilespmem:s18+$0x10];
	(erf) = vpow2.f32 v30;
	v17 =	vmul.f32 $1.442695020e+00, v17;
	s8 =	smax.f32 s8, $-5.000000000e+00  }
0x19a: {  	v33 =	vsel vm1, v55, v63;
	v41 =	vmul.f32 v52, v47;
	(xrf2) =	vadd.scan.msk.f32 $0xffff, v23;
	(erf) = vpow2.f32 v14;
	s8 =	smin.f32 s8, $5.000000000e+00;
	s3 =	smax.f32 s7, $-5.000000000e+00  }
0x19b: {  	v58 =	vbroadcast v37, $0x0;
	v28 =	vld [tilespmem:s30+$0xFFFFFFB0];
	(xrf2) =	vadd.scan.msk.f32 $0xffff, v32;
	v17 =	vbroadcast v17, $0x0;
	s3 =	smin.f32 s3, $5.000000000e+00;
	v59 =	vmov s8  }
0x19c: {  	v30 =	vld [tilespmem:s30+$0x20];
	(erf) = vpow2.f32 v21;
	v14 =	vmul.f32 $1.442695020e+00, v59;
	v61 =	vmov s3  }
0x19d: {  	v62 =	vld [tilespmem:s29+$0xFFFFFF50];
	v39 =	vunpack.i.l.bf16.f32 v51;
	(erf) = vpow2.f32 v58;
	v21 =	vmul.f32 $1.442695020e+00, v61  }
0x19e: {  	v49 =	vunpack.i.l.bf16.f32 v53;
	v63 =	vpop (erf);
	(erf) = vpow2.f32 v17;
	v14 =	vbroadcast v14, $0x0  }
0x19f: {  	v13 =	vsel vm1, v13, v46;
	v60 =	vld [tilespmem:s30+$0x30];
	v48 =	vpop (erf);
	v17 =	vmul.f32 v49, v39;
	v21 =	vbroadcast v21, $0x0  }
0x1a0: {  	v56 =	vunpack.i.u.bf16.f32 v51;
	v50 =	vld [tilespmem:s29+$0x50];
	v35 =	vmul.f32 v28, v41;
	v51, _, _ =	vpop (xrf2);
	(erf) = vpow2.f32 v14  }
0x1a1: {  	v57 =	vunpack.i.u.bf16.f32 v53;
	v34 =	vmul.f32 v30, v17;
	v17 =	vld [tilespmem:s29+$0xD0];
	v28 =	vpop (erf);
	(erf) = vpow2.f32 v21  }
0x1a2: {  	v52 =	vunpack.i.l.bf16.f32 v62;
	v19 =	vsel vm1, v45, v29;
	v11 =	vmul.f32 v63, v11;
	v43 =	vpop (erf)  }
0x1a3: {  	v47 =	vld [tilespmem:s29+$0xFFFFFFD0];
	v29 =	vmul.f32 v57, v56;
	v10 =	vsel vm4, v10, v63;
	v58 =	vmul.f32 v48, v26;
	v59 =	vpop (erf)  }
0x1a4: {  	[tilespmem:s14+$0xFFFFFF20] =	vst v11;
	(xrf2) =	vadd.scan.msk.f32 $0xffff, v35;
	v54, _, _ =	vpop (xrf2);
	(v2sf) =	vpush v51, $0xF;
	v11 =	vmul.f32 v59, v22  }
0x1a5: {  	[tilespmem:s14+$0xFFFFFF30] =	vst v58;
	(v2sf) =	vpush v54, $0xF;
	v56, _, _ =	vpop (xrf2);
	v14 =	vsel vm5, v10, v48;
	v10 =	vmul.f32 v60, v29  }
0x1a6: {  	v55 =	vunpack.i.u.bf16.f32 v50;
	(xrf2) =	vadd.scan.msk.f32 $0xffff, v34;
	v26 =	vpop (erf);
	v22 =	vld [tilespmem:s2+$0xF0];
	[tilespmem:s14+$0xFFFFFFB0] =	vst v11;
	v11 =	vunpack.i.u.bf16.f32 v17  }
0x1a7: {  	(v2sf) =	vpush v56, $0xF;
	v60 =	vunpack.i.l.bf16.f32 v17;
	(xrf2) =	vadd.scan.msk.f32 $0xffff, v10;
	v27 =	vmul.f32 v26, v27;
	v61 =	vpop (erf)  }
0x1a8: {  	v57 =	vunpack.i.l.bf16.f32 v50;
	v53 =	vunpack.i.l.bf16.f32 v47;
	v2 =	vld [tilespmem:s21+$0xFFFFFF60];
	v17 =	vadd.f32 v12, v60;
	v36 =	vpop (erf)  }
0x1a9: {  	v41 =	vadd.f32 v32, v53;
	v21 =	vunpack.i.u.bf16.f32 v62;
	v62 =	vld [tilespmem:s10+$0xFFFFFFB0];
	[tilespmem:s14+$0xFFFFFFC0] =	vst v27;
	v27 =	vadd.f32 v24, v11;
	v11 =	vpop (erf)  }
0x1aa: {  	v30 =	vadd.f32 v31, v52;
	[tilespmem:s16+$0xA0] =	vst v12;
	v42 =	vadd.f32 v23, v21;
	v21 =	vld [tilespmem:s2+$0xFFFFFF30];
	v17 =	vmul.f32 v11, v17;
	v12 =	vpop (erf)  }
0x1ab: {  	v3 =	vld [tilespmem:s21+$0xFFFFFF70];
	[tilespmem:s16+$0xB0] =	vst v24;
	v38 =	vadd.f32 v34, v57;
	v4 =	vunpack.i.l.bf16.f32 v22;
	v24 =	vmul.f32 v12, v27  }
0x1ac: {  	v29 =	vunpack.i.u.bf16.f32 v47;
	v63 =	vld [tilespmem:s10+$0xFFFFFFF0];
	v15 =	vunpack.i.u.bf16.f32 v22;
	v4 =	vadd.f32 v9, v4;
	[tilespmem:s15+$0xB0] =	vst v17  }
0x1ad: {  	v1 =	vsel vm6, v1, v28;
	v40 =	vadd.f32 v35, v29;
	v15 =	vadd.f32 v8, v15;
	v27 =	vld [tilespmem:s2+$0xFFFFFFB0];
	[tilespmem:s15+$0xC0] =	vst v24  }
0x1ae: {  	v5 =	vsel vm4, v5, v59;
	v37 =	vadd.f32 v10, v55;
	v16 =	vmul.f32 v28, v4;
	v17, _, _ =	vpop (xrf2);
	v22 =	vld [tilespmem:s29+$0xA0]  }
0x1af: {  	v4 =	vunpack.i.l.bf16.f32 v21;
	v24 =	vld [tilespmem:s18+$0x60];
	(v2sf) =	vpush v17, $0xF;
	v17 =	vunpack.i.l.bf16.f32 v62  }
0x1b0: {  	v47 =	vunpack.i.u.bf16.f32 v62;
	v21 =	vunpack.i.u.bf16.f32 v21;
	v29, _, _ =	vpop (xrf2);
	v4 =	vmul.f32 v17, v4  }
0x1b1: {  	v21 =	vmul.f32 v47, v21;
	(v2sf) =	vpush v29, $0xF;
	v17 =	vmul.f32 v43, v15;
	v15, _, _ =	vpop (xrf2);
	v29 =	vld [tilespmem:s21+$0xFFFFFFE0]  }
0x1b2: {  	v53 =	vmul.f32 v61, v18;
	(v2sf) =	vpush v15, $0xF;
	v18 =	vmul.f32 v2, v4;
	v2 =	vld [tilespmem:s30+$0xC0]  }
0x1b3: {  	v52 =	vld [tilespmem:s2+$0xFFFFFF70];
	s8 =	spop (v2sf);
	v15 =	vmul.f32 v3, v21;
	v3 =	vunpack.i.l.bf16.f32 v27;
	v4 =	vunpack.i.l.bf16.f32 v63  }
0x1b4: {  	s3 =	smul.f32 $2.500000000e-01, s8;
	s11 =	spop (v2sf);
	v48 =	vld [tilespmem:s30+$0xD0];
	v3 =	vmul.f32 v4, v3;
	v4 =	vunpack.i.l.bf16.f32 v22;
	v21 =	vunpack.i.l.bf16.f32 v24  }
0x1b5: {  	s8 =	smul.f32 $2.500000000e-01, s11;
	v22 =	vunpack.i.u.bf16.f32 v22;
	v24 =	vunpack.i.u.bf16.f32 v24;
	v4 =	vmul.f32 v21, v4  }
0x1b6: {  	[tilespmem:s14+$0x40] =	vst v53;
	s12 =	spop (v2sf);
	s3 =	smax.f32 s3, $-5.000000000e+00;
	(xrf2) =	vadd.scan.msk.f32 $0xffff, v18;
	v21 =	vmul.f32 v29, v3;
	v3 =	vmul.f32 v24, v22  }
0x1b7: {  	s11 =	smul.f32 $2.500000000e-01, s12;
	s3 =	smin.f32 s3, $5.000000000e+00;
	v22 =	vsel vm7, v1, v43;
	v1 =	vmul.f32 v36, v25;
	(xrf2) =	vadd.scan.msk.f32 $0xffff, v15;
	v2 =	vmul.f32 v2, v4  }
0x1b8: {  	v55 =	vld [tilespmem:s21+$0xFFFFFFF0];
	v44 =	vunpack.i.u.bf16.f32 v63;
	s8 =	smax.f32 s8, $-5.000000000e+00;
	v24 =	vmov s3;
	v25 =	vunpack.i.l.bf16.f32 v52;
	(xrf2) =	vadd.scan.msk.f32 $0xffff, v21  }
0x1b9: {  	v53 =	vld [tilespmem:s2+$0xFFFFFFF0];
	s17 =	smin.f32 s8, $5.000000000e+00;
	s23 =	smax.f32 s11, $-5.000000000e+00;
	v29 =	vadd.f32 v18, v25;
	v3 =	vmul.f32 v48, v3;
	[tilespmem:s14+$0x50] =	vst v1;
	(xrf2) =	vadd.scan.msk.f32 $0xffff, v2  }
0x1ba: {  	s12 =	simm.s32 $0x2B20;
	s25 =	smin.f32 s23, $5.000000000e+00;
	v4 =	vunpack.i.u.bf16.f32 v52;
	v1 =	vmul.f32 $1.442695020e+00, v24;
	v24 =	vmov s17;
	v25 =	vld [tilespmem:s2+$0x30]  }
0x1bb: {  	v57 =	vld [tilespmem:s12+$0x40];
	v54 =	vmov s25;
	v28 =	vadd.f32 v15, v4;
	v4 =	vmul.f32 $1.442695020e+00, v24;
	(xrf2) =	vadd.scan.msk.f32 $0xffff, v3  }
0x1bc: {  	v27 =	vunpack.i.u.bf16.f32 v27;
	v43 =	vmul.f32 $1.442695020e+00, v54;
	v24 =	vld [tilespmem:s10+$0x30];
	v1 =	vbroadcast v1, $0x0  }
0x1bd: {  	v26 =	vsel vm5, v5, v26;
	v46 =	vld [tilespmem:s12+$0xFFFFFFC0];
	v27 =	vmul.f32 v44, v27;
	s23 =	simm.s32 $0x41A0;
	v4 =	vbroadcast v4, $0x0  }
0x1be: {  	v52 =	vld [tilespmem:s23+$0x90];
	s10 =	simm.s32 $0x5A0;
	(erf) = vpow2.f32 v1;
	v1 =	vsel vm4, v20, v61;
	v20 =	vbroadcast v43, $0x0  }
0x1bf: {  	v56 =	vld [tilespmem:s10+$0x80];
	(erf) = vpow2.f32 v4;
	v4 =	vunpack.i.u.bf16.f32 v25;
	v25 =	vunpack.i.l.bf16.f32 v25  }
0x1c0: {  	v63 =	vunpack.i.l.bf16.f32 v57;
	v39 =	vunpack.i.u.bf16.f32 v57;
	v58 =	vld [tilespmem:s21+$0x60];
	(erf) = vpow2.f32 v20;
	v59, _, _ =	vpop (xrf2)  }
0x1c1: {  	v47 =	vld [tilespmem:s21+$0x70];
	v20 =	vunpack.i.l.bf16.f32 v24;
	v60 =	vunpack.i.u.bf16.f32 v24;
	v49, _, _ =	vpop (xrf2);
	(v2sf) =	vpush v59, $0xF  }
0x1c2: {  	v61 =	vld [tilespmem:s23+$0x80];
	v24 =	vmul.f32 v55, v27;
	s26 =	spop (v2sf);
	v20 =	vmul.f32 v20, v25;
	(v2sf) =	vpush v49, $0xF;
	v25, _, _ =	vpop (xrf2)  }
0x1c3: {  	[tilespmem:s16+$0xFFFFFF20] =	vst v31;
	v31 =	vunpack.i.u.bf16.f32 v46;
	v4 =	vmul.f32 v60, v4;
	v60 =	vld [tilespmem:s12+$0xFFFFFF80];
	s3 =	smul.f32 $2.500000000e-01, s26;
	s0 =	spop (v2sf);
	(v2sf) =	vpush v25, $0xF;
	v27, _, _ =	vpop (xrf2)  }
0x1c4: {  	v43 =	vunpack.i.l.bf16.f32 v53;
	v62 =	vunpack.i.l.bf16.f32 v56;
	(xrf2) =	vadd.scan.msk.f32 $0xffff, v24;
	s8 =	smul.f32 $2.500000000e-01, s0;
	s7 =	spop (v2sf);
	(v2sf) =	vpush v27, $0xF  }
0x1c5: {  	v54 =	vunpack.i.u.bf16.f32 v56;
	s3 =	smax.f32 s3, $-5.000000000e+00;
	s11 =	smul.f32 $2.500000000e-01, s7;
	v25 =	vmul.f32 v58, v20;
	v20 =	vmul.f32 v63, v62;
	v27, _, _ =	vpop (xrf2)  }
0x1c6: {  	v45 =	vld [tilespmem:s10+$0xFFFFFF00];
	s3 =	smin.f32 s3, $5.000000000e+00;
	s8 =	smax.f32 s8, $-5.000000000e+00;
	(v2sf) =	vpush v27, $0xF;
	v27 =	vmul.f32 v47, v4;
	v4 =	vmul.f32 v39, v54  }
0x1c7: {  	v1 =	vsel vm5, v1, v36;
	v55 =	vmov s3;
	s8 =	smin.f32 s8, $5.000000000e+00;
	s17 =	smax.f32 s11, $-5.000000000e+00;
	(xrf2) =	vadd.scan.msk.f32 $0xffff, v25;
	v47 =	vmul.f32 v61, v20  }
0x1c8: {  	v48 =	vunpack.i.u.bf16.f32 v60;
	v58 =	vmov s8;
	s21 =	smin.f32 s17, $5.000000000e+00;
	(xrf2) =	vadd.scan.msk.f32 $0xffff, v27;
	v39 =	vmul.f32 v52, v4  }
0x1c9: {  	v62 =	vld [tilespmem:s10+$0xFFFFFF80];
	v56 =	vmul.f32 $1.442695020e+00, v55;
	v5 =	vpop (erf);
	v20 =	vmul.f32 $1.442695020e+00, v58;
	v59 =	vmov s21;
	(xrf2) =	vadd.scan.msk.f32 $0xffff, v47  }
0x1ca: {  	v61 =	vunpack.i.u.bf16.f32 v53;
	v50 =	vmul.f32 v5, v30;
	v5 =	vsel vm2, v19, v5;
	(xrf2) =	vadd.scan.msk.f32 $0xffff, v39  }
0x1cb: {  	v53 =	vunpack.i.l.bf16.f32 v45;
	v44 =	vmul.f32 $1.442695020e+00, v59;
	v4 =	vbroadcast v56, $0x0  }
0x1cc: {  	v57 =	vld [tilespmem:s2+$0x70];
	v45 =	vunpack.i.u.bf16.f32 v45;
	v19 =	vadd.f32 v24, v61;
	v20 =	vbroadcast v20, $0x0  }
0x1cd: {  	v51 =	vld [tilespmem:s23+$0xFFFFFF00];
	v52 =	vunpack.i.l.bf16.f32 v60;
	v30 =	vbroadcast v44, $0x0;
	(erf) = vpow2.f32 v4  }
0x1ce: {  	v55 =	vld [tilespmem:s23+$0xFFFFFF80];
	v63 =	vmul.f32 v52, v53;
	v53 =	vunpack.i.u.bf16.f32 v62;
	v44 =	vunpack.i.l.bf16.f32 v62;
	v59, _, _ =	vpop (xrf2)  }
0x1cf: {  	v52 =	vld [tilespmem:s23+$0xFFFFFF10];
	(erf) = vpow2.f32 v20;
	v20 =	vadd.f32 v21, v43;
	(v2sf) =	vpush v59, $0xF;
	v4 =	vpop (erf)  }
0x1d0: {  	v62 =	vld [tilespmem:s12+$0x0];
	(erf) = vpow2.f32 v30;
	v42 =	vmul.f32 v4, v42;
	v30 =	vsel vm3, v5, v4;
	v54 =	vpop (erf);
	s25 =	spop (v2sf)  }
0x1d1: {  	[tilespmem:s16+$0xFFFFFF30] =	vst v23;
	v43 =	vld [tilespmem:s10+$0x0];
	v4 =	vunpack.i.u.bf16.f32 v57;
	v5 =	vunpack.i.l.bf16.f32 v57;
	v57 =	vunpack.i.l.bf16.f32 v46;
	v56, _, _ =	vpop (xrf2);
	s26 =	spop (v2sf)  }
0x1d2: {  	[tilespmem:s16+$0xFFFFFFA0] =	vst v32;
	v45 =	vmul.f32 v48, v45;
	v60 =	vld [tilespmem:s23+$0xFFFFFF90];
	v31 =	vmul.f32 v31, v53;
	(v2sf) =	vpush v56, $0xF;
	s0 =	spop (v2sf);
	v61, _, _ =	vpop (xrf2)  }
0x1d3: {  	[tilespmem:s16+$0xFFFFFFB0] =	vst v35;
	v36 =	vmul.f32 v51, v63;
	v41 =	vmul.f32 v54, v41;
	(v2sf) =	vpush v61, $0xF;
	v63, _, _ =	vpop (xrf2);
	s7 =	spop (v2sf)  }
0x1d4: {  	[tilespmem:s15+$0xFFFFFF00] =	vst v50;
	v44 =	vmul.f32 v57, v44;
	v46 =	vmul.f32 v52, v45;
	(v2sf) =	vpush v63, $0xF;
	v57, _, _ =	vpop (xrf2);
	s11 =	smul.f32 $2.500000000e-01, s7  }
0x1d5: {  	v48 =	vld [tilespmem:s23+$0x0];
	(xrf2) =	vadd.scan.msk.f32 $0xffff, v36;
	v32 =	vsel vm2, v33, v54;
	v59 =	vunpack.i.l.bf16.f32 v62;
	s17 =	spop (v2sf);
	(v2sf) =	vpush v57, $0xF  }
0x1d6: {  	[tilespmem:s15+$0xFFFFFF10] =	vst v42;
	v44 =	vmul.f32 v55, v44;
	v58 =	vunpack.i.u.bf16.f32 v43;
	v43 =	vunpack.i.l.bf16.f32 v43;
	v23 =	vpop (erf);
	s17 =	smul.f32 $2.500000000e-01, s17;
	s11 =	smax.f32 s11, $-5.000000000e+00  }
0x1d7: {  	(xrf2) =	vadd.scan.msk.f32 $0xffff, v46;
	v56 =	vld [tilespmem:s23+$0x10];
	s3 =	smul.f32 $2.500000000e-01, s26;
	v33 =	vmul.f32 v23, v40;
	v40 =	vmul.f32 v60, v31;
	v31 =	vunpack.i.u.bf16.f32 v62;
	s11 =	smin.f32 s11, $5.000000000e+00  }
0x1d8: {  	[tilespmem:s16+$0x20] =	vst v34;
	s2 =	smul.f32 $2.500000000e-01, s25;
	v45 =	vld [tilespmem:s29+$0xFFFFFF20];
	v43 =	vmul.f32 v59, v43;
	v63 =	vpop (erf);
	v31 =	vmul.f32 v31, v58;
	s17 =	smax.f32 s17, $-5.000000000e+00;
	v60 =	vmov s11  }
0x1d9: {  	(xrf2) =	vadd.scan.msk.f32 $0xffff, v44;
	s3 =	smax.f32 s3, $-5.000000000e+00;
	v23 =	vsel vm3, v32, v23;
	v32 =	vld [tilespmem:s10+$0x40];
	v59 =	vmul.f32 v63, v38;
	s17 =	smin.f32 s17, $5.000000000e+00;
	v61 =	vmul.f32 $1.442695020e+00, v60  }
0x1da: {  	s2 =	smax.f32 s2, $-5.000000000e+00;
	s3 =	smin.f32 s3, $5.000000000e+00;
	v58 =	vld [tilespmem:s10+$0xFFFFFF40];
	v13 =	vsel vm2, v13, v63;
	v38 =	vmul.f32 v48, v43;
	(xrf2) =	vadd.scan.msk.f32 $0xffff, v40;
	v62 =	vmov s17  }
0x1db: {  	[tilespmem:s16+$0x30] =	vst v10;
	s2 =	smin.f32 s2, $5.000000000e+00;
	v50 =	vpop (erf);
	v53 =	vmov s3;
	v57 =	vmul.f32 $1.442695020e+00, v62;
	v49 =	vbroadcast v61, $0x0  }
0x1dc: {  	[tilespmem:s15+$0xFFFFFF90] =	vst v41;
	v63 =	vmov s2;
	v37 =	vmul.f32 v50, v37;
	v53 =	vmul.f32 $1.442695020e+00, v53;
	v60 =	vld [tilespmem:s10+$0xFFFFFFC0]  }
0x1dd: {  	v41 =	vld [tilespmem:s29+$0xE0];
	s8 =	smul.f32 $2.500000000e-01, s0;
	v43 =	vunpack.i.l.bf16.f32 v45;
	(xrf2) =	vadd.scan.msk.f32 $0xffff, v38;
	v61 =	vbroadcast v57, $0x0;
	(erf) = vpow2.f32 v49  }
0x1de: {  	v52 =	vmul.f32 v56, v31;
	[tilespmem:s15+$0x30] =	vst v37;
	v37 =	vunpack.i.u.bf16.f32 v45;
	v53 =	vbroadcast v53, $0x0  }
0x1df: {  	[tilespmem:s15+$0xFFFFFFA0] =	vst v33;
	v31 =	vld [tilespmem:s18+$0xFFFFFFA0];
	v55 =	vunpack.i.l.bf16.f32 v32;
	s17 =	smax.f32 s8, $-5.000000000e+00;
	v34 =	vunpack.i.l.bf16.f32 v58;
	v62, _, _ =	vpop (xrf2);
	(erf) = vpow2.f32 v61  }
0x1e0: {  	v42 =	vld [tilespmem:s29+$0xFFFFFFA0];
	v48 =	vunpack.i.u.bf16.f32 v58;
	s21 =	spop (v2sf);
	s2 =	smin.f32 s17, $5.000000000e+00;
	v10 =	vadd.f32 v36, v34;
	(v2sf) =	vpush v62, $0xF  }
0x1e1: {  	v54 =	vmov s2;
	v34 =	vunpack.i.u.bf16.f32 v60;
	v35 =	vunpack.i.l.bf16.f32 v60;
	s3 =	spop (v2sf);
	v60, _, _ =	vpop (xrf2)  }
0x1e2: {  	v56 =	vld [tilespmem:s18+$0xFFFFFFE0];
	v49 =	vmul.f32 $1.442695020e+00, v63;
	v63 =	vunpack.i.l.bf16.f32 v41;
	(v2sf) =	vpush v60, $0xF;
	s2 =	spop (v2sf)  }
0x1e3: {  	v51 =	vadd.f32 v46, v48;
	v48 =	vunpack.i.u.bf16.f32 v32;
	v60 =	vadd.f32 v2, v63;
	v61, _, _ =	vpop (xrf2);
	s25 =	spop (v2sf)  }
0x1e4: {  	[tilespmem:s15+$0x20] =	vst v59;
	v6 =	vld [tilespmem:s30+$0xFFFFFFD0];
	v45 =	vunpack.i.u.bf16.f32 v31;
	v31 =	vunpack.i.l.bf16.f32 v31;
	(v2sf) =	vpush v61, $0xF;
	v62, _, _ =	vpop (xrf2);
	s11 =	smul.f32 $2.500000000e-01, s25;
	s26 =	spop (v2sf)  }
0x1e5: {  	v33 =	vld [tilespmem:s29+$0x20];
	v59 =	vunpack.i.u.bf16.f32 v42;
	v42 =	vunpack.i.l.bf16.f32 v42;
	(v2sf) =	vpush v62, $0xF;
	s17 =	smul.f32 $2.500000000e-01, s26  }
0x1e6: {  	v58 =	vld [tilespmem:s30+$0xFFFFFF40];
	v43 =	vmul.f32 v31, v43;
	v37 =	vmul.f32 v45, v37;
	v41 =	vunpack.i.u.bf16.f32 v41;
	(xrf2) =	vadd.scan.msk.f32 $0xffff, v52;
	s11 =	smax.f32 s11, $-5.000000000e+00;
	v32 =	vpop (erf)  }
0x1e7: {  	[tilespmem:s16+$0xC0] =	vst v2;
	v57 =	vld [tilespmem:s18+$0x20];
	v41 =	vadd.f32 v3, v41;
	v62 =	vunpack.i.u.bf16.f32 v56;
	s11 =	smin.f32 s11, $5.000000000e+00;
	s17 =	smax.f32 s17, $-5.000000000e+00;
	v2 =	vmul.f32 v32, v60;
	v60, _, _ =	vpop (xrf2)  }
0x1e8: {  	v45 =	vld [tilespmem:s30+$0x40];
	v56 =	vunpack.i.l.bf16.f32 v56;
	v31 =	vpop (erf);
	s17 =	smin.f32 s17, $5.000000000e+00;
	v0 =	vmov s11;
	(v2sf) =	vpush v60, $0xF  }
0x1e9: {  	[tilespmem:s16+$0xD0] =	vst v3;
	v63 =	vld [tilespmem:s30+$0xFFFFFFC0];
	v41 =	vmul.f32 v31, v41;
	v0 =	vmul.f32 $1.442695020e+00, v0;
	v60 =	vmov s17  }
0x1ea: {  	v61 =	vld [tilespmem:s30+$0xFFFFFF50];
	v56 =	vmul.f32 v56, v42;
	[tilespmem:s15+$0xD0] =	vst v2;
	v2 =	vmul.f32 $1.442695020e+00, v60  }
0x1eb: {  	v42 =	vld [tilespmem:s30+$0x50];
	[tilespmem:s15+$0xE0] =	vst v41;
	v0 =	vbroadcast v0, $0x0;
	v41 =	vmul.f32 v62, v59  }
0x1ec: {  	v62 =	vmul.f32 v58, v43;
	v3 =	vld [tilespmem:s29+$0xB0];
	v2 =	vbroadcast v2, $0x0  }
0x1ed: {  	v60 =	vunpack.i.u.bf16.f32 v33;
	v58 =	vld [tilespmem:s18+$0x70];
	(erf) = vpow2.f32 v0;
	v0 =	vunpack.i.u.bf16.f32 v57  }
0x1ee: {  	s8 =	smul.f32 $2.500000000e-01, s21;
	(xrf2) =	vadd.scan.msk.f32 $0xffff, v62;
	(erf) = vpow2.f32 v2;
	v2 =	vmul.f32 v0, v60;
	v60 =	vld [tilespmem:s10+$0xC0]  }
0x1ef: {  	v7 =	vmul.f32 v61, v37;
	v33 =	vunpack.i.l.bf16.f32 v33;
	v59 =	vunpack.i.l.bf16.f32 v57;
	s0 =	spop (v2sf)  }
0x1f0: {  	s8 =	smax.f32 s8, $-5.000000000e+00;
	v43 =	vmul.f32 v63, v56;
	v33 =	vmul.f32 v59, v33;
	v37, _, _ =	vpop (xrf2);
	s11 =	smul.f32 $2.500000000e-01, s0  }
0x1f1: {  	s8 =	smin.f32 s8, $5.000000000e+00;
	v59 =	vadd.f32 v44, v35;
	v41 =	vmul.f32 v6, v41;
	(v2sf) =	vpush v37, $0xF;
	(xrf2) =	vadd.scan.msk.f32 $0xffff, v7;
	s7 =	spop (v2sf)  }
0x1f2: {  	s11 =	smax.f32 s11, $-5.000000000e+00;
	v35 =	vmul.f32 v42, v2;
	v2 =	vld [tilespmem:s30+$0xE0];
	s17 =	smul.f32 $2.500000000e-01, s7;
	v56 =	vunpack.i.l.bf16.f32 v3;
	v61 =	vunpack.i.l.bf16.f32 v58  }
0x1f3: {  	v37 =	vmul.f32 v45, v33;
	v42 =	vld [tilespmem:s30+$0xF0];
	s11 =	smin.f32 s11, $5.000000000e+00;
	s21 =	spop (v2sf);
	v33 =	vmul.f32 v61, v56;
	v61 =	vunpack.i.l.bf16.f32 v60  }
0x1f4: {  	(xrf2) =	vadd.scan.msk.f32 $0xffff, v43;
	v3 =	vunpack.i.u.bf16.f32 v3;
	v63 =	vunpack.i.u.bf16.f32 v58;
	s25 =	smul.f32 $2.500000000e-01, s21;
	s26 =	spop (v2sf);
	v56 =	vadd.f32 v47, v61  }
0x1f5: {  	v57 =	vadd.f32 v40, v34;
	(xrf2) =	vadd.scan.msk.f32 $0xffff, v41;
	v6 =	vmov s11;
	s17 =	smax.f32 s17, $-5.000000000e+00;
	v3 =	vmul.f32 v63, v3;
	s11 =	smul.f32 $2.500000000e-01, s26  }
0x1f6: {  	v45 =	vmov s8;
	(xrf2) =	vadd.scan.msk.f32 $0xffff, v37;
	v6 =	vmul.f32 $1.442695020e+00, v6;
	s17 =	smin.f32 s17, $5.000000000e+00;
	v58 =	vunpack.i.u.bf16.f32 v60;
	s26 =	simm.s32 $0x69A0;
	s8 =	smax.f32 s25, $-5.000000000e+00  }
0x1f7: {  	v60 =	vmov s17;
	v58 =	vadd.f32 v39, v58;
	[tilespmem:s26+$0x80] =	vst v47;
	s8 =	smin.f32 s8, $5.000000000e+00;
	v34 =	vmul.f32 v2, v33;
	v2 =	vpop (erf);
	s7 =	spop (v2sf)  }
0x1f8: {  	[tilespmem:s26+$0x90] =	vst v39;
	s11 =	smax.f32 s11, $-5.000000000e+00;
	v33 =	vmul.f32 v42, v3;
	v61 =	vmov s8;
	v42 =	vmul.f32 v2, v56;
	v56, _, _ =	vpop (xrf2);
	s8 =	smul.f32 $2.500000000e-01, s7  }
0x1f9: {  	v60 =	vmul.f32 $1.442695020e+00, v60;
	v6 =	vbroadcast v6, $0x0;
	s0 =	smin.f32 s11, $5.000000000e+00;
	v3 =	vpop (erf);
	(xrf2) =	vadd.scan.msk.f32 $0xffff, v34;
	(v2sf) =	vpush v56, $0xF  }
0x1fa: {  	s2 =	smul.f32 $2.500000000e-01, s2;
	s21 =	simm.s32 $0x7E40;
	v47 =	vmov s0;
	v63 =	vmul.f32 $1.442695020e+00, v61;
	v39 =	vmul.f32 v3, v58;
	(xrf2) =	vadd.scan.msk.f32 $0xffff, v33;
	s8 =	smax.f32 s8, $-5.000000000e+00  }
0x1fb: {  	(erf) = vpow2.f32 v6;
	v58 =	vadd.f32 v38, v55;
	v55 =	vbroadcast v60, $0x0;
	[tilespmem:s21+$0x90] =	vst v42;
	v61, _, _ =	vpop (xrf2);
	s8 =	smin.f32 s8, $5.000000000e+00  }
0x1fc: {  	s2 =	smax.f32 s2, $-5.000000000e+00;
	v47 =	vmul.f32 $1.442695020e+00, v47;
	[tilespmem:s21+$0xA0] =	vst v39;
	(v2sf) =	vpush v61, $0xF;
	v61 =	vld [tilespmem:s29+$0xFFFFFF60];
	v6 =	vmov s8  }
0x1fd: {  	v4 =	vadd.f32 v27, v4;
	s2 =	smin.f32 s2, $5.000000000e+00;
	v42 =	vbroadcast v49, $0x0;
	v56 =	vld [tilespmem:s10+$0x90];
	v6 =	vmul.f32 $1.442695020e+00, v6  }
0x1fe: {  	[tilespmem:s19+$0xE0] =	vst v9;
	v9 =	vmov s2;
	v39 =	vbroadcast v63, $0x0;
	v49, _, _ =	vpop (xrf2);
	v47 =	vbroadcast v47, $0x0;
	v60 =	vld [tilespmem:s12+$0x50]  }
0x1ff: {  	(erf) = vpow2.f32 v55;
	(v2sf) =	vpush v49, $0xF;
	v63, _, _ =	vpop (xrf2);
	v6 =	vbroadcast v6, $0x0  }
0x200: {  	v9 =	vmul.f32 $1.442695020e+00, v9;
	v55 =	vld [tilespmem:s29+$0xFFFFFFE0];
	s11 =	spop (v2sf);
	(v2sf) =	vpush v63, $0xF;
	(erf) = vpow2.f32 v39  }
0x201: {  	v48 =	vadd.f32 v52, v48;
	v45 =	vmul.f32 $1.442695020e+00, v45;
	v49, _, _ =	vpop (xrf2);
	v63 =	vld [tilespmem:s29+$0x60];
	s8 =	smul.f32 $2.500000000e-01, s11;
	(erf) = vpow2.f32 v47  }
0x202: {  	v39 =	vld [tilespmem:s23+$0xA0];
	(v2sf) =	vpush v49, $0xF;
	(erf) = vpow2.f32 v42;
	v49 =	vunpack.i.l.bf16.f32 v61  }
0x203: {  	s8 =	smax.f32 s8, $-5.000000000e+00;
	v42 =	vunpack.i.l.bf16.f32 v56;
	v47 =	vunpack.i.l.bf16.f32 v60;
	(erf) = vpow2.f32 v6;
	v6, _, _ =	vpop (xrf2)  }
0x204: {  	(xrf2) =	vadd.scan.msk.f32 $0xffff, v35;
	s8 =	smin.f32 s8, $5.000000000e+00;
	v42 =	vmul.f32 v47, v42;
	v47 =	vunpack.i.u.bf16.f32 v61;
	(v2sf) =	vpush v6, $0xF;
	v6, _, _ =	vpop (xrf2)  }
0x205: {  	v61 =	vunpack.i.u.bf16.f32 v55;
	(v2sf) =	vpush v6, $0xF;
	v6 =	vmov s8  }
0x206: {  	s3 =	smul.f32 $2.500000000e-01, s3;
	v0 =	vunpack.i.l.bf16.f32 v63;
	(erf) = vpow2.f32 v53;
	v6 =	vmul.f32 $1.442695020e+00, v6  }
0x207: {  	[tilespmem:s19+$0xF0] =	vst v8;
	v53 =	vunpack.i.l.bf16.f32 v55;
	v39 =	vmul.f32 v39, v42;
	v42 =	vunpack.i.u.bf16.f32 v63  }
0x208: {  	[tilespmem:s14+$0xF0] =	vst v16;
	s3 =	smax.f32 s3, $-5.000000000e+00;
	v55 =	vadd.f32 v62, v49;
	v63 =	vadd.f32 v7, v47;
	s17 =	spop (v2sf);
	v6 =	vbroadcast v6, $0x0  }
0x209: {  	[tilespmem:s14+$0x100] =	vst v17;
	s3 =	smin.f32 s3, $5.000000000e+00;
	v60 =	vunpack.i.u.bf16.f32 v60;
	v47 =	vadd.f32 v37, v0;
	v49 =	vadd.f32 v43, v53;
	s25 =	smul.f32 $2.500000000e-01, s17  }
0x20a: {  	[tilespmem:s26+$0xFFFFFF00] =	vst v36;
	v53 =	vadd.f32 v41, v61;
	v61 =	vmov s3;
	(erf) = vpow2.f32 v6;
	v6 =	vld [tilespmem:s23+$0xB0]  }
0x20b: {  	[tilespmem:s26+$0xFFFFFF10] =	vst v46;
	v0 =	vmul.f32 $1.442695020e+00, v54;
	v54 =	vmul.f32 $1.442695020e+00, v61;
	v61 =	vunpack.i.u.bf16.f32 v56;
	s2 =	smax.f32 s25, $-5.000000000e+00  }
0x20c: {  	v45 =	vbroadcast v45, $0x0;
	[tilespmem:s26+$0x10] =	vst v52;
	v36 =	vsel vm3, v13, v50;
	v61 =	vmul.f32 v60, v61;
	v60 =	vpop (erf);
	s0 =	spop (v2sf);
	s2 =	smin.f32 s2, $5.000000000e+00  }
0x20d: {  	[tilespmem:s26+$0xFFFFFF80] =	vst v44;
	v52 =	vbroadcast v9, $0x0;
	v0 =	vbroadcast v0, $0x0;
	v13 =	vpop (erf);
	s3 =	smul.f32 $2.500000000e-01, s0;
	v9 =	vmov s2  }
0x20e: {  	[tilespmem:s26+$0xFFFFFF90] =	vst v40;
	v40 =	vnsel vm0, $0x0, v60;
	v10 =	vmul.f32 v60, v10;
	v60, _, _ =	vpop (xrf2);
	s7 =	spop (v2sf);
	v9 =	vmul.f32 $1.442695020e+00, v9  }
0x20f: {  	v46 =	vadd.f32 v35, v42;
	(xrf2) =	vadd.scan.msk.f32 $0xffff, v39;
	s8 =	spop (v2sf);
	s3 =	smax.f32 s3, $-5.000000000e+00;
	v44 =	vmul.f32 v6, v61;
	v6 =	vpop (erf);
	v61 =	vmul.f32 v13, v51  }
0x210: {  	v50 =	vbroadcast v54, $0x0;
	(v2sf) =	vpush v60, $0xF;
	[tilespmem:s21+$0xFFFFFEE0] =	vst v10;
	s2 =	smin.f32 s3, $5.000000000e+00;
	s3 =	smul.f32 $2.500000000e-01, s8;
	v9 =	vbroadcast v9, $0x0;
	v51 =	vpop (erf)  }
0x211: {  	(xrf2) =	vadd.scan.msk.f32 $0xffff, v44;
	[tilespmem:s21+$0xFFFFFEF0] =	vst v61;
	v61 =	vmov s2;
	v56 =	vmul.f32 v51, v57  }
0x212: {  	[tilespmem:s19+$0xFFFFFFF0] =	vst v24;
	(erf) = vpow2.f32 v0;
	s3 =	smax.f32 s3, $-5.000000000e+00;
	v13 =	vsel vm1, v40, v13;
	v54 =	vmul.f32 v6, v59;
	v0 =	vpop (erf);
	s2 =	smul.f32 $2.500000000e-01, s7;
	v40 =	vld [tilespmem:s10+$0xFFFFFF10]  }
0x213: {  	[tilespmem:s26+$0x0] =	vst v38;
	s3 =	smin.f32 s3, $5.000000000e+00;
	v6 =	vnsel vm0, $0x0, v6;
	(erf) = vpow2.f32 v9;
	v42 =	vmul.f32 $1.442695020e+00, v61;
	v60 =	vpop (erf);
	v9 =	vld [tilespmem:s12+$0xFFFFFF90]  }
0x214: {  	v59 =	vmov s3;
	v10 =	vsel vm1, v6, v51;
	[tilespmem:s21+$0xFFFFFF70] =	vst v54;
	v16 =	vld [tilespmem:s23+$0xFFFFFF30];
	v6 =	vmul.f32 v60, v58;
	s2 =	smax.f32 s2, $-5.000000000e+00;
	v61 =	vpop (erf)  }
0x215: {  	v38 =	vmul.f32 v0, v29;
	v0 =	vsel vm6, v14, v0;
	v24 =	vld [tilespmem:s10+$0xFFFFFF50];
	[tilespmem:s21+$0xFFFFFF80] =	vst v56;
	v42 =	vbroadcast v42, $0x0;
	s2 =	smin.f32 s2, $5.000000000e+00;
	v56 =	vpop (erf)  }
0x216: {  	v54 =	vnsel vm0, $0x0, v60;
	v57 =	vld [tilespmem:s10+$0xFFFFFF90];
	[tilespmem:s21+$0x0] =	vst v6;
	v6 =	vmov s2;
	v29 =	vmul.f32 v56, v48  }
0x217: {  	[tilespmem:s19+$0xFFFFFF70] =	vst v15;
	s11 =	spop (v2sf);
	v60 =	vld [tilespmem:s23+$0xFFFFFF20];
	v28 =	vmul.f32 v61, v28;
	v14 =	vsel vm7, v0, v61;
	(erf) = vpow2.f32 v42  }
0x218: {  	s17 =	spop (v2sf);
	v0 =	vld [tilespmem:s12+$0xFFFFFFD0];
	v8 =	vmul.f32 $1.442695020e+00, v6;
	v42 =	vmul.f32 $1.442695020e+00, v59;
	[tilespmem:s21+$0x10] =	vst v29;
	v29 =	vunpack.i.u.bf16.f32 v40  }
0x219: {  	[tilespmem:s14+$0x110] =	vst v22;
	s2 =	smul.f32 $2.500000000e-01, s17;
	v22 =	vunpack.i.u.bf16.f32 v9;
	v9 =	vunpack.i.l.bf16.f32 v9;
	v6, _, _ =	vpop (xrf2);
	v40 =	vunpack.i.l.bf16.f32 v40;
	v61 =	vld [tilespmem:s10+$0x10]  }
0x21a: {  	[tilespmem:s19+$0xFFFFFF60] =	vst v18;
	(erf) = vpow2.f32 v45;
	(v2sf) =	vpush v6, $0xF;
	v6 =	vld [tilespmem:s12+$0x10];
	v9 =	vmul.f32 v9, v40  }
0x21b: {  	[tilespmem:s16+$0xFFFFFF50] =	vst v7;
	s2 =	smax.f32 s2, $-5.000000000e+00;
	v7 =	vunpack.i.u.bf16.f32 v24;
	v51 =	vunpack.i.u.bf16.f32 v57;
	v22 =	vmul.f32 v22, v29;
	v29, _, _ =	vpop (xrf2)  }
0x21c: {  	[tilespmem:s19+$0xFFFFFFE0] =	vst v21;
	s25 =	spop (v2sf);
	s2 =	smin.f32 s2, $5.000000000e+00;
	v17 =	vunpack.i.l.bf16.f32 v57;
	v40 =	vmul.f32 v60, v9;
	(v2sf) =	vpush v29, $0xF  }
0x21d: {  	[tilespmem:s19+$0x60] =	vst v25;
	v18 =	vld [tilespmem:s23+$0xFFFFFFA0];
	s3 =	smul.f32 $2.500000000e-01, s25;
	v9 =	vmov s2;
	v16 =	vmul.f32 v16, v22;
	v29 =	vunpack.i.l.bf16.f32 v0  }
0x21e: {  	[tilespmem:s19+$0x70] =	vst v27;
	v22 =	vld [tilespmem:s23+$0x30];
	v0 =	vunpack.i.u.bf16.f32 v0;
	v9 =	vmul.f32 $1.442695020e+00, v9;
	v17 =	vmul.f32 v29, v17  }
0x21f: {  	[tilespmem:s16+$0xFFFFFF40] =	vst v62;
	v15 =	vld [tilespmem:s23+$0xFFFFFFB0];
	s3 =	smax.f32 s3, $-5.000000000e+00;
	v0 =	vmul.f32 v0, v51;
	v29 =	vunpack.i.u.bf16.f32 v61;
	v57 =	vunpack.i.u.bf16.f32 v6  }
0x220: {  	[tilespmem:s16+$0xFFFFFFC0] =	vst v43;
	s3 =	smin.f32 s3, $5.000000000e+00;
	v48 =	vunpack.i.l.bf16.f32 v61;
	v6 =	vunpack.i.l.bf16.f32 v6;
	v59 =	vbroadcast v9, $0x0  }
0x221: {  	v21 =	vld [tilespmem:s23+$0x20];
	v58 =	vmov s3;
	(xrf2) =	vadd.scan.msk.f32 $0xffff, v40;
	v29 =	vmul.f32 v57, v29;
	v48 =	vmul.f32 v6, v48  }
0x222: {  	[tilespmem:s16+$0xFFFFFFD0] =	vst v41;
	s0 =	smul.f32 $2.500000000e-01, s11;
	v24 =	vunpack.i.l.bf16.f32 v24;
	v60 =	vld [tilespmem:s10+$0xFFFFFFD0];
	v6 =	vmul.f32 $1.442695020e+00, v58;
	v17 =	vmul.f32 v18, v17  }
0x223: {  	v27 =	vpop (erf);
	(xrf2) =	vadd.scan.msk.f32 $0xffff, v16;
	(erf) = vpow2.f32 v59;
	v59 =	vmul.f32 v22, v29;
	v29 =	vadd.f32 v40, v24;
	v24 =	vld [tilespmem:$0x1FFE0]  }
0x224: {  	s2 =	smax.f32 s0, $-5.000000000e+00;
	v0 =	vmul.f32 v15, v0;
	v15 =	vsel vm6, v26, v27;
	v26 =	vadd.f32 v16, v7;
	v7 =	vld [tilespmem:$0x1FFF0]  }
0x225: {  	v5 =	vadd.f32 v25, v5;
	v8 =	vbroadcast v8, $0x0;
	v45 =	vld [tilespmem:s10+$0x50];
	s3 =	spop (v2sf);
	s2 =	smin.f32 s2, $5.000000000e+00;
	v18 =	vpop (erf)  }
0x226: {  	v25 =	vmov s2;
	s2 =	smul.f32 $2.500000000e-01, s3;
	v51 =	vpop (erf);
	v30 =	vsel vm4, v30, v18;
	v61 =	vbroadcast v6, $0x0;
	(xrf2) =	vadd.scan.msk.f32 $0xffff, v17  }
0x227: {  	v57 =	vmul.f32 $1.442695020e+00, v25;
	v18 =	vmul.f32 v18, v55;
	v6 =	vsel vm5, v30, v51  }
0x228: {  	s2 =	smax.f32 s2, $-5.000000000e+00;
	v22 =	vunpack.i.l.bf16.f32 v60;
	(xrf2) =	vadd.scan.msk.f32 $0xffff, v0;
	(erf) = vpow2.f32 v61;
	v24 =	vnsel vm0, $0x0, v24  }
0x229: {  	s2 =	smin.f32 s2, $5.000000000e+00;
	v30 =	vmul.f32 v21, v48;
	v21 =	vunpack.i.u.bf16.f32 v60;
	v7 =	vsel vm1, v24, v7  }
0x22a: {  	v60 =	vunpack.i.u.bf16.f32 v45;
	v62 =	vmov s2;
	s7 =	spop (v2sf);
	v7 =	vsel vm2, v7, v11  }
0x22b: {  	[tilespmem:s16+$0x40] =	vst v37;
	v25 =	vadd.f32 v17, v22;
	v22, _, _ =	vpop (xrf2);
	s8 =	smul.f32 $2.500000000e-01, s7;
	v7 =	vsel vm3, v7, v12;
	v12 =	vbroadcast v42, $0x0;
	s11 =	spop (v2sf)  }
0x22c: {  	[tilespmem:s14+$0xFFFFFF40] =	vst v38;
	(erf) = vpow2.f32 v8;
	v8 =	vpop (erf);
	(v2sf) =	vpush v22, $0xF;
	v11 =	vmul.f32 $1.442695020e+00, v62;
	s3 =	smul.f32 $2.500000000e-01, s11  }
0x22d: {  	[tilespmem:s14+$0xFFFFFF50] =	vst v28;
	v61 =	vunpack.i.l.bf16.f32 v45;
	v38, _, _ =	vpop (xrf2);
	v7 =	vsel vm4, v7, v32;
	s2 =	smax.f32 s8, $-5.000000000e+00;
	(erf) = vpow2.f32 v12  }
0x22e: {  	[tilespmem:s14+$0xFFFFFF60] =	vst v14;
	v22 =	vbroadcast v57, $0x0;
	v45 =	vpop (erf);
	v11 =	vbroadcast v11, $0x0;
	v7 =	vsel vm5, v7, v31;
	s2 =	smin.f32 s2, $5.000000000e+00;
	s3 =	smax.f32 s3, $-5.000000000e+00  }
0x22f: {  	v41 =	vld [tilespmem:s29+$0xF0];
	(xrf2) =	vadd.scan.msk.f32 $0xffff, v30;
	(v2sf) =	vpush v38, $0xF;
	v7 =	vsel vm6, v7, v45;
	v28 =	vmov s2;
	s3 =	smin.f32 s3, $5.000000000e+00  }
0x230: {  	[tilespmem:s15+$0xFFFFFF20] =	vst v18;
	v14, _, _ =	vpop (xrf2);
	v31 =	vmul.f32 v51, v63;
	v28 =	vmul.f32 $1.442695020e+00, v28;
	v42 =	vmov s3  }
0x231: {  	(xrf2) =	vadd.scan.msk.f32 $0xffff, v59;
	(v2sf) =	vpush v14, $0xF;
	(erf) = vpow2.f32 v22;
	v14 =	vpop (erf);
	v12 =	vmul.f32 $1.442695020e+00, v42  }
0x232: {  	[tilespmem:s15+$0xFFFFFF30] =	vst v31;
	(erf) = vpow2.f32 v11;
	v11 =	vsel vm7, v7, v14;
	v7, _, _ =	vpop (xrf2);
	v18 =	vbroadcast v28, $0x0  }
0x233: {  	v9 =	vsel vm1, v54, v56;
	[tilespmem:s16+$0x50] =	vst v35;
	(v2sf) =	vpush v7, $0xF;
	v7 =	vld [tilespmem:s18+$0xFFFFFFB0];
	v12 =	vbroadcast v12, $0x0  }
0x234: {  	v27 =	vmul.f32 v27, v20;
	[tilespmem:s26+$0xFFFFFF30] =	vst v16;
	v16 =	vunpack.i.l.bf16.f32 v41;
	(erf) = vpow2.f32 v18;
	v18 =	vld [tilespmem:s29+$0xFFFFFF30]  }
0x235: {  	[tilespmem:s26+$0xFFFFFFA0] =	vst v17;
	v17 =	vld [tilespmem:s10+$0xD0];
	v24 =	vadd.f32 v0, v21;
	v28 =	vmul.f32 v8, v19;
	v19 =	vpop (erf);
	(erf) = vpow2.f32 v12  }
0x236: {  	[tilespmem:s26+$0x20] =	vst v30;
	v21 =	vadd.f32 v30, v61;
	v20 =	vmul.f32 v19, v49;
	v30 =	vpop (erf);
	v12 =	vunpack.i.u.bf16.f32 v41  }
0x237: {  	[tilespmem:s26+$0xFFFFFFB0] =	vst v0;
	v53 =	vmul.f32 v30, v53;
	v0 =	vadd.f32 v33, v12;
	(erf) = vpow2.f32 v50  }
0x238: {  	[tilespmem:s16+$0xE0] =	vst v34;
	(erf) = vpow2.f32 v52;
	v52 =	vunpack.i.u.bf16.f32 v7;
	v7 =	vunpack.i.l.bf16.f32 v7  }
0x239: {  	[tilespmem:s16+$0xF0] =	vst v33;
	v12, _, _ =	vpop (xrf2);
	v0 =	vmul.f32 v14, v0;
	v14 =	vunpack.i.u.bf16.f32 v18;
	v18 =	vunpack.i.l.bf16.f32 v18  }
0x23a: {  	[tilespmem:s26+$0xA0] =	vst v39;
	v54 =	vld [tilespmem:s29+$0xFFFFFF70];
	v56 =	vpop (erf);
	(v2sf) =	vpush v12, $0xF;
	v18 =	vmul.f32 v7, v18;
	v7 =	vunpack.i.u.bf16.f32 v17  }
0x23b: {  	v16 =	vadd.f32 v34, v16;
	v55 =	vunpack.i.l.bf16.f32 v17;
	[tilespmem:s15+$0xFFFFFFB0] =	vst v20;
	s17 =	spop (v2sf);
	v12 =	vld [tilespmem:s30+$0xFFFFFF60];
	v51, _, _ =	vpop (xrf2)  }
0x23c: {  	v31 =	vld [tilespmem:s30+$0xFFFFFF70];
	v20 =	vpop (erf);
	[tilespmem:s15+$0xFFFFFFC0] =	vst v53;
	s2 =	smul.f32 $2.500000000e-01, s17;
	v17 =	vadd.f32 v39, v55;
	(v2sf) =	vpush v51, $0xF  }
0x23d: {  	[tilespmem:s26+$0x30] =	vst v59;
	v22 =	vadd.f32 v59, v60;
	v59 =	vld [tilespmem:s29+$0xFFFFFFB0];
	v58 =	vadd.f32 v44, v7;
	v7 =	vpop (erf)  }
0x23e: {  	[tilespmem:s26+$0xB0] =	vst v44;
	v15 =	vsel vm7, v15, v8;
	v16 =	vmul.f32 v45, v16;
	s2 =	smax.f32 s2, $-5.000000000e+00;
	s19 =	spop (v2sf);
	v17 =	vmul.f32 v7, v17;
	v8 =	vpop (erf)  }
0x23f: {  	[tilespmem:s15+$0x110] =	vst v11;
	v11 =	vsel vm4, v23, v19;
	v61 =	vunpack.i.u.bf16.f32 v54;
	s2 =	smin.f32 s2, $5.000000000e+00;
	s3 =	smul.f32 $2.500000000e-01, s19;
	v35 =	vmul.f32 v8, v58  }
0x240: {  	v14 =	vmul.f32 v52, v14;
	v60 =	vmul.f32 v12, v18;
	v18 =	vld [tilespmem:s18+$0xFFFFFFF0];
	v12 =	vmov s2;
	[tilespmem:s21+$0xB0] =	vst v17  }
0x241: {  	v11 =	vsel vm5, v11, v30;
	v57 =	vmul.f32 v56, v47;
	v62 =	vld [tilespmem:s30+$0xFFFFFFE0];
	s0 =	spop (v2sf);
	s25 =	smax.f32 s3, $-5.000000000e+00;
	v63 =	vmul.f32 $1.442695020e+00, v12;
	[tilespmem:s21+$0xC0] =	vst v35  }
0x242: {  	v31 =	vmul.f32 v31, v14;
	s3 =	smul.f32 $2.500000000e-01, s0;
	v45 =	vunpack.i.u.bf16.f32 v59;
	s2 =	smin.f32 s25, $5.000000000e+00;
	v17 =	vmul.f32 v20, v46;
	(xrf2) =	vadd.scan.msk.f32 $0xffff, v60;
	v23 =	vld [tilespmem:s10+$0xA0]  }
0x243: {  	[tilespmem:s15+$0x40] =	vst v57;
	v12 =	vunpack.i.l.bf16.f32 v54;
	v46 =	vmov s2;
	v19 =	vbroadcast v63, $0x0;
	v47 =	vld [tilespmem:s12+$0x60]  }
0x244: {  	v57 =	vld [tilespmem:s30+$0xFFFFFFF0];
	v34 =	vunpack.i.l.bf16.f32 v59;
	s7 =	smax.f32 s3, $-5.000000000e+00;
	s8 =	spop (v2sf);
	v14 =	vadd.f32 v60, v12;
	[tilespmem:s15+$0x50] =	vst v17;
	v17 =	vmul.f32 $1.442695020e+00, v46  }
0x245: {  	[tilespmem:s14+$0xFFFFFFD0] =	vst v27;
	v44 =	vld [tilespmem:s29+$0xFFFFFFF0];
	s2 =	smin.f32 s7, $5.000000000e+00;
	s3 =	smul.f32 $2.500000000e-01, s8;
	v48 =	vunpack.i.u.bf16.f32 v18;
	v18 =	vunpack.i.l.bf16.f32 v18;
	(erf) = vpow2.f32 v19  }
0x246: {  	[tilespmem:s14+$0xFFFFFFF0] =	vst v15;
	v50 =	vld [tilespmem:s23+$0xC0];
	v33 =	vbroadcast v17, $0x0;
	v15 =	vmul.f32 v18, v34;
	v18 =	vmov s2  }
0x247: {  	v12 =	vadd.f32 v31, v61;
	(xrf2) =	vadd.scan.msk.f32 $0xffff, v31;
	s11 =	smax.f32 s3, $-5.000000000e+00;
	v52 =	vld [tilespmem:s18+$0x30];
	v30 =	vmul.f32 v48, v45;
	v51 =	vmul.f32 $1.442695020e+00, v18  }
0x248: {  	[tilespmem:s14+$0xFFFFFFE0] =	vst v28;
	v54 =	vld [tilespmem:s23+$0xD0];
	s2 =	smin.f32 s11, $5.000000000e+00;
	v27 =	vmul.f32 v62, v15;
	v15 =	vunpack.i.l.bf16.f32 v23;
	v53 =	vunpack.i.l.bf16.f32 v47  }
0x249: {  	[tilespmem:s15+$0x100] =	vst v0;
	(erf) = vpow2.f32 v33;
	v28 =	vmov s2;
	s17 =	spop (v2sf);
	v15 =	vmul.f32 v53, v15  }
0x24a: {  	v49 =	vld [tilespmem:s29+$0x30];
	v55 =	vmul.f32 $1.442695020e+00, v28;
	v0 =	vunpack.i.u.bf16.f32 v23;
	v23 =	vunpack.i.u.bf16.f32 v47;
	(xrf2) =	vadd.scan.msk.f32 $0xffff, v27;
	s3 =	smul.f32 $2.500000000e-01, s17  }
0x24b: {  	[tilespmem:s15+$0xF0] =	vst v16;
	v16 =	vpop (erf);
	v19 =	vsel vm4, v36, v56;
	v34 =	vmul.f32 v57, v30;
	v0 =	vmul.f32 v23, v0;
	s19 =	spop (v2sf)  }
0x24c: {  	v17 =	vunpack.i.u.bf16.f32 v44;
	v36 =	vbroadcast v51, $0x0;
	v28 =	vmul.f32 v50, v15;
	v62, _, _ =	vpop (xrf2);
	s18 =	smax.f32 s3, $-5.000000000e+00;
	s3 =	smul.f32 $2.500000000e-01, s19  }
0x24d: {  	[tilespmem:s16+$0xFFFFFF70] =	vst v31;
	v35 =	vunpack.i.u.bf16.f32 v52;
	v58 =	vbroadcast v55, $0x0;
	v32 =	vmul.f32 v54, v0;
	s2 =	smin.f32 s18, $5.000000000e+00;
	v15 =	vpop (erf)  }
0x24e: {  	v0 =	vunpack.i.l.bf16.f32 v52;
	(erf) = vpow2.f32 v36;
	(xrf2) =	vadd.scan.msk.f32 $0xffff, v28;
	v59 =	vmov s2;
	s25 =	smax.f32 s3, $-5.000000000e+00;
	v33 =	vpop (erf)  }
0x24f: {  	[tilespmem:s16+$0xFFFFFF60] =	vst v60;
	v23 =	vunpack.i.l.bf16.f32 v49;
	v31 =	vmul.f32 $1.442695020e+00, v59;
	v60 =	vmul.f32 v33, v29;
	s2 =	smin.f32 s25, $5.000000000e+00;
	v29 =	vld [tilespmem:s30+$0x60]  }
0x250: {  	[tilespmem:s26+$0xFFFFFF20] =	vst v40;
	v23 =	vmul.f32 v0, v23;
	v36 =	vld [tilespmem:s30+$0x70];
	(erf) = vpow2.f32 v58;
	v61 =	vmov s2  }
0x251: {  	v30 =	vld [tilespmem:s29+$0x70];
	v56 =	vunpack.i.u.bf16.f32 v49;
	v0, _, _ =	vpop (xrf2);
	(xrf2) =	vadd.scan.msk.f32 $0xffff, v32;
	v31 =	vbroadcast v31, $0x0;
	v63 =	vmul.f32 $1.442695020e+00, v61  }
0x252: {  	v18 =	vunpack.i.l.bf16.f32 v44;
	[tilespmem:s16+$0xFFFFFFE0] =	vst v27;
	v37 =	vmul.f32 v35, v56;
	s19 =	simm.s32 $0x8;
	(v2sf) =	vpush v62, $0xF  }
0x253: {  	s18 =	simm.s32 $0x2B20;
	s3 =	simm.s32 $0x7A0;
	v35 =	vpop (erf);
	(v2sf) =	vpush v0, $0xF;
	s2 =	simm.s32 $0x41A0;
	[tilespmem:s21+$0xFFFFFF00] =	vst v60;
	v38 =	vbroadcast v63, $0x0;
	(erf) = vpow2.f32 v31  }
.LBB2_5:
0x254: {  	v0 =	vld [tilespmem:s3+$0x80];
	v26 =	vmul.f32 v35, v26;
	v13 =	vsel vm2, v13, v33;
	s12 =	sadd.s32 $0x100, s12;
	[tilespmem:s16+$0xFFFFFFF0] =	vst v34;
	v29 =	vmul.f32 v29, v23;
	v23, _, _ =	vpop (xrf2)  }
0x255: {  	v33 =	vmul.f32 v36, v37;
	v31 =	vld [tilespmem:s12+$0x40];
	(erf) = vpow2.f32 v38;
	(v2sf) =	vpush v23, $0xF;
	(xrf2) =	vadd.scan.msk.f32 $0xffff, v34  }
0x256: {  	v23 =	vsel vm3, v13, v35;
	v13 =	vunpack.i.u.bf16.f32 v30;
	v36 =	vld [tilespmem:s12+$0xFFFFFF80];
	[tilespmem:s21+$0xFFFFFF10] =	vst v26;
	v26 =	vunpack.i.l.bf16.f32 v30  }
0x257: {  	s23 =	sadd.s32 $0x200, s23;
	v18 =	vadd.f32 v27, v18;
	v17 =	vadd.f32 v34, v17;
	v39 =	vsel vm5, v19, v20;
	v30 =	vld [tilespmem:s3+$0xFFFFFF80];
	v35 =	vpop (erf);
	[tilespmem:s16+$0x70] =	vst v33  }
0x258: {  	v26 =	vadd.f32 v29, v26;
	v19 =	vld [tilespmem:s23+$0x80];
	v20 =	vmul.f32 v35, v25;
	v10 =	vsel vm2, v10, v35;
	v25, _, _ =	vpop (xrf2);
	(xrf2) =	vadd.scan.msk.f32 $0xffff, v29  }
0x259: {  	v27 =	vmul.f32 v16, v5;
	v34 =	vld [tilespmem:s12+$0xFFFFFFC0];
	v35 =	vpop (erf);
	[tilespmem:s16+$0x60] =	vst v29;
	v29 =	vmul.f32 v15, v4;
	v4 =	vadd.f32 v33, v13;
	s16 =	smov.u32 s26  }
0x25a: {  	v37 =	vunpack.i.l.bf16.f32 v0;
	v5 =	vmovc v26;
	v13 =	vld [tilespmem:s3+$0x0];
	v38 =	vunpack.i.l.bf16.f32 v31;
	[tilespmem:s21+$0xFFFFFF90] =	vst v20;
	v40 =	vmul.f32 v35, v24  }
0x25b: {  	v26 =	vunpack.i.u.bf16.f32 v36;
	v24 =	vmul.f32 v38, v37;
	v37 =	vld [tilespmem:s23+$0x90];
	(v2sf) =	vpush v25, $0xF;
	v25, _, _ =	vpop (xrf2);
	(xrf2) =	vadd.scan.msk.f32 $0xffff, v33  }
0x25c: {  	v33 =	vunpack.i.l.bf16.f32 v36;
	v36 =	vunpack.i.u.bf16.f32 v30;
	v38 =	vld [tilespmem:s12+$0x0];
	[tilespmem:s21+$0xFFFFFFA0] =	vst v40;
	v20 =	vpop (erf);
	(v2sf) =	vpush v25, $0xF  }
0x25d: {  	v0 =	vunpack.i.u.bf16.f32 v0;
	v31 =	vunpack.i.u.bf16.f32 v31;
	v25 =	vld [tilespmem:s3+$0xFFFFFF00];
	v24 =	vmul.f32 v19, v24;
	[tilespmem:s14+$0x60] =	vst v27  }
0x25e: {  	v0 =	vmul.f32 v31, v0;
	v30 =	vunpack.i.l.bf16.f32 v30;
	v19 =	vld [tilespmem:s23+$0xFFFFFF00];
	v40 =	vunpack.i.u.bf16.f32 v34;
	v27 =	vpop (erf);
	[tilespmem:s14+$0x70] =	vst v29  }
0x25f: {  	v31 =	vunpack.i.l.bf16.f32 v34;
	v29 =	vld [tilespmem:s23+$0xFFFFFF10];
	v34 =	vunpack.i.u.bf16.f32 v13;
	v13 =	vunpack.i.l.bf16.f32 v13;
	(xrf2) =	vadd.scan.msk.f32 $0xffff, v24;
	v41, _, _ =	vpop (xrf2)  }
0x260: {  	v30 =	vmul.f32 v31, v30;
	v31 =	vld [tilespmem:s23+$0xFFFFFF80];
	v37 =	vmul.f32 v37, v0;
	(v2sf) =	vpush v41, $0xF  }
0x261: {  	v0 =	vmul.f32 v40, v36;
	v36 =	vld [tilespmem:s23+$0xFFFFFF90];
	v40 =	vunpack.i.u.bf16.f32 v38;
	v43 =	vunpack.i.l.bf16.f32 v38;
	s8 =	spop (v2sf)  }
0x262: {  	v41 =	vunpack.i.u.bf16.f32 v25;
	v25 =	vunpack.i.l.bf16.f32 v25;
	v13 =	vmul.f32 v43, v13;
	v42 =	vld [tilespmem:s23+$0x0];
	(xrf2) =	vadd.scan.msk.f32 $0xffff, v37;
	s8 =	smul.f32 $2.500000000e-01, s8;
	s11 =	spop (v2sf);
	v38, _, _ =	vpop (xrf2)  }
0x263: {  	s19 =	sadd.s32 $0x4, s19;
	v25 =	vmul.f32 v33, v25;
	v26 =	vmul.f32 v26, v41;
	v33 =	vld [tilespmem:s23+$0x10];
	s11 =	smul.f32 $2.500000000e-01, s11;
	(v2sf) =	vpush v38, $0xF  }
0x264: {  	p0 =	slt.u32 s19, $0x24;
	v21 =	vmul.f32 v20, v21;
	v44 =	vsel vm2, v9, v20;
	v34 =	vmul.f32 v40, v34;
	v46 =	vld [tilespmem:s3+$0xFFFFFF40];
	s8 =	smax.f32 s8, $-5.000000000e+00;
	s17 =	spop (v2sf)  }
0x265: {  	v41 =	vmul.f32 v19, v25;
	v40 =	vmul.f32 v29, v26;
	v9 =	vld [tilespmem:s3+$0xFFFFFFC0];
	v19 =	vsel vm3, v10, v35;
	s11 =	smax.f32 s11, $-5.000000000e+00;
	s17 =	smul.f32 $2.500000000e-01, s17;
	v10, _, _ =	vpop (xrf2)  }
0x266: {  	v38 =	vmul.f32 v31, v30;
	s8 =	smin.f32 s8, $5.000000000e+00;
	v26 =	vmul.f32 v36, v0;
	v0 =	vld [tilespmem:s3+$0x40];
	[tilespmem:s21+$0x20] =	vst v21;
	s11 =	smin.f32 s11, $5.000000000e+00;
	(v2sf) =	vpush v10, $0xF  }
0x267: {  	v10 =	vmul.f32 v27, v22;
	v36 =	vmul.f32 v42, v13;
	(xrf2) =	vadd.scan.msk.f32 $0xffff, v41;
	v20 =	vld [tilespmem:s10+$0xFFFFFF20];
	v13 =	vmov s8;
	s8 =	smax.f32 s17, $-5.000000000e+00  }
0x268: {  	v45 =	vmov s11;
	v42 =	vmul.f32 v33, v34;
	v29 =	vld [tilespmem:s18+$0xFFFFFFA0];
	v43 =	vmul.f32 $1.442695020e+00, v13;
	s8 =	smin.f32 s8, $5.000000000e+00  }
0x269: {  	v13 =	vunpack.i.u.bf16.f32 v46;
	v21 =	vunpack.i.l.bf16.f32 v46;
	v25, _, _ =	vpop (xrf2);
	v30 =	vld [tilespmem:s10+$0xFFFFFFA0];
	[tilespmem:s21+$0x30] =	vst v10;
	v46 =	vmov s8  }
0x26a: {  	v10 =	vadd.f32 v41, v21;
	v21 =	vunpack.i.u.bf16.f32 v9;
	v35 =	vunpack.i.l.bf16.f32 v9;
	(xrf2) =	vadd.scan.msk.f32 $0xffff, v40;
	v31 =	vld [tilespmem:s18+$0xFFFFFFE0];
	s8 =	spop (v2sf)  }
0x26b: {  	v13 =	vadd.f32 v40, v13;
	v33 =	vunpack.i.u.bf16.f32 v0;
	v0 =	vunpack.i.l.bf16.f32 v0;
	v34 =	vld [tilespmem:s10+$0x20];
	s8 =	smul.f32 $2.500000000e-01, s8;
	s11 =	spop (v2sf)  }
0x26c: {  	v22 =	vadd.f32 v38, v35;
	(v2sf) =	vpush v25, $0xF;
	v9, _, _ =	vpop (xrf2);
	v35 =	vunpack.i.u.bf16.f32 v20;
	v47 =	vld [tilespmem:s18+$0x20];
	s11 =	smul.f32 $2.500000000e-01, s11  }
0x26d: {  	v25 =	vadd.f32 v26, v21;
	v20 =	vunpack.i.l.bf16.f32 v20;
	(xrf2) =	vadd.scan.msk.f32 $0xffff, v38;
	(v2sf) =	vpush v9, $0xF;
	v48 =	vld [tilespmem:s2+$0xFFFFFF40];
	s8 =	smax.f32 s8, $-5.000000000e+00  }
0x26e: {  	v21 =	vadd.f32 v36, v0;
	v9 =	vadd.f32 v42, v33;
	v0 =	vunpack.i.u.bf16.f32 v29;
	v33 =	vld [tilespmem:s2+$0xFFFFFF50];
	s8 =	smin.f32 s8, $5.000000000e+00;
	s11 =	smax.f32 s11, $-5.000000000e+00  }
0x26f: {  	v29 =	vunpack.i.l.bf16.f32 v29;
	v49 =	vunpack.i.u.bf16.f32 v30;
	v50 =	vld [tilespmem:s2+$0xFFFFFFC0];
	s11 =	smin.f32 s11, $5.000000000e+00;
	v51 =	vmov s8;
	s8 =	spop (v2sf)  }
0x270: {  	v30 =	vunpack.i.l.bf16.f32 v30;
	(xrf2) =	vadd.scan.msk.f32 $0xffff, v26;
	v52 =	vld [tilespmem:s2+$0xFFFFFFD0];
	v51 =	vmul.f32 $1.442695020e+00, v51;
	v53 =	vmov s11;
	s8 =	smul.f32 $2.500000000e-01, s8  }
0x271: {  	v55 =	vunpack.i.u.bf16.f32 v31;
	v31 =	vunpack.i.l.bf16.f32 v31;
	v54, _, _ =	vpop (xrf2);
	v56 =	vld [tilespmem:s2+$0x40];
	v53 =	vmul.f32 $1.442695020e+00, v53  }
0x272: {  	(v2sf) =	vpush v54, $0xF;
	v54 =	vunpack.i.u.bf16.f32 v34;
	v57 =	vld [tilespmem:s2+$0x50];
	v51 =	vbroadcast v51, $0x0;
	s8 =	smax.f32 s8, $-5.000000000e+00;
	s11 =	spop (v2sf)  }
0x273: {  	v59 =	vunpack.i.u.bf16.f32 v47;
	v34 =	vunpack.i.l.bf16.f32 v34;
	v58 =	vld [tilespmem:s10+$0xFFFFFF60];
	v53 =	vbroadcast v53, $0x0;
	s8 =	smin.f32 s8, $5.000000000e+00;
	s11 =	smul.f32 $2.500000000e-01, s11  }
0x274: {  	v20 =	vmul.f32 v29, v20;
	v47 =	vunpack.i.l.bf16.f32 v47;
	v60, _, _ =	vpop (xrf2);
	v29 =	vld [tilespmem:s10+$0xFFFFFFE0];
	(erf) = vpow2.f32 v51  }
0x275: {  	v0 =	vmul.f32 v0, v35;
	(v2sf) =	vpush v60, $0xF;
	(xrf2) =	vadd.scan.msk.f32 $0xffff, v36;
	v35 =	vld [tilespmem:s10+$0x60];
	(erf) = vpow2.f32 v53;
	s11 =	smax.f32 s11, $-5.000000000e+00;
	s17 =	spop (v2sf)  }
0x276: {  	v30 =	vmul.f32 v31, v30;
	v31 =	vmul.f32 v55, v49;
	v51 =	vmov s8;
	v49 =	vld [tilespmem:s10+$0xE0];
	s8 =	smin.f32 s11, $5.000000000e+00;
	s11 =	smul.f32 $2.500000000e-01, s17  }
0x277: {  	v34 =	vmul.f32 v47, v34;
	v47 =	vmul.f32 v59, v54;
	v53, _, _ =	vpop (xrf2);
	v54 =	vmov s8  }
0x278: {  	v20 =	vmul.f32 v48, v20;
	v0 =	vmul.f32 v33, v0;
	(v2sf) =	vpush v53, $0xF;
	(xrf2) =	vadd.scan.msk.f32 $0xffff, v42;
	s8 =	smax.f32 s11, $-5.000000000e+00  }
0x279: {  	v50 =	vmul.f32 v50, v30;
	v52 =	vmul.f32 v52, v31;
	v48 =	vunpack.i.u.bf16.f32 v58;
	s8 =	smin.f32 s8, $5.000000000e+00  }
0x27a: {  	v47 =	vmul.f32 v57, v47;
	v31 =	vunpack.i.l.bf16.f32 v58;
	v53 =	vmul.f32 v56, v34;
	v30, _, _ =	vpop (xrf2);
	[tilespmem:s26+$0xFFFFFF40] =	vst v20  }
0x27b: {  	v55 =	vunpack.i.u.bf16.f32 v29;
	(v2sf) =	vpush v30, $0xF;
	s11 =	spop (v2sf);
	v30 =	vunpack.i.l.bf16.f32 v49;
	(xrf2) =	vadd.scan.msk.f32 $0xffff, v20  }
0x27c: {  	v29 =	vunpack.i.l.bf16.f32 v29;
	v33 =	vunpack.i.u.bf16.f32 v49;
	s11 =	smul.f32 $2.500000000e-01, s11;
	s17 =	spop (v2sf);
	[tilespmem:s26+$0xFFFFFF50] =	vst v0;
	v30 =	vadd.f32 v28, v30  }
0x27d: {  	v56 =	vunpack.i.l.bf16.f32 v35;
	v49 =	vunpack.i.u.bf16.f32 v35;
	v57 =	vadd.f32 v32, v33;
	s17 =	smul.f32 $2.500000000e-01, s17;
	[tilespmem:s26+$0xFFFFFFC0] =	vst v50;
	v34 =	vpop (erf)  }
0x27e: {  	v33 =	vadd.f32 v20, v31;
	s11 =	smax.f32 s11, $-5.000000000e+00;
	[tilespmem:s26+$0xC0] =	vst v28;
	v28 =	vmul.f32 v34, v30;
	(xrf2) =	vadd.scan.msk.f32 $0xffff, v0;
	v35 =	vpop (erf)  }
0x27f: {  	v31 =	vadd.f32 v0, v48;
	v30 =	vadd.f32 v50, v29;
	s11 =	smin.f32 s11, $5.000000000e+00;
	s17 =	smax.f32 s17, $-5.000000000e+00;
	v20, _, _ =	vpop (xrf2);
	[tilespmem:s26+$0xD0] =	vst v32;
	v0 =	vmul.f32 v35, v57  }
0x280: {  	s17 =	smin.f32 s17, $5.000000000e+00;
	v29 =	vmov s11;
	(v2sf) =	vpush v20, $0xF;
	v20 =	vadd.f32 v52, v55;
	[tilespmem:s21+$0xD0] =	vst v28  }
0x281: {  	v32 =	vmul.f32 $1.442695020e+00, v29;
	v28 =	vmov s17;
	s11 =	spop (v2sf);
	[tilespmem:s21+$0xE0] =	vst v0;
	(xrf2) =	vadd.scan.msk.f32 $0xffff, v50  }
0x282: {  	v29 =	vadd.f32 v53, v56;
	s11 =	smul.f32 $2.500000000e-01, s11;
	v0 =	vmul.f32 $1.442695020e+00, v28;
	v48, _, _ =	vpop (xrf2);
	[tilespmem:s26+$0xFFFFFFD0] =	vst v52;
	v28 =	vadd.f32 v47, v49;
	v49 =	vld [tilespmem:s10+$0xB0]  }
0x283: {  	v50 =	vmov s8;
	v55 =	vbroadcast v32, $0x0;
	(v2sf) =	vpush v48, $0xF;
	[tilespmem:s26+$0x40] =	vst v53;
	v48 =	vld [tilespmem:s18+$0x70]  }
0x284: {  	v27 =	vsel vm3, v44, v27;
	v45 =	vmul.f32 $1.442695020e+00, v45;
	s8 =	smax.f32 s11, $-5.000000000e+00;
	v0 =	vbroadcast v0, $0x0;
	s11 =	spop (v2sf);
	[tilespmem:s26+$0x50] =	vst v47  }
0x285: {  	v16 =	vsel vm6, v1, v16;
	v46 =	vmul.f32 $1.442695020e+00, v46;
	s8 =	smin.f32 s8, $5.000000000e+00;
	s11 =	smul.f32 $2.500000000e-01, s11;
	(erf) = vpow2.f32 v55;
	v32, _, _ =	vpop (xrf2)  }
0x286: {  	v1 =	vmovc v39;
	v44 =	vmov s8;
	(erf) = vpow2.f32 v0;
	v0 =	vld [tilespmem:s2+$0xE0];
	(v2sf) =	vpush v32, $0xF;
	(xrf2) =	vadd.scan.msk.f32 $0xffff, v52  }
0x287: {  	v15 =	vsel vm7, v16, v15;
	v51 =	vmul.f32 $1.442695020e+00, v51;
	s8 =	smax.f32 s11, $-5.000000000e+00;
	v32 =	vmul.f32 $1.442695020e+00, v44;
	v39 =	vld [tilespmem:s3+$0xC0];
	s11 =	spop (v2sf)  }
0x288: {  	v54 =	vmul.f32 $1.442695020e+00, v54;
	v16 =	vunpack.i.l.bf16.f32 v49;
	s8 =	smin.f32 s8, $5.000000000e+00;
	s11 =	smul.f32 $2.500000000e-01, s11;
	v44 =	vunpack.i.l.bf16.f32 v48;
	v52, _, _ =	vpop (xrf2);
	[tilespmem:s14+$0x80] =	vst v15;
	s14 =	smov.u32 s15  }
0x289: {  	s15 =	smov.u32 s21;
	v32 =	vbroadcast v32, $0x0;
	v15 =	vmov s8;
	v16 =	vmul.f32 v44, v16;
	v55 =	vld [tilespmem:s2+$0xF0];
	(xrf2) =	vadd.scan.msk.f32 $0xffff, v53  }
0x28a: {  	v50 =	vmul.f32 $1.442695020e+00, v50;
	v44 =	vmul.f32 $1.442695020e+00, v15;
	s8 =	smax.f32 s11, $-5.000000000e+00;
	s11 =	spop (v2sf);
	(v2sf) =	vpush v52, $0xF  }
0x28b: {  	v49 =	vunpack.i.u.bf16.f32 v49;
	v48 =	vunpack.i.u.bf16.f32 v48;
	s8 =	smin.f32 s8, $5.000000000e+00;
	s11 =	smul.f32 $2.500000000e-01, s11;
	v15 =	vmul.f32 v0, v16;
	v0, _, _ =	vpop (xrf2)  }
0x28c: {  	v48 =	vmul.f32 v48, v49;
	v16 =	vmov s8;
	v52 =	vunpack.i.l.bf16.f32 v39  }
0x28d: {  	s8 =	smax.f32 s11, $-5.000000000e+00;
	v49 =	vmul.f32 $1.442695020e+00, v16;
	v16 =	vunpack.i.u.bf16.f32 v39;
	v56 =	vadd.f32 v24, v52;
	(xrf2) =	vadd.scan.msk.f32 $0xffff, v15  }
0x28e: {  	s26 =	sadd.s32 $0x200, s26;
	v52 =	vbroadcast v44, $0x0;
	s8 =	smin.f32 s8, $5.000000000e+00;
	v57 =	vadd.f32 v37, v16;
	v44 =	vpop (erf);
	v16 =	vmul.f32 v55, v48  }
0x28f: {  	v48 =	vbroadcast v49, $0x0;
	v49 =	vmov s8;
	[tilespmem:s26+$0x80] =	vst v24;
	v24 =	vmul.f32 v44, v56;
	s8 =	spop (v2sf);
	v39 =	vpop (erf)  }
0x290: {  	s21 =	sadd.s32 $0x240, s21;
	v49 =	vmul.f32 $1.442695020e+00, v49;
	s8 =	smul.f32 $2.500000000e-01, s8;
	[tilespmem:s26+$0x90] =	vst v37;
	v55 =	vmul.f32 v39, v57;
	v53, _, _ =	vpop (xrf2);
	(xrf2) =	vadd.scan.msk.f32 $0xffff, v16  }
0x291: {  	[tilespmem:s21+$0x90] =	vst v24;
	(v2sf) =	vpush v0, $0xF;
	v0 =	vbroadcast v43, $0x0;
	v24 =	vbroadcast v45, $0x0  }
0x292: {  	v43 =	vbroadcast v49, $0x0;
	s8 =	smax.f32 s8, $-5.000000000e+00;
	[tilespmem:s21+$0xA0] =	vst v55;
	(erf) = vpow2.f32 v32;
	s11 =	spop (v2sf);
	(v2sf) =	vpush v53, $0xF  }
0x293: {  	[tilespmem:s26+$0xFFFFFF00] =	vst v41;
	s8 =	smin.f32 s8, $5.000000000e+00;
	s11 =	smul.f32 $2.500000000e-01, s11;
	v32 =	vld [tilespmem:s3+$0x90];
	(erf) = vpow2.f32 v52;
	v37, _, _ =	vpop (xrf2);
	v41 =	vbroadcast v46, $0x0  }
0x294: {  	[tilespmem:s26+$0xFFFFFF10] =	vst v40;
	v40 =	vmov s8;
	v45 =	vld [tilespmem:s12+$0x50];
	(erf) = vpow2.f32 v48;
	(v2sf) =	vpush v37, $0xF  }
0x295: {  	[tilespmem:s26+$0x10] =	vst v42;
	s8 =	smax.f32 s11, $-5.000000000e+00;
	v40 =	vmul.f32 $1.442695020e+00, v40;
	(erf) = vpow2.f32 v43;
	s11 =	spop (v2sf);
	(xrf2) =	vadd.scan.msk.f32 $0xffff, v47  }
0x296: {  	v37 =	vbroadcast v54, $0x0;
	v42 =	vbroadcast v51, $0x0;
	[tilespmem:s26+$0xFFFFFF80] =	vst v38;
	s8 =	smin.f32 s8, $5.000000000e+00;
	s11 =	smul.f32 $2.500000000e-01, s11  }
0x297: {  	v38 =	vbroadcast v50, $0x0;
	[tilespmem:s26+$0xFFFFFF90] =	vst v26;
	v26 =	vbroadcast v40, $0x0;
	v40 =	vmov s8;
	v43 =	vld [tilespmem:s23+$0xA0];
	v46, _, _ =	vpop (xrf2)  }
0x298: {  	[tilespmem:s26+$0x0] =	vst v36;
	v36 =	vmul.f32 $1.442695020e+00, v40;
	s8 =	smax.f32 s11, $-5.000000000e+00;
	(erf) = vpow2.f32 v0  }
0x299: {  	v0 =	vunpack.i.l.bf16.f32 v32;
	v47 =	vunpack.i.l.bf16.f32 v45;
	(erf) = vpow2.f32 v26;
	s8 =	smin.f32 s8, $5.000000000e+00;
	s11 =	spop (v2sf)  }
0x29a: {  	v26 =	vbroadcast v36, $0x0;
	v48 =	vmul.f32 v47, v0;
	v36 =	vld [tilespmem:s23+$0xB0];
	s11 =	smul.f32 $2.500000000e-01, s11;
	(v2sf) =	vpush v46, $0xF;
	v40, _, _ =	vpop (xrf2)  }
0x29b: {  	v47 =	vmov s8;
	v46 =	vpop (erf);
	(v2sf) =	vpush v40, $0xF;
	(erf) = vpow2.f32 v24  }
0x29c: {  	v49 =	vunpack.i.u.bf16.f32 v45;
	v24 =	vunpack.i.u.bf16.f32 v32;
	v32 =	vmul.f32 v43, v48;
	v0 =	vpop (erf);
	s8 =	smax.f32 s11, $-5.000000000e+00  }
0x29d: {  	v43 =	vnsel vm0, $0x0, v46;
	v48 =	vmul.f32 v49, v24;
	v40 =	vpop (erf);
	(erf) = vpow2.f32 v26;
	s8 =	smin.f32 s8, $5.000000000e+00  }
0x29e: {  	v26 =	vmul.f32 v46, v10;
	v10 =	vmul.f32 v0, v13;
	v45 =	vpop (erf);
	(xrf2) =	vadd.scan.msk.f32 $0xffff, v32;
	v13 =	vmov s8  }
0x29f: {  	v22 =	vmul.f32 v40, v22;
	v40 =	vnsel vm0, $0x0, v40;
	v36 =	vmul.f32 v36, v48;
	v24, _, _ =	vpop (xrf2)  }
0x2a0: {  	[tilespmem:s21+$0xFFFFFEF0] =	vst v10;
	v10 =	vmul.f32 v45, v25;
	v25 =	vmul.f32 $1.442695020e+00, v47;
	s8 =	spop (v2sf);
	(v2sf) =	vpush v24, $0xF  }
0x2a1: {  	[tilespmem:s21+$0xFFFFFF70] =	vst v22;
	(xrf2) =	vadd.scan.msk.f32 $0xffff, v36;
	v22 =	vmul.f32 $1.442695020e+00, v13;
	s8 =	smul.f32 $2.500000000e-01, s8;
	s11 =	spop (v2sf);
	v24 =	vpop (erf);
	(erf) = vpow2.f32 v41  }
0x2a2: {  	v13 =	vsel vm1, v43, v0;
	[tilespmem:s21+$0xFFFFFF80] =	vst v10;
	v10 =	vsel vm1, v40, v45;
	v0 =	vpop (erf);
	v25 =	vbroadcast v25, $0x0;
	s11 =	smul.f32 $2.500000000e-01, s11  }
0x2a3: {  	[tilespmem:s21+$0xFFFFFEE0] =	vst v26;
	v26 =	vld [tilespmem:s3+$0xFFFFFF90];
	v21 =	vmul.f32 v0, v21;
	v0 =	vnsel vm0, $0x0, v0;
	v41 =	vbroadcast v22, $0x0;
	s8 =	smax.f32 s8, $-5.000000000e+00;
	s17 =	spop (v2sf)  }
0x2a4: {  	v14 =	vmul.f32 v24, v14;
	v6 =	vsel vm6, v6, v24;
	v40 =	vld [tilespmem:s3+$0xFFFFFF10];
	s11 =	smax.f32 s11, $-5.000000000e+00;
	s17 =	smul.f32 $2.500000000e-01, s17;
	(erf) = vpow2.f32 v25;
	v24 =	vpop (erf)  }
0x2a5: {  	s8 =	smin.f32 s8, $5.000000000e+00;
	v25 =	vld [tilespmem:s12+$0xFFFFFF90];
	[tilespmem:s21+$0x0] =	vst v21;
	s11 =	smin.f32 s11, $5.000000000e+00;
	(erf) = vpow2.f32 v41;
	v12 =	vmul.f32 v24, v12;
	v6 =	vsel vm7, v6, v24  }
0x2a6: {  	v24 =	vmov s8;
	v21 =	vld [tilespmem:s12+$0xFFFFFFD0];
	v22 =	vpop (erf);
	v41 =	vmov s11;
	s8 =	smax.f32 s17, $-5.000000000e+00;
	[tilespmem:s14+$0xFFFFFF40] =	vst v14;
	(erf) = vpow2.f32 v42  }
0x2a7: {  	v14 =	vmul.f32 $1.442695020e+00, v24;
	v42 =	vld [tilespmem:s23+$0xFFFFFF20];
	v43 =	vmul.f32 v22, v9;
	v9 =	vsel vm1, v0, v22;
	s8 =	smin.f32 s8, $5.000000000e+00;
	[tilespmem:s14+$0xFFFFFF50] =	vst v12  }
0x2a8: {  	v0 =	vld [tilespmem:s23+$0xFFFFFF30];
	v22 =	vunpack.i.u.bf16.f32 v26;
	v24 =	vunpack.i.l.bf16.f32 v26;
	v26, _, _ =	vpop (xrf2);
	v48 =	vmov s8;
	[tilespmem:s14+$0xFFFFFF60] =	vst v6  }
0x2a9: {  	v41 =	vmul.f32 $1.442695020e+00, v41;
	v6 =	vunpack.i.u.bf16.f32 v40;
	v40 =	vunpack.i.l.bf16.f32 v40;
	v45 =	vld [tilespmem:s23+$0xFFFFFFA0];
	[tilespmem:s21+$0x10] =	vst v43;
	s8 =	spop (v2sf)  }
0x2aa: {  	v47 =	vmul.f32 $1.442695020e+00, v48;
	v43 =	vunpack.i.u.bf16.f32 v25;
	v25 =	vunpack.i.l.bf16.f32 v25;
	v46 =	vld [tilespmem:s3+$0x10];
	s8 =	smul.f32 $2.500000000e-01, s8;
	s11 =	spop (v2sf);
	v12 =	vpop (erf)  }
0x2ab: {  	v48 =	vunpack.i.u.bf16.f32 v21;
	v21 =	vunpack.i.l.bf16.f32 v21;
	v49 =	vld [tilespmem:s12+$0x10];
	(v2sf) =	vpush v26, $0xF;
	v26, _, _ =	vpop (xrf2);
	s11 =	smul.f32 $2.500000000e-01, s11  }
0x2ac: {  	v25 =	vmul.f32 v25, v40;
	v6 =	vmul.f32 v43, v6;
	v40 =	vld [tilespmem:s23+$0xFFFFFFB0];
	(v2sf) =	vpush v26, $0xF;
	s8 =	smax.f32 s8, $-5.000000000e+00  }
0x2ad: {  	v21 =	vmul.f32 v21, v24;
	v22 =	vmul.f32 v48, v22;
	v48 =	vsel vm6, v11, v12;
	v24 =	vld [tilespmem:s23+$0x20];
	s8 =	smin.f32 s8, $5.000000000e+00;
	s11 =	smax.f32 s11, $-5.000000000e+00;
	v43 =	vpop (erf)  }
0x2ae: {  	v25 =	vmul.f32 v42, v25;
	v0 =	vmul.f32 v0, v6;
	v26 =	vld [tilespmem:s23+$0x30];
	s11 =	smin.f32 s11, $5.000000000e+00;
	v6 =	vmov s8;
	v42 =	vpop (erf)  }
0x2af: {  	v50 =	vld [tilespmem:s3+$0xFFFFFF50];
	v51 =	vunpack.i.u.bf16.f32 v46;
	v6 =	vmul.f32 $1.442695020e+00, v6;
	v52 =	vmov s11;
	s8 =	spop (v2sf);
	v11 =	vpop (erf)  }
0x2b0: {  	v46 =	vunpack.i.l.bf16.f32 v46;
	v53 =	vld [tilespmem:s3+$0xFFFFFFD0];
	v54 =	vunpack.i.u.bf16.f32 v49;
	(xrf2) =	vadd.scan.msk.f32 $0xffff, v25;
	s8 =	smul.f32 $2.500000000e-01, s8;
	v52 =	vmul.f32 $1.442695020e+00, v52  }
0x2b1: {  	v49 =	vunpack.i.l.bf16.f32 v49;
	[tilespmem:s26+$0xFFFFFF20] =	vst v25;
	v55 =	vld [tilespmem:s3+$0x50];
	v51 =	vmul.f32 v54, v51;
	v54 =	vbroadcast v6, $0x0  }
0x2b2: {  	v46 =	vmul.f32 v49, v46;
	v6 =	vsel vm4, v23, v43;
	[tilespmem:s26+$0xFFFFFF30] =	vst v0;
	s8 =	smax.f32 s8, $-5.000000000e+00;
	v23 =	vbroadcast v52, $0x0  }
0x2b3: {  	v21 =	vmul.f32 v45, v21;
	v6 =	vsel vm5, v6, v42;
	s8 =	smin.f32 s8, $5.000000000e+00;
	(erf) = vpow2.f32 v54  }
0x2b4: {  	v40 =	vmul.f32 v40, v22;
	v45 =	vunpack.i.u.bf16.f32 v50;
	(xrf2) =	vadd.scan.msk.f32 $0xffff, v0;
	(erf) = vpow2.f32 v23  }
0x2b5: {  	v46 =	vmul.f32 v24, v46;
	v49 =	vmul.f32 v26, v51;
	v22 =	vunpack.i.l.bf16.f32 v50;
	[tilespmem:s26+$0xFFFFFFA0] =	vst v21  }
0x2b6: {  	v24 =	vunpack.i.u.bf16.f32 v53;
	v50 =	vunpack.i.l.bf16.f32 v53;
	[tilespmem:s26+$0xFFFFFFB0] =	vst v40;
	v51 =	vunpack.i.u.bf16.f32 v55  }
0x2b7: {  	v52 =	vnsel vm0, $0x0, v2;
	v2 =	vmovc v44;
	v23 =	vadd.f32 v25, v22;
	v22 =	vunpack.i.l.bf16.f32 v55;
	(xrf2) =	vadd.scan.msk.f32 $0xffff, v21  }
0x2b8: {  	v26 =	vadd.f32 v0, v45;
	v0 =	vsel vm1, v52, v3;
	v25 =	vadd.f32 v21, v50;
	[tilespmem:s26+$0x20] =	vst v46  }
0x2b9: {  	v24 =	vadd.f32 v40, v24;
	v0 =	vsel vm2, v0, v7;
	v21 =	vadd.f32 v46, v22;
	[tilespmem:s26+$0x30] =	vst v49  }
0x2ba: {  	v7 =	vmov s8;
	v22 =	vadd.f32 v49, v51;
	v0 =	vsel vm3, v0, v8;
	v3, _, _ =	vpop (xrf2);
	(xrf2) =	vadd.scan.msk.f32 $0xffff, v40;
	s11 =	spop (v2sf)  }
0x2bb: {  	v7 =	vmul.f32 $1.442695020e+00, v7;
	v0 =	vsel vm4, v0, v34;
	s8 =	smul.f32 $2.500000000e-01, s11;
	(v2sf) =	vpush v3, $0xF;
	s11 =	spop (v2sf);
	v3 =	vmovc v39  }
0x2bc: {  	v8 =	vbroadcast v14, $0x0;
	v14 =	vbroadcast v41, $0x0;
	v0 =	vsel vm5, v0, v35;
	s11 =	smul.f32 $2.500000000e-01, s11;
	v34 =	vpop (erf)  }
0x2bd: {  	v35 =	vbroadcast v47, $0x0;
	s8 =	smax.f32 s8, $-5.000000000e+00;
	(xrf2) =	vadd.scan.msk.f32 $0xffff, v46;
	v39 =	vld [tilespmem:s10+$0xF0];
	[tilespmem:s16+$0xE0] =	vst v15;
	v0 =	vsel vm6, v0, v34;
	v40 =	vpop (erf)  }
0x2be: {  	v33 =	vmul.f32 v43, v33;
	v7 =	vbroadcast v7, $0x0;
	s8 =	smin.f32 s8, $5.000000000e+00;
	s11 =	smax.f32 s11, $-5.000000000e+00;
	v41, _, _ =	vpop (xrf2);
	[tilespmem:s16+$0xF0] =	vst v16;
	v0 =	vsel vm7, v0, v40  }
0x2bf: {  	s11 =	smin.f32 s11, $5.000000000e+00;
	v43 =	vmov s8;
	(v2sf) =	vpush v41, $0xF;
	[tilespmem:s15+$0x110] =	vst v0;
	(erf) = vpow2.f32 v8  }
0x2c0: {  	v0 =	vmul.f32 $1.442695020e+00, v43;
	v8 =	vmov s11;
	(xrf2) =	vadd.scan.msk.f32 $0xffff, v49;
	(erf) = vpow2.f32 v14  }
0x2c1: {  	v31 =	vmul.f32 v42, v31;
	v8 =	vmul.f32 $1.442695020e+00, v8;
	v14, _, _ =	vpop (xrf2);
	[tilespmem:s15+$0xFFFFFF20] =	vst v33;
	v33 =	vsel vm7, v48, v11  }
0x2c2: {  	v0 =	vbroadcast v0, $0x0;
	(v2sf) =	vpush v14, $0xF;
	(erf) = vpow2.f32 v35;
	[tilespmem:s14+$0xFFFFFFF0] =	vst v33  }
0x2c3: {  	v14 =	vunpack.i.u.bf16.f32 v39;
	v8 =	vbroadcast v8, $0x0;
	[tilespmem:s15+$0xFFFFFF30] =	vst v31;
	(erf) = vpow2.f32 v7  }
0x2c4: {  	v31 =	vunpack.i.l.bf16.f32 v39;
	v14 =	vadd.f32 v16, v14;
	v7, _, _ =	vpop (xrf2);
	(erf) = vpow2.f32 v0;
	v0 =	vld [tilespmem:s10+$0xFFFFFF30]  }
0x2c5: {  	(v2sf) =	vpush v7, $0xF;
	(erf) = vpow2.f32 v8;
	v7 =	vld [tilespmem:s18+$0xFFFFFFB0];
	v8 =	vadd.f32 v15, v31  }
0x2c6: {  	v12 =	vmul.f32 v12, v18;
	v15 =	vld [tilespmem:s3+$0xD0];
	(erf) = vpow2.f32 v37  }
0x2c7: {  	v35 =	vmul.f32 v11, v17;
	v16, _, _ =	vpop (xrf2);
	v18 =	vld [tilespmem:s2+$0xFFFFFF60];
	(erf) = vpow2.f32 v38  }
0x2c8: {  	v14 =	vmul.f32 v40, v14;
	v8 =	vmul.f32 v34, v8;
	(v2sf) =	vpush v16, $0xF;
	v16 =	vld [tilespmem:s2+$0xFFFFFF70];
	v17 =	vpop (erf);
	[tilespmem:s14+$0xFFFFFFD0] =	vst v12  }
0x2c9: {  	v12 =	vunpack.i.u.bf16.f32 v0;
	v0 =	vunpack.i.l.bf16.f32 v0;
	v31 =	vld [tilespmem:s10+$0xFFFFFF70];
	v30 =	vmul.f32 v17, v30;
	v33 =	vpop (erf);
	[tilespmem:s14+$0xFFFFFFE0] =	vst v35  }
0x2ca: {  	s8 =	spop (v2sf);
	v11, _, _ =	vpop (xrf2);
	v34 =	vunpack.i.u.bf16.f32 v7;
	v7 =	vunpack.i.l.bf16.f32 v7;
	v35 =	vmul.f32 v33, v20;
	[tilespmem:s15+$0xF0] =	vst v8  }
0x2cb: {  	s8 =	smul.f32 $2.500000000e-01, s8;
	v8 =	vunpack.i.l.bf16.f32 v15;
	(v2sf) =	vpush v11, $0xF;
	v0 =	vmul.f32 v7, v0;
	[tilespmem:s15+$0xFFFFFFB0] =	vst v30;
	v11 =	vpop (erf)  }
0x2cc: {  	v30 =	vunpack.i.u.bf16.f32 v15;
	v37 =	vadd.f32 v32, v8;
	[tilespmem:s15+$0xFFFFFFC0] =	vst v35;
	v29 =	vmul.f32 v11, v29;
	v20 =	vpop (erf)  }
0x2cd: {  	v12 =	vmul.f32 v34, v12;
	v38 =	vadd.f32 v36, v30;
	s8 =	smax.f32 s8, $-5.000000000e+00;
	v7 =	vpop (erf);
	v30 =	vld [tilespmem:s10+$0xFFFFFFB0];
	v28 =	vmul.f32 v20, v28;
	[tilespmem:s15+$0x100] =	vst v14  }
0x2ce: {  	v0 =	vmul.f32 v18, v0;
	s8 =	smin.f32 s8, $5.000000000e+00;
	[tilespmem:s26+$0xA0] =	vst v32;
	v14 =	vmul.f32 v7, v37;
	s11 =	spop (v2sf);
	v8 =	vpop (erf);
	v32 =	vunpack.i.u.bf16.f32 v31;
	v18 =	vld [tilespmem:s18+$0xFFFFFFF0]  }
0x2cf: {  	s11 =	smul.f32 $2.500000000e-01, s11;
	v34 =	vmov s8;
	[tilespmem:s26+$0xB0] =	vst v36;
	v35 =	vmul.f32 v8, v38;
	v36 =	vmul.f32 v16, v12;
	v37 =	vld [tilespmem:s2+$0xFFFFFFE0];
	v16 =	vpop (erf)  }
0x2d0: {  	v12 =	vunpack.i.l.bf16.f32 v31;
	v34 =	vmul.f32 $1.442695020e+00, v34;
	[tilespmem:s21+$0xB0] =	vst v14;
	v31 =	vld [tilespmem:s2+$0xFFFFFFF0];
	(xrf2) =	vadd.scan.msk.f32 $0xffff, v0;
	v15 =	vpop (erf)  }
0x2d1: {  	v17 =	vsel vm4, v19, v17;
	v14 =	vadd.f32 v0, v12;
	s8 =	smax.f32 s11, $-5.000000000e+00;
	[tilespmem:s21+$0xC0] =	vst v35;
	s11 =	spop (v2sf);
	v12 =	vadd.f32 v36, v32;
	v32 =	vld [tilespmem:s10+$0xFFFFFFF0]  }
0x2d2: {  	s8 =	smin.f32 s8, $5.000000000e+00;
	v19 =	vbroadcast v34, $0x0;
	s11 =	smul.f32 $2.500000000e-01, s11;
	v34 =	vld [tilespmem:s3+$0xA0];
	v35 =	vunpack.i.u.bf16.f32 v30;
	v30 =	vunpack.i.l.bf16.f32 v30;
	[tilespmem:s15+$0x40] =	vst v29  }
0x2d3: {  	v29 =	vmov s8;
	v38 =	vld [tilespmem:s12+$0x60];
	v39 =	vunpack.i.u.bf16.f32 v18;
	v18 =	vunpack.i.l.bf16.f32 v18;
	[tilespmem:s15+$0x50] =	vst v28  }
0x2d4: {  	v28 =	vmul.f32 $1.442695020e+00, v29;
	s8 =	smax.f32 s11, $-5.000000000e+00;
	(erf) = vpow2.f32 v19;
	s11 =	spop (v2sf);
	v19 =	vsel vm4, v27, v11;
	v40 =	vld [tilespmem:s10+$0x30];
	(xrf2) =	vadd.scan.msk.f32 $0xffff, v36  }
0x2d5: {  	v11 =	vsel vm5, v17, v33;
	v39 =	vmul.f32 v39, v35;
	s8 =	smin.f32 s8, $5.000000000e+00;
	s11 =	smul.f32 $2.500000000e-01, s11;
	[tilespmem:s16+$0xFFFFFF60] =	vst v0;
	v0 =	vmul.f32 v18, v30;
	v35 =	vld [tilespmem:s18+$0x30];
	s18 =	smov.u32 s12  }
0x2d6: {  	v28 =	vbroadcast v28, $0x0;
	v18 =	vmov s8;
	v33 =	vld [tilespmem:s23+$0xC0];
	[tilespmem:s16+$0xFFFFFF70] =	vst v36;
	v17 =	vunpack.i.u.bf16.f32 v32  }
0x2d7: {  	s8 =	smax.f32 s11, $-5.000000000e+00;
	v30 =	vmul.f32 $1.442695020e+00, v18;
	s11 =	spop (v2sf);
	v18 =	vunpack.i.l.bf16.f32 v32;
	v27 =	vmul.f32 v37, v0;
	v29 =	vld [tilespmem:s2+$0x60]  }
0x2d8: {  	v0 =	vunpack.i.l.bf16.f32 v34;
	s8 =	smin.f32 s8, $5.000000000e+00;
	s11 =	smul.f32 $2.500000000e-01, s11;
	v32 =	vunpack.i.l.bf16.f32 v38;
	(erf) = vpow2.f32 v28;
	v36 =	vld [tilespmem:s2+$0x70];
	s2 =	smov.u32 s23  }
0x2d9: {  	v37 =	vbroadcast v30, $0x0;
	v28 =	vmov s8;
	v0 =	vmul.f32 v32, v0;
	v32 =	vld [tilespmem:s23+$0xD0];
	(xrf2) =	vadd.scan.msk.f32 $0xffff, v27  }
0x2da: {  	v42 =	vunpack.i.u.bf16.f32 v40;
	v40 =	vunpack.i.l.bf16.f32 v40;
	v41 =	vmul.f32 $1.442695020e+00, v28;
	s8 =	smax.f32 s11, $-5.000000000e+00;
	s11 =	spop (v2sf);
	[tilespmem:s16+$0xFFFFFFE0] =	vst v27;
	v30 =	vld [tilespmem:s10+$0x70];
	v43, _, _ =	vpop (xrf2);
	s10 =	smov.u32 s3  }
0x2db: {  	v34 =	vunpack.i.u.bf16.f32 v34;
	v38 =	vunpack.i.u.bf16.f32 v38;
	s8 =	smin.f32 s8, $5.000000000e+00;
	s11 =	smul.f32 $2.500000000e-01, s11;
	v28 =	vmul.f32 v33, v0  }
0x2dc: {  	v34 =	vmul.f32 v38, v34;
	v0 =	vbroadcast v41, $0x0;
	v44 =	vmov s8  }
0x2dd: {  	s8 =	smax.f32 s11, $-5.000000000e+00;
	v38 =	vmul.f32 $1.442695020e+00, v44;
	v33 =	vpop (erf);
	(erf) = vpow2.f32 v37;
	(xrf2) =	vadd.scan.msk.f32 $0xffff, v28;
	v37 =	vunpack.i.u.bf16.f32 v35  }
.Ltmp3:
0x2de: {  	v23 =	vmul.f32 v33, v23;
	s8 =	smin.f32 s8, $5.000000000e+00;
	v32 =	vmul.f32 v32, v34;
	v34 =	vunpack.i.l.bf16.f32 v35;
	v41, _, _ =	vpop (xrf2);
	(pc) =	sbr.rel @p0 .LBB2_5-.Ltmp3, $4  }
0x2df: {  	v44 =	vbroadcast v38, $0x0;
	v38 =	vmov s8;
	(erf) = vpow2.f32 v0  }
0x2e0: {  	[tilespmem:s21+$0xFFFFFF00] =	vst v23;
	v0 =	vmul.f32 $1.442695020e+00, v38;
	(xrf2) =	vadd.scan.msk.f32 $0xffff, v32;
	v23 =	vmul.f32 v34, v40  }
0x2e1: {  	v37 =	vmul.f32 v37, v42;
	v34 =	vmul.f32 v31, v39;
	v35 =	vpop (erf);
	(v2sf) =	vpush v43, $0xF  }
0x2e2: {  	s3 =	sadd.s32 $0x200, s3;
	v38 =	vbroadcast v0, $0x0;
	(erf) = vpow2.f32 v44;
	(v2sf) =	vpush v41, $0xF  }
0x2e3: {  	_ =	sdelay $0x4  }
0x2e4: {  	v0, _, _ =	vpop (xrf2)  }
0x2e5: {  	(v2sf) =	vpush v0, $0xF;
	v0, _, _ =	vpop (xrf2)  }
0x2e6: {  	(v2sf) =	vpush v0, $0xF;
	v0, _, _ =	vpop (xrf2)  }
0x2e7: {  	(v2sf) =	vpush v0, $0xF;
	_ =	sdelay $0x8  }
0x2e8: {  	v31 =	vmul.f32 v29, v23  }
0x2e9: {  	v29 =	vmul.f32 v36, v37;
	(xrf2) =	vadd.scan.msk.f32 $0xffff, v34  }
0x2ea: {  	(xrf2) =	vadd.scan.msk.f32 $0xffff, v31;
	s8 =	spop (v2sf)  }
0x2eb: {  	(xrf2) =	vadd.scan.msk.f32 $0xffff, v29;
	s11 =	spop (v2sf)  }
0x2ec: {  	s3 =	spop (v2sf)  }
0x2ed: {  	s12 =	spop (v2sf)  }
0x2ee: {  	s12 =	smul.f32 $2.500000000e-01, s12;
	s17 =	spop (v2sf)  }
0x2ef: {  	[tilespmem:s16+$0xFFFFFFF0] =	vst v34;
	(erf) = vpow2.f32 v38;
	s30 =	smul.f32 $2.500000000e-01, s17  }
0x2f0: {  	[tilespmem:s16+$0x70] =	vst v29;
	s12 =	smax.f32 s12, $-5.000000000e+00  }
0x2f1: {  	v5 =	vmul.f32 v16, v5;
	[tilespmem:s16+$0x60] =	vst v31;
	s12 =	smin.f32 s12, $5.000000000e+00;
	s16 =	smax.f32 s30, $-5.000000000e+00  }
0x2f2: {  	v0 =	vmul.f32 v35, v26;
	v26 =	vpop (erf);
	v46 =	vmov s12;
	s16 =	smin.f32 s16, $5.000000000e+00  }
0x2f3: {  	v4 =	vmul.f32 v15, v4;
	v45, _, _ =	vpop (xrf2);
	v38 =	vmul.f32 $1.442695020e+00, v46;
	v39 =	vmov s16  }
0x2f4: {  	[tilespmem:s14+$0x60] =	vst v5;
	v47, _, _ =	vpop (xrf2);
	(v2sf) =	vpush v45, $0xF;
	v39 =	vmul.f32 $1.442695020e+00, v39  }
0x2f5: {  	[tilespmem:s14+$0x70] =	vst v4;
	v5, _, _ =	vpop (xrf2);
	(v2sf) =	vpush v47, $0xF;
	v4 =	vbroadcast v38, $0x0  }
0x2f6: {  	[tilespmem:s21+$0xFFFFFF10] =	vst v0;
	v0 =	vmul.f32 v26, v25;
	v25 =	vpop (erf);
	(v2sf) =	vpush v5, $0xF;
	v5 =	vbroadcast v39, $0x0  }
0x2f7: {  	v62 =	vmul.f32 v25, v24;
	v24 =	vpop (erf);
	(erf) = vpow2.f32 v4  }
0x2f8: {  	v23 =	vpop (erf);
	v4 =	vld [tilespmem:s10+$0xE0];
	(erf) = vpow2.f32 v5;
	_ =	sdelay $0x2  }
0x2f9: {  	v63 =	vld [tilespmem:s18+$0xFFFFFFA0]  }
0x2fa: {  	v49 =	vld [tilespmem:s2+$0xFFFFFF40]  }
0x2fb: {  	v51 =	vld [tilespmem:s2+$0xFFFFFF50];
	[tilespmem:s21+$0xFFFFFF90] =	vst v0;
	v0 =	vmul.f32 v24, v21;
	v5 =	vunpack.i.l.bf16.f32 v4  }
0x2fc: {  	v21 =	vld [tilespmem:s10+$0xFFFFFF20];
	[tilespmem:s21+$0xFFFFFFA0] =	vst v62;
	v22 =	vmul.f32 v23, v22;
	v4 =	vunpack.i.u.bf16.f32 v4  }
0x2fd: {  	[tilespmem:s21+$0x20] =	vst v0;
	v0 =	vld [tilespmem:s10+$0xFFFFFFA0];
	v50 =	vadd.f32 v28, v5  }
0x2fe: {  	v42 =	vld [tilespmem:s2+$0xFFFFFFC0];
	[tilespmem:s21+$0x30] =	vst v22;
	v41 =	vadd.f32 v32, v4;
	v5 =	vpop (erf)  }
0x2ff: {  	v22 =	vld [tilespmem:s18+$0xFFFFFFE0];
	[tilespmem:s26+$0xC0] =	vst v28;
	v28 =	vmul.f32 v5, v50;
	v4 =	vpop (erf)  }
0x300: {  	v48 =	vld [tilespmem:s10+$0x20];
	[tilespmem:s26+$0xD0] =	vst v32;
	v52 =	vmul.f32 v4, v41  }
0x301: {  	v40 =	vld [tilespmem:s18+$0x20];
	[tilespmem:s21+$0xD0] =	vst v28  }
0x302: {  	v53 =	vunpack.i.l.bf16.f32 v63;
	v28 =	vunpack.i.l.bf16.f32 v21;
	v43 =	vld [tilespmem:s2+$0xFFFFFFD0];
	[tilespmem:s21+$0xE0] =	vst v52  }
0x303: {  	v54 =	vunpack.i.u.bf16.f32 v63;
	v21 =	vunpack.i.u.bf16.f32 v21;
	v28 =	vmul.f32 v53, v28;
	v44 =	vld [tilespmem:s10+$0xB0]  }
0x304: {  	v55 =	vunpack.i.u.bf16.f32 v0;
	v21 =	vmul.f32 v54, v21;
	v45 =	vld [tilespmem:s18+$0x70]  }
0x305: {  	v0 =	vunpack.i.l.bf16.f32 v0;
	v56 =	vunpack.i.l.bf16.f32 v22;
	v38 =	vmul.f32 v49, v28  }
0x306: {  	v22 =	vunpack.i.u.bf16.f32 v22;
	v0 =	vmul.f32 v56, v0;
	v28 =	vld [tilespmem:s2+$0x40];
	v41 =	vmul.f32 v51, v21  }
0x307: {  	v57 =	vunpack.i.l.bf16.f32 v48;
	v22 =	vmul.f32 v22, v55;
	v46 =	vunpack.i.l.bf16.f32 v40;
	v21 =	vld [tilespmem:s2+$0xE0];
	(xrf2) =	vadd.scan.msk.f32 $0xffff, v38  }
0x308: {  	v58 =	vmul.f32 v46, v57;
	v39 =	vmul.f32 v42, v0;
	v0 =	vld [tilespmem:s2+$0xF0];
	(xrf2) =	vadd.scan.msk.f32 $0xffff, v41  }
0x309: {  	v32 =	vmul.f32 v43, v22;
	v22 =	vunpack.i.l.bf16.f32 v44;
	v59 =	vunpack.i.l.bf16.f32 v45  }
0x30a: {  	(xrf2) =	vadd.scan.msk.f32 $0xffff, v39;
	v60 =	vunpack.i.u.bf16.f32 v44;
	v61 =	vunpack.i.u.bf16.f32 v45;
	v22 =	vmul.f32 v59, v22  }
0x30b: {  	v28 =	vmul.f32 v28, v58;
	v62 =	vmul.f32 v61, v60  }
0x30c: {  	(xrf2) =	vadd.scan.msk.f32 $0xffff, v32;
	v22 =	vmul.f32 v21, v22  }
0x30d: {  	(xrf2) =	vadd.scan.msk.f32 $0xffff, v28;
	v21 =	vmul.f32 v0, v62;
	v0 =	vld [tilespmem:s2+$0x50]  }
0x30e: {  	(xrf2) =	vadd.scan.msk.f32 $0xffff, v22  }
0x30f: {  	v63 =	vunpack.i.u.bf16.f32 v48;
	v44 =	vunpack.i.u.bf16.f32 v40;
	(xrf2) =	vadd.scan.msk.f32 $0xffff, v21  }
0x310: {  	v36 =	vmul.f32 v44, v63  }
0x311: {  	v45, _, _ =	vpop (xrf2)  }
0x312: {  	(v2sf) =	vpush v45, $0xF;
	v46, _, _ =	vpop (xrf2);
	v40 =	vmul.f32 v0, v36  }
0x313: {  	(v2sf) =	vpush v46, $0xF  }
0x314: {  	v0, _, _ =	vpop (xrf2);
	(xrf2) =	vadd.scan.msk.f32 $0xffff, v40  }
0x315: {  	(v2sf) =	vpush v0, $0xF  }
0x316: {  	v47, _, _ =	vpop (xrf2)  }
0x317: {  	(v2sf) =	vpush v47, $0xF;
	v0, _, _ =	vpop (xrf2)  }
0x318: {  	(v2sf) =	vpush v0, $0xF;
	v0, _, _ =	vpop (xrf2)  }
0x319: {  	s8 =	smul.f32 $2.500000000e-01, s8;
	(v2sf) =	vpush v0, $0xF;
	v0, _, _ =	vpop (xrf2)  }
0x31a: {  	s11 =	smul.f32 $2.500000000e-01, s11;
	(v2sf) =	vpush v0, $0xF  }
0x31b: {  	s8 =	smax.f32 s8, $-5.000000000e+00  }
0x31c: {  	s11 =	smax.f32 s11, $-5.000000000e+00;
	s3 =	smul.f32 $2.500000000e-01, s3  }
0x31d: {  	s7 =	smin.f32 s8, $5.000000000e+00;
	s0 =	spop (v2sf)  }
0x31e: {  	s23 =	smax.f32 s3, $-5.000000000e+00;
	s8 =	spop (v2sf);
	v0, _, _ =	vpop (xrf2)  }
0x31f: {  	s12 =	smul.f32 $2.500000000e-01, s0;
	s3 =	spop (v2sf);
	(v2sf) =	vpush v0, $0xF  }
0x320: {  	s11 =	smin.f32 s11, $5.000000000e+00;
	s17 =	smin.f32 s23, $5.000000000e+00  }
0x321: {  	s12 =	smax.f32 s12, $-5.000000000e+00;
	s19 =	spop (v2sf)  }
0x322: {  	s19 =	smul.f32 $2.500000000e-01, s19;
	s23 =	spop (v2sf)  }
0x323: {  	s12 =	smin.f32 s12, $5.000000000e+00;
	s30 =	smul.f32 $2.500000000e-01, s23  }
0x324: {  	v49 =	vmov s17;
	v0 =	vmov s7;
	s7 =	spop (v2sf);
	s25 =	smax.f32 s19, $-5.000000000e+00  }
0x325: {  	v37 =	vmul.f32 $1.442695020e+00, v49;
	v50 =	vmov s12;
	s0 =	smin.f32 s25, $5.000000000e+00;
	s23 =	smax.f32 s30, $-5.000000000e+00  }
0x326: {  	v48 =	vmov s11;
	v42 =	vmul.f32 $1.442695020e+00, v50;
	v0 =	vmul.f32 $1.442695020e+00, v0;
	s25 =	spop (v2sf);
	s30 =	smul.f32 $2.500000000e-01, s7  }
0x327: {  	v37 =	vbroadcast v37, $0x0;
	v36 =	vmul.f32 $1.442695020e+00, v48;
	s12 =	smin.f32 s23, $5.000000000e+00;
	s19 =	spop (v2sf)  }
0x328: {  	v54 =	vbroadcast v42, $0x0;
	v0 =	vbroadcast v0, $0x0;
	v51 =	vmov s0;
	s17 =	smul.f32 $2.500000000e-01, s25;
	s0 =	spop (v2sf)  }
0x329: {  	v36 =	vbroadcast v36, $0x0;
	v52 =	vmov s12;
	v43 =	vmul.f32 $1.442695020e+00, v51;
	s7 =	smul.f32 $2.500000000e-01, s0;
	s23 =	spop (v2sf)  }
0x32a: {  	(erf) = vpow2.f32 v0;
	s11 =	smax.f32 s30, $-5.000000000e+00;
	v0 =	vmul.f32 $1.442695020e+00, v52;
	s16 =	smul.f32 $2.500000000e-01, s23  }
0x32b: {  	(erf) = vpow2.f32 v36;
	s11 =	smin.f32 s11, $5.000000000e+00;
	v53 =	vbroadcast v43, $0x0;
	s12 =	smax.f32 s7, $-5.000000000e+00  }
0x32c: {  	(erf) = vpow2.f32 v37;
	v0 =	vbroadcast v0, $0x0;
	s12 =	smin.f32 s12, $5.000000000e+00;
	s16 =	smax.f32 s16, $-5.000000000e+00  }
0x32d: {  	s25 =	smax.f32 s17, $-5.000000000e+00;
	v57 =	vmov s11;
	(erf) = vpow2.f32 v53;
	s16 =	smin.f32 s16, $5.000000000e+00;
	v55 =	vmov s12  }
0x32e: {  	(erf) = vpow2.f32 v0;
	s12 =	smin.f32 s25, $5.000000000e+00;
	s0 =	spop (v2sf);
	v0 =	vmul.f32 $1.442695020e+00, v55;
	v56 =	vmov s16  }
0x32f: {  	v42 =	vmul.f32 $1.442695020e+00, v57;
	v58 =	vmov s12;
	s12 =	smul.f32 $2.500000000e-01, s0;
	v36 =	vmul.f32 $1.442695020e+00, v56  }
0x330: {  	s30 =	smul.f32 $2.500000000e-01, s19;
	(erf) = vpow2.f32 v54;
	v0 =	vbroadcast v0, $0x0  }
0x331: {  	v37 =	vmul.f32 $1.442695020e+00, v58;
	s12 =	smax.f32 s12, $-5.000000000e+00;
	v36 =	vbroadcast v36, $0x0  }
0x332: {  	v59 =	vld [tilespmem:s10+$0xFFFFFF60];
	s11 =	smax.f32 s30, $-5.000000000e+00;
	s7 =	smin.f32 s12, $5.000000000e+00;
	(erf) = vpow2.f32 v0;
	v0 =	vbroadcast v42, $0x0  }
0x333: {  	s11 =	smin.f32 s11, $5.000000000e+00;
	v60 =	vbroadcast v37, $0x0;
	v62 =	vmov s7;
	(erf) = vpow2.f32 v36  }
0x334: {  	v63 =	vld [tilespmem:s10+$0xFFFFFFE0];
	v61 =	vmov s11;
	v37 =	vmul.f32 $1.442695020e+00, v62;
	(erf) = vpow2.f32 v0  }
0x335: {  	v51 =	vpop (erf);
	v0 =	vmul.f32 $1.442695020e+00, v61;
	(erf) = vpow2.f32 v60  }
0x336: {  	v50 =	vpop (erf)  }
0x337: {  	v52 =	vunpack.i.l.bf16.f32 v59;
	v49 =	vpop (erf);
	v0 =	vbroadcast v0, $0x0  }
0x338: {  	v44 =	vadd.f32 v38, v52;
	v36 =	vpop (erf);
	v53 =	vbroadcast v37, $0x0  }
0x339: {  	v55 =	vunpack.i.l.bf16.f32 v63;
	v42 =	vunpack.i.u.bf16.f32 v59;
	v37 =	vpop (erf);
	(erf) = vpow2.f32 v0  }
0x33a: {  	[tilespmem:s26+$0xFFFFFF40] =	vst v38;
	v38 =	vadd.f32 v39, v55;
	v0 =	vadd.f32 v41, v42;
	v46 =	vpop (erf);
	(erf) = vpow2.f32 v53  }
0x33b: {  	[tilespmem:s26+$0xFFFFFF50] =	vst v41;
	v54 =	vld [tilespmem:s10+$0x60];
	v56 =	vmul.f32 v36, v44;
	v47 =	vpop (erf)  }
0x33c: {  	[tilespmem:s26+$0xFFFFFFC0] =	vst v39;
	v43 =	vunpack.i.u.bf16.f32 v63;
	v0 =	vmul.f32 v37, v0;
	v48 =	vpop (erf)  }
0x33d: {  	v43 =	vadd.f32 v32, v43;
	[tilespmem:s21+$0xFFFFFF20] =	vst v56;
	v39 =	vpop (erf)  }
0x33e: {  	[tilespmem:s21+$0xFFFFFF30] =	vst v0;
	v0 =	vmul.f32 v39, v38;
	v38 =	vpop (erf)  }
0x33f: {  	[tilespmem:s26+$0xFFFFFFD0] =	vst v32;
	v41 =	vld [tilespmem:s10+$0xFFFFFF30];
	v57 =	vmul.f32 v38, v43  }
0x340: {  	v58 =	vunpack.i.l.bf16.f32 v54;
	v59 =	vld [tilespmem:s18+$0xFFFFFFB0];
	[tilespmem:s21+$0xFFFFFFB0] =	vst v0  }
0x341: {  	v60 =	vadd.f32 v28, v58;
	v43 =	vld [tilespmem:s2+$0xFFFFFF60];
	v0 =	vunpack.i.u.bf16.f32 v54;
	[tilespmem:s21+$0xFFFFFFC0] =	vst v57  }
0x342: {  	v0 =	vadd.f32 v40, v0;
	v32 =	vpop (erf);
	v52 =	vld [tilespmem:s10+$0xFFFFFFB0]  }
0x343: {  	[tilespmem:s26+$0x40] =	vst v28;
	v42 =	vmul.f32 v32, v60;
	v28 =	vpop (erf);
	v53 =	vld [tilespmem:s18+$0xFFFFFFF0]  }
0x344: {  	[tilespmem:s26+$0x50] =	vst v40;
	v40 =	vld [tilespmem:s2+$0xFFFFFF70];
	v0 =	vmul.f32 v28, v0  }
0x345: {  	v61 =	vunpack.i.l.bf16.f32 v41;
	v54 =	vunpack.i.l.bf16.f32 v59;
	[tilespmem:s21+$0x40] =	vst v42  }
0x346: {  	v55 =	vld [tilespmem:s2+$0xFFFFFFE0];
	v41 =	vunpack.i.u.bf16.f32 v41;
	v62 =	vunpack.i.u.bf16.f32 v59;
	v63 =	vmul.f32 v54, v61;
	[tilespmem:s21+$0x50] =	vst v0  }
0x347: {  	v0 =	vmul.f32 v62, v41;
	v56 =	vld [tilespmem:s10+$0x30]  }
0x348: {  	v44 =	vmul.f32 v43, v63;
	v63 =	vld [tilespmem:s18+$0x30];
	v61 =	vunpack.i.l.bf16.f32 v52;
	v62 =	vunpack.i.l.bf16.f32 v53  }
0x349: {  	v60 =	vld [tilespmem:s2+$0xFFFFFFF0];
	v45 =	vmul.f32 v40, v0;
	v0 =	vmul.f32 v62, v61  }
0x34a: {  	(xrf2) =	vadd.scan.msk.f32 $0xffff, v44  }
0x34b: {  	v52 =	vunpack.i.u.bf16.f32 v52;
	v53 =	vunpack.i.u.bf16.f32 v53;
	v41 =	vmul.f32 v55, v0;
	v0 =	vld [tilespmem:s2+$0x60]  }
0x34c: {  	v40 =	vmul.f32 v53, v52;
	(xrf2) =	vadd.scan.msk.f32 $0xffff, v45  }
0x34d: {  	v57 =	vld [tilespmem:s2+$0x70];
	v58 =	vunpack.i.l.bf16.f32 v56;
	v59 =	vunpack.i.l.bf16.f32 v63  }
0x34e: {  	v60 =	vmul.f32 v60, v40;
	(xrf2) =	vadd.scan.msk.f32 $0xffff, v41;
	v53 =	vmul.f32 v59, v58  }
0x34f: {  	v61 =	vunpack.i.u.bf16.f32 v56;
	v43 =	vunpack.i.u.bf16.f32 v63  }
0x350: {  	v40 =	vmul.f32 v43, v61;
	(xrf2) =	vadd.scan.msk.f32 $0xffff, v60;
	v62 =	vmul.f32 v0, v53;
	_ =	sdelay $0x1  }
0x351: {  	v40 =	vmul.f32 v57, v40;
	(xrf2) =	vadd.scan.msk.f32 $0xffff, v62;
	_ =	sdelay $0x1  }
0x352: {  	v0, _, _ =	vpop (xrf2);
	(xrf2) =	vadd.scan.msk.f32 $0xffff, v40  }
0x353: {  	(v2sf) =	vpush v0, $0xF  }
0x354: {  	v63, _, _ =	vpop (xrf2)  }
0x355: {  	(v2sf) =	vpush v63, $0xF  }
0x356: {  	v0, _, _ =	vpop (xrf2)  }
0x357: {  	(v2sf) =	vpush v0, $0xF  }
0x358: {  	v0, _, _ =	vpop (xrf2)  }
0x359: {  	(v2sf) =	vpush v0, $0xF  }
0x35a: {  	v0, _, _ =	vpop (xrf2)  }
0x35b: {  	(v2sf) =	vpush v0, $0xF  }
0x35c: {  	v0, _, _ =	vpop (xrf2)  }
0x35d: {  	(v2sf) =	vpush v0, $0xF  }
0x35e: {  	v2 =	vnsel vm0, $0x0, v2  }
0x35f: {  	v2 =	vsel vm1, v2, v3;
	s12 =	smul.f32 $2.500000000e-01, s8  }
0x360: {  	v2 =	vsel vm2, v2, v7;
	v7 =	vld [tilespmem:s10+$0xF0]  }
0x361: {  	v18 =	vadd.f32 v27, v18;
	v1 =	vsel vm6, v1, v16;
	v2 =	vsel vm3, v2, v8;
	s3 =	smul.f32 $2.500000000e-01, s3;
	s2 =	smax.f32 s12, $-5.000000000e+00  }
0x362: {  	v19 =	vsel vm5, v19, v20;
	v1 =	vsel vm7, v1, v15;
	v2 =	vsel vm4, v2, v5;
	s2 =	smin.f32 s2, $5.000000000e+00;
	s17 =	spop (v2sf)  }
0x363: {  	v10 =	vsel vm2, v10, v26;
	v2 =	vsel vm5, v2, v4;
	s3 =	smax.f32 s3, $-5.000000000e+00;
	v20 =	vmov s2;
	s2 =	smul.f32 $2.500000000e-01, s17  }
0x364: {  	[tilespmem:s14+$0x80] =	vst v1;
	v8 =	vmul.f32 v51, v14;
	v1 =	vsel vm6, v6, v51;
	s16 =	smin.f32 s3, $5.000000000e+00;
	v5 =	vmul.f32 v50, v12;
	s18 =	spop (v2sf)  }
0x365: {  	v6 =	vunpack.i.l.bf16.f32 v7;
	v26 =	vmov s16;
	v20 =	vmul.f32 $1.442695020e+00, v20;
	s3 =	smul.f32 $2.500000000e-01, s18;
	s2 =	smax.f32 s2, $-5.000000000e+00  }
0x366: {  	v1 =	vsel vm7, v1, v50;
	v3 =	vmul.f32 $1.442695020e+00, v26;
	[tilespmem:s15+$0xFFFFFF50] =	vst v5;
	v5 =	vunpack.i.u.bf16.f32 v7;
	s2 =	smin.f32 s2, $5.000000000e+00;
	s19 =	spop (v2sf)  }
0x367: {  	v4 =	vsel vm6, v11, v49;
	[tilespmem:s15+$0xFFFFFF60] =	vst v1;
	v1 =	vadd.f32 v21, v5;
	v15 =	vbroadcast v20, $0x0;
	s3 =	smax.f32 s3, $-5.000000000e+00;
	s8 =	smul.f32 $2.500000000e-01, s19  }
0x368: {  	[tilespmem:s26+$0xE0] =	vst v22;
	v5 =	vadd.f32 v22, v6;
	v6 =	vmul.f32 v49, v18;
	v3 =	vbroadcast v3, $0x0;
	s23 =	spop (v2sf);
	s3 =	smin.f32 s3, $5.000000000e+00  }
0x369: {  	[tilespmem:s15+$0xFFFFFF40] =	vst v8;
	v2 =	vsel vm6, v2, v47;
	(erf) = vpow2.f32 v15;
	v8 =	vmov s2;
	s11 =	smul.f32 $2.500000000e-01, s23;
	s8 =	smax.f32 s8, $-5.000000000e+00  }
0x36a: {  	[tilespmem:s26+$0xF0] =	vst v21;
	v2 =	vsel vm7, v2, v48;
	(erf) = vpow2.f32 v3;
	v3 =	vmul.f32 $1.442695020e+00, v8;
	s25 =	smin.f32 s8, $5.000000000e+00;
	s0 =	spop (v2sf)  }
0x36b: {  	[tilespmem:s21+$0x110] =	vst v2;
	v2 =	vsel vm7, v4, v46;
	v4 =	vmul.f32 v47, v5;
	v8 =	vmov s3;
	s30 =	smax.f32 s11, $-5.000000000e+00;
	s8 =	smul.f32 $2.500000000e-01, s0  }
0x36c: {  	v17 =	vadd.f32 v34, v17;
	v5 =	vmul.f32 $1.442695020e+00, v8;
	v3 =	vbroadcast v3, $0x0;
	s12 =	smin.f32 s30, $5.000000000e+00;
	s7 =	spop (v2sf)  }
0x36d: {  	v1 =	vmul.f32 v48, v1;
	[tilespmem:s15+$0xFFFFFFF0] =	vst v2;
	v0 =	vsel vm2, v13, v33;
	v2 =	vmov s25;
	s14 =	smul.f32 $2.500000000e-01, s7;
	s8 =	smax.f32 s8, $-5.000000000e+00  }
0x36e: {  	[tilespmem:s15+$0xFFFFFFD0] =	vst v6;
	v5 =	vbroadcast v5, $0x0;
	(erf) = vpow2.f32 v3;
	v6 =	vmov s12;
	s16 =	smin.f32 s8, $5.000000000e+00  }
0x36f: {  	[tilespmem:s21+$0xF0] =	vst v4;
	v2 =	vmul.f32 $1.442695020e+00, v2;
	v6 =	vmul.f32 $1.442695020e+00, v6;
	s3 =	smax.f32 s14, $-5.000000000e+00;
	v4 =	vmov s16  }
0x370: {  	v13 =	vunpack.i.u.bf16.f32 v30;
	(erf) = vpow2.f32 v5;
	s17 =	smin.f32 s3, $5.000000000e+00;
	v4 =	vmul.f32 $1.442695020e+00, v4  }
0x371: {  	[tilespmem:s21+$0x100] =	vst v1;
	v3 =	vld [tilespmem:s10+$0xFFFFFF70];
	v2 =	vbroadcast v2, $0x0;
	v5 =	vbroadcast v6, $0x0;
	v1 =	vmov s17  }
0x372: {  	v30 =	vunpack.i.l.bf16.f32 v30;
	v1 =	vmul.f32 $1.442695020e+00, v1;
	v4 =	vbroadcast v4, $0x0  }
0x373: {  	v7 =	vmul.f32 v46, v17;
	v8 =	vadd.f32 v31, v30;
	(erf) = vpow2.f32 v2  }
0x374: {  	v6 =	vadd.f32 v29, v13;
	(erf) = vpow2.f32 v5;
	v1 =	vbroadcast v1, $0x0  }
0x375: {  	[tilespmem:s15+$0xFFFFFFE0] =	vst v7;
	v2 =	vsel vm2, v9, v24;
	v5 =	vsel vm3, v10, v25;
	v10 =	vpop (erf);
	(erf) = vpow2.f32 v4  }
0x376: {  	v7 =	vld [tilespmem:s10+$0xFFFFFFF0];
	[tilespmem:s26+$0xFFFFFFE0] =	vst v41;
	v9 =	vunpack.i.u.bf16.f32 v3;
	v3 =	vunpack.i.l.bf16.f32 v3;
	v4 =	vpop (erf);
	(erf) = vpow2.f32 v1  }
0x377: {  	[tilespmem:s26+$0xFFFFFFF0] =	vst v60;
	v1 =	vadd.f32 v44, v3;
	v3 =	vsel vm4, v5, v39;
	v5 =	vmul.f32 v4, v6  }
0x378: {  	v11 =	vld [tilespmem:s10+$0x70];
	[tilespmem:s26+$0x70] =	vst v40;
	v8 =	vmul.f32 v10, v8  }
0x379: {  	[tilespmem:s26+$0x60] =	vst v62  }
0x37a: {  	[tilespmem:s15+$0x60] =	vst v8;
	v8 =	vsel vm6, v19, v10;
	v6 =	vadd.f32 v45, v9;
	v9 =	vpop (erf)  }
0x37b: {  	v4 =	vsel vm7, v8, v4;
	v1 =	vmul.f32 v9, v1;
	[tilespmem:s15+$0x70] =	vst v5;
	v5 =	vpop (erf)  }
0x37c: {  	v0 =	vsel vm3, v0, v35;
	[tilespmem:s15+$0x80] =	vst v4;
	v4 =	vmul.f32 v5, v6  }
0x37d: {  	v0 =	vsel vm4, v0, v36;
	[tilespmem:s26+$0xFFFFFF60] =	vst v44;
	v10 =	vunpack.i.u.bf16.f32 v7;
	v7 =	vunpack.i.l.bf16.f32 v7  }
0x37e: {  	v0 =	vsel vm5, v0, v37;
	[tilespmem:s26+$0xFFFFFF70] =	vst v45;
	v7 =	vadd.f32 v41, v7  }
0x37f: {  	v3 =	vsel vm5, v3, v38;
	v0 =	vsel vm6, v0, v9;
	v9 =	vadd.f32 v60, v10;
	[tilespmem:s21+$0xFFFFFF40] =	vst v1;
	v1 =	vpop (erf)  }
0x380: {  	v6 =	vunpack.i.l.bf16.f32 v11;
	v0 =	vsel vm7, v0, v5;
	v3 =	vsel vm6, v3, v1;
	[tilespmem:s21+$0xFFFFFF50] =	vst v4;
	v4 =	vpop (erf)  }
0x381: {  	v5 =	vadd.f32 v62, v6;
	[tilespmem:s21+$0xFFFFFF60] =	vst v0;
	v1 =	vmul.f32 v1, v7;
	v0 =	vsel vm7, v3, v4  }
0x382: {  	[tilespmem:s21+$0xFFFFFFF0] =	vst v0;
	v0 =	vmul.f32 v4, v9;
	v4 =	vpop (erf)  }
0x383: {  	v8 =	vunpack.i.u.bf16.f32 v11;
	[tilespmem:s21+$0xFFFFFFD0] =	vst v1;
	v5 =	vmul.f32 v4, v5  }
0x384: {  	v2 =	vsel vm3, v2, v23;
	v3 =	vadd.f32 v40, v8;
	[tilespmem:s21+$0xFFFFFFE0] =	vst v0  }
0x385: {  	s14 =	smul.u32 $0x50, s13;
	v2 =	vsel vm4, v2, v32;
	v1 =	vpop (erf);
	[tilespmem:s21+$0x60] =	vst v5  }
0x386: {  	v2 =	vsel vm5, v2, v28;
	v0 =	vmul.f32 v1, v3;
	s0 =	rddreg [dreg:$0x6]  }
0x387: {  	v2 =	vsel vm6, v2, v4;
	s18 =	sadd.s32 s0, s14  }
0x388: {  	[tilespmem:s21+$0x70] =	vst v0;
	v0 =	vsel vm7, v2, v1;
	s2 =	sshll.u32 s18, $0x4  }
0x389: {  	s19 =	simm.s32 $0x64A0;
	[tilespmem:s21+$0x80] =	vst v0;
	s2 =	sadd.s32 s5, s2  }
0x38a: {  	[hbm4b:s2+s20] =	stream.linear.scatter [tilespmem:s19], [sflag:$0x4], $0x1400, $0x38;
	[tilespmem:$0x1F720] =	vst v63  }
0x38b: {  	s21 =	simm.s32 $0x50  }
0x38c: {  	[spmem:s6] =	stream.indirect.scatter.add.f32 [tilespmem:s9], [sflag:$0x5], $0x90, s21, s4, $0xb8;
	[tilespmem:$0x1F720] =	vst v63  }
0x38d: {  	_ =	swait.ge [sflag:s24], $0x1680  }
0x38e: {  	p0 =	seq.s32 s13, $0x7C;
	s0 =	rddreg [dreg:$0xf]  }
0x38f: {  	s10 =	simm.s32 @!p0 $0x50;
	s8 =	simm.s32 @!p0 $0x0;
	s2 =	sadd.s32 @!p0 s14, s0  }
0x390: {  	[sflag:s24] =	ssyncset.done $0x0;
	s0 =	rddreg [dreg:$0x7];
	s3 =	sshrl.u32 @!p0 s2, $0x3  }
0x391: {  	[sflag:s24] =	ssyncadd.s32 $0xFFFFE980;
	s2 =	sshll.u32 @!p0 s2, $0x4;
	s3 =	sadd.s32 @!p0 s0, s3  }
0x392: {  	[tilespmem:s8], [sflag:$0x1] =	stream.linear.gather @!p0 [hbm4b:s3+s8], $0x28, $0x38;
	[tilespmem:$0x1F720] =	vst v63  }
0x393: {  	s2 =	sand.u32 @!p0 $0x1FFFFF00, s2;
	s0 =	rddreg [dreg:$0x5];
	s3 =	sadd.s32 @!p0 $0x9C40, s3  }
0x394: {  	[tilespmem:s10], [sflag:$0x1] =	stream.linear.gather @!p0 [hbm4b:s3+s8], $0x28, $0x38;
	[tilespmem:$0x1F720] =	vst v63  }
0x395: {  	s2 =	sadd.s32 @!p0 s0, s2;
	s3 =	simm.s32 @!p0 $0x3CA0  }
0x396: {  	[tilespmem:s3], [sflag:$0x1] =	stream.linear.gather @!p0 [hbm4b:s2+s8], $0x1400, $0x38;
	[tilespmem:$0x1F720] =	vst v63  }
0x397: {  	s2 =	simm.s32 @!p0 $0x1  }
0x398: {  	_ =	swait.ge @!p0 [sflag:s2], $0x28  }
0x399: {  	[sflag:s2] =	ssyncset.done @!p0 $0x0  }
0x39a: {  	[sflag:s2] =	ssyncadd.s32 @!p0 $0xFFFFFFD8  }
0x39b: {  	_ =	swait.ge @!p0 [sflag:s2], $0x28  }
0x39c: {  	[sflag:s2] =	ssyncset.done @!p0 $0x0  }
0x39d: {  	[sflag:s2] =	ssyncadd.s32 @!p0 $0xFFFFFFD8  }
0x39e: {  	_ =	swait.ge @!p0 [sflag:s2], $0x1400  }
0x39f: {  	[sflag:s2] =	ssyncset.done @!p0 $0x0  }
0x3a0: {  	s3 =	simm.s32 @!p0 $0xA0;
	[sflag:s2] =	ssyncadd.s32 @!p0 $0xFFFFEC00;
	s2 =	simm.s32 @!p0 $0x28  }
0x3a1: {  	[tilespmem:s3], [sflag:$0x3] =	stream.indirect.gather @!p0 [hbm4b:s1+s2], $0x80, s8, s2, $0xb8;
	[tilespmem:$0x1F720] =	vst v63  }
0x3a2: {  	s3 =	simm.s32 @!p0 $0x28A0  }
0x3a3: {  	[tilespmem:s3], [sflag:$0x3] =	stream.indirect.gather @!p0 [hbm4b:s22+s2], $0x40, s10, s2, $0xb8;
	[tilespmem:$0x1F720] =	vst v63  }
0x3a4: {  	_ =	swait.ge [sflag:s31], $0x1400  }
0x3a5: {  	[sflag:s31] =	ssyncset.done $0x0  }
0x3a6: {  	[sflag:s31] =	ssyncadd.s32 $0xFFFFEC00  }
0x3a7: {  	_ =	swait.ge [sflag:s31], $0xA00  }
0x3a8: {  	[sflag:s31] =	ssyncset.done $0x0  }
0x3a9: {  	s23 =	simm.s32 $0x4;
	[sflag:s31] =	ssyncadd.s32 $0xFFFFF600  }
0x3aa: {  	_ =	swait.ge [sflag:s23], $0x1400  }
0x3ab: {  	[sflag:s23] =	ssyncset.done $0x0  }
0x3ac: {  	s12 =	simm.s32 $0x15A0;
	[sflag:s23] =	ssyncadd.s32 $0xFFFFEC00  }
0x3ad: {  	s21 =	simm.s32 $0x3320;
	v0 =	vld [tilespmem:s12+$0x80]  }
0x3ae: {  	v1 =	vld [tilespmem:s21+$0x40];
	_ =	sdelay $0x1  }
0x3af: {  	s3 =	simm.s32 $0x51A0  }
0x3b0: {  	v2 =	vld [tilespmem:s3+$0x80]  }
0x3b1: {  	v3 =	vld [tilespmem:s3+$0x90]  }
0x3b2: {  	v4 =	vunpack.i.l.bf16.f32 v0;
	v5 =	vunpack.i.l.bf16.f32 v1  }
0x3b3: {  	v0 =	vunpack.i.u.bf16.f32 v0;
	v1 =	vunpack.i.u.bf16.f32 v1;
	v4 =	vmul.f32 v5, v4  }
0x3b4: {  	v0 =	vmul.f32 v1, v0  }
0x3b5: {  	v1 =	vmul.f32 v2, v4  }
0x3b6: {  	v0 =	vmul.f32 v3, v0  }
0x3b7: {  	(xrf2) =	vadd.scan.msk.f32 $0xffff, v1  }
0x3b8: {  	(xrf2) =	vadd.scan.msk.f32 $0xffff, v0;
	_ =	sdelay $0x8  }
0x3b9: {  	v2, _, _ =	vpop (xrf2)  }
0x3ba: {  	(v2sf) =	vpush v2, $0xF;
	v2, _, _ =	vpop (xrf2)  }
0x3bb: {  	(v2sf) =	vpush v2, $0xF;
	_ =	sdelay $0x9  }
0x3bc: {  	v3 =	vld [tilespmem:s12+$0xFFFFFF00]  }
0x3bd: {  	v2 =	vld [tilespmem:s21+$0xFFFFFF80];
	_ =	sdelay $0x2  }
0x3be: {  	v4 =	vld [tilespmem:s3+$0xFFFFFF00];
	s24 =	spop (v2sf)  }
0x3bf: {  	v6 =	vld [tilespmem:s3+$0xFFFFFF10];
	s2 =	smul.f32 $2.500000000e-01, s24;
	s26 =	spop (v2sf)  }
0x3c0: {  	v7 =	vunpack.i.l.bf16.f32 v3;
	v5 =	vunpack.i.l.bf16.f32 v2;
	s8 =	smul.f32 $2.500000000e-01, s26  }
0x3c1: {  	v8 =	vld [tilespmem:s12+$0xFFFFFF80];
	v3 =	vunpack.i.u.bf16.f32 v3;
	v2 =	vunpack.i.u.bf16.f32 v2;
	v5 =	vmul.f32 v5, v7;
	s2 =	smax.f32 s2, $-5.000000000e+00  }
0x3c2: {  	v7 =	vld [tilespmem:s21+$0xFFFFFFC0];
	v2 =	vmul.f32 v2, v3;
	s2 =	smin.f32 s2, $5.000000000e+00;
	s8 =	smax.f32 s8, $-5.000000000e+00  }
0x3c3: {  	v9 =	vld [tilespmem:s21+$0x0];
	v5 =	vmul.f32 v4, v5;
	s8 =	smin.f32 s8, $5.000000000e+00;
	v3 =	vmov s2  }
0x3c4: {  	v4 =	vld [tilespmem:s12+$0x0];
	v10 =	vmul.f32 v6, v2;
	v2 =	vmul.f32 $1.442695020e+00, v3;
	v3 =	vmov s8  }
0x3c5: {  	v6 =	vld [tilespmem:s3+$0xFFFFFF80];
	(xrf2) =	vadd.scan.msk.f32 $0xffff, v5;
	v3 =	vmul.f32 $1.442695020e+00, v3  }
0x3c6: {  	v13 =	vld [tilespmem:s3+$0xFFFFFF90];
	v11 =	vunpack.i.l.bf16.f32 v8;
	(xrf2) =	vadd.scan.msk.f32 $0xffff, v10;
	v2 =	vbroadcast v2, $0x0  }
0x3c7: {  	v12 =	vunpack.i.l.bf16.f32 v7;
	v7 =	vunpack.i.u.bf16.f32 v7;
	v3 =	vbroadcast v3, $0x0  }
0x3c8: {  	v11 =	vmul.f32 v12, v11;
	(erf) = vpow2.f32 v2;
	v2 =	vunpack.i.u.bf16.f32 v8  }
0x3c9: {  	v14 =	vld [tilespmem:s3+$0x0];
	(erf) = vpow2.f32 v3;
	v2 =	vmul.f32 v7, v2  }
0x3ca: {  	v15 =	vld [tilespmem:s3+$0x10];
	v12 =	vmul.f32 v6, v11;
	v6 =	vunpack.i.u.bf16.f32 v4;
	v8 =	vunpack.i.u.bf16.f32 v9  }
0x3cb: {  	v11 =	vmul.f32 v13, v2;
	v2 =	vmul.f32 v8, v6  }
0x3cc: {  	v4 =	vunpack.i.l.bf16.f32 v4;
	v3 =	vld [tilespmem:s12+$0xC0];
	v7 =	vunpack.i.l.bf16.f32 v9  }
0x3cd: {  	v4 =	vmul.f32 v7, v4  }
0x3ce: {  	(xrf2) =	vadd.scan.msk.f32 $0xffff, v12  }
0x3cf: {  	v8 =	vmul.f32 v14, v4;
	(xrf2) =	vadd.scan.msk.f32 $0xffff, v11;
	v9 =	vmul.f32 v15, v2;
	v2, _, _ =	vpop (xrf2)  }
0x3d0: {  	(v2sf) =	vpush v2, $0xF;
	v2, _, _ =	vpop (xrf2)  }
0x3d1: {  	s18 =	simm.s32 $0x65A0;
	v4 =	vunpack.i.l.bf16.f32 v3;
	(xrf2) =	vadd.scan.msk.f32 $0xffff, v8;
	v3 =	vunpack.i.u.bf16.f32 v3;
	(v2sf) =	vpush v2, $0xF;
	v2 =	vpop (erf)  }
0x3d2: {  	[tilespmem:s18+$0x80] =	vst v1;
	v4 =	vadd.f32 v1, v4;
	(xrf2) =	vadd.scan.msk.f32 $0xffff, v9;
	v3 =	vadd.f32 v0, v3;
	v1 =	vpop (erf)  }
0x3d3: {  	[tilespmem:$0x1FFB0] =	vst v1  }
0x3d4: {  	v4 =	vmul.f32 v2, v4;
	[tilespmem:s18+$0x90] =	vst v0;
	v0 =	vmul.f32 v1, v3  }
0x3d5: {  	s15 =	simm.s32 $0x79C0  }
0x3d6: {  	[tilespmem:s15+$0x90] =	vst v4  }
0x3d7: {  	[tilespmem:s15+$0xA0] =	vst v0  }
0x3d8: {  	v3 =	vld [tilespmem:s12+$0x90];
	v0, _, _ =	vpop (xrf2)  }
0x3d9: {  	(v2sf) =	vpush v0, $0xF;
	v0 =	vld [tilespmem:s21+$0x50];
	v4, _, _ =	vpop (xrf2)  }
0x3da: {  	(v2sf) =	vpush v4, $0xF  }
0x3db: {  	v4, _, _ =	vpop (xrf2)  }
0x3dc: {  	v6 =	vld [tilespmem:s3+$0xA0];
	(v2sf) =	vpush v4, $0xF;
	v4, _, _ =	vpop (xrf2)  }
0x3dd: {  	v13 =	vld [tilespmem:s3+$0xB0];
	(v2sf) =	vpush v4, $0xF  }
0x3de: {  	v4 =	vunpack.i.l.bf16.f32 v3;
	v7 =	vunpack.i.l.bf16.f32 v0  }
0x3df: {  	v3 =	vunpack.i.u.bf16.f32 v3;
	v0 =	vunpack.i.u.bf16.f32 v0;
	v4 =	vmul.f32 v7, v4  }
0x3e0: {  	v0 =	vmul.f32 v0, v3;
	s30 =	spop (v2sf)  }
0x3e1: {  	s0 =	spop (v2sf);
	v7 =	vmul.f32 v6, v4  }
0x3e2: {  	v6 =	vmul.f32 v13, v0;
	s8 =	smul.f32 $2.500000000e-01, s0  }
0x3e3: {  	s2 =	smul.f32 $2.500000000e-01, s30;
	(xrf2) =	vadd.scan.msk.f32 $0xffff, v7  }
0x3e4: {  	s8 =	smax.f32 s8, $-5.000000000e+00;
	(xrf2) =	vadd.scan.msk.f32 $0xffff, v6  }
0x3e5: {  	s2 =	smax.f32 s2, $-5.000000000e+00;
	s1 =	smin.f32 s8, $5.000000000e+00  }
0x3e6: {  	s2 =	smin.f32 s2, $5.000000000e+00;
	v3 =	vmov s1  }
0x3e7: {  	v0 =	vmov s2;
	v3 =	vmul.f32 $1.442695020e+00, v3  }
0x3e8: {  	v0 =	vmul.f32 $1.442695020e+00, v0;
	s4 =	spop (v2sf)  }
0x3e9: {  	v3 =	vbroadcast v3, $0x0;
	s2 =	smul.f32 $2.500000000e-01, s4;
	s5 =	spop (v2sf)  }
0x3ea: {  	v0 =	vbroadcast v0, $0x0;
	s8 =	smul.f32 $2.500000000e-01, s5  }
0x3eb: {  	s6 =	spop (v2sf);
	s2 =	smax.f32 s2, $-5.000000000e+00  }
0x3ec: {  	(erf) = vpow2.f32 v0;
	v0 =	vld [tilespmem:s12+$0xFFFFFF40];
	s10 =	smul.f32 $2.500000000e-01, s6;
	s7 =	spop (v2sf)  }
0x3ed: {  	(erf) = vpow2.f32 v3;
	s2 =	smin.f32 s2, $5.000000000e+00;
	s8 =	smax.f32 s8, $-5.000000000e+00;
	v3, _, _ =	vpop (xrf2)  }
0x3ee: {  	s16 =	smul.f32 $2.500000000e-01, s7;
	v4 =	vmov s2;
	s9 =	smin.f32 s8, $5.000000000e+00;
	(v2sf) =	vpush v3, $0xF;
	v3, _, _ =	vpop (xrf2)  }
0x3ef: {  	(v2sf) =	vpush v3, $0xF;
	v3 =	vmul.f32 $1.442695020e+00, v4;
	v4 =	vmov s9  }
0x3f0: {  	s17 =	smax.f32 s10, $-5.000000000e+00;
	s8 =	smax.f32 s16, $-5.000000000e+00;
	v4 =	vmul.f32 $1.442695020e+00, v4  }
0x3f1: {  	v13 =	vunpack.i.u.bf16.f32 v0;
	s2 =	smin.f32 s17, $5.000000000e+00;
	s19 =	smin.f32 s8, $5.000000000e+00;
	v3 =	vbroadcast v3, $0x0  }
0x3f2: {  	v14 =	vmov s2;
	v15 =	vbroadcast v4, $0x0;
	v4 =	vmov s19  }
0x3f3: {  	v0 =	vunpack.i.l.bf16.f32 v0;
	v14 =	vmul.f32 $1.442695020e+00, v14;
	(erf) = vpow2.f32 v3  }
0x3f4: {  	v0 =	vadd.f32 v5, v0;
	v16 =	vmul.f32 $1.442695020e+00, v4;
	(erf) = vpow2.f32 v15;
	v15 =	vld [tilespmem:s12+$0xFFFFFFC0]  }
0x3f5: {  	v13 =	vadd.f32 v10, v13;
	v14 =	vbroadcast v14, $0x0;
	v4 =	vpop (erf)  }
0x3f6: {  	[tilespmem:s18+$0xFFFFFF00] =	vst v5;
	v5 =	vbroadcast v16, $0x0;
	v3 =	vpop (erf);
	v0 =	vmul.f32 v4, v0  }
0x3f7: {  	[tilespmem:s18+$0xFFFFFF10] =	vst v10;
	(erf) = vpow2.f32 v14;
	v13 =	vmul.f32 v3, v13  }
0x3f8: {  	(erf) = vpow2.f32 v5;
	[tilespmem:s15+$0xFFFFFEE0] =	vst v0  }
0x3f9: {  	[tilespmem:s15+$0xFFFFFEF0] =	vst v13;
	v13 =	vld [tilespmem:s12+$0x40];
	v5 =	vunpack.i.l.bf16.f32 v15  }
0x3fa: {  	v0 =	vld [tilespmem:s12+$0xFFFFFF10]  }
0x3fb: {  	v10 =	vunpack.i.u.bf16.f32 v15;
	v14 =	vld [tilespmem:s21+$0xFFFFFF90];
	v15 =	vadd.f32 v12, v5  }
0x3fc: {  	v5 =	vpop (erf)  }
0x3fd: {  	[tilespmem:s18+$0xFFFFFF80] =	vst v12;
	v16 =	vadd.f32 v11, v10;
	s20 =	spop (v2sf);
	v12 =	vmul.f32 v5, v15  }
0x3fe: {  	s25 =	smov.u32 s22;
	[tilespmem:s18+$0xFFFFFF90] =	vst v11;
	v10 =	vpop (erf);
	v15 =	vld [tilespmem:s3+$0xFFFFFF20];
	v17 =	vunpack.i.l.bf16.f32 v13;
	s2 =	smul.f32 $2.500000000e-01, s20;
	s22 =	spop (v2sf)  }
0x3ff: {  	[tilespmem:s18+$0x0] =	vst v8;
	v13 =	vunpack.i.u.bf16.f32 v13;
	v16 =	vmul.f32 v10, v16;
	v17 =	vadd.f32 v8, v17;
	s8 =	smul.f32 $2.500000000e-01, s22  }
0x400: {  	v11 =	vpop (erf);
	v13 =	vadd.f32 v9, v13;
	[tilespmem:s15+$0xFFFFFF70] =	vst v12;
	v18 =	vunpack.i.l.bf16.f32 v0;
	v19 =	vunpack.i.l.bf16.f32 v14;
	s2 =	smax.f32 s2, $-5.000000000e+00  }
0x401: {  	v8 =	vld [tilespmem:s3+$0xFFFFFF30];
	[tilespmem:s15+$0xFFFFFF80] =	vst v16;
	v16 =	vmul.f32 v19, v18;
	v12 =	vpop (erf);
	s2 =	smin.f32 s2, $5.000000000e+00;
	s8 =	smax.f32 s8, $-5.000000000e+00;
	v17 =	vmul.f32 v11, v17  }
0x402: {  	[tilespmem:s18+$0x10] =	vst v9;
	v9 =	vld [tilespmem:s12+$0xFFFFFF90];
	v13 =	vmul.f32 v12, v13;
	s8 =	smin.f32 s8, $5.000000000e+00;
	v18 =	vmov s2  }
0x403: {  	v19 =	vld [tilespmem:s21+$0xFFFFFFD0];
	v15 =	vmul.f32 v15, v16;
	v16 =	vmul.f32 $1.442695020e+00, v18;
	v18 =	vmov s8;
	[tilespmem:s15+$0x0] =	vst v17  }
0x404: {  	v0 =	vunpack.i.u.bf16.f32 v0;
	v17 =	vmul.f32 $1.442695020e+00, v18;
	[tilespmem:s15+$0x10] =	vst v13;
	v13 =	vunpack.i.u.bf16.f32 v14  }
0x405: {  	v18 =	vld [tilespmem:s3+$0xFFFFFFA0];
	(xrf2) =	vadd.scan.msk.f32 $0xffff, v15;
	v14 =	vbroadcast v16, $0x0;
	v0 =	vmul.f32 v13, v0  }
0x406: {  	v16 =	vld [tilespmem:s12+$0x10];
	v13 =	vbroadcast v17, $0x0  }
0x407: {  	v20 =	vld [tilespmem:s21+$0x10];
	(erf) = vpow2.f32 v14;
	v17 =	vmul.f32 v8, v0  }
0x408: {  	v14 =	vld [tilespmem:s3+$0xFFFFFFB0];
	v0 =	vunpack.i.l.bf16.f32 v9;
	v8 =	vunpack.i.l.bf16.f32 v19;
	(erf) = vpow2.f32 v13  }
0x409: {  	v13 =	vld [tilespmem:s12+$0xD0];
	v0 =	vmul.f32 v8, v0  }
0x40a: {  	v9 =	vunpack.i.u.bf16.f32 v9;
	v19 =	vunpack.i.u.bf16.f32 v19;
	(xrf2) =	vadd.scan.msk.f32 $0xffff, v17  }
0x40b: {  	v8 =	vmul.f32 v19, v9;
	v23 =	vmul.f32 v18, v0  }
0x40c: {  	v9 =	vld [tilespmem:s3+$0x20];
	v18 =	vunpack.i.u.bf16.f32 v16  }
0x40d: {  	v0 =	vld [tilespmem:s3+$0x30];
	v19 =	vunpack.i.l.bf16.f32 v16;
	v16 =	vmul.f32 v14, v8;
	v14 =	vunpack.i.l.bf16.f32 v20;
	(xrf2) =	vadd.scan.msk.f32 $0xffff, v23  }
0x40e: {  	v8 =	vunpack.i.u.bf16.f32 v20;
	v20 =	vunpack.i.l.bf16.f32 v13;
	v13 =	vunpack.i.u.bf16.f32 v13  }
0x40f: {  	v19 =	vmul.f32 v14, v19;
	v21, _, _ =	vpop (xrf2);
	(xrf2) =	vadd.scan.msk.f32 $0xffff, v16;
	v22 =	vadd.f32 v7, v20  }
0x410: {  	v8 =	vmul.f32 v8, v18;
	v18 =	vadd.f32 v6, v13;
	v14 =	vpop (erf)  }
0x411: {  	[tilespmem:s18+$0xA0] =	vst v7;
	v20 =	vmul.f32 v9, v19;
	(v2sf) =	vpush v21, $0xF;
	v7 =	vmul.f32 v14, v22;
	v13 =	vpop (erf)  }
0x412: {  	[tilespmem:s18+$0xB0] =	vst v6;
	v9 =	vmul.f32 v0, v8;
	v0 =	vmul.f32 v13, v18  }
0x413: {  	(xrf2) =	vadd.scan.msk.f32 $0xffff, v20;
	[tilespmem:s15+$0xB0] =	vst v7  }
0x414: {  	v6, _, _ =	vpop (xrf2);
	(xrf2) =	vadd.scan.msk.f32 $0xffff, v9;
	[tilespmem:s15+$0xC0] =	vst v0  }
0x415: {  	(v2sf) =	vpush v6, $0xF;
	v6 =	vld [tilespmem:s21+$0x60]  }
0x416: {  	v0 =	vld [tilespmem:s12+$0xA0]  }
0x417: {  	v7, _, _ =	vpop (xrf2)  }
0x418: {  	(v2sf) =	vpush v7, $0xF  }
0x419: {  	v8 =	vld [tilespmem:s3+$0xC0];
	v7, _, _ =	vpop (xrf2)  }
0x41a: {  	(v2sf) =	vpush v7, $0xF;
	v7 =	vld [tilespmem:s3+$0xD0];
	v19 =	vunpack.i.l.bf16.f32 v6  }
0x41b: {  	v18 =	vunpack.i.l.bf16.f32 v0;
	v6 =	vunpack.i.u.bf16.f32 v6  }
0x41c: {  	v0 =	vunpack.i.u.bf16.f32 v0;
	v18 =	vmul.f32 v19, v18  }
0x41d: {  	v0 =	vmul.f32 v6, v0;
	v19, _, _ =	vpop (xrf2)  }
0x41e: {  	v8 =	vmul.f32 v8, v18;
	(v2sf) =	vpush v19, $0xF;
	v6, _, _ =	vpop (xrf2)  }
0x41f: {  	v7 =	vmul.f32 v7, v0;
	(v2sf) =	vpush v6, $0xF  }
0x420: {  	s23 =	spop (v2sf);
	(xrf2) =	vadd.scan.msk.f32 $0xffff, v8  }
0x421: {  	s2 =	smul.f32 $2.500000000e-01, s23;
	(xrf2) =	vadd.scan.msk.f32 $0xffff, v7  }
0x422: {  	s30 =	simm.s32 $0x17A0  }
0x423: {  	v0 =	vld [tilespmem:s30+$0x80];
	s24 =	smax.f32 s2, $-5.000000000e+00;
	s2 =	simm.s32 $0x3420  }
0x424: {  	v6 =	vld [tilespmem:s2+$0x40]  }
0x425: {  	s8 =	smin.f32 s24, $5.000000000e+00;
	s26 =	spop (v2sf)  }
0x426: {  	s19 =	simm.s32 $0x53A0;
	v19 =	vmov s8;
	s10 =	smul.f32 $2.500000000e-01, s26  }
0x427: {  	v21 =	vld [tilespmem:s19+$0x80];
	v19 =	vmul.f32 $1.442695020e+00, v19;
	s1 =	spop (v2sf)  }
0x428: {  	v18 =	vld [tilespmem:s12+$0xFFFFFF50];
	v24 =	vunpack.i.l.bf16.f32 v0;
	s0 =	smax.f32 s10, $-5.000000000e+00;
	s10 =	smul.f32 $2.500000000e-01, s1  }
0x429: {  	v26 =	vld [tilespmem:s19+$0x90];
	v0 =	vunpack.i.u.bf16.f32 v0;
	v19 =	vbroadcast v19, $0x0;
	s8 =	smin.f32 s0, $5.000000000e+00;
	v25 =	vunpack.i.l.bf16.f32 v6;
	s4 =	spop (v2sf)  }
0x42a: {  	v6 =	vunpack.i.u.bf16.f32 v6;
	v22 =	vmov s8;
	v24 =	vmul.f32 v25, v24;
	v25 =	vld [tilespmem:s2+$0xFFFFFF80];
	s8 =	smul.f32 $2.500000000e-01, s4;
	v29, _, _ =	vpop (xrf2);
	s10 =	smax.f32 s10, $-5.000000000e+00  }
0x42b: {  	(erf) = vpow2.f32 v19;
	v19 =	vld [tilespmem:s30+$0xFFFFFF00];
	v0 =	vmul.f32 v6, v0;
	(v2sf) =	vpush v29, $0xF;
	v29, _, _ =	vpop (xrf2);
	s10 =	smin.f32 s10, $5.000000000e+00  }
0x42c: {  	v22 =	vmul.f32 $1.442695020e+00, v22;
	s8 =	smax.f32 s8, $-5.000000000e+00;
	(v2sf) =	vpush v29, $0xF;
	v29 =	vmov s10  }
0x42d: {  	v28 =	vunpack.i.u.bf16.f32 v18;
	v6 =	vmul.f32 v21, v24;
	s8 =	smin.f32 s8, $5.000000000e+00;
	v21 =	vmul.f32 $1.442695020e+00, v29;
	s5 =	spop (v2sf)  }
0x42e: {  	v27 =	vld [tilespmem:s12+$0xFFFFFFD0];
	v33 =	vmul.f32 v26, v0;
	v22 =	vbroadcast v22, $0x0;
	v24 =	vmov s8;
	s10 =	smul.f32 $2.500000000e-01, s5;
	s6 =	spop (v2sf)  }
0x42f: {  	v0 =	vunpack.i.l.bf16.f32 v18;
	(xrf2) =	vadd.scan.msk.f32 $0xffff, v6;
	v18 =	vmul.f32 $1.442695020e+00, v24;
	v24 =	vld [tilespmem:s19+$0xFFFFFF00];
	v21 =	vbroadcast v21, $0x0;
	s8 =	smul.f32 $2.500000000e-01, s6  }
0x430: {  	v30 =	vld [tilespmem:s30+$0xFFFFFF80];
	(erf) = vpow2.f32 v22;
	v22 =	vunpack.i.l.bf16.f32 v25;
	v31 =	vunpack.i.l.bf16.f32 v19;
	s10 =	smax.f32 s10, $-5.000000000e+00  }
0x431: {  	(xrf2) =	vadd.scan.msk.f32 $0xffff, v33;
	v25 =	vunpack.i.u.bf16.f32 v25;
	v47 =	vunpack.i.u.bf16.f32 v19;
	(erf) = vpow2.f32 v21;
	v21 =	vld [tilespmem:s19+$0xFFFFFF10];
	s10 =	smin.f32 s10, $5.000000000e+00;
	s8 =	smax.f32 s8, $-5.000000000e+00  }
0x432: {  	v46 =	vld [tilespmem:s2+$0xFFFFFFC0];
	v22 =	vmul.f32 v22, v31;
	v25 =	vmul.f32 v25, v47;
	v44 =	vmov s10;
	s8 =	smin.f32 s8, $5.000000000e+00  }
0x433: {  	v18 =	vbroadcast v18, $0x0;
	v31 =	vmul.f32 $1.442695020e+00, v44;
	v45 =	vmov s8  }
0x434: {  	v26 =	vunpack.i.u.bf16.f32 v27;
	v19 =	vmul.f32 v24, v22;
	v22 =	vmul.f32 $1.442695020e+00, v45  }
0x435: {  	v29 =	vld [tilespmem:s12+$0x50];
	(erf) = vpow2.f32 v18;
	v24 =	vunpack.i.l.bf16.f32 v27;
	v27 =	vbroadcast v31, $0x0  }
0x436: {  	[tilespmem:s18+$0xFFFFFFA0] =	vst v23;
	v49 =	vbroadcast v22, $0x0;
	v22 =	vmul.f32 v21, v25;
	v21 =	vunpack.i.l.bf16.f32 v30  }
0x437: {  	[tilespmem:s18+$0xFFFFFFB0] =	vst v16;
	v28 =	vadd.f32 v17, v28;
	v34 =	vunpack.i.u.bf16.f32 v46;
	v31 =	vld [tilespmem:s19+$0xFFFFFF80]  }
0x438: {  	[tilespmem:s18+$0xFFFFFF20] =	vst v15;
	v0 =	vadd.f32 v15, v0;
	v25 =	vunpack.i.l.bf16.f32 v46;
	(erf) = vpow2.f32 v27;
	v27 =	vld [tilespmem:s19+$0xFFFFFF90]  }
0x439: {  	[tilespmem:s18+$0xFFFFFF30] =	vst v17;
	v15 =	vunpack.i.u.bf16.f32 v30;
	v26 =	vadd.f32 v16, v26;
	v30 =	vld [tilespmem:s2+$0x0];
	v25 =	vmul.f32 v25, v21;
	v21, _, _ =	vpop (xrf2)  }
0x43a: {  	v17 =	vmul.f32 v34, v15;
	[tilespmem:s18+$0x20] =	vst v20;
	v48 =	vunpack.i.u.bf16.f32 v29;
	v18 =	vpop (erf);
	s7 =	spop (v2sf);
	(v2sf) =	vpush v21, $0xF  }
0x43b: {  	v50 =	vld [tilespmem:s30+$0x0];
	v29 =	vunpack.i.l.bf16.f32 v29;
	v0 =	vmul.f32 v18, v0;
	(xrf2) =	vadd.scan.msk.f32 $0xffff, v19;
	(erf) = vpow2.f32 v49;
	v51, _, _ =	vpop (xrf2);
	s8 =	smul.f32 $2.500000000e-01, s7;
	s9 =	spop (v2sf)  }
0x43c: {  	(xrf2) =	vadd.scan.msk.f32 $0xffff, v22;
	v21 =	vpop (erf);
	v15 =	vmul.f32 v31, v25;
	v25 =	vadd.f32 v23, v24;
	(v2sf) =	vpush v51, $0xF;
	s10 =	smul.f32 $2.500000000e-01, s9  }
0x43d: {  	v29 =	vadd.f32 v20, v29;
	[tilespmem:s15+$0xFFFFFF00] =	vst v0;
	v28 =	vmul.f32 v21, v28;
	v23 =	vpop (erf);
	v17 =	vmul.f32 v27, v17;
	s8 =	smax.f32 s8, $-5.000000000e+00  }
0x43e: {  	v31 =	vunpack.i.u.bf16.f32 v30;
	v16 =	vunpack.i.l.bf16.f32 v30;
	v24 =	vpop (erf);
	(xrf2) =	vadd.scan.msk.f32 $0xffff, v15;
	v0 =	vmul.f32 v23, v25;
	s8 =	smin.f32 s8, $5.000000000e+00;
	s10 =	smax.f32 s10, $-5.000000000e+00  }
0x43f: {  	v20 =	vld [tilespmem:s19+$0x0];
	[tilespmem:s15+$0xFFFFFF10] =	vst v28;
	v25 =	vmul.f32 v24, v26;
	s10 =	smin.f32 s10, $5.000000000e+00;
	v27 =	vmov s8;
	(xrf2) =	vadd.scan.msk.f32 $0xffff, v17  }
0x440: {  	v28 =	vunpack.i.l.bf16.f32 v50;
	v52 =	vld [tilespmem:s12+$0xFFFFFF20];
	v53 =	vmul.f32 $1.442695020e+00, v27;
	v54 =	vmov s10  }
0x441: {  	v26 =	vunpack.i.u.bf16.f32 v50;
	v30 =	vld [tilespmem:s21+$0xFFFFFFA0];
	v16 =	vmul.f32 v16, v28;
	v36 =	vmul.f32 $1.442695020e+00, v54  }
0x442: {  	[tilespmem:s15+$0xFFFFFF90] =	vst v0;
	v26 =	vmul.f32 v31, v26;
	v27 =	vpop (erf);
	v31 =	vbroadcast v53, $0x0  }
0x443: {  	v32 =	vadd.f32 v9, v48;
	v0 =	vld [tilespmem:s19+$0x10];
	[tilespmem:s15+$0xFFFFFFA0] =	vst v25;
	v25 =	vmul.f32 v27, v29;
	v56 =	vbroadcast v36, $0x0  }
0x444: {  	[tilespmem:s18+$0x30] =	vst v9;
	v16 =	vmul.f32 v20, v16;
	v28 =	vpop (erf);
	v29 =	vld [tilespmem:s3+$0xFFFFFF40];
	(erf) = vpow2.f32 v31  }
0x445: {  	v55, _, _ =	vpop (xrf2);
	v20 =	vld [tilespmem:s12+$0xE0];
	v9 =	vmul.f32 v28, v32;
	[tilespmem:s15+$0x20] =	vst v25;
	v25 =	vunpack.i.l.bf16.f32 v52;
	(erf) = vpow2.f32 v56  }
0x446: {  	(v2sf) =	vpush v55, $0xF;
	v58 =	vld [tilespmem:s12+$0xFFFFFFA0];
	v57, _, _ =	vpop (xrf2);
	v59 =	vunpack.i.l.bf16.f32 v30  }
0x447: {  	(v2sf) =	vpush v57, $0xF;
	[tilespmem:s15+$0x30] =	vst v9;
	v9 =	vmul.f32 v59, v25  }
0x448: {  	v31 =	vld [tilespmem:s21+$0xFFFFFFE0];
	v36 =	vmul.f32 v0, v26;
	v25, _, _ =	vpop (xrf2)  }
0x449: {  	(xrf2) =	vadd.scan.msk.f32 $0xffff, v16;
	(v2sf) =	vpush v25, $0xF;
	v25 =	vmul.f32 v29, v9;
	v29, _, _ =	vpop (xrf2);
	s11 =	spop (v2sf)  }
0x44a: {  	(xrf2) =	vadd.scan.msk.f32 $0xffff, v36;
	(v2sf) =	vpush v29, $0xF;
	v29 =	vunpack.i.l.bf16.f32 v20;
	s8 =	smul.f32 $2.500000000e-01, s11  }
0x44b: {  	v26 =	vunpack.i.u.bf16.f32 v30;
	v30 =	vunpack.i.l.bf16.f32 v58;
	(xrf2) =	vadd.scan.msk.f32 $0xffff, v25;
	s16 =	spop (v2sf)  }
0x44c: {  	v45 =	vld [tilespmem:s3+$0xFFFFFF50];
	v20 =	vunpack.i.u.bf16.f32 v20;
	v44 =	vadd.f32 v8, v29;
	s10 =	smul.f32 $2.500000000e-01, s16;
	s8 =	smax.f32 s8, $-5.000000000e+00  }
0x44d: {  	v0 =	vld [tilespmem:s12+$0x20];
	v62 =	vunpack.i.u.bf16.f32 v31;
	v31 =	vunpack.i.l.bf16.f32 v31;
	v20 =	vadd.f32 v7, v20;
	v29 =	vpop (erf);
	s8 =	smin.f32 s8, $5.000000000e+00  }
0x44e: {  	[tilespmem:s18+$0xC0] =	vst v8;
	v61 =	vld [tilespmem:s21+$0x20];
	v31 =	vmul.f32 v31, v30;
	s10 =	smax.f32 s10, $-5.000000000e+00;
	v8 =	vmul.f32 v29, v44;
	v30 =	vpop (erf);
	v46 =	vmov s8  }
0x44f: {  	v38 =	vld [tilespmem:s12+$0xFFFFFF60];
	[tilespmem:s18+$0xD0] =	vst v7;
	v9 =	vunpack.i.u.bf16.f32 v52;
	s10 =	smin.f32 s10, $5.000000000e+00;
	v7 =	vmul.f32 v30, v20;
	v20 =	vmul.f32 $1.442695020e+00, v46  }
0x450: {  	v47 =	vld [tilespmem:s3+$0xFFFFFFD0];
	v9 =	vmul.f32 v26, v9;
	v48 =	vmov s10;
	[tilespmem:s15+$0xD0] =	vst v8  }
0x451: {  	v60 =	vunpack.i.u.bf16.f32 v58;
	v26 =	vld [tilespmem:s3+$0xFFFFFFC0];
	v8 =	vmul.f32 $1.442695020e+00, v48;
	[tilespmem:s15+$0xE0] =	vst v7;
	v7 =	vbroadcast v20, $0x0  }
0x452: {  	v49 =	vld [tilespmem:s3+$0x40];
	v35 =	vmul.f32 v62, v60;
	v63 =	vunpack.i.u.bf16.f32 v0;
	v0 =	vunpack.i.l.bf16.f32 v0  }
0x453: {  	v51 =	vld [tilespmem:s3+$0x50];
	v50 =	vunpack.i.l.bf16.f32 v61;
	v52, _, _ =	vpop (xrf2);
	v8 =	vbroadcast v8, $0x0;
	(erf) = vpow2.f32 v7  }
0x454: {  	v32 =	vunpack.i.u.bf16.f32 v61;
	v34 =	vmul.f32 v45, v9;
	(v2sf) =	vpush v52, $0xF;
	v9, _, _ =	vpop (xrf2);
	v53 =	vld [tilespmem:s12+$0xB0]  }
0x455: {  	v0 =	vmul.f32 v50, v0;
	s17 =	spop (v2sf);
	(v2sf) =	vpush v9, $0xF;
	v54 =	vld [tilespmem:s21+$0x70];
	(erf) = vpow2.f32 v8;
	v7, _, _ =	vpop (xrf2)  }
0x456: {  	[tilespmem:s18+$0xFFFFFF40] =	vst v25;
	s8 =	smul.f32 $2.500000000e-01, s17;
	v20 =	vmul.f32 v32, v63;
	v32 =	vmul.f32 v26, v31;
	s20 =	spop (v2sf);
	(v2sf) =	vpush v7, $0xF;
	v7 =	vld [tilespmem:s30+$0xC0]  }
0x457: {  	v40 =	vld [tilespmem:s12+$0xFFFFFFE0];
	[tilespmem:s18+$0xFFFFFF50] =	vst v34;
	v26 =	vmul.f32 v47, v35;
	s10 =	smul.f32 $2.500000000e-01, s20  }
0x458: {  	(xrf2) =	vadd.scan.msk.f32 $0xffff, v34;
	v31 =	vmul.f32 v49, v0;
	v0 =	vld [tilespmem:s3+$0xE0];
	s8 =	smax.f32 s8, $-5.000000000e+00;
	[tilespmem:s18+$0xFFFFFFC0] =	vst v32;
	s23 =	spop (v2sf)  }
0x459: {  	(xrf2) =	vadd.scan.msk.f32 $0xffff, v32;
	[tilespmem:s18+$0xFFFFFFD0] =	vst v26;
	s22 =	smax.f32 s10, $-5.000000000e+00;
	s10 =	smul.f32 $2.500000000e-01, s23  }
0x45a: {  	v42 =	vld [tilespmem:s12+$0x60];
	s8 =	smin.f32 s8, $5.000000000e+00;
	v20 =	vmul.f32 v51, v20;
	[tilespmem:s18+$0x40] =	vst v31;
	v9 =	vunpack.i.l.bf16.f32 v53;
	v55 =	vunpack.i.l.bf16.f32 v54  }
0x45b: {  	v8 =	vmov s8;
	(xrf2) =	vadd.scan.msk.f32 $0xffff, v26;
	v9 =	vmul.f32 v55, v9;
	s10 =	smax.f32 s10, $-5.000000000e+00;
	v60 =	vunpack.i.l.bf16.f32 v7  }
0x45c: {  	v8 =	vmul.f32 $1.442695020e+00, v8;
	(xrf2) =	vadd.scan.msk.f32 $0xffff, v31;
	[tilespmem:s18+$0x50] =	vst v20;
	s10 =	smin.f32 s10, $5.000000000e+00;
	v39 =	vadd.f32 v6, v60;
	v1 =	vpop (erf)  }
0x45d: {  	v58 =	vld [tilespmem:s3+$0xF0];
	v9 =	vmul.f32 v0, v9;
	v0 =	vunpack.i.u.bf16.f32 v7;
	v61 =	vmov s10;
	s10 =	simm.s32 $0x67A0;
	[tilespmem:$0x1FFC0] =	vst v1  }
0x45e: {  	s8 =	smin.f32 s22, $5.000000000e+00;
	v0 =	vadd.f32 v33, v0;
	[tilespmem:s10+$0x80] =	vst v6;
	v39 =	vmul.f32 v1, v39;
	v1 =	vpop (erf)  }
0x45f: {  	v59 =	vunpack.i.u.bf16.f32 v54;
	v56 =	vbroadcast v8, $0x0;
	v8 =	vmov s8;
	s24 =	spop (v2sf);
	[tilespmem:$0x1FFD0] =	vst v1  }
0x460: {  	s16 =	simm.s32 $0x7C00;
	v57 =	vmul.f32 $1.442695020e+00, v8;
	v8 =	vunpack.i.u.bf16.f32 v53;
	s8 =	smul.f32 $2.500000000e-01, s24;
	v0 =	vmul.f32 v1, v0;
	[tilespmem:s10+$0x90] =	vst v33  }
0x461: {  	v37 =	vmul.f32 v59, v8;
	[tilespmem:s16+$0x90] =	vst v39  }
0x462: {  	s8 =	smax.f32 s8, $-5.000000000e+00;
	[tilespmem:s16+$0xA0] =	vst v0  }
0x463: {  	v49, _, _ =	vpop (xrf2);
	v8 =	vmul.f32 v58, v37;
	s8 =	smin.f32 s8, $5.000000000e+00;
	v54 =	vld [tilespmem:s30+$0x90]  }
0x464: {  	(v2sf) =	vpush v49, $0xF;
	(xrf2) =	vadd.scan.msk.f32 $0xffff, v9;
	v44 =	vmul.f32 $1.442695020e+00, v61;
	v62 =	vmov s8;
	v51, _, _ =	vpop (xrf2);
	v55 =	vld [tilespmem:s2+$0x50]  }
0x465: {  	v35 =	vbroadcast v57, $0x0;
	(xrf2) =	vadd.scan.msk.f32 $0xffff, v8;
	v50 =	vmul.f32 $1.442695020e+00, v62;
	(v2sf) =	vpush v51, $0xF;
	v0, _, _ =	vpop (xrf2)  }
0x466: {  	(erf) = vpow2.f32 v56;
	s26 =	spop (v2sf);
	v52 =	vbroadcast v44, $0x0;
	v63 =	vld [tilespmem:s30+$0xFFFFFF40];
	(v2sf) =	vpush v0, $0xF;
	v0, _, _ =	vpop (xrf2)  }
0x467: {  	(erf) = vpow2.f32 v35;
	s0 =	spop (v2sf);
	v53 =	vbroadcast v50, $0x0;
	[tilespmem:s10+$0xFFFFFF00] =	vst v19;
	(v2sf) =	vpush v0, $0xF;
	v0 =	vld [tilespmem:s19+$0xA0]  }
0x468: {  	[tilespmem:s10+$0xFFFFFF10] =	vst v22;
	(erf) = vpow2.f32 v52;
	v57 =	vld [tilespmem:s19+$0xB0]  }
0x469: {  	v39 =	vld [tilespmem:s30+$0x40];
	[tilespmem:s10+$0x10] =	vst v36;
	(erf) = vpow2.f32 v53;
	s1 =	spop (v2sf);
	v58 =	vunpack.i.l.bf16.f32 v54;
	v59 =	vunpack.i.l.bf16.f32 v55  }
0x46a: {  	v56 =	vld [tilespmem:s30+$0xFFFFFFC0];
	(xrf2) =	vadd.scan.msk.f32 $0xffff, v20;
	v37 =	vunpack.i.u.bf16.f32 v54;
	v35 =	vunpack.i.u.bf16.f32 v55;
	v43 =	vmul.f32 v59, v58  }
0x46b: {  	v35 =	vmul.f32 v35, v37  }
0x46c: {  	s8 =	smul.f32 $2.500000000e-01, s26;
	v48 =	vmul.f32 v0, v43  }
0x46d: {  	s11 =	smul.f32 $2.500000000e-01, s0;
	v33 =	vmul.f32 v57, v35  }
0x46e: {  	s8 =	smax.f32 s8, $-5.000000000e+00;
	v0, _, _ =	vpop (xrf2);
	(xrf2) =	vadd.scan.msk.f32 $0xffff, v48  }
0x46f: {  	s8 =	smin.f32 s8, $5.000000000e+00;
	s4 =	smax.f32 s11, $-5.000000000e+00;
	(v2sf) =	vpush v0, $0xF;
	v0, _, _ =	vpop (xrf2);
	(xrf2) =	vadd.scan.msk.f32 $0xffff, v33  }
0x470: {  	(v2sf) =	vpush v0, $0xF;
	v0 =	vmov s8;
	s8 =	smin.f32 s4, $5.000000000e+00  }
0x471: {  	v0 =	vmul.f32 $1.442695020e+00, v0;
	v60 =	vmov s8  }
0x472: {  	v35 =	vmul.f32 $1.442695020e+00, v60  }
0x473: {  	v46 =	vunpack.i.u.bf16.f32 v40;
	s6 =	spop (v2sf);
	v0 =	vbroadcast v0, $0x0  }
0x474: {  	v26 =	vadd.f32 v26, v46;
	v62 =	vunpack.i.u.bf16.f32 v63;
	v63 =	vunpack.i.l.bf16.f32 v63;
	s11 =	smul.f32 $2.500000000e-01, s6;
	v61, _, _ =	vpop (xrf2)  }
0x475: {  	s5 =	smul.f32 $2.500000000e-01, s1;
	(v2sf) =	vpush v61, $0xF;
	(erf) = vpow2.f32 v0;
	v0 =	vbroadcast v35, $0x0  }
0x476: {  	v49 =	vunpack.i.u.bf16.f32 v56;
	v50 =	vunpack.i.l.bf16.f32 v56;
	v22 =	vadd.f32 v22, v62;
	s11 =	smax.f32 s11, $-5.000000000e+00;
	v35 =	vpop (erf)  }
0x477: {  	v19 =	vadd.f32 v19, v63;
	v52 =	vunpack.i.u.bf16.f32 v39;
	v39 =	vunpack.i.l.bf16.f32 v39;
	s11 =	smin.f32 s11, $5.000000000e+00;
	s8 =	smax.f32 s5, $-5.000000000e+00;
	v37 =	vpop (erf)  }
0x478: {  	v53 =	vadd.f32 v15, v50;
	s7 =	spop (v2sf);
	s8 =	smin.f32 s8, $5.000000000e+00;
	(erf) = vpow2.f32 v0;
	v22 =	vmul.f32 v37, v22;
	v51, _, _ =	vpop (xrf2)  }
0x479: {  	s17 =	smul.f32 $2.500000000e-01, s7;
	v55 =	vmov s8;
	s9 =	spop (v2sf);
	v19 =	vmul.f32 v35, v19;
	(v2sf) =	vpush v51, $0xF;
	v0, _, _ =	vpop (xrf2)  }
0x47a: {  	v56 =	vmov s11;
	s23 =	smul.f32 $2.500000000e-01, s9;
	s22 =	spop (v2sf);
	[tilespmem:s16+$0xFFFFFEF0] =	vst v22;
	v22 =	vmul.f32 $1.442695020e+00, v55;
	(v2sf) =	vpush v0, $0xF  }
0x47b: {  	v50 =	vunpack.i.u.bf16.f32 v42;
	v54 =	vadd.f32 v16, v39;
	v45 =	vmul.f32 $1.442695020e+00, v56;
	s20 =	smax.f32 s17, $-5.000000000e+00;
	[tilespmem:s16+$0xFFFFFEE0] =	vst v19;
	s8 =	smul.f32 $2.500000000e-01, s22  }
0x47c: {  	v36 =	vadd.f32 v36, v52;
	v43 =	vunpack.i.u.bf16.f32 v38;
	s11 =	smin.f32 s20, $5.000000000e+00;
	s24 =	smax.f32 s23, $-5.000000000e+00;
	v58 =	vld [tilespmem:s30+$0xFFFFFF10];
	v22 =	vbroadcast v22, $0x0  }
0x47d: {  	[tilespmem:s10+$0xFFFFFF80] =	vst v15;
	v15 =	vbroadcast v45, $0x0;
	v45 =	vunpack.i.l.bf16.f32 v42;
	v39 =	vpop (erf);
	s17 =	smin.f32 s24, $5.000000000e+00;
	s8 =	smax.f32 s8, $-5.000000000e+00;
	v0 =	vadd.f32 v17, v49  }
0x47e: {  	[tilespmem:s10+$0xFFFFFF90] =	vst v17;
	v19 =	vunpack.i.l.bf16.f32 v40;
	v40 =	vpop (erf);
	v57 =	vmul.f32 v39, v53;
	s8 =	smin.f32 s8, $5.000000000e+00;
	s26 =	spop (v2sf);
	(erf) = vpow2.f32 v22;
	v22 =	vld [tilespmem:s2+$0xFFFFFF90]  }
0x47f: {  	[tilespmem:s10+$0x0] =	vst v16;
	v59 =	vmov s17;
	v60 =	vmov s8;
	v0 =	vmul.f32 v40, v0;
	s23 =	smul.f32 $2.500000000e-01, s26;
	s0 =	spop (v2sf)  }
0x480: {  	[tilespmem:s16+$0xFFFFFF70] =	vst v57;
	v44 =	vmul.f32 $1.442695020e+00, v59;
	v41 =	vpop (erf);
	(erf) = vpow2.f32 v15;
	v15 =	vmov s11;
	s26 =	smul.f32 $2.500000000e-01, s0  }
0x481: {  	v16 =	vld [tilespmem:s19+$0xFFFFFF20];
	v17 =	vmul.f32 v41, v54;
	v42 =	vpop (erf);
	[tilespmem:s16+$0xFFFFFF80] =	vst v0;
	v15 =	vmul.f32 $1.442695020e+00, v15;
	v61 =	vunpack.i.u.bf16.f32 v58;
	s1 =	smax.f32 s23, $-5.000000000e+00  }
0x482: {  	v49 =	vunpack.i.l.bf16.f32 v58;
	v0 =	vmul.f32 v42, v36;
	v47 =	vld [tilespmem:s30+$0xFFFFFF90];
	v36 =	vmul.f32 $1.442695020e+00, v60;
	s4 =	smin.f32 s1, $5.000000000e+00;
	s5 =	smax.f32 s26, $-5.000000000e+00  }
0x483: {  	v53 =	vld [tilespmem:s2+$0xFFFFFFD0];
	[tilespmem:s16+$0x0] =	vst v17;
	v15 =	vbroadcast v15, $0x0;
	s11 =	smin.f32 s5, $5.000000000e+00;
	v62 =	vmov s4;
	v57 =	vunpack.i.l.bf16.f32 v22  }
0x484: {  	v17 =	vld [tilespmem:s19+$0xFFFFFF30];
	[tilespmem:s16+$0x10] =	vst v0;
	v0 =	vbroadcast v36, $0x0;
	v52 =	vmul.f32 $1.442695020e+00, v62;
	v63 =	vmov s11;
	s6 =	spop (v2sf)  }
0x485: {  	v22 =	vunpack.i.u.bf16.f32 v22;
	v49 =	vmul.f32 v57, v49;
	v56 =	vld [tilespmem:s30+$0x10];
	s8 =	smul.f32 $2.500000000e-01, s6;
	v54 =	vmul.f32 $1.442695020e+00, v63  }
0x486: {  	v38 =	vunpack.i.l.bf16.f32 v38;
	v22 =	vmul.f32 v22, v61;
	v57 =	vld [tilespmem:s2+$0x10];
	v52 =	vbroadcast v52, $0x0  }
0x487: {  	v61 =	vbroadcast v44, $0x0;
	v59 =	vunpack.i.l.bf16.f32 v47;
	s8 =	smax.f32 s8, $-5.000000000e+00;
	v58 =	vbroadcast v54, $0x0  }
0x488: {  	v60 =	vunpack.i.l.bf16.f32 v53;
	v46 =	vmul.f32 v16, v49;
	(erf) = vpow2.f32 v52;
	s8 =	smin.f32 s8, $5.000000000e+00;
	s7 =	spop (v2sf)  }
0x489: {  	v25 =	vadd.f32 v25, v38;
	v51 =	vmul.f32 v60, v59;
	(erf) = vpow2.f32 v58;
	s11 =	smul.f32 $2.500000000e-01, s7;
	s9 =	spop (v2sf)  }
0x48a: {  	v62 =	vmov s8;
	v58 =	vadd.f32 v31, v45;
	v45 =	vmul.f32 v17, v22;
	s17 =	smul.f32 $2.500000000e-01, s9  }
0x48b: {  	v16 =	vunpack.i.l.bf16.f32 v56;
	v17 =	vunpack.i.l.bf16.f32 v57;
	(erf) = vpow2.f32 v15;
	s11 =	smax.f32 s11, $-5.000000000e+00  }
0x48c: {  	v15 =	vadd.f32 v34, v43;
	v52 =	vpop (erf);
	v63 =	vmul.f32 $1.442695020e+00, v62;
	v16 =	vmul.f32 v17, v16;
	s8 =	smin.f32 s11, $5.000000000e+00;
	s20 =	smax.f32 s17, $-5.000000000e+00  }
0x48d: {  	(erf) = vpow2.f32 v61;
	v25 =	vmul.f32 v52, v25;
	v55 =	vpop (erf);
	s11 =	smin.f32 s20, $5.000000000e+00;
	v43 =	vmov s8  }
0x48e: {  	v54 =	vld [tilespmem:s19+$0xFFFFFFA0];
	v15 =	vmul.f32 v55, v15;
	v36 =	vmul.f32 $1.442695020e+00, v43;
	v44 =	vmov s11  }
0x48f: {  	v22 =	vld [tilespmem:s30+$0xD0];
	v34 =	vbroadcast v63, $0x0;
	[tilespmem:s15+$0xFFFFFF20] =	vst v25;
	v60 =	vmul.f32 $1.442695020e+00, v44  }
0x490: {  	v62 =	vld [tilespmem:s19+$0xFFFFFFB0];
	(erf) = vpow2.f32 v0;
	[tilespmem:s15+$0xFFFFFF30] =	vst v15;
	v36 =	vbroadcast v36, $0x0  }
0x491: {  	(erf) = vpow2.f32 v34;
	v17 =	vld [tilespmem:s21+$0xFFFFFFB0];
	v25 =	vbroadcast v60, $0x0  }
0x492: {  	v61 =	vunpack.i.u.bf16.f32 v47;
	v0 =	vunpack.i.u.bf16.f32 v53;
	v15 =	vld [tilespmem:s12+$0xFFFFFF30];
	v44 =	vpop (erf);
	(erf) = vpow2.f32 v36  }
0x493: {  	v63 =	vld [tilespmem:s19+$0x20];
	v0 =	vmul.f32 v0, v61;
	v43 =	vpop (erf);
	(erf) = vpow2.f32 v25  }
0x494: {  	v19 =	vadd.f32 v32, v19;
	(xrf2) =	vadd.scan.msk.f32 $0xffff, v46;
	[tilespmem:s10+$0xA0] =	vst v48;
	v60 =	vld [tilespmem:s19+$0x30]  }
0x495: {  	v31 =	vunpack.i.u.bf16.f32 v57;
	[tilespmem:s10+$0xB0] =	vst v33;
	v51 =	vmul.f32 v54, v51;
	v49 =	vmul.f32 v62, v0;
	v38 =	vpop (erf)  }
0x496: {  	(xrf2) =	vadd.scan.msk.f32 $0xffff, v45;
	v61 =	vunpack.i.l.bf16.f32 v17;
	v25 =	vunpack.i.u.bf16.f32 v56;
	v19 =	vmul.f32 v38, v19;
	v32 =	vpop (erf)  }
0x497: {  	(xrf2) =	vadd.scan.msk.f32 $0xffff, v51;
	v62 =	vunpack.i.u.bf16.f32 v15;
	v25 =	vmul.f32 v31, v25;
	v26 =	vmul.f32 v32, v26  }
0x498: {  	v0 =	vld [tilespmem:s3+$0xFFFFFF60];
	v17 =	vunpack.i.u.bf16.f32 v17;
	[tilespmem:s15+$0xFFFFFFB0] =	vst v19;
	v19 =	vadd.f32 v20, v50;
	v50 =	vmul.f32 v63, v16  }
0x499: {  	v36 =	vpop (erf);
	v20 =	vld [tilespmem:s3+$0xFFFFFF70];
	v47 =	vmul.f32 v60, v25;
	v16 =	vunpack.i.l.bf16.f32 v15;
	v25 =	vunpack.i.l.bf16.f32 v22;
	[tilespmem:s15+$0xFFFFFFC0] =	vst v26  }
0x49a: {  	(xrf2) =	vadd.scan.msk.f32 $0xffff, v49;
	v22 =	vunpack.i.u.bf16.f32 v22;
	v31 =	vpop (erf);
	v63 =	vmul.f32 v36, v58;
	v25 =	vadd.f32 v48, v25;
	v53 =	vld [tilespmem:s21+$0xFFFFFFF0]  }
0x49b: {  	v34 =	vmul.f32 v61, v16;
	v22 =	vadd.f32 v33, v22;
	(xrf2) =	vadd.scan.msk.f32 $0xffff, v50;
	v61 =	vmul.f32 v31, v19;
	v15 =	vpop (erf)  }
0x49c: {  	v17 =	vmul.f32 v17, v62;
	v26 =	vld [tilespmem:s12+$0xFFFFFFB0];
	[tilespmem:s15+$0x40] =	vst v63;
	(xrf2) =	vadd.scan.msk.f32 $0xffff, v47;
	v25 =	vmul.f32 v15, v25;
	v16 =	vpop (erf)  }
0x49d: {  	v19 =	vmul.f32 v0, v34;
	[tilespmem:s15+$0x50] =	vst v61;
	v22 =	vmul.f32 v16, v22  }
0x49e: {  	v60 =	vld [tilespmem:s3+$0xFFFFFFE0];
	[tilespmem:s16+$0xB0] =	vst v25  }
0x49f: {  	v17 =	vmul.f32 v20, v17;
	(xrf2) =	vadd.scan.msk.f32 $0xffff, v19;
	v48 =	vld [tilespmem:s12+$0x30];
	[tilespmem:s16+$0xC0] =	vst v22;
	v22 =	vunpack.i.l.bf16.f32 v53  }
0x4a0: {  	v25, _, _ =	vpop (xrf2);
	v62 =	vld [tilespmem:s30+$0xA0]  }
0x4a1: {  	v20 =	vunpack.i.l.bf16.f32 v26;
	(xrf2) =	vadd.scan.msk.f32 $0xffff, v17;
	(v2sf) =	vpush v25, $0xF;
	v25 =	vld [tilespmem:s2+$0x60]  }
0x4a2: {  	s23 =	simm.s32 $0x3520;
	v20 =	vmul.f32 v22, v20;
	v22, _, _ =	vpop (xrf2)  }
0x4a3: {  	v57 =	vld [tilespmem:s23+$0x40];
	(v2sf) =	vpush v22, $0xF;
	v22, _, _ =	vpop (xrf2)  }
0x4a4: {  	v0 =	vld [tilespmem:s3+$0xFFFFFFF0];
	(v2sf) =	vpush v22, $0xF;
	v22, _, _ =	vpop (xrf2)  }
0x4a5: {  	v33 =	vld [tilespmem:s21+$0x30];
	v59 =	vunpack.i.u.bf16.f32 v48;
	v20 =	vmul.f32 v60, v20;
	(v2sf) =	vpush v22, $0xF;
	v22, _, _ =	vpop (xrf2)  }
0x4a6: {  	v54 =	vld [tilespmem:s19+$0xC0];
	v34 =	vunpack.i.u.bf16.f32 v62;
	(v2sf) =	vpush v22, $0xF;
	v22, _, _ =	vpop (xrf2);
	v63 =	vunpack.i.l.bf16.f32 v25  }
0x4a7: {  	s21 =	simm.s32 $0x19A0;
	(v2sf) =	vpush v22, $0xF;
	v22 =	vunpack.i.u.bf16.f32 v26;
	v26 =	vunpack.i.u.bf16.f32 v53;
	v53 =	vld [tilespmem:s19+$0xD0]  }
0x4a8: {  	v58 =	vld [tilespmem:s21+$0x80];
	v25 =	vunpack.i.u.bf16.f32 v25;
	v22 =	vmul.f32 v26, v22;
	v26 =	vunpack.i.l.bf16.f32 v62  }
0x4a9: {  	v56 =	vld [tilespmem:s3+$0x60];
	v48 =	vunpack.i.l.bf16.f32 v48;
	(xrf2) =	vadd.scan.msk.f32 $0xffff, v20;
	v25 =	vmul.f32 v25, v34;
	v60, _, _ =	vpop (xrf2);
	v26 =	vmul.f32 v63, v26  }
0x4aa: {  	s29 =	simm.s32 $0x55A0;
	v34 =	vld [tilespmem:s3+$0x70];
	(v2sf) =	vpush v60, $0xF;
	v62 =	vunpack.i.l.bf16.f32 v57;
	v57 =	vunpack.i.u.bf16.f32 v57  }
0x4ab: {  	v61, _, _ =	vpop (xrf2);
	v60 =	vld [tilespmem:s29+$0x80];
	v54 =	vmul.f32 v54, v26;
	v26 =	vunpack.i.u.bf16.f32 v33;
	v33 =	vunpack.i.l.bf16.f32 v33  }
0x4ac: {  	(v2sf) =	vpush v61, $0xF;
	v61 =	vld [tilespmem:s29+$0x90];
	v53 =	vmul.f32 v53, v25;
	v33 =	vmul.f32 v33, v48  }
0x4ad: {  	v25 =	vmul.f32 v0, v22;
	v0 =	vmul.f32 v26, v59;
	v26 =	vunpack.i.l.bf16.f32 v58;
	(xrf2) =	vadd.scan.msk.f32 $0xffff, v54  }
0x4ae: {  	v58 =	vunpack.i.u.bf16.f32 v58;
	v22 =	vmul.f32 v56, v33;
	(xrf2) =	vadd.scan.msk.f32 $0xffff, v53;
	v33 =	vmul.f32 v62, v26  }
0x4af: {  	v4 =	vnsel vm0, $0x0, v4;
	v26 =	vmul.f32 v34, v0;
	v0 =	vmul.f32 v57, v58;
	(xrf2) =	vadd.scan.msk.f32 $0xffff, v25  }
0x4b0: {  	v4 =	vsel vm1, v4, v3;
	v5 =	vnsel vm0, $0x0, v5;
	(xrf2) =	vadd.scan.msk.f32 $0xffff, v22;
	v34 =	vmul.f32 v60, v33  }
0x4b1: {  	v5 =	vsel vm1, v5, v10;
	v10 =	vnsel vm0, $0x0, v11;
	v33 =	vmul.f32 v61, v0;
	(xrf2) =	vadd.scan.msk.f32 $0xffff, v26  }
0x4b2: {  	v10 =	vsel vm1, v10, v12;
	v4 =	vsel vm2, v4, v18;
	(xrf2) =	vadd.scan.msk.f32 $0xffff, v34  }
0x4b3: {  	v12 =	vsel vm3, v4, v21;
	v4 =	vsel vm2, v10, v27;
	v10 =	vld [tilespmem:s30+$0xFFFFFFD0];
	v63, _, _ =	vpop (xrf2);
	s22 =	spop (v2sf);
	(xrf2) =	vadd.scan.msk.f32 $0xffff, v33  }
0x4b4: {  	s3 =	smul.f32 $2.500000000e-01, s22;
	s24 =	spop (v2sf)  }
0x4b5: {  	v27 =	vsel vm3, v4, v28;
	v4 =	vnsel vm0, $0x0, v35;
	s26 =	spop (v2sf)  }
0x4b6: {  	v5 =	vsel vm2, v5, v23;
	v18 =	vsel vm1, v4, v37;
	v11 =	vld [tilespmem:s30+$0xFFFFFF50];
	v4 =	vnsel vm0, $0x0, v41;
	s8 =	smul.f32 $2.500000000e-01, s24;
	s9 =	smax.f32 s3, $-5.000000000e+00  }
0x4b7: {  	v4 =	vsel vm1, v4, v42;
	v12 =	vsel vm4, v12, v52;
	(v2sf) =	vpush v63, $0xF;
	s0 =	spop (v2sf);
	s11 =	smul.f32 $2.500000000e-01, s26;
	v0, _, _ =	vpop (xrf2)  }
0x4b8: {  	v52 =	vunpack.i.u.bf16.f32 v10;
	v10 =	vunpack.i.l.bf16.f32 v10;
	s22 =	smin.f32 s9, $5.000000000e+00;
	s1 =	spop (v2sf);
	(v2sf) =	vpush v0, $0xF;
	v0, _, _ =	vpop (xrf2)  }
0x4b9: {  	v10 =	vadd.f32 v51, v10;
	v27 =	vsel vm4, v27, v36;
	s8 =	smax.f32 s8, $-5.000000000e+00;
	s20 =	smul.f32 $2.500000000e-01, s0;
	(v2sf) =	vpush v0, $0xF;
	v0, _, _ =	vpop (xrf2)  }
0x4ba: {  	v57 =	vsel vm3, v5, v24;
	v5 =	vnsel vm0, $0x0, v39;
	s5 =	spop (v2sf);
	s4 =	smin.f32 s8, $5.000000000e+00;
	(v2sf) =	vpush v0, $0xF;
	v0, _, _ =	vpop (xrf2)  }
0x4bb: {  	v24 =	vsel vm5, v12, v55;
	v12 =	vunpack.i.u.bf16.f32 v11;
	s11 =	smax.f32 s11, $-5.000000000e+00;
	s0 =	smul.f32 $2.500000000e-01, s1;
	(v2sf) =	vpush v0, $0xF;
	v0, _, _ =	vpop (xrf2)  }
0x4bc: {  	v11 =	vunpack.i.l.bf16.f32 v11;
	v5 =	vsel vm1, v5, v40;
	s6 =	spop (v2sf);
	s7 =	smin.f32 s11, $5.000000000e+00;
	(v2sf) =	vpush v0, $0xF;
	v0, _, _ =	vpop (xrf2)  }
0x4bd: {  	s1 =	smul.f32 $2.500000000e-01, s5;
	v58 =	vmov s4;
	s0 =	smax.f32 s0, $-5.000000000e+00;
	v59 =	vmov s7;
	(v2sf) =	vpush v0, $0xF;
	v0, _, _ =	vpop (xrf2)  }
0x4be: {  	s26 =	smax.f32 s20, $-5.000000000e+00;
	v23 =	vmul.f32 $1.442695020e+00, v58;
	s0 =	smin.f32 s0, $5.000000000e+00;
	(v2sf) =	vpush v0, $0xF;
	v0 =	vmov s22  }
0x4bf: {  	v21 =	vld [tilespmem:s30+$0x50];
	s9 =	smin.f32 s26, $5.000000000e+00;
	s1 =	smax.f32 s1, $-5.000000000e+00;
	v28 =	vmul.f32 $1.442695020e+00, v59;
	v61 =	vmov s0;
	v0 =	vmul.f32 $1.442695020e+00, v0  }
0x4c0: {  	v60 =	vmov s9;
	s1 =	smin.f32 s1, $5.000000000e+00;
	v23 =	vbroadcast v23, $0x0;
	v59 =	vmul.f32 $1.442695020e+00, v61;
	v61 =	vld [tilespmem:s23+$0xFFFFFF80]  }
0x4c1: {  	v58 =	vld [tilespmem:s12+$0xF0];
	v55 =	vmul.f32 $1.442695020e+00, v60;
	v62 =	vmov s1;
	v0 =	vbroadcast v0, $0x0  }
0x4c2: {  	v6 =	vld [tilespmem:$0x1FFB0];
	v11 =	vadd.f32 v46, v11;
	v60 =	vmul.f32 $1.442695020e+00, v62;
	v39 =	vbroadcast v59, $0x0  }
0x4c3: {  	v57 =	vsel vm4, v57, v38;
	(erf) = vpow2.f32 v0;
	v0 =	vbroadcast v28, $0x0  }
0x4c4: {  	v28 =	vunpack.i.u.bf16.f32 v21;
	v21 =	vunpack.i.l.bf16.f32 v21;
	(erf) = vpow2.f32 v23  }
0x4c5: {  	s17 =	spop (v2sf);
	s5 =	smul.f32 $2.500000000e-01, s6;
	v42 =	vunpack.i.l.bf16.f32 v61;
	v23 =	vbroadcast v55, $0x0;
	v35 =	vadd.f32 v50, v21  }
0x4c6: {  	s3 =	spop (v2sf);
	v21 =	vunpack.i.u.bf16.f32 v58;
	(erf) = vpow2.f32 v0;
	v0 =	vnsel vm0, $0x0, v2  }
0x4c7: {  	s8 =	smax.f32 s5, $-5.000000000e+00;
	v40 =	vadd.f32 v47, v28;
	(erf) = vpow2.f32 v23;
	v0 =	vsel vm1, v0, v6;
	s6 =	spop (v2sf)  }
0x4c8: {  	v2 =	vadd.f32 v45, v12;
	v14 =	vsel vm2, v0, v14;
	v0 =	vunpack.i.l.bf16.f32 v58;
	s20 =	spop (v2sf);
	s5 =	smul.f32 $2.500000000e-01, s6  }
0x4c9: {  	v41 =	vld [tilespmem:s21+$0xFFFFFF00];
	v28 =	vadd.f32 v8, v21;
	v23 =	vadd.f32 v9, v0;
	v13 =	vsel vm3, v14, v13;
	s20 =	smul.f32 $2.500000000e-01, s20  }
0x4ca: {  	v12 =	vadd.f32 v49, v52;
	v13 =	vsel vm4, v13, v29;
	v29 =	vbroadcast v60, $0x0;
	s6 =	smax.f32 s5, $-5.000000000e+00  }
0x4cb: {  	v37 =	vld [tilespmem:s12+$0xFFFFFF70];
	v21 =	vmul.f32 v44, v23;
	v23 =	vmul.f32 v43, v28;
	v13 =	vsel vm5, v13, v30;
	s6 =	smin.f32 s6, $5.000000000e+00;
	s20 =	smax.f32 s20, $-5.000000000e+00  }
0x4cc: {  	v55 =	vld [tilespmem:s23+$0x0];
	v13 =	vsel vm6, v13, v44;
	s9 =	smin.f32 s20, $5.000000000e+00;
	v63 =	vmov s6;
	v14 =	vpop (erf);
	(erf) = vpow2.f32 v39  }
0x4cd: {  	[tilespmem:s10+$0xFFFFFF20] =	vst v46;
	v52 =	vld [tilespmem:s21+$0xFFFFFF80];
	v1 =	vmov s9;
	v11 =	vmul.f32 v14, v11;
	v28 =	vpop (erf);
	(erf) = vpow2.f32 v29  }
0x4ce: {  	[tilespmem:s10+$0xFFFFFF30] =	vst v45;
	v39 =	vld [tilespmem:s23+$0xFFFFFFC0];
	v59 =	vmul.f32 $1.442695020e+00, v63;
	v63 =	vunpack.i.l.bf16.f32 v41;
	v62 =	vmul.f32 v28, v2  }
0x4cf: {  	[tilespmem:s10+$0xFFFFFFA0] =	vst v51;
	v30 =	vsel vm7, v13, v43;
	v29 =	vld [tilespmem:s21+$0x0];
	v2 =	vpop (erf);
	v1 =	vmul.f32 $1.442695020e+00, v1;
	v42 =	vmul.f32 v42, v63  }
0x4d0: {  	[tilespmem:s10+$0xFFFFFFB0] =	vst v49;
	v41 =	vunpack.i.u.bf16.f32 v41;
	v13 =	vmul.f32 v2, v10;
	v45 =	vpop (erf);
	v10 =	vld [tilespmem:s29+$0xFFFFFF00];
	v43 =	vbroadcast v59, $0x0  }
0x4d1: {  	[tilespmem:s10+$0x20] =	vst v50;
	v59 =	vunpack.i.u.bf16.f32 v37;
	v60 =	vmul.f32 v45, v12;
	v12 =	vunpack.i.u.bf16.f32 v61;
	v61 =	vld [tilespmem:s29+$0xFFFFFF10]  }
0x4d2: {  	v58 =	vld [tilespmem:s29+$0xFFFFFF80];
	v37 =	vunpack.i.l.bf16.f32 v37;
	v1 =	vbroadcast v1, $0x0;
	[tilespmem:s16+$0xFFFFFF10] =	vst v62;
	v12 =	vmul.f32 v12, v41  }
0x4d3: {  	v63 =	vld [tilespmem:s30+$0xE0];
	(erf) = vpow2.f32 v43;
	[tilespmem:s16+$0xFFFFFF90] =	vst v13;
	v13 =	vunpack.i.l.bf16.f32 v52;
	v62 =	vunpack.i.l.bf16.f32 v39  }
0x4d4: {  	[tilespmem:s16+$0xFFFFFF00] =	vst v11;
	v11 =	vld [tilespmem:s29+$0xFFFFFF90];
	v39 =	vunpack.i.u.bf16.f32 v39;
	v43 =	vadd.f32 v19, v37;
	(erf) = vpow2.f32 v1  }
0x4d5: {  	[tilespmem:s10+$0x30] =	vst v47;
	v41 =	vld [tilespmem:s29+$0x0];
	v37 =	vadd.f32 v17, v59;
	v13 =	vmul.f32 v62, v13;
	v10 =	vmul.f32 v10, v42  }
0x4d6: {  	v59 =	vld [tilespmem:s19+$0xFFFFFF50];
	v1 =	vunpack.i.u.bf16.f32 v52;
	[tilespmem:s16+$0xFFFFFFA0] =	vst v60;
	v60 =	vunpack.i.l.bf16.f32 v29;
	v50 =	vpop (erf);
	v12 =	vmul.f32 v61, v12  }
0x4d7: {  	s24 =	smin.f32 s8, $5.000000000e+00;
	v1 =	vmul.f32 v39, v1;
	v39 =	vld [tilespmem:s30+$0xFFFFFF20];
	v47 =	vmul.f32 v58, v13;
	v61 =	vunpack.i.l.bf16.f32 v55;
	(xrf2) =	vadd.scan.msk.f32 $0xffff, v10;
	v49 =	vpop (erf)  }
0x4d8: {  	v48 =	vmov s24;
	v42 =	vmul.f32 v61, v60;
	v13 =	vmul.f32 v49, v40;
	v40 =	vld [tilespmem:s2+$0xFFFFFFA0];
	(xrf2) =	vadd.scan.msk.f32 $0xffff, v12  }
0x4d9: {  	v52 =	vld [tilespmem:s29+$0x10];
	v46 =	vmul.f32 v11, v1;
	v11 =	vunpack.i.l.bf16.f32 v63;
	v35 =	vmul.f32 v50, v35;
	(xrf2) =	vadd.scan.msk.f32 $0xffff, v47  }
0x4da: {  	v58 =	vld [tilespmem:s30+$0xFFFFFFA0];
	v11 =	vadd.f32 v54, v11;
	v42 =	vmul.f32 v41, v42;
	[tilespmem:s16+$0x30] =	vst v13;
	v13 =	vunpack.i.u.bf16.f32 v63  }
0x4db: {  	s8 =	spop (v2sf);
	v14 =	vsel vm2, v18, v14;
	v29 =	vunpack.i.u.bf16.f32 v29;
	v62 =	vunpack.i.u.bf16.f32 v55;
	v1 =	vld [tilespmem:s2+$0xFFFFFFE0];
	(xrf2) =	vadd.scan.msk.f32 $0xffff, v46  }
0x4dc: {  	s11 =	spop (v2sf);
	v5 =	vsel vm2, v5, v2;
	v29 =	vmul.f32 v62, v29;
	[tilespmem:s16+$0x20] =	vst v35;
	v41 =	vld [tilespmem:s19+$0xFFFFFF40];
	(xrf2) =	vadd.scan.msk.f32 $0xffff, v42  }
0x4dd: {  	s26 =	spop (v2sf);
	[tilespmem:s10+$0xC0] =	vst v54;
	v54 =	vunpack.i.l.bf16.f32 v39;
	v51 =	vld [tilespmem:s30+$0x20];
	v44 =	vadd.f32 v53, v13;
	v13 =	vpop (erf);
	v60 =	vunpack.i.l.bf16.f32 v40  }
0x4de: {  	s5 =	spop (v2sf);
	v55 =	vld [tilespmem:s2+$0x20];
	v61 =	vunpack.i.u.bf16.f32 v40;
	v35 =	vmul.f32 v13, v11;
	v11 =	vpop (erf);
	v63 =	vmul.f32 v60, v54  }
0x4df: {  	s5 =	smul.f32 $2.500000000e-01, s5;
	s22 =	spop (v2sf);
	[tilespmem:s10+$0xD0] =	vst v53;
	v60 =	vunpack.i.u.bf16.f32 v39;
	v53 =	vmul.f32 v11, v44;
	v44 =	vmul.f32 v52, v29;
	v29 =	vld [tilespmem:s19+$0xFFFFFFC0]  }
0x4e0: {  	s7 =	smul.f32 $2.500000000e-01, s22;
	v38 =	vunpack.i.l.bf16.f32 v58;
	v40 =	vunpack.i.u.bf16.f32 v58;
	v52 =	vld [tilespmem:s19+$0xFFFFFFD0];
	v39 =	vmul.f32 v61, v60;
	[tilespmem:s16+$0xD0] =	vst v35  }
0x4e1: {  	s20 =	smax.f32 s5, $-5.000000000e+00;
	v60 =	vld [tilespmem:s12+$0x70];
	v35 =	vmul.f32 v41, v63;
	v41 =	vunpack.i.u.bf16.f32 v1;
	v62, _, _ =	vpop (xrf2);
	[tilespmem:s16+$0xE0] =	vst v53;
	(xrf2) =	vadd.scan.msk.f32 $0xffff, v44  }
0x4e2: {  	s22 =	smin.f32 s20, $5.000000000e+00;
	s24 =	smax.f32 s7, $-5.000000000e+00;
	v1 =	vunpack.i.l.bf16.f32 v1;
	v41 =	vmul.f32 v41, v40;
	(v2sf) =	vpush v62, $0xF;
	v53 =	vld [tilespmem:s30+$0xB0];
	v54, _, _ =	vpop (xrf2)  }
0x4e3: {  	v56 =	vmov s22;
	s1 =	smin.f32 s24, $5.000000000e+00;
	v1 =	vmul.f32 v1, v38;
	v58 =	vld [tilespmem:s2+$0x70];
	(v2sf) =	vpush v54, $0xF;
	v40, _, _ =	vpop (xrf2)  }
0x4e4: {  	v0 =	vld [tilespmem:s12+$0xFFFFFFF0];
	v3 =	vmov s1;
	v38 =	vmul.f32 v59, v39;
	(v2sf) =	vpush v40, $0xF  }
0x4e5: {  	v63 =	vunpack.i.l.bf16.f32 v51;
	v61 =	vunpack.i.l.bf16.f32 v55;
	v39 =	vld [tilespmem:s19+$0x40];
	(xrf2) =	vadd.scan.msk.f32 $0xffff, v35;
	v36 =	vmul.f32 v29, v1;
	v62, _, _ =	vpop (xrf2)  }
0x4e6: {  	(xrf2) =	vadd.scan.msk.f32 $0xffff, v38;
	v1 =	vld [tilespmem:s19+$0xE0];
	v40 =	vsel vm5, v57, v32;
	v32 =	vmul.f32 v52, v41;
	(v2sf) =	vpush v62, $0xF;
	v41, _, _ =	vpop (xrf2)  }
0x4e7: {  	v3 =	vmul.f32 $1.442695020e+00, v3;
	v29 =	vmul.f32 v61, v63;
	(xrf2) =	vadd.scan.msk.f32 $0xffff, v36;
	(v2sf) =	vpush v41, $0xF  }
0x4e8: {  	v18 =	vunpack.i.u.bf16.f32 v60;
	v63 =	vunpack.i.l.bf16.f32 v53;
	v61 =	vunpack.i.l.bf16.f32 v58;
	(xrf2) =	vadd.scan.msk.f32 $0xffff, v32  }
0x4e9: {  	v62 =	vunpack.i.u.bf16.f32 v0;
	v0 =	vunpack.i.l.bf16.f32 v0;
	v52 =	vmul.f32 v61, v63  }
0x4ea: {  	s4 =	smul.f32 $2.500000000e-01, s17;
	v54 =	vld [tilespmem:s19+$0xF0];
	v2 =	vadd.f32 v26, v18;
	v39 =	vmul.f32 v39, v29;
	v41 =	vsel vm3, v14, v28  }
0x4eb: {  	s6 =	smul.f32 $2.500000000e-01, s8;
	v28 =	vadd.f32 v20, v0;
	v0 =	vmul.f32 $1.442695020e+00, v56;
	v14 =	vmul.f32 v1, v52;
	v1, _, _ =	vpop (xrf2)  }
0x4ec: {  	s0 =	smax.f32 s4, $-5.000000000e+00;
	s8 =	smul.f32 $2.500000000e-01, s26;
	(xrf2) =	vadd.scan.msk.f32 $0xffff, v39;
	v63 =	vunpack.i.u.bf16.f32 v58;
	(v2sf) =	vpush v1, $0xF;
	v1 =	vunpack.i.u.bf16.f32 v53  }
0x4ed: {  	s0 =	smin.f32 s0, $5.000000000e+00;
	s5 =	smul.f32 $2.500000000e-01, s3;
	v0 =	vbroadcast v0, $0x0;
	(xrf2) =	vadd.scan.msk.f32 $0xffff, v14;
	v53 =	vmul.f32 v63, v1;
	v1 =	vsel vm5, v27, v31;
	v31 =	vld [tilespmem:s21+$0xFFFFFF40]  }
0x4ee: {  	s3 =	smax.f32 s6, $-5.000000000e+00;
	s7 =	smul.f32 $2.500000000e-01, s11;
	v18 =	vsel vm3, v5, v45;
	v29 =	vadd.f32 v25, v62;
	v62 =	vbroadcast v3, $0x0  }
0x4ef: {  	s9 =	smin.f32 s3, $5.000000000e+00;
	s1 =	smax.f32 s5, $-5.000000000e+00;
	v52 =	vunpack.i.l.bf16.f32 v60;
	(erf) = vpow2.f32 v0;
	v60, _, _ =	vpop (xrf2);
	v27 =	vmul.f32 v54, v53  }
0x4f0: {  	s4 =	smax.f32 s7, $-5.000000000e+00;
	s1 =	smin.f32 s1, $5.000000000e+00;
	v56 =	vsel vm2, v4, v50;
	v4 =	vld [tilespmem:s21+$0xC0];
	v58 =	vunpack.i.u.bf16.f32 v55;
	(v2sf) =	vpush v60, $0xF;
	v61, _, _ =	vpop (xrf2)  }
0x4f1: {  	s4 =	smin.f32 s4, $5.000000000e+00;
	v5 =	vld [tilespmem:s19+$0x50];
	v3 =	vadd.f32 v22, v52;
	(erf) = vpow2.f32 v62;
	v0, _, _ =	vpop (xrf2);
	s11 =	spop (v2sf);
	(v2sf) =	vpush v61, $0xF;
	(xrf2) =	vadd.scan.msk.f32 $0xffff, v27  }
0x4f2: {  	v53, _, _ =	vpop (xrf2);
	s12 =	smul.f32 $2.500000000e-01, s11;
	s17 =	spop (v2sf);
	(v2sf) =	vpush v0, $0xF;
	v57 =	vunpack.i.u.bf16.f32 v31;
	v31 =	vunpack.i.l.bf16.f32 v31  }
0x4f3: {  	s22 =	spop (v2sf);
	(v2sf) =	vpush v53, $0xF;
	v53 =	vadd.f32 v10, v31;
	v31 =	vunpack.i.u.bf16.f32 v51;
	s3 =	smul.f32 $2.500000000e-01, s17  }
0x4f4: {  	v52 =	vmov s1;
	v63 =	vmov s0;
	s20 =	smax.f32 s12, $-5.000000000e+00;
	v31 =	vmul.f32 v58, v31;
	s1 =	smul.f32 $2.500000000e-01, s22  }
0x4f5: {  	v54 =	vmul.f32 $1.442695020e+00, v63;
	v61 =	vunpack.i.l.bf16.f32 v4;
	v4 =	vunpack.i.u.bf16.f32 v4;
	s24 =	spop (v2sf);
	s0 =	smin.f32 s20, $5.000000000e+00  }
0x4f6: {  	v59, _, _ =	vpop (xrf2);
	v55 =	vadd.f32 v33, v4;
	s3 =	smax.f32 s3, $-5.000000000e+00;
	s26 =	spop (v2sf);
	v45 =	vmul.f32 v5, v31;
	v5 =	vadd.f32 v34, v61  }
0x4f7: {  	v51 =	vmov s4;
	(v2sf) =	vpush v59, $0xF;
	v58 =	vld [tilespmem:s21+$0xFFFFFFC0];
	s4 =	smul.f32 $2.500000000e-01, s24;
	v60, _, _ =	vpop (xrf2);
	s1 =	smax.f32 s1, $-5.000000000e+00;
	v31 =	vmov s0  }
0x4f8: {  	v0 =	vmul.f32 $1.442695020e+00, v48;
	v4 =	vpop (erf);
	s12 =	simm.s32 $0x69A0;
	s6 =	smin.f32 s3, $5.000000000e+00;
	(v2sf) =	vpush v60, $0xF;
	s1 =	smin.f32 s1, $5.000000000e+00;
	v31 =	vmul.f32 $1.442695020e+00, v31  }
0x4f9: {  	s5 =	smax.f32 s8, $-5.000000000e+00;
	[tilespmem:s12+$0x80] =	vst v34;
	v62 =	vmov s6;
	s7 =	smax.f32 s4, $-5.000000000e+00;
	v34 =	vmul.f32 v4, v5;
	v60 =	vmov s1  }
0x4fa: {  	v50 =	vmov s9;
	[tilespmem:s12+$0x90] =	vst v33;
	s8 =	smul.f32 $2.500000000e-01, s26;
	v59 =	vmul.f32 $1.442695020e+00, v62;
	s0 =	smin.f32 s7, $5.000000000e+00;
	v60 =	vmul.f32 $1.442695020e+00, v60;
	v5 =	vpop (erf)  }
0x4fb: {  	s26 =	simm.s32 $0x7E40;
	(xrf2) =	vadd.scan.msk.f32 $0xffff, v45;
	v61 =	vmov s0;
	v31 =	vbroadcast v31, $0x0;
	v33 =	vmul.f32 v5, v55;
	v55, _, _ =	vpop (xrf2)  }
0x4fc: {  	s11 =	smax.f32 s8, $-5.000000000e+00;
	[tilespmem:s26+$0x90] =	vst v34;
	v34 =	vunpack.i.u.bf16.f32 v58;
	s9 =	spop (v2sf);
	(v2sf) =	vpush v55, $0xF;
	v55 =	vmul.f32 $1.442695020e+00, v61  }
0x4fd: {  	s0 =	smin.f32 s11, $5.000000000e+00;
	(erf) = vpow2.f32 v31;
	[tilespmem:s26+$0xA0] =	vst v33;
	v33 =	vunpack.i.l.bf16.f32 v58;
	v58 =	vbroadcast v59, $0x0  }
0x4fe: {  	v31 =	vmov s0;
	v59 =	vbroadcast v60, $0x0;
	v55 =	vbroadcast v55, $0x0  }
0x4ff: {  	s1 =	smul.f32 $2.500000000e-01, s9;
	v60 =	vld [tilespmem:s21+$0x90];
	(erf) = vpow2.f32 v58;
	v58 =	vmul.f32 $1.442695020e+00, v31  }
0x500: {  	v0 =	vbroadcast v0, $0x0;
	v61 =	vld [tilespmem:s23+$0x50];
	(erf) = vpow2.f32 v59  }
0x501: {  	s5 =	smin.f32 s5, $5.000000000e+00;
	s1 =	smax.f32 s1, $-5.000000000e+00;
	v31 =	vsel vm3, v56, v49;
	(erf) = vpow2.f32 v55;
	v49 =	vbroadcast v58, $0x0  }
0x502: {  	v54 =	vbroadcast v54, $0x0;
	v48 =	vmov s5;
	s17 =	spop (v2sf);
	s20 =	smin.f32 s1, $5.000000000e+00;
	(erf) = vpow2.f32 v0  }
0x503: {  	v57 =	vadd.f32 v12, v57;
	s3 =	smul.f32 $2.500000000e-01, s17;
	v59 =	vmov s20;
	(erf) = vpow2.f32 v49;
	v49 =	vld [tilespmem:s29+$0xA0]  }
0x504: {  	v62 =	vld [tilespmem:s21+$0x40];
	v34 =	vadd.f32 v46, v34;
	v59 =	vmul.f32 $1.442695020e+00, v59;
	v55 =	vunpack.i.l.bf16.f32 v60  }
0x505: {  	s3 =	smax.f32 s3, $-5.000000000e+00;
	s22 =	spop (v2sf);
	v63 =	vunpack.i.l.bf16.f32 v61;
	v58 =	vunpack.i.u.bf16.f32 v60;
	v60 =	vunpack.i.u.bf16.f32 v61  }
0x506: {  	v33 =	vadd.f32 v47, v33;
	s24 =	smin.f32 s3, $5.000000000e+00;
	s1 =	smul.f32 $2.500000000e-01, s22;
	v55 =	vmul.f32 v63, v55;
	v58 =	vmul.f32 v60, v58;
	v60 =	vld [tilespmem:s30+$0xFFFFFF60]  }
0x507: {  	[tilespmem:s12+$0xFFFFFF10] =	vst v12;
	v0 =	vmov s24;
	v12, _, _ =	vpop (xrf2);
	v59 =	vbroadcast v59, $0x0;
	(erf) = vpow2.f32 v54  }
0x508: {  	[tilespmem:s12+$0xFFFFFF00] =	vst v10;
	v10 =	vld [tilespmem:s30+$0xFFFFFFE0];
	s4 =	spop (v2sf);
	s1 =	smax.f32 s1, $-5.000000000e+00;
	(v2sf) =	vpush v12, $0xF;
	v55 =	vmul.f32 v49, v55;
	v49 =	vmul.f32 $1.442695020e+00, v52  }
0x509: {  	v0 =	vmul.f32 $1.442695020e+00, v0;
	s5 =	smin.f32 s1, $5.000000000e+00;
	v63 =	vunpack.i.u.bf16.f32 v62;
	v12 =	vpop (erf);
	(erf) = vpow2.f32 v59  }
0x50a: {  	[tilespmem:s12+$0xFFFFFF80] =	vst v47;
	v56 =	vld [tilespmem:s29+$0xB0];
	v54 =	vmov s5;
	v53 =	vmul.f32 v12, v53;
	v47 =	vbroadcast v49, $0x0  }
0x50b: {  	v12 =	vnsel vm0, $0x0, v12;
	v59 =	vunpack.i.u.bf16.f32 v60;
	v49 =	vunpack.i.l.bf16.f32 v60;
	v60 =	vpop (erf)  }
0x50c: {  	[tilespmem:s12+$0xFFFFFF90] =	vst v46;
	v0 =	vbroadcast v0, $0x0;
	v46 =	vpop (erf);
	v12 =	vsel vm1, v12, v60;
	(erf) = vpow2.f32 v47  }
0x50d: {  	v47 =	vmul.f32 v60, v57;
	v57 =	vunpack.i.u.bf16.f32 v10;
	v60 =	vunpack.i.l.bf16.f32 v10;
	v10 =	vpop (erf)  }
0x50e: {  	v62 =	vunpack.i.l.bf16.f32 v62;
	[tilespmem:s26+$0xFFFFFEE0] =	vst v53;
	v53 =	vmul.f32 $1.442695020e+00, v54;
	v34 =	vmul.f32 v10, v34  }
0x50f: {  	[tilespmem:s18+$0xFFFFFF60] =	vst v19;
	v52 =	vmul.f32 v56, v58;
	v33 =	vmul.f32 v46, v33;
	v46 =	vnsel vm0, $0x0, v46  }
0x510: {  	s6 =	spop (v2sf);
	(xrf2) =	vadd.scan.msk.f32 $0xffff, v55;
	v10 =	vsel vm1, v46, v10;
	v46 =	vbroadcast v53, $0x0;
	[tilespmem:s26+$0xFFFFFEF0] =	vst v47  }
0x511: {  	s8 =	spop (v2sf);
	v62 =	vadd.f32 v42, v62;
	(xrf2) =	vadd.scan.msk.f32 $0xffff, v52;
	[tilespmem:s26+$0xFFFFFF70] =	vst v33  }
0x512: {  	s1 =	smul.f32 $2.500000000e-01, s6;
	s11 =	spop (v2sf);
	v58 =	vld [tilespmem:s30+$0x60];
	(erf) = vpow2.f32 v0;
	v33 =	vmul.f32 $1.442695020e+00, v50;
	[tilespmem:s26+$0xFFFFFF80] =	vst v34;
	v34 =	vpop (erf)  }
0x513: {  	[tilespmem:s18+$0xFFFFFF70] =	vst v17;
	s0 =	smul.f32 $2.500000000e-01, s11;
	v50 =	vmul.f32 $1.442695020e+00, v51;
	v51 =	vld [tilespmem:s21+$0xFFFFFF10];
	v7 =	vmul.f32 v34, v43;
	v24 =	vsel vm6, v24, v34;
	v34 =	vpop (erf)  }
0x514: {  	[tilespmem:s18+$0xE0] =	vst v9;
	v63 =	vadd.f32 v44, v63;
	v53 =	vld [tilespmem:s23+$0xFFFFFF90];
	(erf) = vpow2.f32 v46;
	v33 =	vbroadcast v33, $0x0;
	v46 =	vpop (erf)  }
0x515: {  	[tilespmem:s12+$0x10] =	vst v44;
	s1 =	smax.f32 s1, $-5.000000000e+00;
	s0 =	smax.f32 s0, $-5.000000000e+00;
	v44 =	vmul.f32 v34, v62;
	v62 =	vpop (erf)  }
0x516: {  	[tilespmem:s12+$0x0] =	vst v42;
	s1 =	smin.f32 s1, $5.000000000e+00;
	s0 =	smin.f32 s0, $5.000000000e+00;
	v43 =	vld [tilespmem:s21+$0xFFFFFF90];
	(erf) = vpow2.f32 v33;
	v33 =	vmul.f32 v62, v63  }
0x517: {  	v6 =	vmov s1;
	v56 =	vmov s0;
	v0 =	vld [tilespmem:s23+$0xFFFFFFD0];
	[tilespmem:s26+$0x0] =	vst v44  }
0x518: {  	v54 =	vunpack.i.u.bf16.f32 v58;
	v9 =	vunpack.i.l.bf16.f32 v58;
	v58 =	vmul.f32 $1.442695020e+00, v48;
	[tilespmem:s26+$0x10] =	vst v33  }
0x519: {  	[tilespmem:s18+$0xF0] =	vst v8;
	v48 =	vadd.f32 v38, v59;
	v42 =	vunpack.i.u.bf16.f32 v51;
	v44 =	vunpack.i.u.bf16.f32 v53;
	v8 =	vld [tilespmem:s21+$0x10]  }
0x51a: {  	[tilespmem:s18+$0xFFFFFFE0] =	vst v20;
	v19 =	vadd.f32 v45, v54;
	v63, _, _ =	vpop (xrf2);
	v59 =	vmul.f32 v44, v42;
	v44 =	vadd.f32 v36, v60;
	v60 =	vld [tilespmem:s23+$0x10]  }
0x51b: {  	[tilespmem:s18+$0xFFFFFFF0] =	vst v25;
	s17 =	spop (v2sf);
	v54 =	vmul.f32 $1.442695020e+00, v6;
	(v2sf) =	vpush v63, $0xF;
	v42 =	vunpack.i.l.bf16.f32 v43;
	v33, _, _ =	vpop (xrf2)  }
0x51c: {  	[tilespmem:s15+$0x100] =	vst v23;
	s0 =	smul.f32 $2.500000000e-01, s17;
	v23 =	vld [tilespmem:s29+$0xFFFFFFA0];
	(v2sf) =	vpush v33, $0xF;
	v33 =	vunpack.i.l.bf16.f32 v0;
	v0 =	vunpack.i.u.bf16.f32 v0  }
0x51d: {  	[tilespmem:s15+$0x110] =	vst v30;
	v30 =	vmul.f32 v33, v42;
	v42 =	vadd.f32 v39, v9;
	v9 =	vunpack.i.u.bf16.f32 v43  }
0x51e: {  	[tilespmem:s15+$0xF0] =	vst v21;
	s0 =	smax.f32 s0, $-5.000000000e+00;
	v51 =	vunpack.i.l.bf16.f32 v51;
	v53 =	vunpack.i.l.bf16.f32 v53;
	v63 =	vld [tilespmem:s29+$0xFFFFFF20];
	v0 =	vmul.f32 v0, v9  }
0x51f: {  	[tilespmem:s18+$0x70] =	vst v26;
	s0 =	smin.f32 s0, $5.000000000e+00;
	v17 =	vld [tilespmem:s29+$0xFFFFFFB0];
	v9 =	vunpack.i.u.bf16.f32 v8;
	v6 =	vunpack.i.l.bf16.f32 v8;
	v8 =	vunpack.i.l.bf16.f32 v60  }
0x520: {  	[tilespmem:s18+$0x60] =	vst v22;
	s20 =	smul.f32 $2.500000000e-01, s8;
	v47 =	vmov s0;
	v51 =	vmul.f32 v53, v51;
	v53 =	vld [tilespmem:s29+$0xFFFFFF30];
	v8 =	vmul.f32 v8, v6  }
0x521: {  	[tilespmem:s10+$0xFFFFFFC0] =	vst v36;
	v6 =	vmul.f32 $1.442695020e+00, v47;
	v47 =	vmul.f32 v23, v30;
	v23 =	vld [tilespmem:s21+$0x50]  }
0x522: {  	[tilespmem:s10+$0xFFFFFFD0] =	vst v32;
	s0 =	smax.f32 s20, $-5.000000000e+00;
	v37 =	vmul.f32 v46, v37;
	v46 =	vsel vm7, v24, v46;
	v24 =	vmul.f32 $1.442695020e+00, v56  }
0x523: {  	s3 =	smul.f32 $2.500000000e-01, s4;
	[tilespmem:s10+$0xFFFFFF40] =	vst v35;
	s0 =	smin.f32 s0, $5.000000000e+00;
	v33 =	vbroadcast v50, $0x0;
	v50 =	vmul.f32 v63, v51  }
0x524: {  	[tilespmem:s10+$0xFFFFFF50] =	vst v38;
	v22 =	vmov s0;
	v24 =	vbroadcast v24, $0x0  }
0x525: {  	s7 =	smax.f32 s3, $-5.000000000e+00;
	v25 =	vld [tilespmem:s21+$0xFFFFFF50];
	v26 =	vpop (erf);
	v51 =	vmul.f32 v53, v59;
	v59 =	vunpack.i.u.bf16.f32 v60;
	(xrf2) =	vadd.scan.msk.f32 $0xffff, v50;
	v0 =	vmul.f32 v17, v0  }
0x526: {  	s9 =	smin.f32 s7, $5.000000000e+00;
	s22 =	spop (v2sf);
	v17 =	vsel vm6, v40, v26;
	v36 =	vunpack.i.u.bf16.f32 v23;
	v40 =	vunpack.i.l.bf16.f32 v23;
	v23 =	vld [tilespmem:$0x1FFC0]  }
0x527: {  	v61 =	vmov s9;
	v22 =	vmul.f32 $1.442695020e+00, v22;
	s0 =	smul.f32 $2.500000000e-01, s22;
	v20 =	vld [tilespmem:s29+$0x20]  }
0x528: {  	v34 =	vnsel vm0, $0x0, v34;
	(erf) = vpow2.f32 v24;
	v43 =	vmul.f32 $1.442695020e+00, v61;
	v61 =	vld [tilespmem:s29+$0x30];
	v63 =	vpop (erf)  }
0x529: {  	s0 =	smax.f32 s0, $-5.000000000e+00;
	v24 =	vsel vm4, v41, v63;
	v53 =	vmul.f32 v59, v9;
	v9 =	vsel vm1, v34, v62;
	(xrf2) =	vadd.scan.msk.f32 $0xffff, v51;
	v59 =	vpop (erf)  }
0x52a: {  	s0 =	smin.f32 s0, $5.000000000e+00;
	v62 =	vld [tilespmem:s21+$0xFFFFFFD0];
	v30 =	vbroadcast v6, $0x0;
	v6 =	vsel vm5, v24, v59;
	v24 =	vunpack.i.u.bf16.f32 v25  }
0x52b: {  	v60 =	vmov s0;
	v41 =	vnsel vm0, $0x0, v23;
	v23 =	vadd.f32 v51, v24;
	v24 =	vld [tilespmem:$0x1FFD0]  }
0x52c: {  	v57 =	vadd.f32 v32, v57;
	v22 =	vbroadcast v22, $0x0;
	v32 =	vmul.f32 $1.442695020e+00, v60  }
0x52d: {  	v49 =	vadd.f32 v35, v49;
	v8 =	vmul.f32 v20, v8;
	v35 =	vmul.f32 v61, v53;
	(xrf2) =	vadd.scan.msk.f32 $0xffff, v47;
	s24 =	spop (v2sf)  }
0x52e: {  	v61 =	vbroadcast v43, $0x0;
	v32 =	vbroadcast v32, $0x0;
	s3 =	smul.f32 $2.500000000e-01, s24  }
0x52f: {  	v43 =	vmul.f32 v59, v48;
	(erf) = vpow2.f32 v30;
	v56, _, _ =	vpop (xrf2);
	s4 =	spop (v2sf)  }
0x530: {  	(xrf2) =	vadd.scan.msk.f32 $0xffff, v0;
	v20 =	vunpack.i.u.bf16.f32 v62;
	(v2sf) =	vpush v56, $0xF;
	s0 =	smax.f32 s3, $-5.000000000e+00;
	s1 =	smul.f32 $2.500000000e-01, s4;
	v53 =	vsel vm1, v41, v24  }
0x531: {  	v34 =	vunpack.i.l.bf16.f32 v62;
	(erf) = vpow2.f32 v61;
	s0 =	smin.f32 s0, $5.000000000e+00;
	v15 =	vsel vm2, v53, v15  }
0x532: {  	(xrf2) =	vadd.scan.msk.f32 $0xffff, v8;
	[tilespmem:s15+$0xFFFFFF40] =	vst v7;
	v62 =	vmov s0;
	s1 =	smax.f32 s1, $-5.000000000e+00;
	v15 =	vsel vm3, v15, v16  }
0x533: {  	[tilespmem:s15+$0xFFFFFF50] =	vst v37;
	v37 =	vmul.f32 $1.442695020e+00, v62;
	s1 =	smin.f32 s1, $5.000000000e+00;
	v16 =	vbroadcast v54, $0x0;
	v7 =	vsel vm4, v15, v13;
	v13, _, _ =	vpop (xrf2)  }
0x534: {  	v41 =	vmov s1;
	v15 =	vmul.f32 v63, v49;
	v63 =	vld [tilespmem:s30+$0xF0];
	(v2sf) =	vpush v13, $0xF  }
0x535: {  	[tilespmem:s10+$0x50] =	vst v45;
	v13 =	vpop (erf);
	(erf) = vpow2.f32 v16;
	v7 =	vsel vm5, v7, v11;
	v11 =	vmul.f32 $1.442695020e+00, v41  }
0x536: {  	v45 =	vpop (erf);
	[tilespmem:s16+$0xFFFFFF20] =	vst v15;
	v15 =	vbroadcast v37, $0x0;
	(erf) = vpow2.f32 v22  }
0x537: {  	(xrf2) =	vadd.scan.msk.f32 $0xffff, v35;
	v16, _, _ =	vpop (xrf2);
	v7 =	vsel vm6, v7, v45;
	v11 =	vbroadcast v11, $0x0;
	(erf) = vpow2.f32 v32  }
0x538: {  	[tilespmem:s10+$0x40] =	vst v39;
	(v2sf) =	vpush v16, $0xF;
	v16 =	vpop (erf);
	(erf) = vpow2.f32 v15  }
0x539: {  	v25 =	vunpack.i.l.bf16.f32 v25;
	[tilespmem:s16+$0xFFFFFF30] =	vst v43;
	(erf) = vpow2.f32 v11;
	v11 =	vunpack.i.u.bf16.f32 v63  }
0x53a: {  	v30 =	vadd.f32 v50, v25;
	[tilespmem:s15+$0xFFFFFF60] =	vst v46;
	v15 =	vld [tilespmem:s30+$0xFFFFFF30];
	v46 =	vsel vm7, v7, v16;
	v7, _, _ =	vpop (xrf2)  }
0x53b: {  	[tilespmem:s12+$0xFFFFFF20] =	vst v50;
	v24 =	vadd.f32 v0, v20;
	(v2sf) =	vpush v7, $0xF;
	v7 =	vld [tilespmem:s2+$0xFFFFFFB0]  }
0x53c: {  	v21 =	vbroadcast v58, $0x0;
	v50 =	vld [tilespmem:s21+$0xD0];
	[tilespmem:s12+$0xFFFFFFB0] =	vst v0;
	v20 =	vadd.f32 v8, v40;
	v0 =	vadd.f32 v27, v11;
	v11, _, _ =	vpop (xrf2)  }
0x53d: {  	v26 =	vmul.f32 v26, v28;
	[tilespmem:s12+$0xFFFFFF30] =	vst v51;
	v22 =	vadd.f32 v35, v36;
	(v2sf) =	vpush v11, $0xF;
	v11 =	vpop (erf)  }
0x53e: {  	[tilespmem:s12+$0xFFFFFFA0] =	vst v47;
	v48 =	vunpack.i.l.bf16.f32 v63;
	v0 =	vmul.f32 v16, v0;
	v16 =	vmul.f32 v11, v44  }
0x53f: {  	[tilespmem:s12+$0x20] =	vst v8;
	v49 =	vadd.f32 v14, v48;
	(erf) = vpow2.f32 v33;
	s5 =	spop (v2sf);
	v8 =	vunpack.i.u.bf16.f32 v15  }
0x540: {  	[tilespmem:s12+$0x30] =	vst v35;
	s0 =	smul.f32 $2.500000000e-01, s5;
	v15 =	vunpack.i.l.bf16.f32 v15;
	v53 =	vpop (erf);
	v54 =	vunpack.i.u.bf16.f32 v7;
	v7 =	vunpack.i.l.bf16.f32 v7  }
0x541: {  	[tilespmem:s12+$0xA0] =	vst v55;
	v51 =	vld [tilespmem:s19+$0xFFFFFF60];
	(erf) = vpow2.f32 v21;
	v21, _, _ =	vpop (xrf2);
	v15 =	vmul.f32 v7, v15;
	v7 =	vunpack.i.u.bf16.f32 v50  }
0x542: {  	s0 =	smax.f32 s0, $-5.000000000e+00;
	v56 =	vmul.f32 v53, v57;
	v57 =	vunpack.i.l.bf16.f32 v50;
	(v2sf) =	vpush v21, $0xF;
	[tilespmem:s16+$0xFFFFFFB0] =	vst v16;
	v16 =	vpop (erf)  }
0x543: {  	[tilespmem:s10+$0xE0] =	vst v14;
	v28 =	vmul.f32 v13, v29;
	v38 =	vld [tilespmem:s30+$0xFFFFFF70];
	v29 =	vmul.f32 v45, v49;
	s0 =	smin.f32 s0, $5.000000000e+00;
	v58 =	vadd.f32 v55, v57;
	v21 =	vpop (erf)  }
0x544: {  	v14 =	vld [tilespmem:s19+$0xFFFFFF70];
	v61 =	vmov s0;
	[tilespmem:s16+$0xFFFFFFC0] =	vst v56;
	v35 =	vmul.f32 v54, v8;
	v59 =	vadd.f32 v52, v7;
	v7 =	vpop (erf)  }
0x545: {  	[tilespmem:s12+$0xB0] =	vst v52;
	v17 =	vsel vm7, v17, v13;
	v36 =	vmul.f32 $1.442695020e+00, v61;
	v60 =	vld [tilespmem:s30+$0xFFFFFFB0];
	s6 =	spop (v2sf);
	v13 =	vmul.f32 v7, v58;
	v8 =	vpop (erf)  }
0x546: {  	v25 =	vadd.f32 v47, v34;
	[tilespmem:s10+$0xF0] =	vst v27;
	v33 =	vmul.f32 v51, v15;
	v15 =	vld [tilespmem:s2+$0xFFFFFFF0];
	s1 =	smul.f32 $2.500000000e-01, s6;
	v37 =	vmul.f32 v8, v59  }
0x547: {  	v11 =	vsel vm4, v18, v11;
	v63 =	vld [tilespmem:s19+$0xFFFFFFE0];
	v27 =	vmul.f32 v16, v42;
	v18 =	vbroadcast v36, $0x0;
	[tilespmem:s26+$0xB0] =	vst v13  }
0x548: {  	v62 =	vunpack.i.u.bf16.f32 v38;
	v44 =	vld [tilespmem:s30+$0xFFFFFFF0];
	v19 =	vmul.f32 v21, v19;
	(xrf2) =	vadd.scan.msk.f32 $0xffff, v33;
	s7 =	smax.f32 s1, $-5.000000000e+00;
	s8 =	spop (v2sf);
	[tilespmem:s26+$0xC0] =	vst v37  }
0x549: {  	v11 =	vsel vm5, v11, v53;
	v35 =	vmul.f32 v14, v35;
	[tilespmem:s16+$0x40] =	vst v27;
	(erf) = vpow2.f32 v18;
	s0 =	smin.f32 s7, $5.000000000e+00;
	s1 =	smul.f32 $2.500000000e-01, s8;
	v45 =	vld [tilespmem:s21+$0xA0]  }
0x54a: {  	[tilespmem:s16+$0x50] =	vst v19;
	v19 =	vsel vm4, v31, v16;
	v47 =	vunpack.i.l.bf16.f32 v60;
	v27 =	vmov s0;
	v48 =	vld [tilespmem:s23+$0x60];
	s11 =	spop (v2sf)  }
0x54b: {  	[tilespmem:s15+$0xFFFFFFD0] =	vst v26;
	v49 =	vunpack.i.u.bf16.f32 v15;
	v15 =	vunpack.i.l.bf16.f32 v15;
	v27 =	vmul.f32 $1.442695020e+00, v27;
	s9 =	smax.f32 s1, $-5.000000000e+00;
	s1 =	smul.f32 $2.500000000e-01, s11  }
0x54c: {  	[tilespmem:s16+$0x110] =	vst v46;
	v13 =	vunpack.i.l.bf16.f32 v38;
	v46 =	vunpack.i.u.bf16.f32 v60;
	v15 =	vmul.f32 v15, v47;
	s0 =	smin.f32 s9, $5.000000000e+00  }
0x54d: {  	[tilespmem:s15+$0xFFFFFFF0] =	vst v17;
	v31 =	vld [tilespmem:s30+$0x30];
	v17 =	vunpack.i.u.bf16.f32 v44;
	v50 =	vmul.f32 v49, v46;
	v16 =	vbroadcast v27, $0x0;
	s18 =	spop (v2sf);
	s17 =	smax.f32 s1, $-5.000000000e+00  }
0x54e: {  	(xrf2) =	vadd.scan.msk.f32 $0xffff, v35;
	v26 =	vmul.f32 v63, v15;
	v18 =	vmov s0;
	v27 =	vld [tilespmem:s29+$0xC0];
	s1 =	smul.f32 $2.500000000e-01, s18;
	s0 =	smin.f32 s17, $5.000000000e+00;
	v15 =	vunpack.i.l.bf16.f32 v45  }
0x54f: {  	[tilespmem:s16+$0xF0] =	vst v29;
	v54 =	vld [tilespmem:s29+$0xD0];
	v53 =	vunpack.i.l.bf16.f32 v48;
	(erf) = vpow2.f32 v16;
	v16 =	vmov s0  }
0x550: {  	[tilespmem:s16+$0x100] =	vst v0;
	v52 =	vld [tilespmem:s2+$0x30];
	v14 =	vadd.f32 v33, v13;
	v15 =	vmul.f32 v53, v15;
	s20 =	smax.f32 s1, $-5.000000000e+00;
	v29 =	vmul.f32 $1.442695020e+00, v16  }
0x551: {  	v51 =	vmul.f32 $1.442695020e+00, v18;
	(xrf2) =	vadd.scan.msk.f32 $0xffff, v26;
	s22 =	spop (v2sf);
	v0 =	vunpack.i.u.bf16.f32 v45;
	v56 =	vunpack.i.u.bf16.f32 v48;
	s0 =	smin.f32 s20, $5.000000000e+00  }
0x552: {  	s1 =	smul.f32 $2.500000000e-01, s22;
	v0 =	vmul.f32 v56, v0;
	v61, _, _ =	vpop (xrf2);
	v57 =	vbroadcast v29, $0x0;
	v29 =	vmov s0  }
0x553: {  	[tilespmem:s15+$0xFFFFFFE0] =	vst v28;
	v13 =	vadd.f32 v35, v62;
	v36 =	vbroadcast v51, $0x0;
	v28 =	vmul.f32 v27, v15;
	v27 =	vld [tilespmem:s19+$0xFFFFFFF0];
	v16 =	vpop (erf)  }
0x554: {  	v55 =	vunpack.i.u.bf16.f32 v31;
	v31 =	vunpack.i.l.bf16.f32 v31;
	s24 =	smax.f32 s1, $-5.000000000e+00;
	v32 =	vmul.f32 v54, v0;
	v15 =	vpop (erf)  }
0x555: {  	v0 =	vunpack.i.l.bf16.f32 v52;
	s0 =	smin.f32 s24, $5.000000000e+00;
	v58 =	vmul.f32 $1.442695020e+00, v29;
	(erf) = vpow2.f32 v36;
	(xrf2) =	vadd.scan.msk.f32 $0xffff, v28;
	v29 =	vpop (erf)  }
0x556: {  	[tilespmem:s10+$0xFFFFFF60] =	vst v33;
	v33 =	vld [tilespmem:s19+$0x60];
	v37 =	vmul.f32 v0, v31;
	v60 =	vmov s0;
	v30 =	vmul.f32 v29, v30  }
0x557: {  	[tilespmem:s10+$0xFFFFFF70] =	vst v35;
	v35 =	vld [tilespmem:s19+$0x70];
	v62 =	vunpack.i.u.bf16.f32 v52;
	(erf) = vpow2.f32 v57;
	v63 =	vmul.f32 $1.442695020e+00, v60  }
0x558: {  	v0, _, _ =	vpop (xrf2);
	(xrf2) =	vadd.scan.msk.f32 $0xffff, v32;
	v59 =	vbroadcast v58, $0x0;
	[tilespmem:s26+$0xFFFFFF00] =	vst v30;
	v30 =	vmul.f32 v27, v50;
	v27 =	vld [tilespmem:s30+$0x70]  }
0x559: {  	s3 =	simm.s32 $0x8;
	v18 =	vunpack.i.l.bf16.f32 v44;
	(v2sf) =	vpush v61, $0xF;
	v36 =	vmul.f32 v62, v55  }
0x55a: {  	s2 =	simm.s32 $0x55A0;
	s18 =	simm.s32 $0x3520;
	[tilespmem:s10+$0xFFFFFFE0] =	vst v26;
	s19 =	simm.s32 $0x1BA0;
	(v2sf) =	vpush v0, $0xF;
	v34 =	vbroadcast v63, $0x0;
	v31 =	vpop (erf);
	(erf) = vpow2.f32 v59  }
.LBB2_7:
0x55b: {  	v0 =	vld [tilespmem:s19+$0x80];
	v23 =	vmul.f32 v31, v23;
	v12 =	vsel vm2, v12, v29;
	s23 =	sadd.s32 $0x100, s23;
	[tilespmem:s10+$0xFFFFFFF0] =	vst v30;
	v29 =	vmul.f32 v33, v37;
	v33, _, _ =	vpop (xrf2)  }
0x55c: {  	v37 =	vld [tilespmem:s23+$0x40];
	(erf) = vpow2.f32 v34;
	v34 =	vmul.f32 v35, v36;
	(v2sf) =	vpush v33, $0xF;
	(xrf2) =	vadd.scan.msk.f32 $0xffff, v30  }
0x55d: {  	v33 =	vld [tilespmem:s23+$0xFFFFFF80];
	[tilespmem:s26+$0xFFFFFF10] =	vst v23;
	v23 =	vsel vm3, v12, v31;
	v12 =	vunpack.i.u.bf16.f32 v27;
	v27 =	vunpack.i.l.bf16.f32 v27  }
0x55e: {  	s29 =	sadd.s32 $0x200, s29;
	v18 =	vadd.f32 v26, v18;
	v17 =	vadd.f32 v30, v17;
	v39 =	vsel vm5, v19, v21;
	v31 =	vld [tilespmem:s19+$0xFFFFFF80];
	v35 =	vpop (erf);
	[tilespmem:s10+$0x70] =	vst v34  }
0x55f: {  	v26 =	vadd.f32 v29, v27;
	v19 =	vld [tilespmem:s29+$0x80];
	v21 =	vmul.f32 v35, v25;
	v10 =	vsel vm2, v10, v35;
	v25, _, _ =	vpop (xrf2);
	(xrf2) =	vadd.scan.msk.f32 $0xffff, v29  }
0x560: {  	v35 =	vmul.f32 v15, v2;
	v2 =	vadd.f32 v34, v12;
	v27 =	vld [tilespmem:s23+$0xFFFFFFC0];
	v30 =	vpop (erf);
	[tilespmem:s10+$0x60] =	vst v29;
	v29 =	vmul.f32 v16, v3;
	s10 =	smov.u32 s12  }
0x561: {  	v36 =	vunpack.i.l.bf16.f32 v0;
	v3 =	vmovc v26;
	v12 =	vld [tilespmem:s19+$0x0];
	v38 =	vunpack.i.l.bf16.f32 v37;
	[tilespmem:s26+$0xFFFFFF90] =	vst v21;
	v41 =	vmul.f32 v30, v24  }
0x562: {  	v40 =	vunpack.i.u.bf16.f32 v33;
	v24 =	vmul.f32 v38, v36;
	v36 =	vld [tilespmem:s29+$0x90];
	(v2sf) =	vpush v25, $0xF;
	v25, _, _ =	vpop (xrf2);
	(xrf2) =	vadd.scan.msk.f32 $0xffff, v34  }
0x563: {  	v33 =	vunpack.i.l.bf16.f32 v33;
	v34 =	vunpack.i.u.bf16.f32 v31;
	v38 =	vld [tilespmem:s23+$0x0];
	[tilespmem:s26+$0xFFFFFFA0] =	vst v41;
	v21 =	vpop (erf);
	(v2sf) =	vpush v25, $0xF  }
0x564: {  	v0 =	vunpack.i.u.bf16.f32 v0;
	v37 =	vunpack.i.u.bf16.f32 v37;
	v25 =	vld [tilespmem:s19+$0xFFFFFF00];
	v24 =	vmul.f32 v19, v24;
	[tilespmem:s15+$0x60] =	vst v29  }
0x565: {  	v0 =	vmul.f32 v37, v0;
	v29 =	vunpack.i.l.bf16.f32 v31;
	v19 =	vld [tilespmem:s29+$0xFFFFFF00];
	v31 =	vunpack.i.u.bf16.f32 v27;
	v26 =	vpop (erf);
	[tilespmem:s15+$0x70] =	vst v35  }
0x566: {  	v27 =	vunpack.i.l.bf16.f32 v27;
	v35 =	vld [tilespmem:s29+$0xFFFFFF10];
	v41 =	vunpack.i.u.bf16.f32 v12;
	v12 =	vunpack.i.l.bf16.f32 v12;
	(xrf2) =	vadd.scan.msk.f32 $0xffff, v24;
	v42, _, _ =	vpop (xrf2)  }
0x567: {  	v27 =	vmul.f32 v27, v29;
	v29 =	vld [tilespmem:s29+$0xFFFFFF80];
	v37 =	vmul.f32 v36, v0;
	(v2sf) =	vpush v42, $0xF  }
0x568: {  	v0 =	vmul.f32 v31, v34;
	v31 =	vld [tilespmem:s29+$0xFFFFFF90];
	v34 =	vunpack.i.u.bf16.f32 v38;
	v36 =	vunpack.i.l.bf16.f32 v38;
	s0 =	spop (v2sf)  }
0x569: {  	v38 =	vunpack.i.u.bf16.f32 v25;
	v25 =	vunpack.i.l.bf16.f32 v25;
	v12 =	vmul.f32 v36, v12;
	v36 =	vld [tilespmem:s29+$0x0];
	(xrf2) =	vadd.scan.msk.f32 $0xffff, v37;
	s0 =	smul.f32 $2.500000000e-01, s0;
	s1 =	spop (v2sf);
	v42, _, _ =	vpop (xrf2)  }
0x56a: {  	s3 =	sadd.s32 $0x4, s3;
	v25 =	vmul.f32 v33, v25;
	v33 =	vmul.f32 v40, v38;
	v43 =	vld [tilespmem:s29+$0x10];
	s1 =	smul.f32 $2.500000000e-01, s1;
	(v2sf) =	vpush v42, $0xF  }
0x56b: {  	p1 =	slt.u32 s3, $0x24;
	v20 =	vmul.f32 v21, v20;
	v44 =	vsel vm2, v9, v21;
	v34 =	vmul.f32 v34, v41;
	v46 =	vld [tilespmem:s19+$0xFFFFFF40];
	s0 =	smax.f32 s0, $-5.000000000e+00;
	s4 =	spop (v2sf)  }
0x56c: {  	v41 =	vmul.f32 v19, v25;
	v40 =	vmul.f32 v35, v33;
	v9 =	vld [tilespmem:s19+$0xFFFFFFC0];
	v19 =	vsel vm3, v10, v30;
	s1 =	smax.f32 s1, $-5.000000000e+00;
	s4 =	smul.f32 $2.500000000e-01, s4;
	v10, _, _ =	vpop (xrf2)  }
0x56d: {  	v38 =	vmul.f32 v29, v27;
	s0 =	smin.f32 s0, $5.000000000e+00;
	v35 =	vmul.f32 v31, v0;
	v0 =	vld [tilespmem:s19+$0x40];
	[tilespmem:s26+$0x20] =	vst v20;
	s1 =	smin.f32 s1, $5.000000000e+00;
	(v2sf) =	vpush v10, $0xF  }
0x56e: {  	v10 =	vmul.f32 v26, v22;
	v36 =	vmul.f32 v36, v12;
	(xrf2) =	vadd.scan.msk.f32 $0xffff, v41;
	v20 =	vld [tilespmem:s21+$0xFFFFFF20];
	v12 =	vmov s0;
	s0 =	smax.f32 s4, $-5.000000000e+00  }
0x56f: {  	v45 =	vmov s1;
	v42 =	vmul.f32 v43, v34;
	v21 =	vld [tilespmem:s18+$0xFFFFFFA0];
	v43 =	vmul.f32 $1.442695020e+00, v12;
	s0 =	smin.f32 s0, $5.000000000e+00  }
0x570: {  	v12 =	vunpack.i.u.bf16.f32 v46;
	v22 =	vunpack.i.l.bf16.f32 v46;
	v25, _, _ =	vpop (xrf2);
	v27 =	vld [tilespmem:s21+$0xFFFFFFA0];
	[tilespmem:s26+$0x30] =	vst v10;
	v46 =	vmov s0  }
0x571: {  	v10 =	vadd.f32 v41, v22;
	v29 =	vunpack.i.u.bf16.f32 v9;
	v34 =	vunpack.i.l.bf16.f32 v9;
	(xrf2) =	vadd.scan.msk.f32 $0xffff, v40;
	v30 =	vld [tilespmem:s18+$0xFFFFFFE0];
	s0 =	spop (v2sf)  }
0x572: {  	v12 =	vadd.f32 v40, v12;
	v31 =	vunpack.i.u.bf16.f32 v0;
	v0 =	vunpack.i.l.bf16.f32 v0;
	v33 =	vld [tilespmem:s21+$0x20];
	s0 =	smul.f32 $2.500000000e-01, s0;
	s1 =	spop (v2sf)  }
0x573: {  	v22 =	vadd.f32 v38, v34;
	(v2sf) =	vpush v25, $0xF;
	v9, _, _ =	vpop (xrf2);
	v34 =	vunpack.i.u.bf16.f32 v20;
	v47 =	vld [tilespmem:s18+$0x20];
	s1 =	smul.f32 $2.500000000e-01, s1  }
0x574: {  	v25 =	vadd.f32 v35, v29;
	v29 =	vunpack.i.l.bf16.f32 v20;
	(xrf2) =	vadd.scan.msk.f32 $0xffff, v38;
	(v2sf) =	vpush v9, $0xF;
	v48 =	vld [tilespmem:s2+$0xFFFFFF40];
	s0 =	smax.f32 s0, $-5.000000000e+00  }
0x575: {  	v20 =	vadd.f32 v36, v0;
	v9 =	vadd.f32 v42, v31;
	v0 =	vunpack.i.u.bf16.f32 v21;
	v31 =	vld [tilespmem:s2+$0xFFFFFF50];
	s0 =	smin.f32 s0, $5.000000000e+00;
	s1 =	smax.f32 s1, $-5.000000000e+00  }
0x576: {  	v21 =	vunpack.i.l.bf16.f32 v21;
	v49 =	vunpack.i.u.bf16.f32 v27;
	v50 =	vld [tilespmem:s2+$0xFFFFFFC0];
	s1 =	smin.f32 s1, $5.000000000e+00;
	v51 =	vmov s0;
	s0 =	spop (v2sf)  }
0x577: {  	v27 =	vunpack.i.l.bf16.f32 v27;
	(xrf2) =	vadd.scan.msk.f32 $0xffff, v35;
	v52 =	vld [tilespmem:s2+$0xFFFFFFD0];
	v51 =	vmul.f32 $1.442695020e+00, v51;
	v53 =	vmov s1;
	s0 =	smul.f32 $2.500000000e-01, s0  }
0x578: {  	v55 =	vunpack.i.u.bf16.f32 v30;
	v30 =	vunpack.i.l.bf16.f32 v30;
	v54, _, _ =	vpop (xrf2);
	v56 =	vld [tilespmem:s2+$0x40];
	v53 =	vmul.f32 $1.442695020e+00, v53  }
0x579: {  	(v2sf) =	vpush v54, $0xF;
	v54 =	vunpack.i.u.bf16.f32 v33;
	v57 =	vld [tilespmem:s2+$0x50];
	v51 =	vbroadcast v51, $0x0;
	s0 =	smax.f32 s0, $-5.000000000e+00;
	s1 =	spop (v2sf)  }
0x57a: {  	v59 =	vunpack.i.u.bf16.f32 v47;
	v33 =	vunpack.i.l.bf16.f32 v33;
	v58 =	vld [tilespmem:s21+$0xFFFFFF60];
	v53 =	vbroadcast v53, $0x0;
	s0 =	smin.f32 s0, $5.000000000e+00;
	s1 =	smul.f32 $2.500000000e-01, s1  }
0x57b: {  	v21 =	vmul.f32 v21, v29;
	v47 =	vunpack.i.l.bf16.f32 v47;
	v60, _, _ =	vpop (xrf2);
	v29 =	vld [tilespmem:s21+$0xFFFFFFE0];
	(erf) = vpow2.f32 v51  }
0x57c: {  	v0 =	vmul.f32 v0, v34;
	(v2sf) =	vpush v60, $0xF;
	(xrf2) =	vadd.scan.msk.f32 $0xffff, v36;
	v34 =	vld [tilespmem:s21+$0x60];
	(erf) = vpow2.f32 v53;
	s1 =	smax.f32 s1, $-5.000000000e+00;
	s4 =	spop (v2sf)  }
0x57d: {  	v27 =	vmul.f32 v30, v27;
	v30 =	vmul.f32 v55, v49;
	v51 =	vmov s0;
	v49 =	vld [tilespmem:s21+$0xE0];
	s0 =	smin.f32 s1, $5.000000000e+00;
	s1 =	smul.f32 $2.500000000e-01, s4  }
0x57e: {  	v33 =	vmul.f32 v47, v33;
	v47 =	vmul.f32 v59, v54;
	v53, _, _ =	vpop (xrf2);
	v54 =	vmov s0  }
0x57f: {  	v21 =	vmul.f32 v48, v21;
	v0 =	vmul.f32 v31, v0;
	(v2sf) =	vpush v53, $0xF;
	(xrf2) =	vadd.scan.msk.f32 $0xffff, v42;
	s0 =	smax.f32 s1, $-5.000000000e+00  }
0x580: {  	v27 =	vmul.f32 v50, v27;
	v50 =	vmul.f32 v52, v30;
	v48 =	vunpack.i.u.bf16.f32 v58;
	s8 =	smin.f32 s0, $5.000000000e+00  }
0x581: {  	v52 =	vmul.f32 v56, v33;
	v47 =	vmul.f32 v57, v47;
	v31 =	vunpack.i.l.bf16.f32 v58;
	v30, _, _ =	vpop (xrf2);
	[tilespmem:s12+$0xFFFFFF40] =	vst v21  }
0x582: {  	v53 =	vunpack.i.u.bf16.f32 v29;
	(v2sf) =	vpush v30, $0xF;
	s0 =	spop (v2sf);
	v30 =	vunpack.i.l.bf16.f32 v49;
	(xrf2) =	vadd.scan.msk.f32 $0xffff, v21  }
0x583: {  	v29 =	vunpack.i.l.bf16.f32 v29;
	v57 =	vunpack.i.u.bf16.f32 v49;
	s0 =	smul.f32 $2.500000000e-01, s0;
	s1 =	spop (v2sf);
	[tilespmem:s12+$0xFFFFFF50] =	vst v0;
	v30 =	vadd.f32 v28, v30  }
0x584: {  	v55 =	vunpack.i.l.bf16.f32 v34;
	v49 =	vunpack.i.u.bf16.f32 v34;
	v56 =	vadd.f32 v32, v57;
	s1 =	smul.f32 $2.500000000e-01, s1;
	[tilespmem:s12+$0xFFFFFFC0] =	vst v27;
	v33 =	vpop (erf)  }
0x585: {  	v31 =	vadd.f32 v21, v31;
	s0 =	smax.f32 s0, $-5.000000000e+00;
	[tilespmem:s12+$0xC0] =	vst v28;
	v28 =	vmul.f32 v33, v30;
	(xrf2) =	vadd.scan.msk.f32 $0xffff, v0;
	v34 =	vpop (erf)  }
0x586: {  	v29 =	vadd.f32 v27, v29;
	v30 =	vadd.f32 v0, v48;
	s0 =	smin.f32 s0, $5.000000000e+00;
	s1 =	smax.f32 s1, $-5.000000000e+00;
	v21, _, _ =	vpop (xrf2);
	[tilespmem:s12+$0xD0] =	vst v32;
	v0 =	vmul.f32 v34, v56  }
0x587: {  	s1 =	smin.f32 s1, $5.000000000e+00;
	v32 =	vmov s0;
	(v2sf) =	vpush v21, $0xF;
	v21 =	vadd.f32 v50, v53;
	[tilespmem:s26+$0xD0] =	vst v28  }
0x588: {  	v32 =	vmul.f32 $1.442695020e+00, v32;
	v28 =	vmov s1;
	s0 =	spop (v2sf);
	[tilespmem:s26+$0xE0] =	vst v0;
	(xrf2) =	vadd.scan.msk.f32 $0xffff, v27  }
0x589: {  	v27 =	vadd.f32 v47, v49;
	s0 =	smul.f32 $2.500000000e-01, s0;
	v0 =	vmul.f32 $1.442695020e+00, v28;
	v48, _, _ =	vpop (xrf2);
	[tilespmem:s12+$0xFFFFFFD0] =	vst v50;
	v28 =	vadd.f32 v52, v55;
	v49 =	vld [tilespmem:s21+$0xB0]  }
0x58a: {  	v53 =	vmov s8;
	v55 =	vbroadcast v32, $0x0;
	(v2sf) =	vpush v48, $0xF;
	[tilespmem:s12+$0x40] =	vst v52;
	v48 =	vld [tilespmem:s18+$0x70]  }
0x58b: {  	v26 =	vsel vm3, v44, v26;
	v45 =	vmul.f32 $1.442695020e+00, v45;
	s0 =	smax.f32 s0, $-5.000000000e+00;
	v0 =	vbroadcast v0, $0x0;
	s1 =	spop (v2sf);
	[tilespmem:s12+$0x50] =	vst v47  }
0x58c: {  	v16 =	vsel vm6, v1, v16;
	v46 =	vmul.f32 $1.442695020e+00, v46;
	s0 =	smin.f32 s0, $5.000000000e+00;
	s1 =	smul.f32 $2.500000000e-01, s1;
	(erf) = vpow2.f32 v55;
	v32, _, _ =	vpop (xrf2)  }
0x58d: {  	v1 =	vmovc v39;
	v44 =	vmov s0;
	(erf) = vpow2.f32 v0;
	v0 =	vld [tilespmem:s2+$0xE0];
	(v2sf) =	vpush v32, $0xF;
	(xrf2) =	vadd.scan.msk.f32 $0xffff, v50  }
0x58e: {  	v15 =	vsel vm7, v16, v15;
	v50 =	vmul.f32 $1.442695020e+00, v51;
	s0 =	smax.f32 s1, $-5.000000000e+00;
	v32 =	vmul.f32 $1.442695020e+00, v44;
	v39 =	vld [tilespmem:s19+$0xC0];
	s1 =	spop (v2sf)  }
0x58f: {  	v54 =	vmul.f32 $1.442695020e+00, v54;
	v16 =	vunpack.i.l.bf16.f32 v49;
	s0 =	smin.f32 s0, $5.000000000e+00;
	s1 =	smul.f32 $2.500000000e-01, s1;
	v44 =	vunpack.i.l.bf16.f32 v48;
	v51, _, _ =	vpop (xrf2);
	[tilespmem:s15+$0x80] =	vst v15;
	s15 =	smov.u32 s16  }
0x590: {  	s16 =	smov.u32 s26;
	v32 =	vbroadcast v32, $0x0;
	v15 =	vmov s0;
	v16 =	vmul.f32 v44, v16;
	v55 =	vld [tilespmem:s2+$0xF0];
	(xrf2) =	vadd.scan.msk.f32 $0xffff, v52  }
0x591: {  	v44 =	vmul.f32 $1.442695020e+00, v15;
	s0 =	smax.f32 s1, $-5.000000000e+00;
	s1 =	spop (v2sf);
	(v2sf) =	vpush v51, $0xF;
	v51 =	vmul.f32 $1.442695020e+00, v53  }
0x592: {  	v49 =	vunpack.i.u.bf16.f32 v49;
	v48 =	vunpack.i.u.bf16.f32 v48;
	s0 =	smin.f32 s0, $5.000000000e+00;
	s1 =	smul.f32 $2.500000000e-01, s1;
	v15 =	vmul.f32 v0, v16;
	v0, _, _ =	vpop (xrf2)  }
0x593: {  	v48 =	vmul.f32 v48, v49;
	v16 =	vmov s0;
	v52 =	vunpack.i.l.bf16.f32 v39  }
0x594: {  	s0 =	smax.f32 s1, $-5.000000000e+00;
	v49 =	vmul.f32 $1.442695020e+00, v16;
	v16 =	vunpack.i.u.bf16.f32 v39;
	v56 =	vadd.f32 v24, v52;
	(xrf2) =	vadd.scan.msk.f32 $0xffff, v15  }
0x595: {  	s12 =	sadd.s32 $0x200, s12;
	v52 =	vbroadcast v44, $0x0;
	s0 =	smin.f32 s0, $5.000000000e+00;
	v57 =	vadd.f32 v37, v16;
	v44 =	vpop (erf);
	v16 =	vmul.f32 v55, v48  }
0x596: {  	v48 =	vbroadcast v49, $0x0;
	v49 =	vmov s0;
	[tilespmem:s12+$0x80] =	vst v24;
	v24 =	vmul.f32 v44, v56;
	s0 =	spop (v2sf);
	v39 =	vpop (erf)  }
0x597: {  	s26 =	sadd.s32 $0x240, s26;
	v49 =	vmul.f32 $1.442695020e+00, v49;
	s0 =	smul.f32 $2.500000000e-01, s0;
	[tilespmem:s12+$0x90] =	vst v37;
	v55 =	vmul.f32 v39, v57;
	v53, _, _ =	vpop (xrf2);
	(xrf2) =	vadd.scan.msk.f32 $0xffff, v16  }
0x598: {  	[tilespmem:s26+$0x90] =	vst v24;
	(v2sf) =	vpush v0, $0xF;
	v0 =	vbroadcast v43, $0x0;
	v24 =	vbroadcast v45, $0x0  }
0x599: {  	v43 =	vbroadcast v49, $0x0;
	s0 =	smax.f32 s0, $-5.000000000e+00;
	[tilespmem:s26+$0xA0] =	vst v55;
	(erf) = vpow2.f32 v32;
	s1 =	spop (v2sf);
	(v2sf) =	vpush v53, $0xF  }
0x59a: {  	[tilespmem:s12+$0xFFFFFF00] =	vst v41;
	s0 =	smin.f32 s0, $5.000000000e+00;
	s1 =	smul.f32 $2.500000000e-01, s1;
	v32 =	vld [tilespmem:s19+$0x90];
	(erf) = vpow2.f32 v52;
	v37, _, _ =	vpop (xrf2);
	v41 =	vbroadcast v46, $0x0  }
0x59b: {  	[tilespmem:s12+$0xFFFFFF10] =	vst v40;
	v40 =	vmov s0;
	v45 =	vld [tilespmem:s23+$0x50];
	(erf) = vpow2.f32 v48;
	(v2sf) =	vpush v37, $0xF  }
0x59c: {  	[tilespmem:s12+$0x10] =	vst v42;
	s0 =	smax.f32 s1, $-5.000000000e+00;
	v40 =	vmul.f32 $1.442695020e+00, v40;
	(erf) = vpow2.f32 v43;
	s1 =	spop (v2sf);
	(xrf2) =	vadd.scan.msk.f32 $0xffff, v47  }
0x59d: {  	v37 =	vbroadcast v54, $0x0;
	v42 =	vbroadcast v50, $0x0;
	[tilespmem:s12+$0xFFFFFF80] =	vst v38;
	s0 =	smin.f32 s0, $5.000000000e+00;
	s1 =	smul.f32 $2.500000000e-01, s1  }
0x59e: {  	v38 =	vbroadcast v51, $0x0;
	[tilespmem:s12+$0xFFFFFF90] =	vst v35;
	v35 =	vbroadcast v40, $0x0;
	v40 =	vmov s0;
	v43 =	vld [tilespmem:s29+$0xA0];
	v46, _, _ =	vpop (xrf2)  }
0x59f: {  	[tilespmem:s12+$0x0] =	vst v36;
	v36 =	vmul.f32 $1.442695020e+00, v40;
	s0 =	smax.f32 s1, $-5.000000000e+00;
	(erf) = vpow2.f32 v0  }
0x5a0: {  	v0 =	vunpack.i.l.bf16.f32 v32;
	v47 =	vunpack.i.l.bf16.f32 v45;
	(erf) = vpow2.f32 v35;
	s0 =	smin.f32 s0, $5.000000000e+00;
	s1 =	spop (v2sf)  }
0x5a1: {  	v35 =	vbroadcast v36, $0x0;
	v48 =	vmul.f32 v47, v0;
	v36 =	vld [tilespmem:s29+$0xB0];
	s1 =	smul.f32 $2.500000000e-01, s1;
	(v2sf) =	vpush v46, $0xF;
	v40, _, _ =	vpop (xrf2)  }
0x5a2: {  	v47 =	vmov s0;
	v46 =	vpop (erf);
	(v2sf) =	vpush v40, $0xF;
	(erf) = vpow2.f32 v24  }
0x5a3: {  	v45 =	vunpack.i.u.bf16.f32 v45;
	v24 =	vunpack.i.u.bf16.f32 v32;
	v32 =	vmul.f32 v43, v48;
	v0 =	vpop (erf);
	s0 =	smax.f32 s1, $-5.000000000e+00  }
0x5a4: {  	v43 =	vnsel vm0, $0x0, v46;
	v48 =	vmul.f32 v45, v24;
	v40 =	vpop (erf);
	(erf) = vpow2.f32 v35;
	s0 =	smin.f32 s0, $5.000000000e+00  }
0x5a5: {  	v45 =	vmul.f32 v46, v10;
	v10 =	vmul.f32 v0, v12;
	v46 =	vpop (erf);
	(xrf2) =	vadd.scan.msk.f32 $0xffff, v32;
	v12 =	vmov s0  }
0x5a6: {  	v22 =	vmul.f32 v40, v22;
	v40 =	vnsel vm0, $0x0, v40;
	v35 =	vmul.f32 v36, v48;
	v24, _, _ =	vpop (xrf2)  }
0x5a7: {  	[tilespmem:s26+$0xFFFFFEF0] =	vst v10;
	v10 =	vmul.f32 v46, v25;
	v25 =	vmul.f32 $1.442695020e+00, v47;
	s0 =	spop (v2sf);
	(v2sf) =	vpush v24, $0xF  }
0x5a8: {  	[tilespmem:s26+$0xFFFFFF70] =	vst v22;
	(xrf2) =	vadd.scan.msk.f32 $0xffff, v35;
	v22 =	vmul.f32 $1.442695020e+00, v12;
	s0 =	smul.f32 $2.500000000e-01, s0;
	s1 =	spop (v2sf);
	v24 =	vpop (erf);
	(erf) = vpow2.f32 v41  }
0x5a9: {  	v12 =	vsel vm1, v43, v0;
	[tilespmem:s26+$0xFFFFFF80] =	vst v10;
	v10 =	vsel vm1, v40, v46;
	v0 =	vpop (erf);
	v25 =	vbroadcast v25, $0x0;
	s1 =	smul.f32 $2.500000000e-01, s1  }
0x5aa: {  	[tilespmem:s26+$0xFFFFFEE0] =	vst v45;
	v36 =	vld [tilespmem:s19+$0xFFFFFF90];
	v20 =	vmul.f32 v0, v20;
	v0 =	vnsel vm0, $0x0, v0;
	v41 =	vbroadcast v22, $0x0;
	s0 =	smax.f32 s0, $-5.000000000e+00;
	s4 =	spop (v2sf)  }
0x5ab: {  	v14 =	vmul.f32 v24, v14;
	v6 =	vsel vm6, v6, v24;
	v40 =	vld [tilespmem:s19+$0xFFFFFF10];
	s1 =	smax.f32 s1, $-5.000000000e+00;
	s4 =	smul.f32 $2.500000000e-01, s4;
	(erf) = vpow2.f32 v25;
	v24 =	vpop (erf)  }
0x5ac: {  	s0 =	smin.f32 s0, $5.000000000e+00;
	v25 =	vld [tilespmem:s23+$0xFFFFFF90];
	[tilespmem:s26+$0x0] =	vst v20;
	s1 =	smin.f32 s1, $5.000000000e+00;
	(erf) = vpow2.f32 v41;
	v13 =	vmul.f32 v24, v13;
	v6 =	vsel vm7, v6, v24  }
0x5ad: {  	v24 =	vmov s0;
	v20 =	vld [tilespmem:s23+$0xFFFFFFD0];
	v22 =	vpop (erf);
	v41 =	vmov s1;
	s0 =	smax.f32 s4, $-5.000000000e+00;
	[tilespmem:s15+$0xFFFFFF40] =	vst v14;
	(erf) = vpow2.f32 v42  }
0x5ae: {  	v14 =	vmul.f32 $1.442695020e+00, v24;
	v42 =	vld [tilespmem:s29+$0xFFFFFF20];
	v43 =	vmul.f32 v22, v9;
	v9 =	vsel vm1, v0, v22;
	s0 =	smin.f32 s0, $5.000000000e+00;
	[tilespmem:s15+$0xFFFFFF50] =	vst v13  }
0x5af: {  	v0 =	vld [tilespmem:s29+$0xFFFFFF30];
	v22 =	vunpack.i.u.bf16.f32 v36;
	v24 =	vunpack.i.l.bf16.f32 v36;
	v36, _, _ =	vpop (xrf2);
	v48 =	vmov s0;
	[tilespmem:s15+$0xFFFFFF60] =	vst v6  }
0x5b0: {  	v41 =	vmul.f32 $1.442695020e+00, v41;
	v6 =	vunpack.i.u.bf16.f32 v40;
	v40 =	vunpack.i.l.bf16.f32 v40;
	v45 =	vld [tilespmem:s29+$0xFFFFFFA0];
	[tilespmem:s26+$0x10] =	vst v43;
	s0 =	spop (v2sf)  }
0x5b1: {  	v47 =	vmul.f32 $1.442695020e+00, v48;
	v43 =	vunpack.i.u.bf16.f32 v25;
	v25 =	vunpack.i.l.bf16.f32 v25;
	v46 =	vld [tilespmem:s19+$0x10];
	s0 =	smul.f32 $2.500000000e-01, s0;
	s1 =	spop (v2sf);
	v13 =	vpop (erf)  }
0x5b2: {  	v48 =	vunpack.i.u.bf16.f32 v20;
	v20 =	vunpack.i.l.bf16.f32 v20;
	v49 =	vld [tilespmem:s23+$0x10];
	(v2sf) =	vpush v36, $0xF;
	v36, _, _ =	vpop (xrf2);
	s1 =	smul.f32 $2.500000000e-01, s1  }
0x5b3: {  	v25 =	vmul.f32 v25, v40;
	v6 =	vmul.f32 v43, v6;
	v40 =	vld [tilespmem:s29+$0xFFFFFFB0];
	(v2sf) =	vpush v36, $0xF;
	s0 =	smax.f32 s0, $-5.000000000e+00  }
0x5b4: {  	v20 =	vmul.f32 v20, v24;
	v22 =	vmul.f32 v48, v22;
	v48 =	vsel vm6, v11, v13;
	v24 =	vld [tilespmem:s29+$0x20];
	s0 =	smin.f32 s0, $5.000000000e+00;
	s1 =	smax.f32 s1, $-5.000000000e+00;
	v43 =	vpop (erf)  }
0x5b5: {  	v25 =	vmul.f32 v42, v25;
	v0 =	vmul.f32 v0, v6;
	v36 =	vld [tilespmem:s29+$0x30];
	s1 =	smin.f32 s1, $5.000000000e+00;
	v6 =	vmov s0;
	v42 =	vpop (erf)  }
0x5b6: {  	v50 =	vld [tilespmem:s19+$0xFFFFFF50];
	v51 =	vunpack.i.u.bf16.f32 v46;
	v6 =	vmul.f32 $1.442695020e+00, v6;
	v52 =	vmov s1;
	s0 =	spop (v2sf);
	v11 =	vpop (erf)  }
0x5b7: {  	v46 =	vunpack.i.l.bf16.f32 v46;
	v53 =	vld [tilespmem:s19+$0xFFFFFFD0];
	v54 =	vunpack.i.u.bf16.f32 v49;
	(xrf2) =	vadd.scan.msk.f32 $0xffff, v25;
	s0 =	smul.f32 $2.500000000e-01, s0;
	v52 =	vmul.f32 $1.442695020e+00, v52  }
0x5b8: {  	v49 =	vunpack.i.l.bf16.f32 v49;
	[tilespmem:s12+$0xFFFFFF20] =	vst v25;
	v55 =	vld [tilespmem:s19+$0x50];
	v51 =	vmul.f32 v54, v51;
	v54 =	vbroadcast v6, $0x0  }
0x5b9: {  	v46 =	vmul.f32 v49, v46;
	v6 =	vsel vm4, v23, v43;
	[tilespmem:s12+$0xFFFFFF30] =	vst v0;
	s0 =	smax.f32 s0, $-5.000000000e+00;
	v23 =	vbroadcast v52, $0x0  }
0x5ba: {  	v20 =	vmul.f32 v45, v20;
	v6 =	vsel vm5, v6, v42;
	s0 =	smin.f32 s0, $5.000000000e+00;
	(erf) = vpow2.f32 v54  }
0x5bb: {  	v40 =	vmul.f32 v40, v22;
	v45 =	vunpack.i.u.bf16.f32 v50;
	(xrf2) =	vadd.scan.msk.f32 $0xffff, v0;
	(erf) = vpow2.f32 v23  }
0x5bc: {  	v46 =	vmul.f32 v24, v46;
	v49 =	vmul.f32 v36, v51;
	v22 =	vunpack.i.l.bf16.f32 v50;
	[tilespmem:s12+$0xFFFFFFA0] =	vst v20  }
0x5bd: {  	v24 =	vunpack.i.u.bf16.f32 v53;
	v50 =	vunpack.i.l.bf16.f32 v53;
	[tilespmem:s12+$0xFFFFFFB0] =	vst v40;
	v51 =	vunpack.i.u.bf16.f32 v55  }
0x5be: {  	v52 =	vnsel vm0, $0x0, v4;
	v4 =	vmovc v44;
	v36 =	vadd.f32 v25, v22;
	v22 =	vunpack.i.l.bf16.f32 v55;
	(xrf2) =	vadd.scan.msk.f32 $0xffff, v20  }
0x5bf: {  	v23 =	vadd.f32 v0, v45;
	v0 =	vsel vm1, v52, v5;
	v25 =	vadd.f32 v20, v50;
	[tilespmem:s12+$0x20] =	vst v46  }
0x5c0: {  	v24 =	vadd.f32 v40, v24;
	v0 =	vsel vm2, v0, v7;
	v20 =	vadd.f32 v46, v22;
	[tilespmem:s12+$0x30] =	vst v49  }
0x5c1: {  	v7 =	vmov s0;
	v22 =	vadd.f32 v49, v51;
	v0 =	vsel vm3, v0, v8;
	v5, _, _ =	vpop (xrf2);
	(xrf2) =	vadd.scan.msk.f32 $0xffff, v40;
	s1 =	spop (v2sf)  }
0x5c2: {  	v7 =	vmul.f32 $1.442695020e+00, v7;
	v0 =	vsel vm4, v0, v33;
	s0 =	smul.f32 $2.500000000e-01, s1;
	(v2sf) =	vpush v5, $0xF;
	s1 =	spop (v2sf);
	v5 =	vmovc v39  }
0x5c3: {  	v8 =	vbroadcast v14, $0x0;
	v14 =	vbroadcast v41, $0x0;
	v0 =	vsel vm5, v0, v34;
	s1 =	smul.f32 $2.500000000e-01, s1;
	v33 =	vpop (erf)  }
0x5c4: {  	v34 =	vbroadcast v47, $0x0;
	s0 =	smax.f32 s0, $-5.000000000e+00;
	(xrf2) =	vadd.scan.msk.f32 $0xffff, v46;
	v39 =	vld [tilespmem:s21+$0xF0];
	[tilespmem:s10+$0xE0] =	vst v15;
	v0 =	vsel vm6, v0, v33;
	v40 =	vpop (erf)  }
0x5c5: {  	v31 =	vmul.f32 v43, v31;
	v7 =	vbroadcast v7, $0x0;
	s0 =	smin.f32 s0, $5.000000000e+00;
	s1 =	smax.f32 s1, $-5.000000000e+00;
	v41, _, _ =	vpop (xrf2);
	[tilespmem:s10+$0xF0] =	vst v16;
	v0 =	vsel vm7, v0, v40  }
0x5c6: {  	s1 =	smin.f32 s1, $5.000000000e+00;
	v43 =	vmov s0;
	(v2sf) =	vpush v41, $0xF;
	[tilespmem:s16+$0x110] =	vst v0;
	(erf) = vpow2.f32 v8  }
0x5c7: {  	v0 =	vmul.f32 $1.442695020e+00, v43;
	v8 =	vmov s1;
	(xrf2) =	vadd.scan.msk.f32 $0xffff, v49;
	(erf) = vpow2.f32 v14  }
0x5c8: {  	v30 =	vmul.f32 v42, v30;
	v8 =	vmul.f32 $1.442695020e+00, v8;
	v14, _, _ =	vpop (xrf2);
	[tilespmem:s16+$0xFFFFFF20] =	vst v31;
	v31 =	vsel vm7, v48, v11  }
0x5c9: {  	v0 =	vbroadcast v0, $0x0;
	(v2sf) =	vpush v14, $0xF;
	(erf) = vpow2.f32 v34;
	[tilespmem:s15+$0xFFFFFFF0] =	vst v31  }
0x5ca: {  	v14 =	vunpack.i.u.bf16.f32 v39;
	v8 =	vbroadcast v8, $0x0;
	[tilespmem:s16+$0xFFFFFF30] =	vst v30;
	(erf) = vpow2.f32 v7  }
0x5cb: {  	v30 =	vunpack.i.l.bf16.f32 v39;
	v14 =	vadd.f32 v16, v14;
	v7, _, _ =	vpop (xrf2);
	(erf) = vpow2.f32 v0;
	v0 =	vld [tilespmem:s21+$0xFFFFFF30]  }
0x5cc: {  	(v2sf) =	vpush v7, $0xF;
	(erf) = vpow2.f32 v8;
	v7 =	vld [tilespmem:s18+$0xFFFFFFB0];
	v8 =	vadd.f32 v15, v30  }
0x5cd: {  	v13 =	vmul.f32 v13, v18;
	v15 =	vld [tilespmem:s19+$0xD0];
	(erf) = vpow2.f32 v37  }
0x5ce: {  	v34 =	vmul.f32 v11, v17;
	v16, _, _ =	vpop (xrf2);
	v18 =	vld [tilespmem:s2+$0xFFFFFF60];
	(erf) = vpow2.f32 v38  }
0x5cf: {  	v14 =	vmul.f32 v40, v14;
	v8 =	vmul.f32 v33, v8;
	(v2sf) =	vpush v16, $0xF;
	v16 =	vld [tilespmem:s2+$0xFFFFFF70];
	v17 =	vpop (erf);
	[tilespmem:s15+$0xFFFFFFD0] =	vst v13  }
0x5d0: {  	v13 =	vunpack.i.u.bf16.f32 v0;
	v0 =	vunpack.i.l.bf16.f32 v0;
	v30 =	vld [tilespmem:s21+$0xFFFFFF70];
	v29 =	vmul.f32 v17, v29;
	v31 =	vpop (erf);
	[tilespmem:s15+$0xFFFFFFE0] =	vst v34  }
0x5d1: {  	s0 =	spop (v2sf);
	v11, _, _ =	vpop (xrf2);
	v33 =	vunpack.i.u.bf16.f32 v7;
	v7 =	vunpack.i.l.bf16.f32 v7;
	v34 =	vmul.f32 v31, v21;
	[tilespmem:s16+$0xF0] =	vst v8  }
0x5d2: {  	s0 =	smul.f32 $2.500000000e-01, s0;
	v8 =	vunpack.i.l.bf16.f32 v15;
	(v2sf) =	vpush v11, $0xF;
	v0 =	vmul.f32 v7, v0;
	[tilespmem:s16+$0xFFFFFFB0] =	vst v29;
	v11 =	vpop (erf)  }
0x5d3: {  	v29 =	vunpack.i.u.bf16.f32 v15;
	v37 =	vadd.f32 v32, v8;
	[tilespmem:s16+$0xFFFFFFC0] =	vst v34;
	v28 =	vmul.f32 v11, v28;
	v21 =	vpop (erf)  }
0x5d4: {  	v13 =	vmul.f32 v33, v13;
	v38 =	vadd.f32 v35, v29;
	s0 =	smax.f32 s0, $-5.000000000e+00;
	v7 =	vpop (erf);
	v29 =	vld [tilespmem:s21+$0xFFFFFFB0];
	v27 =	vmul.f32 v21, v27;
	[tilespmem:s16+$0x100] =	vst v14  }
0x5d5: {  	v0 =	vmul.f32 v18, v0;
	s0 =	smin.f32 s0, $5.000000000e+00;
	[tilespmem:s12+$0xA0] =	vst v32;
	v14 =	vmul.f32 v7, v37;
	s1 =	spop (v2sf);
	v8 =	vpop (erf);
	v32 =	vunpack.i.u.bf16.f32 v30;
	v18 =	vld [tilespmem:s18+$0xFFFFFFF0]  }
0x5d6: {  	s1 =	smul.f32 $2.500000000e-01, s1;
	v33 =	vmov s0;
	[tilespmem:s12+$0xB0] =	vst v35;
	v34 =	vmul.f32 v8, v38;
	v35 =	vmul.f32 v16, v13;
	v37 =	vld [tilespmem:s2+$0xFFFFFFE0];
	v16 =	vpop (erf)  }
0x5d7: {  	v13 =	vunpack.i.l.bf16.f32 v30;
	v33 =	vmul.f32 $1.442695020e+00, v33;
	[tilespmem:s26+$0xB0] =	vst v14;
	v30 =	vld [tilespmem:s2+$0xFFFFFFF0];
	(xrf2) =	vadd.scan.msk.f32 $0xffff, v0;
	v15 =	vpop (erf)  }
0x5d8: {  	v17 =	vsel vm4, v19, v17;
	v14 =	vadd.f32 v0, v13;
	s0 =	smax.f32 s1, $-5.000000000e+00;
	[tilespmem:s26+$0xC0] =	vst v34;
	s1 =	spop (v2sf);
	v13 =	vadd.f32 v35, v32;
	v32 =	vld [tilespmem:s21+$0xFFFFFFF0]  }
0x5d9: {  	s0 =	smin.f32 s0, $5.000000000e+00;
	v19 =	vbroadcast v33, $0x0;
	s1 =	smul.f32 $2.500000000e-01, s1;
	v34 =	vld [tilespmem:s19+$0xA0];
	v33 =	vunpack.i.u.bf16.f32 v29;
	v29 =	vunpack.i.l.bf16.f32 v29;
	[tilespmem:s16+$0x40] =	vst v28  }
0x5da: {  	v28 =	vmov s0;
	v38 =	vld [tilespmem:s23+$0x60];
	v39 =	vunpack.i.u.bf16.f32 v18;
	v18 =	vunpack.i.l.bf16.f32 v18;
	[tilespmem:s16+$0x50] =	vst v27  }
0x5db: {  	v27 =	vmul.f32 $1.442695020e+00, v28;
	s0 =	smax.f32 s1, $-5.000000000e+00;
	(erf) = vpow2.f32 v19;
	s1 =	spop (v2sf);
	v19 =	vsel vm4, v26, v11;
	v28 =	vld [tilespmem:s21+$0x30];
	(xrf2) =	vadd.scan.msk.f32 $0xffff, v35  }
0x5dc: {  	v11 =	vsel vm5, v17, v31;
	v39 =	vmul.f32 v39, v33;
	s0 =	smin.f32 s0, $5.000000000e+00;
	s1 =	smul.f32 $2.500000000e-01, s1;
	[tilespmem:s10+$0xFFFFFF60] =	vst v0;
	v0 =	vmul.f32 v18, v29;
	v31 =	vld [tilespmem:s18+$0x30];
	s18 =	smov.u32 s23  }
0x5dd: {  	v27 =	vbroadcast v27, $0x0;
	v18 =	vmov s0;
	v29 =	vld [tilespmem:s29+$0xC0];
	[tilespmem:s10+$0xFFFFFF70] =	vst v35;
	v17 =	vunpack.i.u.bf16.f32 v32  }
0x5de: {  	s0 =	smax.f32 s1, $-5.000000000e+00;
	v40 =	vmul.f32 $1.442695020e+00, v18;
	s1 =	spop (v2sf);
	v18 =	vunpack.i.l.bf16.f32 v32;
	v26 =	vmul.f32 v37, v0;
	v33 =	vld [tilespmem:s2+$0x60]  }
0x5df: {  	v0 =	vunpack.i.l.bf16.f32 v34;
	s0 =	smin.f32 s0, $5.000000000e+00;
	s1 =	smul.f32 $2.500000000e-01, s1;
	v32 =	vunpack.i.l.bf16.f32 v38;
	(erf) = vpow2.f32 v27;
	v35 =	vld [tilespmem:s2+$0x70];
	s2 =	smov.u32 s29  }
0x5e0: {  	v37 =	vbroadcast v40, $0x0;
	v27 =	vmov s0;
	v0 =	vmul.f32 v32, v0;
	v32 =	vld [tilespmem:s29+$0xD0];
	(xrf2) =	vadd.scan.msk.f32 $0xffff, v26  }
0x5e1: {  	v41 =	vunpack.i.u.bf16.f32 v28;
	v42 =	vunpack.i.l.bf16.f32 v28;
	v40 =	vmul.f32 $1.442695020e+00, v27;
	s0 =	smax.f32 s1, $-5.000000000e+00;
	s1 =	spop (v2sf);
	[tilespmem:s10+$0xFFFFFFE0] =	vst v26;
	v27 =	vld [tilespmem:s21+$0x70];
	v43, _, _ =	vpop (xrf2);
	s21 =	smov.u32 s19  }
0x5e2: {  	v34 =	vunpack.i.u.bf16.f32 v34;
	v38 =	vunpack.i.u.bf16.f32 v38;
	s0 =	smin.f32 s0, $5.000000000e+00;
	s1 =	smul.f32 $2.500000000e-01, s1;
	v28 =	vmul.f32 v29, v0  }
0x5e3: {  	v34 =	vmul.f32 v38, v34;
	v0 =	vbroadcast v40, $0x0;
	v40 =	vmov s0  }
0x5e4: {  	s0 =	smax.f32 s1, $-5.000000000e+00;
	v38 =	vmul.f32 $1.442695020e+00, v40;
	v29 =	vpop (erf);
	(erf) = vpow2.f32 v37;
	(xrf2) =	vadd.scan.msk.f32 $0xffff, v28;
	v40 =	vunpack.i.u.bf16.f32 v31  }
.Ltmp4:
0x5e5: {  	v31 =	vunpack.i.l.bf16.f32 v31;
	v36 =	vmul.f32 v29, v36;
	s0 =	smin.f32 s0, $5.000000000e+00;
	v32 =	vmul.f32 v32, v34;
	v44, _, _ =	vpop (xrf2);
	(pc) =	sbr.rel @p1 .LBB2_7-.Ltmp4, $4  }
0x5e6: {  	v38 =	vbroadcast v38, $0x0;
	v34 =	vmov s0;
	(erf) = vpow2.f32 v0  }
0x5e7: {  	v37 =	vmul.f32 v31, v42;
	[tilespmem:s26+$0xFFFFFF00] =	vst v36;
	v0 =	vmul.f32 $1.442695020e+00, v34;
	(xrf2) =	vadd.scan.msk.f32 $0xffff, v32  }
0x5e8: {  	v30 =	vmul.f32 v30, v39;
	v36 =	vmul.f32 v40, v41;
	v31 =	vpop (erf);
	(v2sf) =	vpush v43, $0xF  }
0x5e9: {  	s19 =	sadd.s32 $0x200, s19;
	v34 =	vbroadcast v0, $0x0;
	(erf) = vpow2.f32 v38;
	(v2sf) =	vpush v44, $0xF  }
0x5ea: {  	_ =	sdelay $0x4  }
0x5eb: {  	v0, _, _ =	vpop (xrf2)  }
0x5ec: {  	(v2sf) =	vpush v0, $0xF;
	v52, _, _ =	vpop (xrf2)  }
0x5ed: {  	(v2sf) =	vpush v52, $0xF;
	v53, _, _ =	vpop (xrf2)  }
0x5ee: {  	(v2sf) =	vpush v53, $0xF;
	_ =	sdelay $0xa  }
0x5ef: {  	s3 =	spop (v2sf)  }
0x5f0: {  	s17 =	spop (v2sf)  }
0x5f1: {  	s11 =	spop (v2sf)  }
0x5f2: {  	s0 =	spop (v2sf)  }
0x5f3: {  	s0 =	smul.f32 $2.500000000e-01, s0;
	s1 =	spop (v2sf)  }
0x5f4: {  	s1 =	smul.f32 $2.500000000e-01, s1  }
0x5f5: {  	s0 =	smax.f32 s0, $-5.000000000e+00  }
0x5f6: {  	s0 =	smin.f32 s0, $5.000000000e+00;
	s1 =	smax.f32 s1, $-5.000000000e+00  }
0x5f7: {  	v54 =	vmov s0;
	s1 =	smin.f32 s1, $5.000000000e+00  }
0x5f8: {  	v0 =	vmul.f32 $1.442695020e+00, v54;
	v55 =	vmov s1  }
0x5f9: {  	(erf) = vpow2.f32 v34;
	v34 =	vmul.f32 $1.442695020e+00, v55  }
0x5fa: {  	v0 =	vbroadcast v0, $0x0  }
0x5fb: {  	v38 =	vbroadcast v34, $0x0  }
0x5fc: {  	(erf) = vpow2.f32 v0  }
0x5fd: {  	v23 =	vmul.f32 v31, v23;
	(erf) = vpow2.f32 v38  }
0x5fe: {  	v57 =	vld [tilespmem:s21+$0xE0]  }
0x5ff: {  	[tilespmem:s26+$0xFFFFFF10] =	vst v23;
	v34 =	vpop (erf)  }
0x600: {  	v39 =	vld [tilespmem:s21+$0xFFFFFF20];
	v56 =	vmul.f32 v34, v25;
	v25 =	vpop (erf)  }
0x601: {  	v59 =	vld [tilespmem:s18+$0xFFFFFFA0];
	v58 =	vmul.f32 v25, v24;
	v24 =	vpop (erf)  }
0x602: {  	v42 =	vld [tilespmem:s2+$0xFFFFFF40];
	[tilespmem:s26+$0xFFFFFF90] =	vst v56;
	v20 =	vmul.f32 v24, v20  }
0x603: {  	v49 =	vld [tilespmem:s2+$0xFFFFFF50];
	v60 =	vunpack.i.l.bf16.f32 v57;
	[tilespmem:s26+$0xFFFFFFA0] =	vst v58  }
0x604: {  	v62 =	vunpack.i.u.bf16.f32 v57;
	v23 =	vpop (erf);
	v41 =	vld [tilespmem:s21+$0xFFFFFFA0];
	[tilespmem:s26+$0x20] =	vst v20;
	v20 =	vadd.f32 v28, v60  }
0x605: {  	[tilespmem:s12+$0xC0] =	vst v28;
	v44 =	vadd.f32 v32, v62;
	v40 =	vmul.f32 v23, v22;
	v22 =	vmul.f32 v33, v37;
	v61 =	vld [tilespmem:s18+$0xFFFFFFE0];
	v33 =	vpop (erf)  }
0x606: {  	[tilespmem:s12+$0xD0] =	vst v32;
	v63 =	vunpack.i.l.bf16.f32 v39;
	v43 =	vunpack.i.l.bf16.f32 v59;
	v51 =	vld [tilespmem:s2+$0xFFFFFFC0];
	v48 =	vmul.f32 v33, v20;
	v28 =	vpop (erf)  }
0x607: {  	(xrf2) =	vadd.scan.msk.f32 $0xffff, v30;
	v52 =	vld [tilespmem:s2+$0xFFFFFFD0];
	[tilespmem:s26+$0x30] =	vst v40;
	v40 =	vmul.f32 v43, v63;
	v50 =	vmul.f32 v28, v44  }
0x608: {  	v39 =	vunpack.i.u.bf16.f32 v39;
	v38 =	vld [tilespmem:s21+$0x20];
	v20 =	vmul.f32 v35, v36;
	[tilespmem:s26+$0xD0] =	vst v48  }
0x609: {  	v0 =	vunpack.i.u.bf16.f32 v59;
	(xrf2) =	vadd.scan.msk.f32 $0xffff, v22;
	v45 =	vld [tilespmem:s18+$0x20];
	v36 =	vmul.f32 v42, v40;
	[tilespmem:s26+$0xE0] =	vst v50  }
0x60a: {  	v0 =	vmul.f32 v0, v39;
	(xrf2) =	vadd.scan.msk.f32 $0xffff, v20;
	v32 =	vld [tilespmem:s21+$0xB0]  }
0x60b: {  	(xrf2) =	vadd.scan.msk.f32 $0xffff, v36;
	v53 =	vld [tilespmem:s18+$0x70]  }
0x60c: {  	v40 =	vmul.f32 v49, v0;
	v54 =	vunpack.i.l.bf16.f32 v41;
	v46 =	vunpack.i.l.bf16.f32 v61  }
0x60d: {  	v57 =	vld [tilespmem:s2+$0x40];
	v55 =	vunpack.i.u.bf16.f32 v41;
	v56 =	vunpack.i.u.bf16.f32 v61;
	v58 =	vmul.f32 v46, v54  }
0x60e: {  	v0 =	vmul.f32 v56, v55;
	(xrf2) =	vadd.scan.msk.f32 $0xffff, v40;
	v59 =	vunpack.i.l.bf16.f32 v38;
	v60 =	vunpack.i.l.bf16.f32 v45;
	v61 =	vld [tilespmem:s2+$0xE0]  }
0x60f: {  	v43 =	vmul.f32 v60, v59;
	v41 =	vmul.f32 v51, v58;
	v62 =	vld [tilespmem:s2+$0xF0]  }
0x610: {  	v42 =	vmul.f32 v52, v0;
	v63 =	vunpack.i.l.bf16.f32 v32;
	v48 =	vunpack.i.l.bf16.f32 v53  }
0x611: {  	v47, _, _ =	vpop (xrf2);
	v32 =	vunpack.i.u.bf16.f32 v32;
	v39 =	vunpack.i.u.bf16.f32 v53;
	v0 =	vmul.f32 v48, v63  }
0x612: {  	(v2sf) =	vpush v47, $0xF;
	v37 =	vmul.f32 v57, v43;
	(xrf2) =	vadd.scan.msk.f32 $0xffff, v41;
	v32 =	vmul.f32 v39, v32  }
0x613: {  	v49, _, _ =	vpop (xrf2);
	(xrf2) =	vadd.scan.msk.f32 $0xffff, v42;
	v35 =	vmul.f32 v61, v0  }
0x614: {  	(xrf2) =	vadd.scan.msk.f32 $0xffff, v37;
	v50, _, _ =	vpop (xrf2);
	v32 =	vmul.f32 v62, v32  }
0x615: {  	v51, _, _ =	vpop (xrf2);
	(xrf2) =	vadd.scan.msk.f32 $0xffff, v35  }
0x616: {  	v52 =	vld [tilespmem:s2+$0x50];
	(v2sf) =	vpush v49, $0xF;
	(xrf2) =	vadd.scan.msk.f32 $0xffff, v32  }
0x617: {  	(v2sf) =	vpush v50, $0xF  }
0x618: {  	v38 =	vunpack.i.u.bf16.f32 v38;
	v53 =	vunpack.i.u.bf16.f32 v45;
	(v2sf) =	vpush v51, $0xF;
	v54, _, _ =	vpop (xrf2)  }
0x619: {  	v38 =	vmul.f32 v53, v38;
	(v2sf) =	vpush v54, $0xF;
	_ =	sdelay $0x1  }
0x61a: {  	v43 =	vmul.f32 v52, v38  }
0x61b: {  	v55, _, _ =	vpop (xrf2)  }
0x61c: {  	(xrf2) =	vadd.scan.msk.f32 $0xffff, v43;
	v56, _, _ =	vpop (xrf2);
	(v2sf) =	vpush v55, $0xF  }
0x61d: {  	(v2sf) =	vpush v56, $0xF;
	v57, _, _ =	vpop (xrf2)  }
0x61e: {  	(v2sf) =	vpush v57, $0xF;
	v58, _, _ =	vpop (xrf2)  }
0x61f: {  	(v2sf) =	vpush v58, $0xF;
	v59, _, _ =	vpop (xrf2)  }
0x620: {  	s4 =	smul.f32 $2.500000000e-01, s17;
	s22 =	spop (v2sf);
	(v2sf) =	vpush v59, $0xF  }
0x621: {  	_ = 	snop  }
0x622: {  	s4 =	smax.f32 s4, $-5.000000000e+00;
	s6 =	smul.f32 $2.500000000e-01, s11  }
0x623: {  	s23 =	smul.f32 $2.500000000e-01, s3;
	s4 =	smin.f32 s4, $5.000000000e+00  }
0x624: {  	s6 =	smax.f32 s6, $-5.000000000e+00;
	s8 =	spop (v2sf)  }
0x625: {  	s6 =	smin.f32 s6, $5.000000000e+00;
	s3 =	spop (v2sf)  }
0x626: {  	s0 =	smul.f32 $2.500000000e-01, s22;
	v60, _, _ =	vpop (xrf2);
	s5 =	spop (v2sf)  }
0x627: {  	s1 =	smax.f32 s23, $-5.000000000e+00;
	s7 =	spop (v2sf);
	(v2sf) =	vpush v60, $0xF  }
0x628: {  	s0 =	smax.f32 s0, $-5.000000000e+00;
	s5 =	smul.f32 $2.500000000e-01, s5  }
0x629: {  	s1 =	smin.f32 s1, $5.000000000e+00;
	s0 =	smin.f32 s0, $5.000000000e+00  }
0x62a: {  	s29 =	smul.f32 $2.500000000e-01, s7;
	s24 =	smax.f32 s5, $-5.000000000e+00  }
0x62b: {  	v63 =	vmov s6;
	v48 =	vmov s0;
	v61 =	vmov s1;
	s1 =	smin.f32 s24, $5.000000000e+00;
	s30 =	spop (v2sf)  }
0x62c: {  	v39 =	vmul.f32 $1.442695020e+00, v63;
	v62 =	vmov s4;
	v0 =	vmul.f32 $1.442695020e+00, v61;
	s6 =	smax.f32 s29, $-5.000000000e+00;
	s7 =	spop (v2sf)  }
0x62d: {  	v44 =	vmul.f32 $1.442695020e+00, v48;
	v38 =	vmul.f32 $1.442695020e+00, v62;
	s0 =	smin.f32 s6, $5.000000000e+00;
	s9 =	spop (v2sf)  }
0x62e: {  	v39 =	vbroadcast v39, $0x0;
	v0 =	vbroadcast v0, $0x0;
	v49 =	vmov s1;
	s11 =	smul.f32 $2.500000000e-01, s30;
	s17 =	spop (v2sf)  }
0x62f: {  	v38 =	vbroadcast v38, $0x0;
	v50 =	vmov s0;
	v45 =	vmul.f32 $1.442695020e+00, v49;
	s19 =	smul.f32 $2.500000000e-01, s17;
	s20 =	spop (v2sf)  }
0x630: {  	(erf) = vpow2.f32 v0;
	v51 =	vmul.f32 $1.442695020e+00, v50;
	s4 =	smul.f32 $2.500000000e-01, s20  }
0x631: {  	(erf) = vpow2.f32 v38;
	s5 =	smul.f32 $2.500000000e-01, s7;
	v52 =	vbroadcast v45, $0x0;
	s0 =	smax.f32 s19, $-5.000000000e+00  }
0x632: {  	(erf) = vpow2.f32 v39;
	v0 =	vbroadcast v51, $0x0;
	s0 =	smin.f32 s0, $5.000000000e+00;
	s4 =	smax.f32 s4, $-5.000000000e+00  }
0x633: {  	v44 =	vbroadcast v44, $0x0;
	s22 =	smax.f32 s11, $-5.000000000e+00;
	(erf) = vpow2.f32 v52;
	v53 =	vmov s0;
	s23 =	smin.f32 s4, $5.000000000e+00  }
0x634: {  	s24 =	smax.f32 s5, $-5.000000000e+00;
	(erf) = vpow2.f32 v0;
	s0 =	smin.f32 s22, $5.000000000e+00;
	v54 =	vmov s23;
	v55 =	vmul.f32 $1.442695020e+00, v53  }
0x635: {  	s29 =	smin.f32 s24, $5.000000000e+00;
	(erf) = vpow2.f32 v44;
	v56 =	vmov s0;
	v38 =	vmul.f32 $1.442695020e+00, v54  }
0x636: {  	s30 =	smul.f32 $2.500000000e-01, s9;
	v57 =	vmov s29;
	s4 =	spop (v2sf);
	v39 =	vmul.f32 $1.442695020e+00, v56;
	v0 =	vbroadcast v55, $0x0  }
0x637: {  	v59 =	vld [tilespmem:s21+$0xFFFFFF60];
	v44 =	vmul.f32 $1.442695020e+00, v57;
	s0 =	smul.f32 $2.500000000e-01, s4;
	v38 =	vbroadcast v38, $0x0  }
0x638: {  	s1 =	smax.f32 s30, $-5.000000000e+00;
	v58 =	vbroadcast v39, $0x0;
	(erf) = vpow2.f32 v0  }
0x639: {  	s1 =	smin.f32 s1, $5.000000000e+00;
	v60 =	vbroadcast v44, $0x0;
	s0 =	smax.f32 s0, $-5.000000000e+00;
	(erf) = vpow2.f32 v38  }
0x63a: {  	v63 =	vld [tilespmem:s21+$0xFFFFFFE0];
	v61 =	vmov s1;
	s0 =	smin.f32 s0, $5.000000000e+00;
	(erf) = vpow2.f32 v58  }
0x63b: {  	v44 =	vmul.f32 $1.442695020e+00, v61;
	v53 =	vpop (erf);
	v62 =	vmov s0;
	(erf) = vpow2.f32 v60  }
0x63c: {  	v54 =	vunpack.i.l.bf16.f32 v59;
	v52 =	vpop (erf);
	v0 =	vmul.f32 $1.442695020e+00, v62  }
0x63d: {  	v44 =	vbroadcast v44, $0x0;
	v55 =	vunpack.i.u.bf16.f32 v59;
	v46 =	vadd.f32 v36, v54;
	v51 =	vpop (erf)  }
0x63e: {  	[tilespmem:s12+$0xFFFFFFC0] =	vst v41;
	v56 =	vadd.f32 v40, v55;
	v38 =	vpop (erf);
	v0 =	vbroadcast v0, $0x0  }
0x63f: {  	[tilespmem:s12+$0xFFFFFF40] =	vst v36;
	v58 =	vunpack.i.l.bf16.f32 v63;
	v39 =	vpop (erf);
	(erf) = vpow2.f32 v44;
	v59 =	vmul.f32 v38, v46  }
0x640: {  	[tilespmem:s12+$0xFFFFFF50] =	vst v40;
	v57 =	vld [tilespmem:s21+$0x60];
	v40 =	vadd.f32 v41, v58;
	v48 =	vpop (erf);
	(erf) = vpow2.f32 v0;
	v36 =	vmul.f32 v39, v56  }
0x641: {  	[tilespmem:s26+$0xFFFFFF20] =	vst v59;
	v49 =	vpop (erf)  }
0x642: {  	v45 =	vunpack.i.u.bf16.f32 v63;
	[tilespmem:s26+$0xFFFFFF30] =	vst v36;
	v50 =	vpop (erf)  }
0x643: {  	[tilespmem:s12+$0xFFFFFFD0] =	vst v42;
	v45 =	vadd.f32 v42, v45;
	v42 =	vld [tilespmem:s21+$0xFFFFFF30];
	v41 =	vpop (erf)  }
0x644: {  	v63 =	vld [tilespmem:s18+$0xFFFFFFB0];
	v60 =	vmul.f32 v41, v40;
	v40 =	vpop (erf)  }
0x645: {  	[tilespmem:s12+$0x50] =	vst v43;
	v0 =	vunpack.i.u.bf16.f32 v57;
	v61 =	vmul.f32 v40, v45  }
0x646: {  	v62 =	vunpack.i.l.bf16.f32 v57;
	v0 =	vadd.f32 v43, v0;
	v43 =	vld [tilespmem:s2+$0xFFFFFF70];
	[tilespmem:s26+$0xFFFFFFB0] =	vst v60  }
0x647: {  	v45 =	vadd.f32 v37, v62;
	v60 =	vld [tilespmem:s2+$0xFFFFFF60];
	[tilespmem:s26+$0xFFFFFFC0] =	vst v61  }
0x648: {  	v36 =	vpop (erf);
	v55 =	vunpack.i.l.bf16.f32 v42;
	v44 =	vld [tilespmem:s21+$0xFFFFFFB0]  }
0x649: {  	[tilespmem:s12+$0x40] =	vst v37;
	v56 =	vunpack.i.l.bf16.f32 v63;
	v42 =	vunpack.i.u.bf16.f32 v42;
	v37 =	vpop (erf);
	v45 =	vmul.f32 v36, v45;
	v54 =	vld [tilespmem:s18+$0xFFFFFFF0]  }
0x64a: {  	v62 =	vmul.f32 v56, v55;
	v0 =	vmul.f32 v37, v0;
	v61 =	vunpack.i.u.bf16.f32 v63  }
0x64b: {  	v57 =	vld [tilespmem:s2+$0xFFFFFFE0];
	v63 =	vmul.f32 v61, v42;
	[tilespmem:s26+$0x40] =	vst v45  }
0x64c: {  	v55 =	vld [tilespmem:s2+$0xFFFFFFF0];
	[tilespmem:s26+$0x50] =	vst v0;
	v46 =	vmul.f32 v60, v62  }
0x64d: {  	v42 =	vld [tilespmem:s21+$0x30];
	v47 =	vmul.f32 v43, v63  }
0x64e: {  	v58 =	vld [tilespmem:s18+$0x30];
	v60 =	vunpack.i.l.bf16.f32 v44;
	v61 =	vunpack.i.l.bf16.f32 v54;
	(xrf2) =	vadd.scan.msk.f32 $0xffff, v46  }
0x64f: {  	v63 =	vunpack.i.u.bf16.f32 v44;
	v56 =	vunpack.i.u.bf16.f32 v54;
	v62 =	vmul.f32 v61, v60;
	(xrf2) =	vadd.scan.msk.f32 $0xffff, v47  }
0x650: {  	v44 =	vmul.f32 v56, v63  }
0x651: {  	v59 =	vld [tilespmem:s2+$0x60];
	v43 =	vmul.f32 v57, v62  }
0x652: {  	v44 =	vmul.f32 v55, v44  }
0x653: {  	v60 =	vld [tilespmem:s2+$0x70];
	v61 =	vunpack.i.l.bf16.f32 v42;
	v62 =	vunpack.i.l.bf16.f32 v58;
	(xrf2) =	vadd.scan.msk.f32 $0xffff, v43  }
0x654: {  	v45 =	vmul.f32 v62, v61;
	(xrf2) =	vadd.scan.msk.f32 $0xffff, v44  }
0x655: {  	v42 =	vunpack.i.u.bf16.f32 v42;
	v63 =	vunpack.i.u.bf16.f32 v58  }
0x656: {  	v42 =	vmul.f32 v63, v42;
	v45 =	vmul.f32 v59, v45;
	_ =	sdelay $0x1  }
0x657: {  	v42 =	vmul.f32 v60, v42;
	(xrf2) =	vadd.scan.msk.f32 $0xffff, v45;
	v57, _, _ =	vpop (xrf2)  }
0x658: {  	v58, _, _ =	vpop (xrf2);
	(v2sf) =	vpush v57, $0xF  }
0x659: {  	(xrf2) =	vadd.scan.msk.f32 $0xffff, v42;
	(v2sf) =	vpush v58, $0xF;
	_ =	sdelay $0x2  }
0x65a: {  	v59, _, _ =	vpop (xrf2)  }
0x65b: {  	(v2sf) =	vpush v59, $0xF;
	v60, _, _ =	vpop (xrf2)  }
0x65c: {  	(v2sf) =	vpush v60, $0xF;
	_ =	sdelay $0x2  }
0x65d: {  	s5 =	smul.f32 $2.500000000e-01, s8;
	v61, _, _ =	vpop (xrf2)  }
0x65e: {  	v12 =	vsel vm2, v12, v29;
	v18 =	vadd.f32 v26, v18;
	(v2sf) =	vpush v61, $0xF  }
0x65f: {  	v3 =	vmul.f32 v16, v3;
	v1 =	vsel vm6, v1, v16;
	v4 =	vnsel vm0, $0x0, v4;
	s6 =	smul.f32 $2.500000000e-01, s3;
	s0 =	smax.f32 s5, $-5.000000000e+00;
	v62, _, _ =	vpop (xrf2)  }
0x660: {  	v2 =	vmul.f32 v15, v2;
	v4 =	vsel vm1, v4, v5;
	v29 =	vld [tilespmem:s21+$0xF0];
	s0 =	smin.f32 s0, $5.000000000e+00;
	(v2sf) =	vpush v62, $0xF  }
0x661: {  	[tilespmem:s10+$0xFFFFFFF0] =	vst v30;
	s1 =	smax.f32 s6, $-5.000000000e+00;
	v0 =	vsel vm3, v12, v31;
	v12 =	vsel vm5, v19, v21;
	v21 =	vmov s0  }
0x662: {  	v1 =	vsel vm7, v1, v15;
	[tilespmem:s15+$0x60] =	vst v3;
	v4 =	vsel vm2, v4, v7;
	s7 =	smin.f32 s1, $5.000000000e+00;
	v15 =	vmul.f32 $1.442695020e+00, v21  }
0x663: {  	v5 =	vunpack.i.u.bf16.f32 v27;
	[tilespmem:s15+$0x70] =	vst v2;
	v4 =	vsel vm3, v4, v8;
	v26 =	vmov s7;
	s8 =	spop (v2sf)  }
0x664: {  	[tilespmem:s15+$0x80] =	vst v1;
	v4 =	vsel vm4, v4, v33;
	v3 =	vmul.f32 $1.442695020e+00, v26;
	v15 =	vbroadcast v15, $0x0;
	s0 =	smul.f32 $2.500000000e-01, s8;
	s9 =	spop (v2sf)  }
0x665: {  	v10 =	vsel vm2, v10, v34;
	[tilespmem:s10+$0x60] =	vst v22;
	v4 =	vsel vm5, v4, v28;
	v7 =	vunpack.i.l.bf16.f32 v29;
	s1 =	smul.f32 $2.500000000e-01, s9  }
0x666: {  	[tilespmem:s10+$0x70] =	vst v20;
	v4 =	vsel vm6, v4, v49;
	v31 =	vbroadcast v3, $0x0;
	(erf) = vpow2.f32 v15  }
0x667: {  	[tilespmem:s12+$0xE0] =	vst v35;
	v34 =	vmul.f32 v53, v14;
	v4 =	vsel vm7, v4, v50;
	v54 =	vsel vm6, v6, v53;
	s0 =	smax.f32 s0, $-5.000000000e+00;
	s1 =	smax.f32 s1, $-5.000000000e+00  }
0x668: {  	[tilespmem:s12+$0xF0] =	vst v32;
	v1 =	vsel vm7, v54, v52;
	v56 =	vsel vm6, v11, v51;
	(erf) = vpow2.f32 v31;
	s0 =	smin.f32 s0, $5.000000000e+00;
	s10 =	spop (v2sf)  }
0x669: {  	[tilespmem:s16+$0xFFFFFF40] =	vst v34;
	v3 =	vsel vm7, v56, v48;
	v63 =	vadd.f32 v30, v17;
	v30 =	vunpack.i.l.bf16.f32 v27;
	s2 =	smul.f32 $2.500000000e-01, s10;
	s11 =	spop (v2sf)  }
0x66a: {  	[tilespmem:s26+$0x110] =	vst v4;
	v55 =	vmul.f32 v52, v13;
	v57 =	vunpack.i.u.bf16.f32 v29;
	s1 =	smin.f32 s1, $5.000000000e+00;
	v62 =	vmov s0;
	s3 =	smul.f32 $2.500000000e-01, s11  }
0x66b: {  	v21 =	vld [tilespmem:s21+$0xFFFFFF70];
	[tilespmem:s12+$0xFFFFFF70] =	vst v47;
	v61 =	vmul.f32 v48, v63;
	v63 =	vmul.f32 $1.442695020e+00, v62;
	v13 =	vmov s1;
	s2 =	smax.f32 s2, $-5.000000000e+00  }
0x66c: {  	[tilespmem:s12+$0xFFFFFF60] =	vst v46;
	v19 =	vadd.f32 v22, v30;
	v58 =	vadd.f32 v32, v57;
	v15 =	vmul.f32 $1.442695020e+00, v13;
	s15 =	smin.f32 s2, $5.000000000e+00;
	s17 =	smax.f32 s3, $-5.000000000e+00  }
0x66d: {  	[tilespmem:s16+$0xFFFFFF60] =	vst v1;
	v60 =	vmul.f32 v51, v18;
	s18 =	spop (v2sf);
	v2 =	vbroadcast v63, $0x0;
	v16 =	vmov s15;
	s20 =	smin.f32 s17, $5.000000000e+00  }
0x66e: {  	[tilespmem:s16+$0xFFFFFFF0] =	vst v3;
	s2 =	smul.f32 $2.500000000e-01, s18;
	v6 =	vbroadcast v15, $0x0;
	v18 =	vmov s20;
	v3 =	vmul.f32 $1.442695020e+00, v16  }
0x66f: {  	[tilespmem:s16+$0xFFFFFF50] =	vst v55;
	v32 =	vpop (erf);
	v59 =	vadd.f32 v35, v7;
	s19 =	spop (v2sf);
	(erf) = vpow2.f32 v2;
	v7 =	vmul.f32 $1.442695020e+00, v18  }
0x670: {  	v5 =	vadd.f32 v20, v5;
	v33 =	vld [tilespmem:s21+$0x70];
	[tilespmem:s12+$0x70] =	vst v42;
	v11 =	vmul.f32 v32, v19;
	s22 =	smul.f32 $2.500000000e-01, s19;
	s2 =	smax.f32 s2, $-5.000000000e+00;
	v3 =	vbroadcast v3, $0x0  }
0x671: {  	v0 =	vsel vm4, v0, v38;
	[tilespmem:s12+$0x60] =	vst v45;
	(erf) = vpow2.f32 v6;
	s23 =	smin.f32 s2, $5.000000000e+00;
	v27 =	vbroadcast v7, $0x0  }
0x672: {  	v29 =	vld [tilespmem:s21+$0xFFFFFFF0];
	[tilespmem:s12+$0xFFFFFFE0] =	vst v43;
	v1 =	vmul.f32 v50, v58;
	s1 =	smax.f32 s22, $-5.000000000e+00;
	v22 =	vmov s23;
	(erf) = vpow2.f32 v3  }
0x673: {  	v0 =	vsel vm5, v0, v39;
	[tilespmem:s12+$0xFFFFFFF0] =	vst v44;
	v34 =	vpop (erf);
	s24 =	smin.f32 s1, $5.000000000e+00;
	v4 =	vmul.f32 $1.442695020e+00, v22;
	(erf) = vpow2.f32 v27  }
0x674: {  	v31 =	vunpack.i.u.bf16.f32 v21;
	v5 =	vmul.f32 v34, v5;
	[tilespmem:s16+$0x60] =	vst v11;
	v26 =	vmov s24  }
0x675: {  	v39 =	vadd.f32 v47, v31;
	[tilespmem:s26+$0x100] =	vst v1;
	v1 =	vmul.f32 $1.442695020e+00, v26;
	v4 =	vbroadcast v4, $0x0  }
0x676: {  	v30 =	vsel vm3, v10, v25;
	[tilespmem:s16+$0x70] =	vst v5;
	v14 =	vmul.f32 v49, v59;
	v2 =	vunpack.i.l.bf16.f32 v21  }
0x677: {  	[tilespmem:s16+$0xFFFFFFD0] =	vst v60;
	v35 =	vadd.f32 v46, v2;
	v1 =	vbroadcast v1, $0x0;
	(erf) = vpow2.f32 v4  }
0x678: {  	v38 =	vsel vm4, v30, v41;
	v41 =	vsel vm6, v12, v32;
	v47 =	vunpack.i.u.bf16.f32 v29;
	[tilespmem:s26+$0xF0] =	vst v14;
	v46 =	vpop (erf)  }
0x679: {  	[tilespmem:s16+$0xFFFFFFE0] =	vst v61;
	v4 =	vsel vm7, v41, v34;
	(erf) = vpow2.f32 v1;
	v1 =	vmul.f32 v46, v35  }
0x67a: {  	v2 =	vsel vm5, v38, v40;
	v7 =	vunpack.i.l.bf16.f32 v29;
	[tilespmem:s16+$0x80] =	vst v4;
	v48 =	vpop (erf);
	v0 =	vsel vm6, v0, v46  }
0x67b: {  	v7 =	vadd.f32 v43, v7;
	v50 =	vmul.f32 v48, v39;
	v0 =	vsel vm7, v0, v48;
	[tilespmem:s26+$0xFFFFFF40] =	vst v1;
	v52 =	vpop (erf)  }
0x67c: {  	v53 =	vadd.f32 v44, v47;
	[tilespmem:s26+$0xFFFFFF60] =	vst v0;
	v2 =	vsel vm6, v2, v52;
	v54 =	vpop (erf)  }
0x67d: {  	[tilespmem:s26+$0xFFFFFF50] =	vst v50;
	v1 =	vmul.f32 v52, v7;
	v56 =	vsel vm7, v2, v54  }
0x67e: {  	v28 =	vsel vm2, v9, v24;
	v51 =	vunpack.i.l.bf16.f32 v33;
	v59 =	vmul.f32 v54, v53;
	[tilespmem:s26+$0xFFFFFFF0] =	vst v56  }
0x67f: {  	v57 =	vsel vm3, v28, v23;
	v55 =	vadd.f32 v45, v51;
	[tilespmem:s26+$0xFFFFFFD0] =	vst v1  }
0x680: {  	v49 =	vunpack.i.u.bf16.f32 v33;
	v2 =	vsel vm4, v57, v36;
	v60 =	vpop (erf);
	[tilespmem:s26+$0xFFFFFFE0] =	vst v59  }
0x681: {  	v58 =	vadd.f32 v42, v49;
	v2 =	vsel vm5, v2, v37;
	v5 =	vmul.f32 v60, v55;
	s29 =	rddreg [dreg:$0x9]  }
0x682: {  	v61 =	vpop (erf);
	v2 =	vsel vm6, v2, v60;
	s0 =	sadd.s32 s14, s29  }
0x683: {  	s30 =	simm.s32 $0x64A0;
	s6 =	rddreg [dreg:$0x3];
	v62 =	vmul.f32 v61, v58;
	v63 =	vsel vm7, v2, v61;
	[tilespmem:s26+$0x60] =	vst v5;
	s0 =	sshll.u32 s0, $0x4  }
0x684: {  	s7 =	simm.s32 $0x78;
	s5 =	rddreg [dreg:$0x2];
	[tilespmem:s26+$0x80] =	vst v63;
	s0 =	sand.u32 $0x1FFFFF80, s0  }
0x685: {  	s4 =	simm.s32 $0x28;
	s20 =	simm.s32 $0x0;
	[tilespmem:s26+$0x70] =	vst v62;
	s0 =	sadd.s32 s5, s0  }
0x686: {  	[hbm4b:s0+s20] =	stream.linear.scatter [tilespmem:s30], [sflag:$0x4], $0x1400, $0x38;
	[tilespmem:$0x1F720] =	vst v63  }
.Ltmp5:
0x687: {  	s9 =	simm.s32 $0x78A0;
	s24 =	simm.s32 $0x5;
	(pc) =	sbr.rel @p0 .LBB2_10-.Ltmp5, $4  }
0x688: {  	[spmem:s6] =	stream.indirect.scatter.add.f32 [tilespmem:s9], [sflag:$0x5], $0x90, s7, s4, $0xb8;
	[tilespmem:$0x1F720] =	vst v63  }
0x689: {  	_ =	swait.ge [sflag:s24], $0x1680  }
0x68a: {  	[sflag:s24] =	ssyncset.done $0x0  }
0x68b: {  	[sflag:s24] =	ssyncadd.s32 $0xFFFFE980  }
0x68c: {  	s0 =	rddreg [dreg:$0x10]  }
0x68d: {  	s0 =	sadd.s32 s14, s0  }
0x68e: {  	s2 =	rddreg [dreg:$0x7];
	s1 =	sshrl.u32 s0, $0x3  }
0x68f: {  	s29 =	rddreg [dreg:$0x5];
	s1 =	sadd.s32 s2, s1  }
0x690: {  	[tilespmem:s4], [sflag:$0x2] =	stream.linear.gather [hbm4b:s1+s20], $0x28, $0x38;
	[tilespmem:$0x1F720] =	vst v63  }
.Ltmp6:
0x691: {  	s30 =	simm.s32 $0x50A0;
	s0 =	sshll.u32 s0, $0x4;
	(pc) =	sbr.rel .LBB2_4-.Ltmp6, $4  }
0x692: {  	s13 =	sadd.s32 $0x1, s13;
	s0 =	sand.u32 $0x1FFFFF80, s0;
	s1 =	sadd.s32 $0x9C40, s1  }
0x693: {  	[tilespmem:s7], [sflag:$0x2] =	stream.linear.gather [hbm4b:s1+s20], $0x28, $0x38;
	[tilespmem:$0x1F720] =	vst v63  }
0x694: {  	s22 =	smov.u32 s25;
	s0 =	sadd.s32 s29, s0;
	s1 =	rddreg [dreg:$0x0]  }
0x695: {  	[tilespmem:s30], [sflag:$0x2] =	stream.linear.gather [hbm4b:s0+s20], $0x1400, $0x38;
	[tilespmem:$0x1F720] =	vst v63  }
.LBB2_11:
0x696: {  	_ =	sfence.sel $0x180000  }
0x697: {  	[bflag:$0x0] =	sbarrier.arrive $0xFFFF  }
0x698: {  	_ =	strace $0x90000047  }
0x699: {  	s0 =	stileid.u32;
	[bflag:$0x2] =	sbarrier.arrive $0xFFFF  }
0x69a: {  	p0 =	sne.s32 s0, $0x0;
	s0 =	rddreg [dreg:$0x4]  }
0x69b: {  	s0 =	sadd.s32 @!p0 $0x100000, s0  }
0x69c: {  	[sflag:s0] =	ssyncadd.tile.s32 @!p0 $0x1;
	_ =	shalt  }
.Lfunc_end2:
_tile_overlayer_lowered:
.L_overlay_start_2:
0x69d: {  	(tag) =	ssettag $0x2  }
0x69e: {  	s0 =	rddreg [dreg:$0x0];
	s2 =	stileid.u32  }
0x69f: {  	s1 =	rddreg [dreg:$0x1];
	p0 =	sne.s32 s2, $0x0  }
0x6a0: {  	s3 =	rddreg [dreg:$0x2];
	[bflag:$0x3] =	sbarrier.arrive $0xFFFF;
	s2 =	simm.s32 @!p0 $0x1C05  }
0x6a1: {  	[timem:s3], [sflag:s2] =	dma.local @!p0 [hbm:s0], s1  }
0x6a2: {  	s0 =	simm.s32 @!p0 $0x5  }
0x6a3: {  	_ =	swait.ge @!p0 [sflag:s0], s1  }
0x6a4: {  	s1 =	ssub.s32 @!p0 $0x0, s1;
	[sflag:s0] =	ssyncset.done @!p0 $0x0  }
0x6a5: {  	[sflag:s0] =	ssyncadd.s32 @!p0 s1  }
0x6a6: {  	[bflag:$0x3] =	sbarrier.arrive $0xFFFF  }
0x6a7: {  	_ =	shalt  }

</sc_bundles>
